<compile_context>
chip_gen: v7x
topology: tpu7x:2x2x1
jax: 0.10.2.dev20260603
libtpu: 0.0.44.dev20260713+nightly
codegen_flags: <defaults>
</compile_context>

<pallas_src>
import jax
import jax.numpy as jnp
from jax import lax
from jax.experimental import pallas as pl
from jax.experimental.pallas import tpu as pltpu
from jax.experimental.pallas import tpu_sc as plsc

N = 10000
E = 320000
NPAD = 10240
H = 128
BOT = 32
NC = 2
NS = 16
NW = NC * NS
EPT = E // NW
EPP = 10240
K = 128
G = EPP // K
SEG = 8
NSEG = G // SEG
SINK = N
RPT = NPAD // NS
BNS = (1.0 + 1e-5) ** -0.5
PREC = lax.Precision.HIGHEST

_mesh = plsc.VectorSubcoreMesh(
    core_axis_name="c", subcore_axis_name="s", num_cores=NC, num_subcores=NS
)


def _deg_body(dst_hbm, hist_hbm, dstv, hist):
    c = lax.axis_index("c")
    s = lax.axis_index("s")
    wid = c * NS + s

    def zero_body(i, _):
        hist[pl.ds(i * 16, 16)] = jnp.zeros((16,), jnp.float32)
        return 0

    lax.fori_loop(0, NPAD // 16, zero_body, 0)
    pltpu.sync_copy(dst_hbm.at[wid], dstv)
    ones16 = jnp.ones((16,), jnp.float32)

    def count_body(i, _):
        idx16 = dstv[pl.ds(i * 16, 16)]
        plsc.addupdate_scatter(hist, [idx16], ones16)
        return 0

    lax.fori_loop(0, EPT // 16, count_body, 0)
    pltpu.sync_copy(hist, hist_hbm.at[wid])


_deg_kernel = pl.kernel(
    _deg_body,
    out_type=jax.ShapeDtypeStruct((NW, NPAD), jnp.float32),
    mesh=_mesh,
    compiler_params=pltpu.CompilerParams(needs_layout_passes=False),
    scratch_types=[
        pltpu.VMEM((EPT,), jnp.int32),
        pltpu.VMEM((NPAD,), jnp.float32),
    ],
)


def _spmm_body(table_hbm, src_hbm, dst_hbm, acc_hbm, srcv, didx, rows, accsp, sem, isem):
    c = lax.axis_index("c")
    s = lax.axis_index("s")
    wid = c * NS + s

    def zrow(i, _):
        r = i // 8
        k = i % 8
        rows[0, r, pl.ds(k * 16, 16)] = jnp.zeros((16,), jnp.float32)
        return 0

    lax.fori_loop(0, K * 8, zrow, 0)
    for b in range(RPT // K):
        pltpu.sync_copy(rows.at[0], accsp.at[pl.ds(s * RPT + b * K, K)])
    plsc.subcore_barrier()

    cp_s = pltpu.async_copy(src_hbm.at[wid], srcv, isem)
    pltpu.sync_copy(dst_hbm.at[wid, pl.ds(0, SEG)], didx.at[0])
    cp_s.wait()

    pltpu.async_copy(table_hbm.at[srcv.at[pl.ds(0, K)]], rows.at[0], sem.at[0])

    def seg_body(sg, _):
        sb = sg % 2

        @pl.when(sg + 1 < NSEG)
        def _():
            pltpu.async_copy(
                dst_hbm.at[wid, pl.ds((sg + 1) * SEG, SEG)], didx.at[1 - sb], isem
            )

        for j in range(SEG):
            g = sg * SEG + j
            b = j % 2

            @pl.when(g + 1 < G)
            def _():
                pltpu.async_copy(
                    table_hbm.at[srcv.at[pl.ds((g + 1) * K, K)]],
                    rows.at[1 - b],
                    sem.at[1 - b],
                )

            pltpu.make_async_copy(
                table_hbm.at[srcv.at[pl.ds(g * K, K)]], rows.at[b], sem.at[b]
            ).wait()
            pltpu.sync_copy(rows.at[b], accsp.at[didx.at[sb, j]], add=True)

        @pl.when(sg + 1 < NSEG)
        def _():
            pltpu.make_async_copy(
                dst_hbm.at[wid, pl.ds((sg + 1) * SEG, SEG)], didx.at[1 - sb], isem
            ).wait()

        return 0

    lax.fori_loop(0, NSEG, seg_body, 0)
    plsc.subcore_barrier()
    for b in range(RPT // K):
        pltpu.sync_copy(
            accsp.at[pl.ds(s * RPT + b * K, K)],
            acc_hbm.at[c, pl.ds(s * RPT + b * K, K)],
        )


_spmm_kernel = pl.kernel(
    _spmm_body,
    out_type=jax.ShapeDtypeStruct((NC, NPAD, H), jnp.float32),
    mesh=_mesh,
    compiler_params=pltpu.CompilerParams(needs_layout_passes=False),
    scratch_types=[
        pltpu.VMEM((EPP,), jnp.int32),
        pltpu.VMEM((2, SEG, K), jnp.int32),
        pltpu.VMEM((2, K, H), jnp.float32),
        pltpu.VMEM_SHARED((NPAD, H), jnp.float32),
        pltpu.SemaphoreType.DMA((2,)),
        pltpu.SemaphoreType.DMA,
    ],
)


def _pre_body(x_ref, hist_ref, w1_ref, h1p_ref, dis_ref):
    ones = jnp.ones((NW, 1), jnp.float32)
    deg = 1.0 + lax.dot_general(
        hist_ref[...], ones, (((0,), (0,)), ((), ())), precision=PREC
    )
    dis = lax.rsqrt(deg)
    dis_ref[...] = dis
    h1p_ref[...] = jnp.dot(x_ref[...], w1_ref[...], precision=PREC) * dis


def _pre_stage(x_pad, hist, w1):
    blk = 2048
    grid = NPAD // blk
    return pl.pallas_call(
        _pre_body,
        grid=(grid,),
        in_specs=[
            pl.BlockSpec((blk, H), lambda i: (i, 0)),
            pl.BlockSpec((NW, blk), lambda i: (0, i)),
            pl.BlockSpec((H, H), lambda i: (0, 0)),
        ],
        out_specs=[
            pl.BlockSpec((blk, H), lambda i: (i, 0)),
            pl.BlockSpec((blk, 1), lambda i: (i, 0)),
        ],
        out_shape=[
            jax.ShapeDtypeStruct((NPAD, H), jnp.float32),
            jax.ShapeDtypeStruct((NPAD, 1), jnp.float32),
        ],
    )(x_pad, hist, w1)


def _mid_body(acc_ref, h1p_ref, dis_ref, b1_ref, g1_ref, be1_ref, w2_ref, h2p_ref):
    dis = dis_ref[...]
    g = (acc_ref[0, :, :] + acc_ref[1, :, :] + h1p_ref[...]) * dis
    pre = (g + b1_ref[...]) * BNS * g1_ref[...] + be1_ref[...]
    out1 = jnp.maximum(pre, 0.0)
    h2p_ref[...] = jnp.dot(out1, w2_ref[...], precision=PREC) * dis


def _mid_stage(acc, h1p, dis, b1, gamma1, beta1, w2):
    blk = 2048
    grid = NPAD // blk
    return pl.pallas_call(
        _mid_body,
        grid=(grid,),
        in_specs=[
            pl.BlockSpec((NC, blk, H), lambda i: (0, i, 0)),
            pl.BlockSpec((blk, H), lambda i: (i, 0)),
            pl.BlockSpec((blk, 1), lambda i: (i, 0)),
            pl.BlockSpec((H,), lambda i: (0,)),
            pl.BlockSpec((H,), lambda i: (0,)),
            pl.BlockSpec((H,), lambda i: (0,)),
            pl.BlockSpec((H, H), lambda i: (0, 0)),
        ],
        out_specs=pl.BlockSpec((blk, H), lambda i: (i, 0)),
        out_shape=jax.ShapeDtypeStruct((NPAD, H), jnp.float32),
    )(acc, h1p, dis, b1, gamma1, beta1, w2)


_TBLK = 400
_TCELLS = _TBLK // 100
_TGRID = N // _TBLK + 1


def _tail_body(acc_ref, h2p_ref, dis_ref, b2_ref, g2_ref, be2_ref,
               aw1_ref, ab1_ref, aw2_ref, we_ref, bee_ref, ge_ref, bte_ref,
               wb_ref, bb_ref, gb_ref, btb_ref, emb_ref, out_ref, pooled_s):
    i = pl.program_id(0)
    g = (acc_ref[0, :, :] + acc_ref[1, :, :] + h2p_ref[...]) * dis_ref[...]
    pre = (g + b2_ref[...]) * BNS * g2_ref[...] + be2_ref[...]
    emb = jnp.maximum(pre, 0.0)
    emb_ref[...] = emb
    t = jnp.tanh(jnp.dot(emb, aw1_ref[...], precision=PREC) + ab1_ref[...])
    sc = jnp.dot(t, aw2_ref[...], precision=PREC)
    ex = jnp.exp(sc)
    for j in range(_TCELLS):
        ej = ex[j * 100:(j + 1) * 100]
        xj = emb[j * 100:(j + 1) * 100]
        w = ej / jnp.sum(ej, axis=0, keepdims=True)
        pooled_s[pl.ds(i * _TCELLS + j, 1), :] = (
            jnp.sum(xj * w, axis=0).reshape(1, H))

    @pl.when(i == _TGRID - 1)
    def _():
        p = pooled_s[pl.ds(0, 100), :]
        e1 = jnp.dot(p, we_ref[...], precision=PREC) + bee_ref[...]
        e1 = jnp.maximum(e1 * BNS * ge_ref[...] + bte_ref[...], 0.0)
        o = jnp.dot(e1, wb_ref[...], precision=PREC) + bb_ref[...]
        out_ref[...] = jnp.maximum(o * BNS * gb_ref[...] + btb_ref[...], 0.0)


def _tail_stage(acc, h2p, dis, b2, gamma2, beta2, aw1, ab1, aw2,
                we, be, gammae, betae, wb, bb, gammab, betab):
    last = N // _TBLK - 1
    clamp = lambda i: jnp.minimum(i, last)
    return pl.pallas_call(
        _tail_body,
        grid=(_TGRID,),
        in_specs=[
            pl.BlockSpec((NC, _TBLK, H), lambda i: (0, clamp(i), 0)),
            pl.BlockSpec((_TBLK, H), lambda i: (clamp(i), 0)),
            pl.BlockSpec((_TBLK, 1), lambda i: (clamp(i), 0)),
            pl.BlockSpec((H,), lambda i: (0,)),
            pl.BlockSpec((H,), lambda i: (0,)),
            pl.BlockSpec((H,), lambda i: (0,)),
            pl.BlockSpec((H, H // 2), lambda i: (0, 0)),
            pl.BlockSpec((H // 2,), lambda i: (0,)),
            pl.BlockSpec((H // 2, 1), lambda i: (0, 0)),
            pl.BlockSpec((H, H), lambda i: (0, 0)),
            pl.BlockSpec((H,), lambda i: (0,)),
            pl.BlockSpec((H,), lambda i: (0,)),
            pl.BlockSpec((H,), lambda i: (0,)),
            pl.BlockSpec((H, BOT), lambda i: (0, 0)),
            pl.BlockSpec((BOT,), lambda i: (0,)),
            pl.BlockSpec((BOT,), lambda i: (0,)),
            pl.BlockSpec((BOT,), lambda i: (0,)),
        ],
        out_specs=[
            pl.BlockSpec((_TBLK, H), lambda i: (clamp(i), 0)),
            pl.BlockSpec((100, BOT), lambda i: (0, 0)),
        ],
        out_shape=[
            jax.ShapeDtypeStruct((N, H), jnp.float32),
            jax.ShapeDtypeStruct((100, BOT), jnp.float32),
        ],
        scratch_shapes=[pltpu.VMEM((104, H), jnp.float32)],
    )(acc, h2p, dis, b2, gamma2, beta2, aw1, ab1, aw2,
      we, be, gammae, betae, wb, bb, gammab, betab)


@jax.jit
def kernel(x, edge_index, W1, b1, W2, b2, gamma1, beta1, gamma2, beta2,
           Aw1, Ab1, Aw2, Ab2, We, be, gammae, betae, Wb, bb, gammab, betab):
    pad = NW * EPP - E
    pad_src = jnp.arange(pad, dtype=edge_index.dtype) % N
    src_r = jnp.concatenate([edge_index[0], pad_src]).reshape(NW, EPP)
    sinks = SINK + jnp.arange(pad, dtype=edge_index.dtype) % (NPAD - N)
    dst_r = jnp.concatenate([edge_index[1], sinks]).reshape(NW, G, K)
    dst_flat = edge_index[1].reshape(NW, EPT)
    x_pad = jnp.pad(x, ((0, NPAD - N), (0, 0)))

    hist = _deg_kernel(dst_flat)
    h1p, dis = _pre_stage(x_pad, hist, W1)
    acc1 = _spmm_kernel(h1p, src_r, dst_r)
    h2p = _mid_stage(acc1, h1p, dis, b1, gamma1, beta1, W2)
    acc2 = _spmm_kernel(h2p, src_r, dst_r)
    emb, out = _tail_stage(acc2, h2p, dis, b2, gamma2, beta2, Aw1, Ab1, Aw2,
                           We, be, gammae, betae, Wb, bb, gammab, betab)
    return (out, emb)

# --- scband reference (transcript-rebuilt; emitter-appended) ---
"""Pipeline reference for scband-subgraph-encoder-2216203125208 (READ-ONLY COPY).

The authoritative reference and input builder live on the scoring server;
editing this copy changes nothing except your own understanding.
"""

import jax, jax.numpy as jnp
import numpy as np

N = 10000
E = 320000
F_IN = 128
H = 128
NSUB = 100
NCELLS = N // NSUB
BOT = 32


def _lin_init(key, fan_in, shape):
    return (jax.random.normal(key, shape, jnp.float32) / np.sqrt(fan_in)).astype(jnp.float32)


def setup_inputs(seed: int = 0) -> dict:
    key = jax.random.key(seed)
    ks = jax.random.split(key, 24)
    inp = {}
    inp["x"] = jax.random.normal(ks[0], (N, F_IN), jnp.float32)
    inp["edge_index"] = jax.random.randint(ks[1], (2, E), 0, N, dtype=jnp.int32)
    inp["W1"] = _lin_init(ks[2], F_IN, (F_IN, H))
    inp["b1"] = jnp.zeros((H,), jnp.float32)
    inp["W2"] = _lin_init(ks[3], H, (H, H))
    inp["b2"] = jnp.zeros((H,), jnp.float32)
    inp["gamma1"] = jnp.ones((H,), jnp.float32)
    inp["beta1"] = jnp.zeros((H,), jnp.float32)
    inp["gamma2"] = jnp.ones((H,), jnp.float32)
    inp["beta2"] = jnp.zeros((H,), jnp.float32)
    inp["Aw1"] = _lin_init(ks[4], H, (H, H // 2))
    inp["Ab1"] = jnp.zeros((H // 2,), jnp.float32)
    inp["Aw2"] = _lin_init(ks[5], H // 2, (H // 2, 1))
    inp["Ab2"] = jnp.zeros((1,), jnp.float32)
    inp["We"] = _lin_init(ks[6], H, (H, H))
    inp["be"] = jnp.zeros((H,), jnp.float32)
    inp["gammae"] = jnp.ones((H,), jnp.float32)
    inp["betae"] = jnp.zeros((H,), jnp.float32)
    inp["Wb"] = _lin_init(ks[7], H, (H, BOT))
    inp["bb"] = jnp.zeros((BOT,), jnp.float32)
    inp["gammab"] = jnp.ones((BOT,), jnp.float32)
    inp["betab"] = jnp.zeros((BOT,), jnp.float32)
    return inp


def _bn_eval(x, gamma, beta, eps=1e-5):
    # eval-mode BatchNorm1d with running_mean=0, running_var=1
    return x / jnp.sqrt(1.0 + eps) * gamma + beta


def _gcn(x, src, dst, W, b):
    # GCNConv: symmetric normalization with self-loops (loops already appended to src/dst)
    h = x @ W
    deg = jnp.zeros((N,), x.dtype).at[dst].add(1.0)
    dis = jax.lax.rsqrt(deg)
    norm = dis[src] * dis[dst]
    msg = h[src] * norm[:, None]
    out = jnp.zeros((N, h.shape[1]), x.dtype).at[dst].add(msg)
    return out + b


def reference(x, edge_index, W1, b1, W2, b2, gamma1, beta1, gamma2, beta2, Aw1, Ab1, Aw2, Ab2, We, be, gammae, betae, Wb, bb, gammab, betab):
    loop = jnp.arange(N, dtype=edge_index.dtype)
    src = jnp.concatenate([edge_index[0], loop])
    dst = jnp.concatenate([edge_index[1], loop])
    h = jax.nn.relu(_bn_eval(_gcn(x, src, dst, W1, b1), gamma1, beta1))
    emb = jax.nn.relu(_bn_eval(_gcn(h, src, dst, W2, b2), gamma2, beta2))
    xr = emb.reshape(NCELLS, NSUB, H)
    scores = jnp.tanh(xr @ Aw1 + Ab1) @ Aw2 + Ab2
    w = jax.nn.softmax(scores, axis=1)
    pooled = jnp.sum(xr * w, axis=1)
    e = jax.nn.relu(_bn_eval(pooled @ We + be, gammae, betae))
    out = jax.nn.relu(_bn_eval(e @ Wb + bb, gammab, betab))
    return (out, emb)

if __name__ == "__main__":
    import jax
    _d = setup_inputs()
    print(jax.jit(kernel)(*tuple(_d.values())))

</pallas_src>

<mosaic_0001>
#map = affine_map<(d0, d1) -> (0, 0)>
#map1 = affine_map<(d0, d1) -> (0, 0, 0)>
module attributes {stable_mosaic.version = 14 : i64} {
  func.func @_spmm_body(%arg0: i32, %arg1: i32, %arg2: memref<10240x128xf32, #tpu.memory_space<hbm>>, %arg3: memref<32x10240xi32, #tpu.memory_space<hbm>>, %arg4: memref<32x80x128xi32, #tpu.memory_space<hbm>>, %arg5: memref<2x10240x128xf32, #tpu.memory_space<hbm>>, %arg6: memref<10240xi32, #tpu.memory_space<vmem>>, %arg7: memref<2x8x128xi32, #tpu.memory_space<vmem>>, %arg8: memref<2x128x128xf32, #tpu.memory_space<vmem>>, %arg9: memref<10240x128xf32, #tpu.memory_space<vmem_shared>>, %arg10: memref<2x!tpu.dma_semaphore, #tpu.memory_space<semaphore_mem>>, %arg11: memref<!tpu.dma_semaphore, #tpu.memory_space<semaphore_mem>>) attributes {dimension_semantics = [#tpu.dimension_semantics<core_parallel>, #tpu.dimension_semantics<subcore_parallel>], iteration_bounds = array<i64: 2, 16>, scalar_prefetch = 0 : i64, scratch_operands = 6 : i64, tpu.core_type = #tpu.core_type<sc_vector_subcore>, window_params = [{transform_indices = #map}, {transform_indices = #map}, {transform_indices = #map1}, {transform_indices = #map1}]} {
    %mul3A = arith.constant 16 : i32
    %mul3A_0 = arith.muli %arg0, %mul3A : i32
    %add3A = arith.addi %mul3A_0, %arg1 : i32
    %scan3A = arith.constant 0 : i32
    %scan3A_1 = arith.constant 0 : i32
    %scan3A_2 = arith.constant 1024 : i32
    %scan3A_3 = arith.addi %scan3A_1, %scan3A_2 : i32
    %scan3A_4 = arith.constant 1 : i32
    %scan3A_5 = scf.for %scan3A_103 = %scan3A_1 to %scan3A_3 step %scan3A_4 iter_args(%scan3A_104 = %scan3A) -> (i32)  : i32 {
      %jit3A = arith.constant 8 : i32
      %div3A = arith.divsi %scan3A_103, %jit3A : i32
      %sign3A = arith.constant 0 : i32
      %sign3A_105 = arith.cmpi sgt, %scan3A_103, %sign3A : i32
      %sign3A_106 = arith.extui %sign3A_105 : i1 to i32
      %sign3A_107 = arith.constant 0 : i32
      %sign3A_108 = arith.cmpi slt, %scan3A_103, %sign3A_107 : i32
      %sign3A_109 = arith.extui %sign3A_108 : i1 to i32
      %sign3A_110 = arith.subi %sign3A_106, %sign3A_109 : i32
      %sign3A_111 = arith.constant 0 : i32
      %sign3A_112 = arith.cmpi sgt, %jit3A, %sign3A_111 : i32
      %sign3A_113 = arith.extui %sign3A_112 : i1 to i32
      %sign3A_114 = arith.constant 0 : i32
      %sign3A_115 = arith.cmpi slt, %jit3A, %sign3A_114 : i32
      %sign3A_116 = arith.extui %sign3A_115 : i1 to i32
      %sign3A_117 = arith.subi %sign3A_113, %sign3A_116 : i32
      %ne3A = arith.cmpi ne, %sign3A_110, %sign3A_117 : i32
      %rem3A = arith.remsi %scan3A_103, %jit3A : i32
      %ne3A_118 = arith.constant 0 : i32
      %ne3A_119 = arith.cmpi ne, %rem3A, %ne3A_118 : i32
      %and3A = arith.andi %ne3A, %ne3A_119 : i1
      %sub3A = arith.constant 1 : i32
      %sub3A_120 = arith.subi %div3A, %sub3A : i32
      %select_n3A = arith.select %and3A, %sub3A_120, %div3A : i32
      %jit3A_121 = arith.constant 8 : i32
      %eq3A = arith.constant 0 : i32
      %eq3A_122 = arith.cmpi eq, %jit3A_121, %eq3A : i32
      %jit3A_123 = arith.constant 1 : i32
      %select_n3A_124 = arith.select %eq3A_122, %jit3A_123, %jit3A_121 : i32
      %rem3A_125 = arith.remsi %scan3A_103, %select_n3A_124 : i32
      %ne3A_126 = arith.constant 0 : i32
      %ne3A_127 = arith.cmpi ne, %rem3A_125, %ne3A_126 : i32
      %lt3A = arith.constant 0 : i32
      %lt3A_128 = arith.cmpi slt, %rem3A_125, %lt3A : i32
      %lt3A_129 = arith.constant 0 : i32
      %lt3A_130 = arith.cmpi slt, %select_n3A_124, %lt3A_129 : i32
      %ne3A_131 = arith.xori %lt3A_128, %lt3A_130 : i1
      %and3A_132 = arith.andi %ne3A_131, %ne3A_127 : i1
      %add3A_133 = arith.addi %rem3A_125, %select_n3A_124 : i32
      %select_n3A_134 = arith.select %and3A_132, %add3A_133, %rem3A_125 : i32
      %broadcast_in_dim3A = arith.constant 0.000000e+00 : f32
      %broadcast_in_dim3A_135 = vector.broadcast %broadcast_in_dim3A : f32 to vector<16xf32>
      %mul3A_136 = arith.constant 16 : i32
      %mul3A_137 = arith.muli %select_n3A_134, %mul3A_136 : i32
      %swap3A = arith.constant 0 : i32
      %swap3A_138 = arith.index_cast %swap3A : i32 to index
      %swap3A_139 = arith.index_cast %select_n3A : i32 to index
      %swap3A_140 = arith.index_cast %mul3A_137 : i32 to index
      %swap3A_141 = tpu.vector_load %arg8[%swap3A_138, %swap3A_139, %swap3A_140] {strides = array<i32>} : memref<2x128x128xf32, #tpu.memory_space<vmem>>, vector<16xf32>,
      tpu.vector_store %arg8[%swap3A_138, %swap3A_139, %swap3A_140], %broadcast_in_dim3A_135 {strides = array<i32>} : memref<2x128x128xf32, #tpu.memory_space<vmem>>, vector<16xf32>,
      %scan3A_142 = arith.constant 0 : i32
      scf.yield %scan3A_142 : i32
    }
    %scan3A_6 = arith.constant 1024 : i32
    %mul3A_7 = arith.constant 640 : i32
    %mul3A_8 = arith.muli %arg1, %mul3A_7 : i32
    %add3A_9 = arith.constant 0 : i32
    %add3A_10 = arith.addi %mul3A_8, %add3A_9 : i32
    %run_scoped3A = arith.constant 0 : i32
    "tpu.region"() ({
      %run_scoped3A_103 = tpu.sem_alloc : memref<!tpu.dma_semaphore, #tpu.memory_space<semaphore_mem>>
      %dma_start3A_104 = arith.constant 0 : i32
      %dma_start3A_105 = arith.constant 0 : i32
      %dma_start3A_106 = tpu.memref_slice %arg8[%run_scoped3A, %dma_start3A_104, %dma_start3A_105] : memref<2x128x128xf32, #tpu.memory_space<vmem>> -> memref<1x128x128xf32, #tpu.memory_space<vmem>>
      %dma_start3A_107 = tpu.memref_squeeze %dma_start3A_106 : memref<1x128x128xf32, #tpu.memory_space<vmem>> -> memref<128x128xf32, #tpu.memory_space<vmem>>
      %dma_start3A_108 = arith.constant 0 : i32
      %dma_start3A_109 = tpu.memref_slice %arg9[%add3A_10, %dma_start3A_108] : memref<10240x128xf32, #tpu.memory_space<vmem_shared>> -> memref<128x128xf32, #tpu.memory_space<vmem_shared>>
      %dma_start3A_110 = arith.constant 0 : i32
      %dma_start3A_111 = tpu.memref_slice %arg9[%add3A_10, %dma_start3A_110] : memref<10240x128xf32, #tpu.memory_space<vmem_shared>> -> memref<128x128xf32, #tpu.memory_space<vmem_shared>>
      %dma_start3A_112 = arith.constant 0 : i32
      %dma_start3A_113 = arith.constant 0 : i32
      %dma_start3A_114 = tpu.memref_slice %arg8[%run_scoped3A, %dma_start3A_112, %dma_start3A_113] : memref<2x128x128xf32, #tpu.memory_space<vmem>> -> memref<1x128x128xf32, #tpu.memory_space<vmem>>
      %dma_start3A_115 = tpu.memref_squeeze %dma_start3A_114 : memref<1x128x128xf32, #tpu.memory_space<vmem>> -> memref<128x128xf32, #tpu.memory_space<vmem>>
      tpu.enqueue_dma source(%dma_start3A_115 : memref<128x128xf32, #tpu.memory_space<vmem>>) target(%dma_start3A_111 : memref<128x128xf32, #tpu.memory_space<vmem_shared>>) target_semaphore(%run_scoped3A_103 : memref<!tpu.dma_semaphore, #tpu.memory_space<semaphore_mem>>)
      %dma_wait3A_116 = arith.constant 0 : i32
      %dma_wait3A_117 = arith.constant 0 : i32
      %dma_wait3A_118 = tpu.memref_slice %arg8[%run_scoped3A, %dma_wait3A_116, %dma_wait3A_117] : memref<2x128x128xf32, #tpu.memory_space<vmem>> -> memref<1x128x128xf32, #tpu.memory_space<vmem>>
      %dma_wait3A_119 = tpu.memref_squeeze %dma_wait3A_118 : memref<1x128x128xf32, #tpu.memory_space<vmem>> -> memref<128x128xf32, #tpu.memory_space<vmem>>
      %dma_wait3A_120 = arith.constant 0 : i32
      %dma_wait3A_121 = tpu.memref_slice %arg9[%add3A_10, %dma_wait3A_120] : memref<10240x128xf32, #tpu.memory_space<vmem_shared>> -> memref<128x128xf32, #tpu.memory_space<vmem_shared>>
      %dma_wait3A_122 = arith.constant 0 : i32
      %dma_wait3A_123 = tpu.memref_slice %arg9[%add3A_10, %dma_wait3A_122] : memref<10240x128xf32, #tpu.memory_space<vmem_shared>> -> memref<128x128xf32, #tpu.memory_space<vmem_shared>>
      %dma_wait3A_124 = arith.constant 0 : i32
      %dma_wait3A_125 = arith.constant 0 : i32
      %dma_wait3A_126 = tpu.memref_slice %arg8[%run_scoped3A, %dma_wait3A_124, %dma_wait3A_125] : memref<2x128x128xf32, #tpu.memory_space<vmem>> -> memref<1x128x128xf32, #tpu.memory_space<vmem>>
      %dma_wait3A_127 = tpu.memref_squeeze %dma_wait3A_126 : memref<1x128x128xf32, #tpu.memory_space<vmem>> -> memref<128x128xf32, #tpu.memory_space<vmem>>
      tpu.wait_dma2 semaphore(%run_scoped3A_103 : memref<!tpu.dma_semaphore, #tpu.memory_space<semaphore_mem>>) src(%dma_wait3A_127 : memref<128x128xf32, #tpu.memory_space<vmem>>) dst(%dma_wait3A_123 : memref<128x128xf32, #tpu.memory_space<vmem_shared>>)
      tpu.yield
    }) : () -> ()
    %mul3A_11 = arith.constant 640 : i32
    %mul3A_12 = arith.muli %arg1, %mul3A_11 : i32
    %add3A_13 = arith.constant 128 : i32
    %add3A_14 = arith.addi %mul3A_12, %add3A_13 : i32
    %run_scoped3A_15 = arith.constant 0 : i32
    "tpu.region"() ({
      %run_scoped3A_103 = tpu.sem_alloc : memref<!tpu.dma_semaphore, #tpu.memory_space<semaphore_mem>>
      %dma_start3A_104 = arith.constant 0 : i32
      %dma_start3A_105 = arith.constant 0 : i32
      %dma_start3A_106 = tpu.memref_slice %arg8[%run_scoped3A_15, %dma_start3A_104, %dma_start3A_105] : memref<2x128x128xf32, #tpu.memory_space<vmem>> -> memref<1x128x128xf32, #tpu.memory_space<vmem>>
      %dma_start3A_107 = tpu.memref_squeeze %dma_start3A_106 : memref<1x128x128xf32, #tpu.memory_space<vmem>> -> memref<128x128xf32, #tpu.memory_space<vmem>>
      %dma_start3A_108 = arith.constant 0 : i32
      %dma_start3A_109 = tpu.memref_slice %arg9[%add3A_14, %dma_start3A_108] : memref<10240x128xf32, #tpu.memory_space<vmem_shared>> -> memref<128x128xf32, #tpu.memory_space<vmem_shared>>
      %dma_start3A_110 = arith.constant 0 : i32
      %dma_start3A_111 = tpu.memref_slice %arg9[%add3A_14, %dma_start3A_110] : memref<10240x128xf32, #tpu.memory_space<vmem_shared>> -> memref<128x128xf32, #tpu.memory_space<vmem_shared>>
      %dma_start3A_112 = arith.constant 0 : i32
      %dma_start3A_113 = arith.constant 0 : i32
      %dma_start3A_114 = tpu.memref_slice %arg8[%run_scoped3A_15, %dma_start3A_112, %dma_start3A_113] : memref<2x128x128xf32, #tpu.memory_space<vmem>> -> memref<1x128x128xf32, #tpu.memory_space<vmem>>
      %dma_start3A_115 = tpu.memref_squeeze %dma_start3A_114 : memref<1x128x128xf32, #tpu.memory_space<vmem>> -> memref<128x128xf32, #tpu.memory_space<vmem>>
      tpu.enqueue_dma source(%dma_start3A_115 : memref<128x128xf32, #tpu.memory_space<vmem>>) target(%dma_start3A_111 : memref<128x128xf32, #tpu.memory_space<vmem_shared>>) target_semaphore(%run_scoped3A_103 : memref<!tpu.dma_semaphore, #tpu.memory_space<semaphore_mem>>)
      %dma_wait3A_116 = arith.constant 0 : i32
      %dma_wait3A_117 = arith.constant 0 : i32
      %dma_wait3A_118 = tpu.memref_slice %arg8[%run_scoped3A_15, %dma_wait3A_116, %dma_wait3A_117] : memref<2x128x128xf32, #tpu.memory_space<vmem>> -> memref<1x128x128xf32, #tpu.memory_space<vmem>>
      %dma_wait3A_119 = tpu.memref_squeeze %dma_wait3A_118 : memref<1x128x128xf32, #tpu.memory_space<vmem>> -> memref<128x128xf32, #tpu.memory_space<vmem>>
      %dma_wait3A_120 = arith.constant 0 : i32
      %dma_wait3A_121 = tpu.memref_slice %arg9[%add3A_14, %dma_wait3A_120] : memref<10240x128xf32, #tpu.memory_space<vmem_shared>> -> memref<128x128xf32, #tpu.memory_space<vmem_shared>>
      %dma_wait3A_122 = arith.constant 0 : i32
      %dma_wait3A_123 = tpu.memref_slice %arg9[%add3A_14, %dma_wait3A_122] : memref<10240x128xf32, #tpu.memory_space<vmem_shared>> -> memref<128x128xf32, #tpu.memory_space<vmem_shared>>
      %dma_wait3A_124 = arith.constant 0 : i32
      %dma_wait3A_125 = arith.constant 0 : i32
      %dma_wait3A_126 = tpu.memref_slice %arg8[%run_scoped3A_15, %dma_wait3A_124, %dma_wait3A_125] : memref<2x128x128xf32, #tpu.memory_space<vmem>> -> memref<1x128x128xf32, #tpu.memory_space<vmem>>
      %dma_wait3A_127 = tpu.memref_squeeze %dma_wait3A_126 : memref<1x128x128xf32, #tpu.memory_space<vmem>> -> memref<128x128xf32, #tpu.memory_space<vmem>>
      tpu.wait_dma2 semaphore(%run_scoped3A_103 : memref<!tpu.dma_semaphore, #tpu.memory_space<semaphore_mem>>) src(%dma_wait3A_127 : memref<128x128xf32, #tpu.memory_space<vmem>>) dst(%dma_wait3A_123 : memref<128x128xf32, #tpu.memory_space<vmem_shared>>)
      tpu.yield
    }) : () -> ()
    %mul3A_16 = arith.constant 640 : i32
    %mul3A_17 = arith.muli %arg1, %mul3A_16 : i32
    %add3A_18 = arith.constant 256 : i32
    %add3A_19 = arith.addi %mul3A_17, %add3A_18 : i32
    %run_scoped3A_20 = arith.constant 0 : i32
    "tpu.region"() ({
      %run_scoped3A_103 = tpu.sem_alloc : memref<!tpu.dma_semaphore, #tpu.memory_space<semaphore_mem>>
      %dma_start3A_104 = arith.constant 0 : i32
      %dma_start3A_105 = arith.constant 0 : i32
      %dma_start3A_106 = tpu.memref_slice %arg8[%run_scoped3A_20, %dma_start3A_104, %dma_start3A_105] : memref<2x128x128xf32, #tpu.memory_space<vmem>> -> memref<1x128x128xf32, #tpu.memory_space<vmem>>
      %dma_start3A_107 = tpu.memref_squeeze %dma_start3A_106 : memref<1x128x128xf32, #tpu.memory_space<vmem>> -> memref<128x128xf32, #tpu.memory_space<vmem>>
      %dma_start3A_108 = arith.constant 0 : i32
      %dma_start3A_109 = tpu.memref_slice %arg9[%add3A_19, %dma_start3A_108] : memref<10240x128xf32, #tpu.memory_space<vmem_shared>> -> memref<128x128xf32, #tpu.memory_space<vmem_shared>>
      %dma_start3A_110 = arith.constant 0 : i32
      %dma_start3A_111 = tpu.memref_slice %arg9[%add3A_19, %dma_start3A_110] : memref<10240x128xf32, #tpu.memory_space<vmem_shared>> -> memref<128x128xf32, #tpu.memory_space<vmem_shared>>
      %dma_start3A_112 = arith.constant 0 : i32
      %dma_start3A_113 = arith.constant 0 : i32
      %dma_start3A_114 = tpu.memref_slice %arg8[%run_scoped3A_20, %dma_start3A_112, %dma_start3A_113] : memref<2x128x128xf32, #tpu.memory_space<vmem>> -> memref<1x128x128xf32, #tpu.memory_space<vmem>>
      %dma_start3A_115 = tpu.memref_squeeze %dma_start3A_114 : memref<1x128x128xf32, #tpu.memory_space<vmem>> -> memref<128x128xf32, #tpu.memory_space<vmem>>
      tpu.enqueue_dma source(%dma_start3A_115 : memref<128x128xf32, #tpu.memory_space<vmem>>) target(%dma_start3A_111 : memref<128x128xf32, #tpu.memory_space<vmem_shared>>) target_semaphore(%run_scoped3A_103 : memref<!tpu.dma_semaphore, #tpu.memory_space<semaphore_mem>>)
      %dma_wait3A_116 = arith.constant 0 : i32
      %dma_wait3A_117 = arith.constant 0 : i32
      %dma_wait3A_118 = tpu.memref_slice %arg8[%run_scoped3A_20, %dma_wait3A_116, %dma_wait3A_117] : memref<2x128x128xf32, #tpu.memory_space<vmem>> -> memref<1x128x128xf32, #tpu.memory_space<vmem>>
      %dma_wait3A_119 = tpu.memref_squeeze %dma_wait3A_118 : memref<1x128x128xf32, #tpu.memory_space<vmem>> -> memref<128x128xf32, #tpu.memory_space<vmem>>
      %dma_wait3A_120 = arith.constant 0 : i32
      %dma_wait3A_121 = tpu.memref_slice %arg9[%add3A_19, %dma_wait3A_120] : memref<10240x128xf32, #tpu.memory_space<vmem_shared>> -> memref<128x128xf32, #tpu.memory_space<vmem_shared>>
      %dma_wait3A_122 = arith.constant 0 : i32
      %dma_wait3A_123 = tpu.memref_slice %arg9[%add3A_19, %dma_wait3A_122] : memref<10240x128xf32, #tpu.memory_space<vmem_shared>> -> memref<128x128xf32, #tpu.memory_space<vmem_shared>>
      %dma_wait3A_124 = arith.constant 0 : i32
      %dma_wait3A_125 = arith.constant 0 : i32
      %dma_wait3A_126 = tpu.memref_slice %arg8[%run_scoped3A_20, %dma_wait3A_124, %dma_wait3A_125] : memref<2x128x128xf32, #tpu.memory_space<vmem>> -> memref<1x128x128xf32, #tpu.memory_space<vmem>>
      %dma_wait3A_127 = tpu.memref_squeeze %dma_wait3A_126 : memref<1x128x128xf32, #tpu.memory_space<vmem>> -> memref<128x128xf32, #tpu.memory_space<vmem>>
      tpu.wait_dma2 semaphore(%run_scoped3A_103 : memref<!tpu.dma_semaphore, #tpu.memory_space<semaphore_mem>>) src(%dma_wait3A_127 : memref<128x128xf32, #tpu.memory_space<vmem>>) dst(%dma_wait3A_123 : memref<128x128xf32, #tpu.memory_space<vmem_shared>>)
      tpu.yield
    }) : () -> ()
    %mul3A_21 = arith.constant 640 : i32
    %mul3A_22 = arith.muli %arg1, %mul3A_21 : i32
    %add3A_23 = arith.constant 384 : i32
    %add3A_24 = arith.addi %mul3A_22, %add3A_23 : i32
    %run_scoped3A_25 = arith.constant 0 : i32
    "tpu.region"() ({
      %run_scoped3A_103 = tpu.sem_alloc : memref<!tpu.dma_semaphore, #tpu.memory_space<semaphore_mem>>
      %dma_start3A_104 = arith.constant 0 : i32
      %dma_start3A_105 = arith.constant 0 : i32
      %dma_start3A_106 = tpu.memref_slice %arg8[%run_scoped3A_25, %dma_start3A_104, %dma_start3A_105] : memref<2x128x128xf32, #tpu.memory_space<vmem>> -> memref<1x128x128xf32, #tpu.memory_space<vmem>>
      %dma_start3A_107 = tpu.memref_squeeze %dma_start3A_106 : memref<1x128x128xf32, #tpu.memory_space<vmem>> -> memref<128x128xf32, #tpu.memory_space<vmem>>
      %dma_start3A_108 = arith.constant 0 : i32
      %dma_start3A_109 = tpu.memref_slice %arg9[%add3A_24, %dma_start3A_108] : memref<10240x128xf32, #tpu.memory_space<vmem_shared>> -> memref<128x128xf32, #tpu.memory_space<vmem_shared>>
      %dma_start3A_110 = arith.constant 0 : i32
      %dma_start3A_111 = tpu.memref_slice %arg9[%add3A_24, %dma_start3A_110] : memref<10240x128xf32, #tpu.memory_space<vmem_shared>> -> memref<128x128xf32, #tpu.memory_space<vmem_shared>>
      %dma_start3A_112 = arith.constant 0 : i32
      %dma_start3A_113 = arith.constant 0 : i32
      %dma_start3A_114 = tpu.memref_slice %arg8[%run_scoped3A_25, %dma_start3A_112, %dma_start3A_113] : memref<2x128x128xf32, #tpu.memory_space<vmem>> -> memref<1x128x128xf32, #tpu.memory_space<vmem>>
      %dma_start3A_115 = tpu.memref_squeeze %dma_start3A_114 : memref<1x128x128xf32, #tpu.memory_space<vmem>> -> memref<128x128xf32, #tpu.memory_space<vmem>>
      tpu.enqueue_dma source(%dma_start3A_115 : memref<128x128xf32, #tpu.memory_space<vmem>>) target(%dma_start3A_111 : memref<128x128xf32, #tpu.memory_space<vmem_shared>>) target_semaphore(%run_scoped3A_103 : memref<!tpu.dma_semaphore, #tpu.memory_space<semaphore_mem>>)
      %dma_wait3A_116 = arith.constant 0 : i32
      %dma_wait3A_117 = arith.constant 0 : i32
      %dma_wait3A_118 = tpu.memref_slice %arg8[%run_scoped3A_25, %dma_wait3A_116, %dma_wait3A_117] : memref<2x128x128xf32, #tpu.memory_space<vmem>> -> memref<1x128x128xf32, #tpu.memory_space<vmem>>
      %dma_wait3A_119 = tpu.memref_squeeze %dma_wait3A_118 : memref<1x128x128xf32, #tpu.memory_space<vmem>> -> memref<128x128xf32, #tpu.memory_space<vmem>>
      %dma_wait3A_120 = arith.constant 0 : i32
      %dma_wait3A_121 = tpu.memref_slice %arg9[%add3A_24, %dma_wait3A_120] : memref<10240x128xf32, #tpu.memory_space<vmem_shared>> -> memref<128x128xf32, #tpu.memory_space<vmem_shared>>
      %dma_wait3A_122 = arith.constant 0 : i32
      %dma_wait3A_123 = tpu.memref_slice %arg9[%add3A_24, %dma_wait3A_122] : memref<10240x128xf32, #tpu.memory_space<vmem_shared>> -> memref<128x128xf32, #tpu.memory_space<vmem_shared>>
      %dma_wait3A_124 = arith.constant 0 : i32
      %dma_wait3A_125 = arith.constant 0 : i32
      %dma_wait3A_126 = tpu.memref_slice %arg8[%run_scoped3A_25, %dma_wait3A_124, %dma_wait3A_125] : memref<2x128x128xf32, #tpu.memory_space<vmem>> -> memref<1x128x128xf32, #tpu.memory_space<vmem>>
      %dma_wait3A_127 = tpu.memref_squeeze %dma_wait3A_126 : memref<1x128x128xf32, #tpu.memory_space<vmem>> -> memref<128x128xf32, #tpu.memory_space<vmem>>
      tpu.wait_dma2 semaphore(%run_scoped3A_103 : memref<!tpu.dma_semaphore, #tpu.memory_space<semaphore_mem>>) src(%dma_wait3A_127 : memref<128x128xf32, #tpu.memory_space<vmem>>) dst(%dma_wait3A_123 : memref<128x128xf32, #tpu.memory_space<vmem_shared>>)
      tpu.yield
    }) : () -> ()
    %mul3A_26 = arith.constant 640 : i32
    %mul3A_27 = arith.muli %arg1, %mul3A_26 : i32
    %add3A_28 = arith.constant 512 : i32
    %add3A_29 = arith.addi %mul3A_27, %add3A_28 : i32
    %run_scoped3A_30 = arith.constant 0 : i32
    "tpu.region"() ({
      %run_scoped3A_103 = tpu.sem_alloc : memref<!tpu.dma_semaphore, #tpu.memory_space<semaphore_mem>>
      %dma_start3A_104 = arith.constant 0 : i32
      %dma_start3A_105 = arith.constant 0 : i32
      %dma_start3A_106 = tpu.memref_slice %arg8[%run_scoped3A_30, %dma_start3A_104, %dma_start3A_105] : memref<2x128x128xf32, #tpu.memory_space<vmem>> -> memref<1x128x128xf32, #tpu.memory_space<vmem>>
      %dma_start3A_107 = tpu.memref_squeeze %dma_start3A_106 : memref<1x128x128xf32, #tpu.memory_space<vmem>> -> memref<128x128xf32, #tpu.memory_space<vmem>>
      %dma_start3A_108 = arith.constant 0 : i32
      %dma_start3A_109 = tpu.memref_slice %arg9[%add3A_29, %dma_start3A_108] : memref<10240x128xf32, #tpu.memory_space<vmem_shared>> -> memref<128x128xf32, #tpu.memory_space<vmem_shared>>
      %dma_start3A_110 = arith.constant 0 : i32
      %dma_start3A_111 = tpu.memref_slice %arg9[%add3A_29, %dma_start3A_110] : memref<10240x128xf32, #tpu.memory_space<vmem_shared>> -> memref<128x128xf32, #tpu.memory_space<vmem_shared>>
      %dma_start3A_112 = arith.constant 0 : i32
      %dma_start3A_113 = arith.constant 0 : i32
      %dma_start3A_114 = tpu.memref_slice %arg8[%run_scoped3A_30, %dma_start3A_112, %dma_start3A_113] : memref<2x128x128xf32, #tpu.memory_space<vmem>> -> memref<1x128x128xf32, #tpu.memory_space<vmem>>
      %dma_start3A_115 = tpu.memref_squeeze %dma_start3A_114 : memref<1x128x128xf32, #tpu.memory_space<vmem>> -> memref<128x128xf32, #tpu.memory_space<vmem>>
      tpu.enqueue_dma source(%dma_start3A_115 : memref<128x128xf32, #tpu.memory_space<vmem>>) target(%dma_start3A_111 : memref<128x128xf32, #tpu.memory_space<vmem_shared>>) target_semaphore(%run_scoped3A_103 : memref<!tpu.dma_semaphore, #tpu.memory_space<semaphore_mem>>)
      %dma_wait3A_116 = arith.constant 0 : i32
      %dma_wait3A_117 = arith.constant 0 : i32
      %dma_wait3A_118 = tpu.memref_slice %arg8[%run_scoped3A_30, %dma_wait3A_116, %dma_wait3A_117] : memref<2x128x128xf32, #tpu.memory_space<vmem>> -> memref<1x128x128xf32, #tpu.memory_space<vmem>>
      %dma_wait3A_119 = tpu.memref_squeeze %dma_wait3A_118 : memref<1x128x128xf32, #tpu.memory_space<vmem>> -> memref<128x128xf32, #tpu.memory_space<vmem>>
      %dma_wait3A_120 = arith.constant 0 : i32
      %dma_wait3A_121 = tpu.memref_slice %arg9[%add3A_29, %dma_wait3A_120] : memref<10240x128xf32, #tpu.memory_space<vmem_shared>> -> memref<128x128xf32, #tpu.memory_space<vmem_shared>>
      %dma_wait3A_122 = arith.constant 0 : i32
      %dma_wait3A_123 = tpu.memref_slice %arg9[%add3A_29, %dma_wait3A_122] : memref<10240x128xf32, #tpu.memory_space<vmem_shared>> -> memref<128x128xf32, #tpu.memory_space<vmem_shared>>
      %dma_wait3A_124 = arith.constant 0 : i32
      %dma_wait3A_125 = arith.constant 0 : i32
      %dma_wait3A_126 = tpu.memref_slice %arg8[%run_scoped3A_30, %dma_wait3A_124, %dma_wait3A_125] : memref<2x128x128xf32, #tpu.memory_space<vmem>> -> memref<1x128x128xf32, #tpu.memory_space<vmem>>
      %dma_wait3A_127 = tpu.memref_squeeze %dma_wait3A_126 : memref<1x128x128xf32, #tpu.memory_space<vmem>> -> memref<128x128xf32, #tpu.memory_space<vmem>>
      tpu.wait_dma2 semaphore(%run_scoped3A_103 : memref<!tpu.dma_semaphore, #tpu.memory_space<semaphore_mem>>) src(%dma_wait3A_127 : memref<128x128xf32, #tpu.memory_space<vmem>>) dst(%dma_wait3A_123 : memref<128x128xf32, #tpu.memory_space<vmem_shared>>)
      tpu.yield
    }) : () -> ()
    %barrier3A = arith.constant 0 : index
    tpu.barrier barrier_id(%barrier3A)
    %dma_start3A = arith.constant 0 : i32
    %dma_start3A_31 = tpu.memref_slice %arg3[%add3A, %dma_start3A] : memref<32x10240xi32, #tpu.memory_space<hbm>> -> memref<1x10240xi32, #tpu.memory_space<hbm>>
    %dma_start3A_32 = tpu.memref_squeeze %dma_start3A_31 : memref<1x10240xi32, #tpu.memory_space<hbm>> -> memref<10240xi32, #tpu.memory_space<hbm>>
    %dma_start3A_33 = arith.constant 0 : i32
    %dma_start3A_34 = tpu.memref_slice %arg3[%add3A, %dma_start3A_33] : memref<32x10240xi32, #tpu.memory_space<hbm>> -> memref<1x10240xi32, #tpu.memory_space<hbm>>
    %dma_start3A_35 = tpu.memref_squeeze %dma_start3A_34 : memref<1x10240xi32, #tpu.memory_space<hbm>> -> memref<10240xi32, #tpu.memory_space<hbm>>
    tpu.enqueue_dma source(%dma_start3A_35 : memref<10240xi32, #tpu.memory_space<hbm>>) target(%arg6 : memref<10240xi32, #tpu.memory_space<vmem>>) target_semaphore(%arg11 : memref<!tpu.dma_semaphore, #tpu.memory_space<semaphore_mem>>)
    %run_scoped3A_36 = arith.constant 0 : i32
    "tpu.region"() ({
      %run_scoped3A_103 = tpu.sem_alloc : memref<!tpu.dma_semaphore, #tpu.memory_space<semaphore_mem>>
      %dma_start3A_104 = arith.constant 0 : i32
      %dma_start3A_105 = arith.constant 0 : i32
      %dma_start3A_106 = tpu.memref_slice %arg7[%run_scoped3A_36, %dma_start3A_104, %dma_start3A_105] : memref<2x8x128xi32, #tpu.memory_space<vmem>> -> memref<1x8x128xi32, #tpu.memory_space<vmem>>
      %dma_start3A_107 = tpu.memref_squeeze %dma_start3A_106 : memref<1x8x128xi32, #tpu.memory_space<vmem>> -> memref<8x128xi32, #tpu.memory_space<vmem>>
      %dma_start3A_108 = arith.constant 0 : i32
      %dma_start3A_109 = arith.constant 0 : i32
      %dma_start3A_110 = tpu.memref_slice %arg4[%add3A, %dma_start3A_108, %dma_start3A_109] : memref<32x80x128xi32, #tpu.memory_space<hbm>> -> memref<1x8x128xi32, #tpu.memory_space<hbm>>
      %dma_start3A_111 = tpu.memref_squeeze %dma_start3A_110 : memref<1x8x128xi32, #tpu.memory_space<hbm>> -> memref<8x128xi32, #tpu.memory_space<hbm>>
      %dma_start3A_112 = arith.constant 0 : i32
      %dma_start3A_113 = arith.constant 0 : i32
      %dma_start3A_114 = tpu.memref_slice %arg7[%run_scoped3A_36, %dma_start3A_112, %dma_start3A_113] : memref<2x8x128xi32, #tpu.memory_space<vmem>> -> memref<1x8x128xi32, #tpu.memory_space<vmem>>
      %dma_start3A_115 = tpu.memref_squeeze %dma_start3A_114 : memref<1x8x128xi32, #tpu.memory_space<vmem>> -> memref<8x128xi32, #tpu.memory_space<vmem>>
      %dma_start3A_116 = arith.constant 0 : i32
      %dma_start3A_117 = arith.constant 0 : i32
      %dma_start3A_118 = tpu.memref_slice %arg4[%add3A, %dma_start3A_116, %dma_start3A_117] : memref<32x80x128xi32, #tpu.memory_space<hbm>> -> memref<1x8x128xi32, #tpu.memory_space<hbm>>
      %dma_start3A_119 = tpu.memref_squeeze %dma_start3A_118 : memref<1x8x128xi32, #tpu.memory_space<hbm>> -> memref<8x128xi32, #tpu.memory_space<hbm>>
      tpu.enqueue_dma source(%dma_start3A_119 : memref<8x128xi32, #tpu.memory_space<hbm>>) target(%dma_start3A_115 : memref<8x128xi32, #tpu.memory_space<vmem>>) target_semaphore(%run_scoped3A_103 : memref<!tpu.dma_semaphore, #tpu.memory_space<semaphore_mem>>)
      %dma_wait3A_120 = arith.constant 0 : i32
      %dma_wait3A_121 = arith.constant 0 : i32
      %dma_wait3A_122 = tpu.memref_slice %arg7[%run_scoped3A_36, %dma_wait3A_120, %dma_wait3A_121] : memref<2x8x128xi32, #tpu.memory_space<vmem>> -> memref<1x8x128xi32, #tpu.memory_space<vmem>>
      %dma_wait3A_123 = tpu.memref_squeeze %dma_wait3A_122 : memref<1x8x128xi32, #tpu.memory_space<vmem>> -> memref<8x128xi32, #tpu.memory_space<vmem>>
      %dma_wait3A_124 = arith.constant 0 : i32
      %dma_wait3A_125 = arith.constant 0 : i32
      %dma_wait3A_126 = tpu.memref_slice %arg4[%add3A, %dma_wait3A_124, %dma_wait3A_125] : memref<32x80x128xi32, #tpu.memory_space<hbm>> -> memref<1x8x128xi32, #tpu.memory_space<hbm>>
      %dma_wait3A_127 = tpu.memref_squeeze %dma_wait3A_126 : memref<1x8x128xi32, #tpu.memory_space<hbm>> -> memref<8x128xi32, #tpu.memory_space<hbm>>
      %dma_wait3A_128 = arith.constant 0 : i32
      %dma_wait3A_129 = arith.constant 0 : i32
      %dma_wait3A_130 = tpu.memref_slice %arg7[%run_scoped3A_36, %dma_wait3A_128, %dma_wait3A_129] : memref<2x8x128xi32, #tpu.memory_space<vmem>> -> memref<1x8x128xi32, #tpu.memory_space<vmem>>
      %dma_wait3A_131 = tpu.memref_squeeze %dma_wait3A_130 : memref<1x8x128xi32, #tpu.memory_space<vmem>> -> memref<8x128xi32, #tpu.memory_space<vmem>>
      %dma_wait3A_132 = arith.constant 0 : i32
      %dma_wait3A_133 = arith.constant 0 : i32
      %dma_wait3A_134 = tpu.memref_slice %arg4[%add3A, %dma_wait3A_132, %dma_wait3A_133] : memref<32x80x128xi32, #tpu.memory_space<hbm>> -> memref<1x8x128xi32, #tpu.memory_space<hbm>>
      %dma_wait3A_135 = tpu.memref_squeeze %dma_wait3A_134 : memref<1x8x128xi32, #tpu.memory_space<hbm>> -> memref<8x128xi32, #tpu.memory_space<hbm>>
      tpu.wait_dma2 semaphore(%run_scoped3A_103 : memref<!tpu.dma_semaphore, #tpu.memory_space<semaphore_mem>>) src(%dma_wait3A_135 : memref<8x128xi32, #tpu.memory_space<hbm>>) dst(%dma_wait3A_131 : memref<8x128xi32, #tpu.memory_space<vmem>>)
      tpu.yield
    }) : () -> ()
    %dma_wait3A = arith.constant 0 : i32
    %dma_wait3A_37 = tpu.memref_slice %arg3[%add3A, %dma_wait3A] : memref<32x10240xi32, #tpu.memory_space<hbm>> -> memref<1x10240xi32, #tpu.memory_space<hbm>>
    %dma_wait3A_38 = tpu.memref_squeeze %dma_wait3A_37 : memref<1x10240xi32, #tpu.memory_space<hbm>> -> memref<10240xi32, #tpu.memory_space<hbm>>
    %dma_wait3A_39 = arith.constant 0 : i32
    %dma_wait3A_40 = tpu.memref_slice %arg3[%add3A, %dma_wait3A_39] : memref<32x10240xi32, #tpu.memory_space<hbm>> -> memref<1x10240xi32, #tpu.memory_space<hbm>>
    %dma_wait3A_41 = tpu.memref_squeeze %dma_wait3A_40 : memref<1x10240xi32, #tpu.memory_space<hbm>> -> memref<10240xi32, #tpu.memory_space<hbm>>
    tpu.wait_dma2 semaphore(%arg11 : memref<!tpu.dma_semaphore, #tpu.memory_space<semaphore_mem>>) src(%dma_wait3A_41 : memref<10240xi32, #tpu.memory_space<hbm>>) dst(%arg6 : memref<10240xi32, #tpu.memory_space<vmem>>)
    %dma_start3A_42 = arith.constant 0 : i32
    %dma_start3A_43 = arith.constant 0 : i32
    %dma_start3A_44 = arith.constant 0 : i32
    %dma_start3A_45 = arith.constant 0 : i32
    %dma_start3A_46 = tpu.memref_slice %arg8[%dma_start3A_42, %dma_start3A_44, %dma_start3A_45] : memref<2x128x128xf32, #tpu.memory_space<vmem>> -> memref<1x128x128xf32, #tpu.memory_space<vmem>>
    %dma_start3A_47 = tpu.memref_squeeze %dma_start3A_46 : memref<1x128x128xf32, #tpu.memory_space<vmem>> -> memref<128x128xf32, #tpu.memory_space<vmem>>
    %dma_start3A_48 = arith.constant 0 : i32
    %dma_start3A_49 = tpu.memref_slice %arg6[%dma_start3A_48] : memref<10240xi32, #tpu.memory_space<vmem>> -> memref<128xi32, #tpu.memory_space<vmem>>
    %dma_start3A_50 = arith.constant 0 : i32
    %dma_start3A_51 = arith.constant 0 : i32
    %dma_start3A_52 = tpu.memref_slice %arg2[%dma_start3A_50, %dma_start3A_51] : memref<10240x128xf32, #tpu.memory_space<hbm>> -> memref<10240x128xf32, #tpu.memory_space<hbm>>
    %dma_start3A_53 = tpu.memref_slice %arg10[%dma_start3A_43] : memref<2x!tpu.dma_semaphore, #tpu.memory_space<semaphore_mem>> -> memref<1x!tpu.dma_semaphore, #tpu.memory_space<semaphore_mem>>
    %dma_start3A_54 = tpu.memref_squeeze %dma_start3A_53 : memref<1x!tpu.dma_semaphore, #tpu.memory_space<semaphore_mem>> -> memref<!tpu.dma_semaphore, #tpu.memory_space<semaphore_mem>>
    tpu.enqueue_indirect_dma source(%dma_start3A_52 : memref<10240x128xf32, #tpu.memory_space<hbm>>) target(%dma_start3A_47 : memref<128x128xf32, #tpu.memory_space<vmem>>) offsets(%dma_start3A_49 : memref<128xi32, #tpu.memory_space<vmem>>) semaphore(%dma_start3A_54 : memref<!tpu.dma_semaphore, #tpu.memory_space<semaphore_mem>>)
    %scan3A_55 = arith.constant 0 : i32
    %scan3A_56 = arith.constant 0 : i32
    %scan3A_57 = arith.constant 10 : i32
    %scan3A_58 = arith.addi %scan3A_56, %scan3A_57 : i32
    %scan3A_59 = arith.constant 1 : i32
    %scan3A_60 = scf.for %scan3A_103 = %scan3A_56 to %scan3A_58 step %scan3A_59 iter_args(%scan3A_104 = %scan3A_55) -> (i32)  : i32 {
      %jit3A = arith.constant 2 : i32
      %eq3A = arith.constant 0 : i32
      %eq3A_105 = arith.cmpi eq, %jit3A, %eq3A : i32
      %jit3A_106 = arith.constant 1 : i32
      %select_n3A = arith.select %eq3A_105, %jit3A_106, %jit3A : i32
      %rem3A = arith.remsi %scan3A_103, %select_n3A : i32
      %ne3A = arith.constant 0 : i32
      %ne3A_107 = arith.cmpi ne, %rem3A, %ne3A : i32
      %lt3A = arith.constant 0 : i32
      %lt3A_108 = arith.cmpi slt, %rem3A, %lt3A : i32
      %lt3A_109 = arith.constant 0 : i32
      %lt3A_110 = arith.cmpi slt, %select_n3A, %lt3A_109 : i32
      %ne3A_111 = arith.xori %lt3A_108, %lt3A_110 : i1
      %and3A = arith.andi %ne3A_111, %ne3A_107 : i1
      %add3A_112 = arith.addi %rem3A, %select_n3A : i32
      %select_n3A_113 = arith.select %and3A, %add3A_112, %rem3A : i32
      %add3A_114 = arith.constant 1 : i32
      %add3A_115 = arith.addi %scan3A_103, %add3A_114 : i32
      %lt3A_116 = arith.constant 10 : i32
      %lt3A_117 = arith.cmpi slt, %add3A_115, %lt3A_116 : i32
      %convert_element_type3A = arith.extui %lt3A_117 : i1 to i32
      %cond3A = arith.constant 0 : i32
      %cond3A_118 = arith.cmpi ne, %convert_element_type3A, %cond3A : i32
      scf.if %cond3A_118 {
        %add3A_343 = arith.constant 1 : i32
        %add3A_344 = arith.addi %scan3A_103, %add3A_343 : i32
        %mul3A_345 = arith.constant 8 : i32
        %mul3A_346 = arith.muli %add3A_344, %mul3A_345 : i32
        %sub3A = arith.constant 1 : i32
        %sub3A_347 = arith.subi %sub3A, %select_n3A_113 : i32
        %dma_start3A_348 = arith.constant 0 : i32
        %dma_start3A_349 = arith.constant 0 : i32
        %dma_start3A_350 = tpu.memref_slice %arg7[%sub3A_347, %dma_start3A_348, %dma_start3A_349] : memref<2x8x128xi32, #tpu.memory_space<vmem>> -> memref<1x8x128xi32, #tpu.memory_space<vmem>>
        %dma_start3A_351 = tpu.memref_squeeze %dma_start3A_350 : memref<1x8x128xi32, #tpu.memory_space<vmem>> -> memref<8x128xi32, #tpu.memory_space<vmem>>
        %dma_start3A_352 = arith.constant 0 : i32
        %dma_start3A_353 = tpu.memref_slice %arg4[%add3A, %mul3A_346, %dma_start3A_352] : memref<32x80x128xi32, #tpu.memory_space<hbm>> -> memref<1x8x128xi32, #tpu.memory_space<hbm>>
        %dma_start3A_354 = tpu.memref_squeeze %dma_start3A_353 : memref<1x8x128xi32, #tpu.memory_space<hbm>> -> memref<8x128xi32, #tpu.memory_space<hbm>>
        %dma_start3A_355 = arith.constant 0 : i32
        %dma_start3A_356 = arith.constant 0 : i32
        %dma_start3A_357 = tpu.memref_slice %arg7[%sub3A_347, %dma_start3A_355, %dma_start3A_356] : memref<2x8x128xi32, #tpu.memory_space<vmem>> -> memref<1x8x128xi32, #tpu.memory_space<vmem>>
        %dma_start3A_358 = tpu.memref_squeeze %dma_start3A_357 : memref<1x8x128xi32, #tpu.memory_space<vmem>> -> memref<8x128xi32, #tpu.memory_space<vmem>>
        %dma_start3A_359 = arith.constant 0 : i32
        %dma_start3A_360 = tpu.memref_slice %arg4[%add3A, %mul3A_346, %dma_start3A_359] : memref<32x80x128xi32, #tpu.memory_space<hbm>> -> memref<1x8x128xi32, #tpu.memory_space<hbm>>
        %dma_start3A_361 = tpu.memref_squeeze %dma_start3A_360 : memref<1x8x128xi32, #tpu.memory_space<hbm>> -> memref<8x128xi32, #tpu.memory_space<hbm>>
        tpu.enqueue_dma source(%dma_start3A_361 : memref<8x128xi32, #tpu.memory_space<hbm>>) target(%dma_start3A_358 : memref<8x128xi32, #tpu.memory_space<vmem>>) target_semaphore(%arg11 : memref<!tpu.dma_semaphore, #tpu.memory_space<semaphore_mem>>)
      } else {
      }
      %mul3A_119 = arith.constant 8 : i32
      %mul3A_120 = arith.muli %scan3A_103, %mul3A_119 : i32
      %add3A_121 = arith.constant 0 : i32
      %add3A_122 = arith.addi %mul3A_120, %add3A_121 : i32
      %add3A_123 = arith.constant 1 : i32
      %add3A_124 = arith.addi %add3A_122, %add3A_123 : i32
      %lt3A_125 = arith.constant 80 : i32
      %lt3A_126 = arith.cmpi slt, %add3A_124, %lt3A_125 : i32
      %convert_element_type3A_127 = arith.extui %lt3A_126 : i1 to i32
      %cond3A_128 = arith.constant 0 : i32
      %cond3A_129 = arith.cmpi ne, %convert_element_type3A_127, %cond3A_128 : i32
      scf.if %cond3A_129 {
        %add3A_343 = arith.constant 1 : i32
        %add3A_344 = arith.addi %add3A_122, %add3A_343 : i32
        %mul3A_345 = arith.constant 128 : i32
        %mul3A_346 = arith.muli %add3A_344, %mul3A_345 : i32
        %dma_start3A_347 = arith.constant 1 : i32
        %dma_start3A_348 = arith.constant 1 : i32
        %dma_start3A_349 = arith.constant 0 : i32
        %dma_start3A_350 = arith.constant 0 : i32
        %dma_start3A_351 = tpu.memref_slice %arg8[%dma_start3A_347, %dma_start3A_349, %dma_start3A_350] : memref<2x128x128xf32, #tpu.memory_space<vmem>> -> memref<1x128x128xf32, #tpu.memory_space<vmem>>
        %dma_start3A_352 = tpu.memref_squeeze %dma_start3A_351 : memref<1x128x128xf32, #tpu.memory_space<vmem>> -> memref<128x128xf32, #tpu.memory_space<vmem>>
        %dma_start3A_353 = tpu.memref_slice %arg6[%mul3A_346] : memref<10240xi32, #tpu.memory_space<vmem>> -> memref<128xi32, #tpu.memory_space<vmem>>
        %dma_start3A_354 = arith.constant 0 : i32
        %dma_start3A_355 = arith.constant 0 : i32
        %dma_start3A_356 = tpu.memref_slice %arg2[%dma_start3A_354, %dma_start3A_355] : memref<10240x128xf32, #tpu.memory_space<hbm>> -> memref<10240x128xf32, #tpu.memory_space<hbm>>
        %dma_start3A_357 = tpu.memref_slice %arg10[%dma_start3A_348] : memref<2x!tpu.dma_semaphore, #tpu.memory_space<semaphore_mem>> -> memref<1x!tpu.dma_semaphore, #tpu.memory_space<semaphore_mem>>
        %dma_start3A_358 = tpu.memref_squeeze %dma_start3A_357 : memref<1x!tpu.dma_semaphore, #tpu.memory_space<semaphore_mem>> -> memref<!tpu.dma_semaphore, #tpu.memory_space<semaphore_mem>>
        tpu.enqueue_indirect_dma source(%dma_start3A_356 : memref<10240x128xf32, #tpu.memory_space<hbm>>) target(%dma_start3A_352 : memref<128x128xf32, #tpu.memory_space<vmem>>) offsets(%dma_start3A_353 : memref<128xi32, #tpu.memory_space<vmem>>) semaphore(%dma_start3A_358 : memref<!tpu.dma_semaphore, #tpu.memory_space<semaphore_mem>>)
      } else {
      }
      %mul3A_130 = arith.constant 128 : i32
      %mul3A_131 = arith.muli %add3A_122, %mul3A_130 : i32
      %dma_wait3A_132 = arith.constant 0 : i32
      %dma_wait3A_133 = arith.constant 0 : i32
      %dma_wait3A_134 = arith.constant 0 : i32
      %dma_wait3A_135 = arith.constant 0 : i32
      %dma_wait3A_136 = tpu.memref_slice %arg8[%dma_wait3A_132, %dma_wait3A_134, %dma_wait3A_135] : memref<2x128x128xf32, #tpu.memory_space<vmem>> -> memref<1x128x128xf32, #tpu.memory_space<vmem>>
      %dma_wait3A_137 = tpu.memref_squeeze %dma_wait3A_136 : memref<1x128x128xf32, #tpu.memory_space<vmem>> -> memref<128x128xf32, #tpu.memory_space<vmem>>
      %dma_wait3A_138 = tpu.memref_slice %arg6[%mul3A_131] : memref<10240xi32, #tpu.memory_space<vmem>> -> memref<128xi32, #tpu.memory_space<vmem>>
      %dma_wait3A_139 = arith.constant 0 : i32
      %dma_wait3A_140 = arith.constant 0 : i32
      %dma_wait3A_141 = tpu.memref_slice %arg2[%dma_wait3A_139, %dma_wait3A_140] : memref<10240x128xf32, #tpu.memory_space<hbm>> -> memref<10240x128xf32, #tpu.memory_space<hbm>>
      %dma_wait3A_142 = tpu.memref_slice %arg10[%dma_wait3A_133] : memref<2x!tpu.dma_semaphore, #tpu.memory_space<semaphore_mem>> -> memref<1x!tpu.dma_semaphore, #tpu.memory_space<semaphore_mem>>
      %dma_wait3A_143 = tpu.memref_squeeze %dma_wait3A_142 : memref<1x!tpu.dma_semaphore, #tpu.memory_space<semaphore_mem>> -> memref<!tpu.dma_semaphore, #tpu.memory_space<semaphore_mem>>
      tpu.wait_indirect_dma semaphore(%dma_wait3A_143 : memref<!tpu.dma_semaphore, #tpu.memory_space<semaphore_mem>>) src(%dma_wait3A_141 : memref<10240x128xf32, #tpu.memory_space<hbm>>) dst(%dma_wait3A_137 : memref<128x128xf32, #tpu.memory_space<vmem>>)
      %run_scoped3A_144 = arith.constant 0 : i32
      %run_scoped3A_145 = arith.constant 0 : i32
      "tpu.region"() ({
        %run_scoped3A_343 = tpu.sem_alloc : memref<!tpu.dma_semaphore, #tpu.memory_space<semaphore_mem>>
        %dma_start3A_344 = arith.constant 0 : i32
        %dma_start3A_345 = arith.constant 0 : i32
        %dma_start3A_346 = tpu.memref_slice %arg8[%run_scoped3A_144, %dma_start3A_344, %dma_start3A_345] : memref<2x128x128xf32, #tpu.memory_space<vmem>> -> memref<1x128x128xf32, #tpu.memory_space<vmem>>
        %dma_start3A_347 = tpu.memref_squeeze %dma_start3A_346 : memref<1x128x128xf32, #tpu.memory_space<vmem>> -> memref<128x128xf32, #tpu.memory_space<vmem>>
        %dma_start3A_348 = arith.constant 0 : i32
        %dma_start3A_349 = tpu.memref_slice %arg7[%select_n3A_113, %run_scoped3A_145, %dma_start3A_348] : memref<2x8x128xi32, #tpu.memory_space<vmem>> -> memref<1x1x128xi32, #tpu.memory_space<vmem>>
        %dma_start3A_350 = tpu.memref_squeeze %dma_start3A_349 : memref<1x1x128xi32, #tpu.memory_space<vmem>> -> memref<128xi32, #tpu.memory_space<vmem>>
        %dma_start3A_351 = arith.constant 0 : i32
        %dma_start3A_352 = arith.constant 0 : i32
        %dma_start3A_353 = tpu.memref_slice %arg9[%dma_start3A_351, %dma_start3A_352] : memref<10240x128xf32, #tpu.memory_space<vmem_shared>> -> memref<10240x128xf32, #tpu.memory_space<vmem_shared>>
        tpu.enqueue_indirect_dma source(%dma_start3A_347 : memref<128x128xf32, #tpu.memory_space<vmem>>) target(%dma_start3A_353 : memref<10240x128xf32, #tpu.memory_space<vmem_shared>>) offsets(%dma_start3A_350 : memref<128xi32, #tpu.memory_space<vmem>>) semaphore(%run_scoped3A_343 : memref<!tpu.dma_semaphore, #tpu.memory_space<semaphore_mem>>) {add = true}
        %dma_wait3A_354 = arith.constant 0 : i32
        %dma_wait3A_355 = arith.constant 0 : i32
        %dma_wait3A_356 = tpu.memref_slice %arg8[%run_scoped3A_144, %dma_wait3A_354, %dma_wait3A_355] : memref<2x128x128xf32, #tpu.memory_space<vmem>> -> memref<1x128x128xf32, #tpu.memory_space<vmem>>
        %dma_wait3A_357 = tpu.memref_squeeze %dma_wait3A_356 : memref<1x128x128xf32, #tpu.memory_space<vmem>> -> memref<128x128xf32, #tpu.memory_space<vmem>>
        %dma_wait3A_358 = arith.constant 0 : i32
        %dma_wait3A_359 = tpu.memref_slice %arg7[%select_n3A_113, %run_scoped3A_145, %dma_wait3A_358] : memref<2x8x128xi32, #tpu.memory_space<vmem>> -> memref<1x1x128xi32, #tpu.memory_space<vmem>>
        %dma_wait3A_360 = tpu.memref_squeeze %dma_wait3A_359 : memref<1x1x128xi32, #tpu.memory_space<vmem>> -> memref<128xi32, #tpu.memory_space<vmem>>
        %dma_wait3A_361 = arith.constant 0 : i32
        %dma_wait3A_362 = arith.constant 0 : i32
        %dma_wait3A_363 = tpu.memref_slice %arg9[%dma_wait3A_361, %dma_wait3A_362] : memref<10240x128xf32, #tpu.memory_space<vmem_shared>> -> memref<10240x128xf32, #tpu.memory_space<vmem_shared>>
        tpu.wait_indirect_dma semaphore(%run_scoped3A_343 : memref<!tpu.dma_semaphore, #tpu.memory_space<semaphore_mem>>) src(%dma_wait3A_357 : memref<128x128xf32, #tpu.memory_space<vmem>>) dst(%dma_wait3A_363 : memref<10240x128xf32, #tpu.memory_space<vmem_shared>>)
        tpu.yield
      }) : () -> ()
      %mul3A_146 = arith.constant 8 : i32
      %mul3A_147 = arith.muli %scan3A_103, %mul3A_146 : i32
      %add3A_148 = arith.constant 1 : i32
      %add3A_149 = arith.addi %mul3A_147, %add3A_148 : i32
      %add3A_150 = arith.constant 1 : i32
      %add3A_151 = arith.addi %add3A_149, %add3A_150 : i32
      %lt3A_152 = arith.constant 80 : i32
      %lt3A_153 = arith.cmpi slt, %add3A_151, %lt3A_152 : i32
      %convert_element_type3A_154 = arith.extui %lt3A_153 : i1 to i32
      %cond3A_155 = arith.constant 0 : i32
      %cond3A_156 = arith.cmpi ne, %convert_element_type3A_154, %cond3A_155 : i32
      scf.if %cond3A_156 {
        %add3A_343 = arith.constant 1 : i32
        %add3A_344 = arith.addi %add3A_149, %add3A_343 : i32
        %mul3A_345 = arith.constant 128 : i32
        %mul3A_346 = arith.muli %add3A_344, %mul3A_345 : i32
        %dma_start3A_347 = arith.constant 0 : i32
        %dma_start3A_348 = arith.constant 0 : i32
        %dma_start3A_349 = arith.constant 0 : i32
        %dma_start3A_350 = arith.constant 0 : i32
        %dma_start3A_351 = tpu.memref_slice %arg8[%dma_start3A_347, %dma_start3A_349, %dma_start3A_350] : memref<2x128x128xf32, #tpu.memory_space<vmem>> -> memref<1x128x128xf32, #tpu.memory_space<vmem>>
        %dma_start3A_352 = tpu.memref_squeeze %dma_start3A_351 : memref<1x128x128xf32, #tpu.memory_space<vmem>> -> memref<128x128xf32, #tpu.memory_space<vmem>>
        %dma_start3A_353 = tpu.memref_slice %arg6[%mul3A_346] : memref<10240xi32, #tpu.memory_space<vmem>> -> memref<128xi32, #tpu.memory_space<vmem>>
        %dma_start3A_354 = arith.constant 0 : i32
        %dma_start3A_355 = arith.constant 0 : i32
        %dma_start3A_356 = tpu.memref_slice %arg2[%dma_start3A_354, %dma_start3A_355] : memref<10240x128xf32, #tpu.memory_space<hbm>> -> memref<10240x128xf32, #tpu.memory_space<hbm>>
        %dma_start3A_357 = tpu.memref_slice %arg10[%dma_start3A_348] : memref<2x!tpu.dma_semaphore, #tpu.memory_space<semaphore_mem>> -> memref<1x!tpu.dma_semaphore, #tpu.memory_space<semaphore_mem>>
        %dma_start3A_358 = tpu.memref_squeeze %dma_start3A_357 : memref<1x!tpu.dma_semaphore, #tpu.memory_space<semaphore_mem>> -> memref<!tpu.dma_semaphore, #tpu.memory_space<semaphore_mem>>
        tpu.enqueue_indirect_dma source(%dma_start3A_356 : memref<10240x128xf32, #tpu.memory_space<hbm>>) target(%dma_start3A_352 : memref<128x128xf32, #tpu.memory_space<vmem>>) offsets(%dma_start3A_353 : memref<128xi32, #tpu.memory_space<vmem>>) semaphore(%dma_start3A_358 : memref<!tpu.dma_semaphore, #tpu.memory_space<semaphore_mem>>)
      } else {
      }
      %mul3A_157 = arith.constant 128 : i32
      %mul3A_158 = arith.muli %add3A_149, %mul3A_157 : i32
      %dma_wait3A_159 = arith.constant 1 : i32
      %dma_wait3A_160 = arith.constant 1 : i32
      %dma_wait3A_161 = arith.constant 0 : i32
      %dma_wait3A_162 = arith.constant 0 : i32
      %dma_wait3A_163 = tpu.memref_slice %arg8[%dma_wait3A_159, %dma_wait3A_161, %dma_wait3A_162] : memref<2x128x128xf32, #tpu.memory_space<vmem>> -> memref<1x128x128xf32, #tpu.memory_space<vmem>>
      %dma_wait3A_164 = tpu.memref_squeeze %dma_wait3A_163 : memref<1x128x128xf32, #tpu.memory_space<vmem>> -> memref<128x128xf32, #tpu.memory_space<vmem>>
      %dma_wait3A_165 = tpu.memref_slice %arg6[%mul3A_158] : memref<10240xi32, #tpu.memory_space<vmem>> -> memref<128xi32, #tpu.memory_space<vmem>>
      %dma_wait3A_166 = arith.constant 0 : i32
      %dma_wait3A_167 = arith.constant 0 : i32
      %dma_wait3A_168 = tpu.memref_slice %arg2[%dma_wait3A_166, %dma_wait3A_167] : memref<10240x128xf32, #tpu.memory_space<hbm>> -> memref<10240x128xf32, #tpu.memory_space<hbm>>
      %dma_wait3A_169 = tpu.memref_slice %arg10[%dma_wait3A_160] : memref<2x!tpu.dma_semaphore, #tpu.memory_space<semaphore_mem>> -> memref<1x!tpu.dma_semaphore, #tpu.memory_space<semaphore_mem>>
      %dma_wait3A_170 = tpu.memref_squeeze %dma_wait3A_169 : memref<1x!tpu.dma_semaphore, #tpu.memory_space<semaphore_mem>> -> memref<!tpu.dma_semaphore, #tpu.memory_space<semaphore_mem>>
      tpu.wait_indirect_dma semaphore(%dma_wait3A_170 : memref<!tpu.dma_semaphore, #tpu.memory_space<semaphore_mem>>) src(%dma_wait3A_168 : memref<10240x128xf32, #tpu.memory_space<hbm>>) dst(%dma_wait3A_164 : memref<128x128xf32, #tpu.memory_space<vmem>>)
      %run_scoped3A_171 = arith.constant 1 : i32
      %run_scoped3A_172 = arith.constant 1 : i32
      "tpu.region"() ({
        %run_scoped3A_343 = tpu.sem_alloc : memref<!tpu.dma_semaphore, #tpu.memory_space<semaphore_mem>>
        %dma_start3A_344 = arith.constant 0 : i32
        %dma_start3A_345 = arith.constant 0 : i32
        %dma_start3A_346 = tpu.memref_slice %arg8[%run_scoped3A_171, %dma_start3A_344, %dma_start3A_345] : memref<2x128x128xf32, #tpu.memory_space<vmem>> -> memref<1x128x128xf32, #tpu.memory_space<vmem>>
        %dma_start3A_347 = tpu.memref_squeeze %dma_start3A_346 : memref<1x128x128xf32, #tpu.memory_space<vmem>> -> memref<128x128xf32, #tpu.memory_space<vmem>>
        %dma_start3A_348 = arith.constant 0 : i32
        %dma_start3A_349 = tpu.memref_slice %arg7[%select_n3A_113, %run_scoped3A_172, %dma_start3A_348] : memref<2x8x128xi32, #tpu.memory_space<vmem>> -> memref<1x1x128xi32, #tpu.memory_space<vmem>>
        %dma_start3A_350 = tpu.memref_squeeze %dma_start3A_349 : memref<1x1x128xi32, #tpu.memory_space<vmem>> -> memref<128xi32, #tpu.memory_space<vmem>>
        %dma_start3A_351 = arith.constant 0 : i32
        %dma_start3A_352 = arith.constant 0 : i32
        %dma_start3A_353 = tpu.memref_slice %arg9[%dma_start3A_351, %dma_start3A_352] : memref<10240x128xf32, #tpu.memory_space<vmem_shared>> -> memref<10240x128xf32, #tpu.memory_space<vmem_shared>>
        tpu.enqueue_indirect_dma source(%dma_start3A_347 : memref<128x128xf32, #tpu.memory_space<vmem>>) target(%dma_start3A_353 : memref<10240x128xf32, #tpu.memory_space<vmem_shared>>) offsets(%dma_start3A_350 : memref<128xi32, #tpu.memory_space<vmem>>) semaphore(%run_scoped3A_343 : memref<!tpu.dma_semaphore, #tpu.memory_space<semaphore_mem>>) {add = true}
        %dma_wait3A_354 = arith.constant 0 : i32
        %dma_wait3A_355 = arith.constant 0 : i32
        %dma_wait3A_356 = tpu.memref_slice %arg8[%run_scoped3A_171, %dma_wait3A_354, %dma_wait3A_355] : memref<2x128x128xf32, #tpu.memory_space<vmem>> -> memref<1x128x128xf32, #tpu.memory_space<vmem>>
        %dma_wait3A_357 = tpu.memref_squeeze %dma_wait3A_356 : memref<1x128x128xf32, #tpu.memory_space<vmem>> -> memref<128x128xf32, #tpu.memory_space<vmem>>
        %dma_wait3A_358 = arith.constant 0 : i32
        %dma_wait3A_359 = tpu.memref_slice %arg7[%select_n3A_113, %run_scoped3A_172, %dma_wait3A_358] : memref<2x8x128xi32, #tpu.memory_space<vmem>> -> memref<1x1x128xi32, #tpu.memory_space<vmem>>
        %dma_wait3A_360 = tpu.memref_squeeze %dma_wait3A_359 : memref<1x1x128xi32, #tpu.memory_space<vmem>> -> memref<128xi32, #tpu.memory_space<vmem>>
        %dma_wait3A_361 = arith.constant 0 : i32
        %dma_wait3A_362 = arith.constant 0 : i32
        %dma_wait3A_363 = tpu.memref_slice %arg9[%dma_wait3A_361, %dma_wait3A_362] : memref<10240x128xf32, #tpu.memory_space<vmem_shared>> -> memref<10240x128xf32, #tpu.memory_space<vmem_shared>>
        tpu.wait_indirect_dma semaphore(%run_scoped3A_343 : memref<!tpu.dma_semaphore, #tpu.memory_space<semaphore_mem>>) src(%dma_wait3A_357 : memref<128x128xf32, #tpu.memory_space<vmem>>) dst(%dma_wait3A_363 : memref<10240x128xf32, #tpu.memory_space<vmem_shared>>)
        tpu.yield
      }) : () -> ()
      %mul3A_173 = arith.constant 8 : i32
      %mul3A_174 = arith.muli %scan3A_103, %mul3A_173 : i32
      %add3A_175 = arith.constant 2 : i32
      %add3A_176 = arith.addi %mul3A_174, %add3A_175 : i32
      %add3A_177 = arith.constant 1 : i32
      %add3A_178 = arith.addi %add3A_176, %add3A_177 : i32
      %lt3A_179 = arith.constant 80 : i32
      %lt3A_180 = arith.cmpi slt, %add3A_178, %lt3A_179 : i32
      %convert_element_type3A_181 = arith.extui %lt3A_180 : i1 to i32
      %cond3A_182 = arith.constant 0 : i32
      %cond3A_183 = arith.cmpi ne, %convert_element_type3A_181, %cond3A_182 : i32
      scf.if %cond3A_183 {
        %add3A_343 = arith.constant 1 : i32
        %add3A_344 = arith.addi %add3A_176, %add3A_343 : i32
        %mul3A_345 = arith.constant 128 : i32
        %mul3A_346 = arith.muli %add3A_344, %mul3A_345 : i32
        %dma_start3A_347 = arith.constant 1 : i32
        %dma_start3A_348 = arith.constant 1 : i32
        %dma_start3A_349 = arith.constant 0 : i32
        %dma_start3A_350 = arith.constant 0 : i32
        %dma_start3A_351 = tpu.memref_slice %arg8[%dma_start3A_347, %dma_start3A_349, %dma_start3A_350] : memref<2x128x128xf32, #tpu.memory_space<vmem>> -> memref<1x128x128xf32, #tpu.memory_space<vmem>>
        %dma_start3A_352 = tpu.memref_squeeze %dma_start3A_351 : memref<1x128x128xf32, #tpu.memory_space<vmem>> -> memref<128x128xf32, #tpu.memory_space<vmem>>
        %dma_start3A_353 = tpu.memref_slice %arg6[%mul3A_346] : memref<10240xi32, #tpu.memory_space<vmem>> -> memref<128xi32, #tpu.memory_space<vmem>>
        %dma_start3A_354 = arith.constant 0 : i32
        %dma_start3A_355 = arith.constant 0 : i32
        %dma_start3A_356 = tpu.memref_slice %arg2[%dma_start3A_354, %dma_start3A_355] : memref<10240x128xf32, #tpu.memory_space<hbm>> -> memref<10240x128xf32, #tpu.memory_space<hbm>>
        %dma_start3A_357 = tpu.memref_slice %arg10[%dma_start3A_348] : memref<2x!tpu.dma_semaphore, #tpu.memory_space<semaphore_mem>> -> memref<1x!tpu.dma_semaphore, #tpu.memory_space<semaphore_mem>>
        %dma_start3A_358 = tpu.memref_squeeze %dma_start3A_357 : memref<1x!tpu.dma_semaphore, #tpu.memory_space<semaphore_mem>> -> memref<!tpu.dma_semaphore, #tpu.memory_space<semaphore_mem>>
        tpu.enqueue_indirect_dma source(%dma_start3A_356 : memref<10240x128xf32, #tpu.memory_space<hbm>>) target(%dma_start3A_352 : memref<128x128xf32, #tpu.memory_space<vmem>>) offsets(%dma_start3A_353 : memref<128xi32, #tpu.memory_space<vmem>>) semaphore(%dma_start3A_358 : memref<!tpu.dma_semaphore, #tpu.memory_space<semaphore_mem>>)
      } else {
      }
      %mul3A_184 = arith.constant 128 : i32
      %mul3A_185 = arith.muli %add3A_176, %mul3A_184 : i32
      %dma_wait3A_186 = arith.constant 0 : i32
      %dma_wait3A_187 = arith.constant 0 : i32
      %dma_wait3A_188 = arith.constant 0 : i32
      %dma_wait3A_189 = arith.constant 0 : i32
      %dma_wait3A_190 = tpu.memref_slice %arg8[%dma_wait3A_186, %dma_wait3A_188, %dma_wait3A_189] : memref<2x128x128xf32, #tpu.memory_space<vmem>> -> memref<1x128x128xf32, #tpu.memory_space<vmem>>
      %dma_wait3A_191 = tpu.memref_squeeze %dma_wait3A_190 : memref<1x128x128xf32, #tpu.memory_space<vmem>> -> memref<128x128xf32, #tpu.memory_space<vmem>>
      %dma_wait3A_192 = tpu.memref_slice %arg6[%mul3A_185] : memref<10240xi32, #tpu.memory_space<vmem>> -> memref<128xi32, #tpu.memory_space<vmem>>
      %dma_wait3A_193 = arith.constant 0 : i32
      %dma_wait3A_194 = arith.constant 0 : i32
      %dma_wait3A_195 = tpu.memref_slice %arg2[%dma_wait3A_193, %dma_wait3A_194] : memref<10240x128xf32, #tpu.memory_space<hbm>> -> memref<10240x128xf32, #tpu.memory_space<hbm>>
      %dma_wait3A_196 = tpu.memref_slice %arg10[%dma_wait3A_187] : memref<2x!tpu.dma_semaphore, #tpu.memory_space<semaphore_mem>> -> memref<1x!tpu.dma_semaphore, #tpu.memory_space<semaphore_mem>>
      %dma_wait3A_197 = tpu.memref_squeeze %dma_wait3A_196 : memref<1x!tpu.dma_semaphore, #tpu.memory_space<semaphore_mem>> -> memref<!tpu.dma_semaphore, #tpu.memory_space<semaphore_mem>>
      tpu.wait_indirect_dma semaphore(%dma_wait3A_197 : memref<!tpu.dma_semaphore, #tpu.memory_space<semaphore_mem>>) src(%dma_wait3A_195 : memref<10240x128xf32, #tpu.memory_space<hbm>>) dst(%dma_wait3A_191 : memref<128x128xf32, #tpu.memory_space<vmem>>)
      %run_scoped3A_198 = arith.constant 0 : i32
      %run_scoped3A_199 = arith.constant 2 : i32
      "tpu.region"() ({
        %run_scoped3A_343 = tpu.sem_alloc : memref<!tpu.dma_semaphore, #tpu.memory_space<semaphore_mem>>
        %dma_start3A_344 = arith.constant 0 : i32
        %dma_start3A_345 = arith.constant 0 : i32
        %dma_start3A_346 = tpu.memref_slice %arg8[%run_scoped3A_198, %dma_start3A_344, %dma_start3A_345] : memref<2x128x128xf32, #tpu.memory_space<vmem>> -> memref<1x128x128xf32, #tpu.memory_space<vmem>>
        %dma_start3A_347 = tpu.memref_squeeze %dma_start3A_346 : memref<1x128x128xf32, #tpu.memory_space<vmem>> -> memref<128x128xf32, #tpu.memory_space<vmem>>
        %dma_start3A_348 = arith.constant 0 : i32
        %dma_start3A_349 = tpu.memref_slice %arg7[%select_n3A_113, %run_scoped3A_199, %dma_start3A_348] : memref<2x8x128xi32, #tpu.memory_space<vmem>> -> memref<1x1x128xi32, #tpu.memory_space<vmem>>
        %dma_start3A_350 = tpu.memref_squeeze %dma_start3A_349 : memref<1x1x128xi32, #tpu.memory_space<vmem>> -> memref<128xi32, #tpu.memory_space<vmem>>
        %dma_start3A_351 = arith.constant 0 : i32
        %dma_start3A_352 = arith.constant 0 : i32
        %dma_start3A_353 = tpu.memref_slice %arg9[%dma_start3A_351, %dma_start3A_352] : memref<10240x128xf32, #tpu.memory_space<vmem_shared>> -> memref<10240x128xf32, #tpu.memory_space<vmem_shared>>
        tpu.enqueue_indirect_dma source(%dma_start3A_347 : memref<128x128xf32, #tpu.memory_space<vmem>>) target(%dma_start3A_353 : memref<10240x128xf32, #tpu.memory_space<vmem_shared>>) offsets(%dma_start3A_350 : memref<128xi32, #tpu.memory_space<vmem>>) semaphore(%run_scoped3A_343 : memref<!tpu.dma_semaphore, #tpu.memory_space<semaphore_mem>>) {add = true}
        %dma_wait3A_354 = arith.constant 0 : i32
        %dma_wait3A_355 = arith.constant 0 : i32
        %dma_wait3A_356 = tpu.memref_slice %arg8[%run_scoped3A_198, %dma_wait3A_354, %dma_wait3A_355] : memref<2x128x128xf32, #tpu.memory_space<vmem>> -> memref<1x128x128xf32, #tpu.memory_space<vmem>>
        %dma_wait3A_357 = tpu.memref_squeeze %dma_wait3A_356 : memref<1x128x128xf32, #tpu.memory_space<vmem>> -> memref<128x128xf32, #tpu.memory_space<vmem>>
        %dma_wait3A_358 = arith.constant 0 : i32
        %dma_wait3A_359 = tpu.memref_slice %arg7[%select_n3A_113, %run_scoped3A_199, %dma_wait3A_358] : memref<2x8x128xi32, #tpu.memory_space<vmem>> -> memref<1x1x128xi32, #tpu.memory_space<vmem>>
        %dma_wait3A_360 = tpu.memref_squeeze %dma_wait3A_359 : memref<1x1x128xi32, #tpu.memory_space<vmem>> -> memref<128xi32, #tpu.memory_space<vmem>>
        %dma_wait3A_361 = arith.constant 0 : i32
        %dma_wait3A_362 = arith.constant 0 : i32
        %dma_wait3A_363 = tpu.memref_slice %arg9[%dma_wait3A_361, %dma_wait3A_362] : memref<10240x128xf32, #tpu.memory_space<vmem_shared>> -> memref<10240x128xf32, #tpu.memory_space<vmem_shared>>
        tpu.wait_indirect_dma semaphore(%run_scoped3A_343 : memref<!tpu.dma_semaphore, #tpu.memory_space<semaphore_mem>>) src(%dma_wait3A_357 : memref<128x128xf32, #tpu.memory_space<vmem>>) dst(%dma_wait3A_363 : memref<10240x128xf32, #tpu.memory_space<vmem_shared>>)
        tpu.yield
      }) : () -> ()
      %mul3A_200 = arith.constant 8 : i32
      %mul3A_201 = arith.muli %scan3A_103, %mul3A_200 : i32
      %add3A_202 = arith.constant 3 : i32
      %add3A_203 = arith.addi %mul3A_201, %add3A_202 : i32
      %add3A_204 = arith.constant 1 : i32
      %add3A_205 = arith.addi %add3A_203, %add3A_204 : i32
      %lt3A_206 = arith.constant 80 : i32
      %lt3A_207 = arith.cmpi slt, %add3A_205, %lt3A_206 : i32
      %convert_element_type3A_208 = arith.extui %lt3A_207 : i1 to i32
      %cond3A_209 = arith.constant 0 : i32
      %cond3A_210 = arith.cmpi ne, %convert_element_type3A_208, %cond3A_209 : i32
      scf.if %cond3A_210 {
        %add3A_343 = arith.constant 1 : i32
        %add3A_344 = arith.addi %add3A_203, %add3A_343 : i32
        %mul3A_345 = arith.constant 128 : i32
        %mul3A_346 = arith.muli %add3A_344, %mul3A_345 : i32
        %dma_start3A_347 = arith.constant 0 : i32
        %dma_start3A_348 = arith.constant 0 : i32
        %dma_start3A_349 = arith.constant 0 : i32
        %dma_start3A_350 = arith.constant 0 : i32
        %dma_start3A_351 = tpu.memref_slice %arg8[%dma_start3A_347, %dma_start3A_349, %dma_start3A_350] : memref<2x128x128xf32, #tpu.memory_space<vmem>> -> memref<1x128x128xf32, #tpu.memory_space<vmem>>
        %dma_start3A_352 = tpu.memref_squeeze %dma_start3A_351 : memref<1x128x128xf32, #tpu.memory_space<vmem>> -> memref<128x128xf32, #tpu.memory_space<vmem>>
        %dma_start3A_353 = tpu.memref_slice %arg6[%mul3A_346] : memref<10240xi32, #tpu.memory_space<vmem>> -> memref<128xi32, #tpu.memory_space<vmem>>
        %dma_start3A_354 = arith.constant 0 : i32
        %dma_start3A_355 = arith.constant 0 : i32
        %dma_start3A_356 = tpu.memref_slice %arg2[%dma_start3A_354, %dma_start3A_355] : memref<10240x128xf32, #tpu.memory_space<hbm>> -> memref<10240x128xf32, #tpu.memory_space<hbm>>
        %dma_start3A_357 = tpu.memref_slice %arg10[%dma_start3A_348] : memref<2x!tpu.dma_semaphore, #tpu.memory_space<semaphore_mem>> -> memref<1x!tpu.dma_semaphore, #tpu.memory_space<semaphore_mem>>
        %dma_start3A_358 = tpu.memref_squeeze %dma_start3A_357 : memref<1x!tpu.dma_semaphore, #tpu.memory_space<semaphore_mem>> -> memref<!tpu.dma_semaphore, #tpu.memory_space<semaphore_mem>>
        tpu.enqueue_indirect_dma source(%dma_start3A_356 : memref<10240x128xf32, #tpu.memory_space<hbm>>) target(%dma_start3A_352 : memref<128x128xf32, #tpu.memory_space<vmem>>) offsets(%dma_start3A_353 : memref<128xi32, #tpu.memory_space<vmem>>) semaphore(%dma_start3A_358 : memref<!tpu.dma_semaphore, #tpu.memory_space<semaphore_mem>>)
      } else {
      }
      %mul3A_211 = arith.constant 128 : i32
      %mul3A_212 = arith.muli %add3A_203, %mul3A_211 : i32
      %dma_wait3A_213 = arith.constant 1 : i32
      %dma_wait3A_214 = arith.constant 1 : i32
      %dma_wait3A_215 = arith.constant 0 : i32
      %dma_wait3A_216 = arith.constant 0 : i32
      %dma_wait3A_217 = tpu.memref_slice %arg8[%dma_wait3A_213, %dma_wait3A_215, %dma_wait3A_216] : memref<2x128x128xf32, #tpu.memory_space<vmem>> -> memref<1x128x128xf32, #tpu.memory_space<vmem>>
      %dma_wait3A_218 = tpu.memref_squeeze %dma_wait3A_217 : memref<1x128x128xf32, #tpu.memory_space<vmem>> -> memref<128x128xf32, #tpu.memory_space<vmem>>
      %dma_wait3A_219 = tpu.memref_slice %arg6[%mul3A_212] : memref<10240xi32, #tpu.memory_space<vmem>> -> memref<128xi32, #tpu.memory_space<vmem>>
      %dma_wait3A_220 = arith.constant 0 : i32
      %dma_wait3A_221 = arith.constant 0 : i32
      %dma_wait3A_222 = tpu.memref_slice %arg2[%dma_wait3A_220, %dma_wait3A_221] : memref<10240x128xf32, #tpu.memory_space<hbm>> -> memref<10240x128xf32, #tpu.memory_space<hbm>>
      %dma_wait3A_223 = tpu.memref_slice %arg10[%dma_wait3A_214] : memref<2x!tpu.dma_semaphore, #tpu.memory_space<semaphore_mem>> -> memref<1x!tpu.dma_semaphore, #tpu.memory_space<semaphore_mem>>
      %dma_wait3A_224 = tpu.memref_squeeze %dma_wait3A_223 : memref<1x!tpu.dma_semaphore, #tpu.memory_space<semaphore_mem>> -> memref<!tpu.dma_semaphore, #tpu.memory_space<semaphore_mem>>
      tpu.wait_indirect_dma semaphore(%dma_wait3A_224 : memref<!tpu.dma_semaphore, #tpu.memory_space<semaphore_mem>>) src(%dma_wait3A_222 : memref<10240x128xf32, #tpu.memory_space<hbm>>) dst(%dma_wait3A_218 : memref<128x128xf32, #tpu.memory_space<vmem>>)
      %run_scoped3A_225 = arith.constant 1 : i32
      %run_scoped3A_226 = arith.constant 3 : i32
      "tpu.region"() ({
        %run_scoped3A_343 = tpu.sem_alloc : memref<!tpu.dma_semaphore, #tpu.memory_space<semaphore_mem>>
        %dma_start3A_344 = arith.constant 0 : i32
        %dma_start3A_345 = arith.constant 0 : i32
        %dma_start3A_346 = tpu.memref_slice %arg8[%run_scoped3A_225, %dma_start3A_344, %dma_start3A_345] : memref<2x128x128xf32, #tpu.memory_space<vmem>> -> memref<1x128x128xf32, #tpu.memory_space<vmem>>
        %dma_start3A_347 = tpu.memref_squeeze %dma_start3A_346 : memref<1x128x128xf32, #tpu.memory_space<vmem>> -> memref<128x128xf32, #tpu.memory_space<vmem>>
        %dma_start3A_348 = arith.constant 0 : i32
        %dma_start3A_349 = tpu.memref_slice %arg7[%select_n3A_113, %run_scoped3A_226, %dma_start3A_348] : memref<2x8x128xi32, #tpu.memory_space<vmem>> -> memref<1x1x128xi32, #tpu.memory_space<vmem>>
        %dma_start3A_350 = tpu.memref_squeeze %dma_start3A_349 : memref<1x1x128xi32, #tpu.memory_space<vmem>> -> memref<128xi32, #tpu.memory_space<vmem>>
        %dma_start3A_351 = arith.constant 0 : i32
        %dma_start3A_352 = arith.constant 0 : i32
        %dma_start3A_353 = tpu.memref_slice %arg9[%dma_start3A_351, %dma_start3A_352] : memref<10240x128xf32, #tpu.memory_space<vmem_shared>> -> memref<10240x128xf32, #tpu.memory_space<vmem_shared>>
        tpu.enqueue_indirect_dma source(%dma_start3A_347 : memref<128x128xf32, #tpu.memory_space<vmem>>) target(%dma_start3A_353 : memref<10240x128xf32, #tpu.memory_space<vmem_shared>>) offsets(%dma_start3A_350 : memref<128xi32, #tpu.memory_space<vmem>>) semaphore(%run_scoped3A_343 : memref<!tpu.dma_semaphore, #tpu.memory_space<semaphore_mem>>) {add = true}
        %dma_wait3A_354 = arith.constant 0 : i32
        %dma_wait3A_355 = arith.constant 0 : i32
        %dma_wait3A_356 = tpu.memref_slice %arg8[%run_scoped3A_225, %dma_wait3A_354, %dma_wait3A_355] : memref<2x128x128xf32, #tpu.memory_space<vmem>> -> memref<1x128x128xf32, #tpu.memory_space<vmem>>
        %dma_wait3A_357 = tpu.memref_squeeze %dma_wait3A_356 : memref<1x128x128xf32, #tpu.memory_space<vmem>> -> memref<128x128xf32, #tpu.memory_space<vmem>>
        %dma_wait3A_358 = arith.constant 0 : i32
        %dma_wait3A_359 = tpu.memref_slice %arg7[%select_n3A_113, %run_scoped3A_226, %dma_wait3A_358] : memref<2x8x128xi32, #tpu.memory_space<vmem>> -> memref<1x1x128xi32, #tpu.memory_space<vmem>>
        %dma_wait3A_360 = tpu.memref_squeeze %dma_wait3A_359 : memref<1x1x128xi32, #tpu.memory_space<vmem>> -> memref<128xi32, #tpu.memory_space<vmem>>
        %dma_wait3A_361 = arith.constant 0 : i32
        %dma_wait3A_362 = arith.constant 0 : i32
        %dma_wait3A_363 = tpu.memref_slice %arg9[%dma_wait3A_361, %dma_wait3A_362] : memref<10240x128xf32, #tpu.memory_space<vmem_shared>> -> memref<10240x128xf32, #tpu.memory_space<vmem_shared>>
        tpu.wait_indirect_dma semaphore(%run_scoped3A_343 : memref<!tpu.dma_semaphore, #tpu.memory_space<semaphore_mem>>) src(%dma_wait3A_357 : memref<128x128xf32, #tpu.memory_space<vmem>>) dst(%dma_wait3A_363 : memref<10240x128xf32, #tpu.memory_space<vmem_shared>>)
        tpu.yield
      }) : () -> ()
      %mul3A_227 = arith.constant 8 : i32
      %mul3A_228 = arith.muli %scan3A_103, %mul3A_227 : i32
      %add3A_229 = arith.constant 4 : i32
      %add3A_230 = arith.addi %mul3A_228, %add3A_229 : i32
      %add3A_231 = arith.constant 1 : i32
      %add3A_232 = arith.addi %add3A_230, %add3A_231 : i32
      %lt3A_233 = arith.constant 80 : i32
      %lt3A_234 = arith.cmpi slt, %add3A_232, %lt3A_233 : i32
      %convert_element_type3A_235 = arith.extui %lt3A_234 : i1 to i32
      %cond3A_236 = arith.constant 0 : i32
      %cond3A_237 = arith.cmpi ne, %convert_element_type3A_235, %cond3A_236 : i32
      scf.if %cond3A_237 {
        %add3A_343 = arith.constant 1 : i32
        %add3A_344 = arith.addi %add3A_230, %add3A_343 : i32
        %mul3A_345 = arith.constant 128 : i32
        %mul3A_346 = arith.muli %add3A_344, %mul3A_345 : i32
        %dma_start3A_347 = arith.constant 1 : i32
        %dma_start3A_348 = arith.constant 1 : i32
        %dma_start3A_349 = arith.constant 0 : i32
        %dma_start3A_350 = arith.constant 0 : i32
        %dma_start3A_351 = tpu.memref_slice %arg8[%dma_start3A_347, %dma_start3A_349, %dma_start3A_350] : memref<2x128x128xf32, #tpu.memory_space<vmem>> -> memref<1x128x128xf32, #tpu.memory_space<vmem>>
        %dma_start3A_352 = tpu.memref_squeeze %dma_start3A_351 : memref<1x128x128xf32, #tpu.memory_space<vmem>> -> memref<128x128xf32, #tpu.memory_space<vmem>>
        %dma_start3A_353 = tpu.memref_slice %arg6[%mul3A_346] : memref<10240xi32, #tpu.memory_space<vmem>> -> memref<128xi32, #tpu.memory_space<vmem>>
        %dma_start3A_354 = arith.constant 0 : i32
        %dma_start3A_355 = arith.constant 0 : i32
        %dma_start3A_356 = tpu.memref_slice %arg2[%dma_start3A_354, %dma_start3A_355] : memref<10240x128xf32, #tpu.memory_space<hbm>> -> memref<10240x128xf32, #tpu.memory_space<hbm>>
        %dma_start3A_357 = tpu.memref_slice %arg10[%dma_start3A_348] : memref<2x!tpu.dma_semaphore, #tpu.memory_space<semaphore_mem>> -> memref<1x!tpu.dma_semaphore, #tpu.memory_space<semaphore_mem>>
        %dma_start3A_358 = tpu.memref_squeeze %dma_start3A_357 : memref<1x!tpu.dma_semaphore, #tpu.memory_space<semaphore_mem>> -> memref<!tpu.dma_semaphore, #tpu.memory_space<semaphore_mem>>
        tpu.enqueue_indirect_dma source(%dma_start3A_356 : memref<10240x128xf32, #tpu.memory_space<hbm>>) target(%dma_start3A_352 : memref<128x128xf32, #tpu.memory_space<vmem>>) offsets(%dma_start3A_353 : memref<128xi32, #tpu.memory_space<vmem>>) semaphore(%dma_start3A_358 : memref<!tpu.dma_semaphore, #tpu.memory_space<semaphore_mem>>)
      } else {
      }
      %mul3A_238 = arith.constant 128 : i32
      %mul3A_239 = arith.muli %add3A_230, %mul3A_238 : i32
      %dma_wait3A_240 = arith.constant 0 : i32
      %dma_wait3A_241 = arith.constant 0 : i32
      %dma_wait3A_242 = arith.constant 0 : i32
      %dma_wait3A_243 = arith.constant 0 : i32
      %dma_wait3A_244 = tpu.memref_slice %arg8[%dma_wait3A_240, %dma_wait3A_242, %dma_wait3A_243] : memref<2x128x128xf32, #tpu.memory_space<vmem>> -> memref<1x128x128xf32, #tpu.memory_space<vmem>>
      %dma_wait3A_245 = tpu.memref_squeeze %dma_wait3A_244 : memref<1x128x128xf32, #tpu.memory_space<vmem>> -> memref<128x128xf32, #tpu.memory_space<vmem>>
      %dma_wait3A_246 = tpu.memref_slice %arg6[%mul3A_239] : memref<10240xi32, #tpu.memory_space<vmem>> -> memref<128xi32, #tpu.memory_space<vmem>>
      %dma_wait3A_247 = arith.constant 0 : i32
      %dma_wait3A_248 = arith.constant 0 : i32
      %dma_wait3A_249 = tpu.memref_slice %arg2[%dma_wait3A_247, %dma_wait3A_248] : memref<10240x128xf32, #tpu.memory_space<hbm>> -> memref<10240x128xf32, #tpu.memory_space<hbm>>
      %dma_wait3A_250 = tpu.memref_slice %arg10[%dma_wait3A_241] : memref<2x!tpu.dma_semaphore, #tpu.memory_space<semaphore_mem>> -> memref<1x!tpu.dma_semaphore, #tpu.memory_space<semaphore_mem>>
      %dma_wait3A_251 = tpu.memref_squeeze %dma_wait3A_250 : memref<1x!tpu.dma_semaphore, #tpu.memory_space<semaphore_mem>> -> memref<!tpu.dma_semaphore, #tpu.memory_space<semaphore_mem>>
      tpu.wait_indirect_dma semaphore(%dma_wait3A_251 : memref<!tpu.dma_semaphore, #tpu.memory_space<semaphore_mem>>) src(%dma_wait3A_249 : memref<10240x128xf32, #tpu.memory_space<hbm>>) dst(%dma_wait3A_245 : memref<128x128xf32, #tpu.memory_space<vmem>>)
      %run_scoped3A_252 = arith.constant 0 : i32
      %run_scoped3A_253 = arith.constant 4 : i32
      "tpu.region"() ({
        %run_scoped3A_343 = tpu.sem_alloc : memref<!tpu.dma_semaphore, #tpu.memory_space<semaphore_mem>>
        %dma_start3A_344 = arith.constant 0 : i32
        %dma_start3A_345 = arith.constant 0 : i32
        %dma_start3A_346 = tpu.memref_slice %arg8[%run_scoped3A_252, %dma_start3A_344, %dma_start3A_345] : memref<2x128x128xf32, #tpu.memory_space<vmem>> -> memref<1x128x128xf32, #tpu.memory_space<vmem>>
        %dma_start3A_347 = tpu.memref_squeeze %dma_start3A_346 : memref<1x128x128xf32, #tpu.memory_space<vmem>> -> memref<128x128xf32, #tpu.memory_space<vmem>>
        %dma_start3A_348 = arith.constant 0 : i32
        %dma_start3A_349 = tpu.memref_slice %arg7[%select_n3A_113, %run_scoped3A_253, %dma_start3A_348] : memref<2x8x128xi32, #tpu.memory_space<vmem>> -> memref<1x1x128xi32, #tpu.memory_space<vmem>>
        %dma_start3A_350 = tpu.memref_squeeze %dma_start3A_349 : memref<1x1x128xi32, #tpu.memory_space<vmem>> -> memref<128xi32, #tpu.memory_space<vmem>>
        %dma_start3A_351 = arith.constant 0 : i32
        %dma_start3A_352 = arith.constant 0 : i32
        %dma_start3A_353 = tpu.memref_slice %arg9[%dma_start3A_351, %dma_start3A_352] : memref<10240x128xf32, #tpu.memory_space<vmem_shared>> -> memref<10240x128xf32, #tpu.memory_space<vmem_shared>>
        tpu.enqueue_indirect_dma source(%dma_start3A_347 : memref<128x128xf32, #tpu.memory_space<vmem>>) target(%dma_start3A_353 : memref<10240x128xf32, #tpu.memory_space<vmem_shared>>) offsets(%dma_start3A_350 : memref<128xi32, #tpu.memory_space<vmem>>) semaphore(%run_scoped3A_343 : memref<!tpu.dma_semaphore, #tpu.memory_space<semaphore_mem>>) {add = true}
        %dma_wait3A_354 = arith.constant 0 : i32
        %dma_wait3A_355 = arith.constant 0 : i32
        %dma_wait3A_356 = tpu.memref_slice %arg8[%run_scoped3A_252, %dma_wait3A_354, %dma_wait3A_355] : memref<2x128x128xf32, #tpu.memory_space<vmem>> -> memref<1x128x128xf32, #tpu.memory_space<vmem>>
        %dma_wait3A_357 = tpu.memref_squeeze %dma_wait3A_356 : memref<1x128x128xf32, #tpu.memory_space<vmem>> -> memref<128x128xf32, #tpu.memory_space<vmem>>
        %dma_wait3A_358 = arith.constant 0 : i32
        %dma_wait3A_359 = tpu.memref_slice %arg7[%select_n3A_113, %run_scoped3A_253, %dma_wait3A_358] : memref<2x8x128xi32, #tpu.memory_space<vmem>> -> memref<1x1x128xi32, #tpu.memory_space<vmem>>
        %dma_wait3A_360 = tpu.memref_squeeze %dma_wait3A_359 : memref<1x1x128xi32, #tpu.memory_space<vmem>> -> memref<128xi32, #tpu.memory_space<vmem>>
        %dma_wait3A_361 = arith.constant 0 : i32
        %dma_wait3A_362 = arith.constant 0 : i32
        %dma_wait3A_363 = tpu.memref_slice %arg9[%dma_wait3A_361, %dma_wait3A_362] : memref<10240x128xf32, #tpu.memory_space<vmem_shared>> -> memref<10240x128xf32, #tpu.memory_space<vmem_shared>>
        tpu.wait_indirect_dma semaphore(%run_scoped3A_343 : memref<!tpu.dma_semaphore, #tpu.memory_space<semaphore_mem>>) src(%dma_wait3A_357 : memref<128x128xf32, #tpu.memory_space<vmem>>) dst(%dma_wait3A_363 : memref<10240x128xf32, #tpu.memory_space<vmem_shared>>)
        tpu.yield
      }) : () -> ()
      %mul3A_254 = arith.constant 8 : i32
      %mul3A_255 = arith.muli %scan3A_103, %mul3A_254 : i32
      %add3A_256 = arith.constant 5 : i32
      %add3A_257 = arith.addi %mul3A_255, %add3A_256 : i32
      %add3A_258 = arith.constant 1 : i32
      %add3A_259 = arith.addi %add3A_257, %add3A_258 : i32
      %lt3A_260 = arith.constant 80 : i32
      %lt3A_261 = arith.cmpi slt, %add3A_259, %lt3A_260 : i32
      %convert_element_type3A_262 = arith.extui %lt3A_261 : i1 to i32
      %cond3A_263 = arith.constant 0 : i32
      %cond3A_264 = arith.cmpi ne, %convert_element_type3A_262, %cond3A_263 : i32
      scf.if %cond3A_264 {
        %add3A_343 = arith.constant 1 : i32
        %add3A_344 = arith.addi %add3A_257, %add3A_343 : i32
        %mul3A_345 = arith.constant 128 : i32
        %mul3A_346 = arith.muli %add3A_344, %mul3A_345 : i32
        %dma_start3A_347 = arith.constant 0 : i32
        %dma_start3A_348 = arith.constant 0 : i32
        %dma_start3A_349 = arith.constant 0 : i32
        %dma_start3A_350 = arith.constant 0 : i32
        %dma_start3A_351 = tpu.memref_slice %arg8[%dma_start3A_347, %dma_start3A_349, %dma_start3A_350] : memref<2x128x128xf32, #tpu.memory_space<vmem>> -> memref<1x128x128xf32, #tpu.memory_space<vmem>>
        %dma_start3A_352 = tpu.memref_squeeze %dma_start3A_351 : memref<1x128x128xf32, #tpu.memory_space<vmem>> -> memref<128x128xf32, #tpu.memory_space<vmem>>
        %dma_start3A_353 = tpu.memref_slice %arg6[%mul3A_346] : memref<10240xi32, #tpu.memory_space<vmem>> -> memref<128xi32, #tpu.memory_space<vmem>>
        %dma_start3A_354 = arith.constant 0 : i32
        %dma_start3A_355 = arith.constant 0 : i32
        %dma_start3A_356 = tpu.memref_slice %arg2[%dma_start3A_354, %dma_start3A_355] : memref<10240x128xf32, #tpu.memory_space<hbm>> -> memref<10240x128xf32, #tpu.memory_space<hbm>>
        %dma_start3A_357 = tpu.memref_slice %arg10[%dma_start3A_348] : memref<2x!tpu.dma_semaphore, #tpu.memory_space<semaphore_mem>> -> memref<1x!tpu.dma_semaphore, #tpu.memory_space<semaphore_mem>>
        %dma_start3A_358 = tpu.memref_squeeze %dma_start3A_357 : memref<1x!tpu.dma_semaphore, #tpu.memory_space<semaphore_mem>> -> memref<!tpu.dma_semaphore, #tpu.memory_space<semaphore_mem>>
        tpu.enqueue_indirect_dma source(%dma_start3A_356 : memref<10240x128xf32, #tpu.memory_space<hbm>>) target(%dma_start3A_352 : memref<128x128xf32, #tpu.memory_space<vmem>>) offsets(%dma_start3A_353 : memref<128xi32, #tpu.memory_space<vmem>>) semaphore(%dma_start3A_358 : memref<!tpu.dma_semaphore, #tpu.memory_space<semaphore_mem>>)
      } else {
      }
      %mul3A_265 = arith.constant 128 : i32
      %mul3A_266 = arith.muli %add3A_257, %mul3A_265 : i32
      %dma_wait3A_267 = arith.constant 1 : i32
      %dma_wait3A_268 = arith.constant 1 : i32
      %dma_wait3A_269 = arith.constant 0 : i32
      %dma_wait3A_270 = arith.constant 0 : i32
      %dma_wait3A_271 = tpu.memref_slice %arg8[%dma_wait3A_267, %dma_wait3A_269, %dma_wait3A_270] : memref<2x128x128xf32, #tpu.memory_space<vmem>> -> memref<1x128x128xf32, #tpu.memory_space<vmem>>
      %dma_wait3A_272 = tpu.memref_squeeze %dma_wait3A_271 : memref<1x128x128xf32, #tpu.memory_space<vmem>> -> memref<128x128xf32, #tpu.memory_space<vmem>>
      %dma_wait3A_273 = tpu.memref_slice %arg6[%mul3A_266] : memref<10240xi32, #tpu.memory_space<vmem>> -> memref<128xi32, #tpu.memory_space<vmem>>
      %dma_wait3A_274 = arith.constant 0 : i32
      %dma_wait3A_275 = arith.constant 0 : i32
      %dma_wait3A_276 = tpu.memref_slice %arg2[%dma_wait3A_274, %dma_wait3A_275] : memref<10240x128xf32, #tpu.memory_space<hbm>> -> memref<10240x128xf32, #tpu.memory_space<hbm>>
      %dma_wait3A_277 = tpu.memref_slice %arg10[%dma_wait3A_268] : memref<2x!tpu.dma_semaphore, #tpu.memory_space<semaphore_mem>> -> memref<1x!tpu.dma_semaphore, #tpu.memory_space<semaphore_mem>>
      %dma_wait3A_278 = tpu.memref_squeeze %dma_wait3A_277 : memref<1x!tpu.dma_semaphore, #tpu.memory_space<semaphore_mem>> -> memref<!tpu.dma_semaphore, #tpu.memory_space<semaphore_mem>>
      tpu.wait_indirect_dma semaphore(%dma_wait3A_278 : memref<!tpu.dma_semaphore, #tpu.memory_space<semaphore_mem>>) src(%dma_wait3A_276 : memref<10240x128xf32, #tpu.memory_space<hbm>>) dst(%dma_wait3A_272 : memref<128x128xf32, #tpu.memory_space<vmem>>)
      %run_scoped3A_279 = arith.constant 1 : i32
      %run_scoped3A_280 = arith.constant 5 : i32
      "tpu.region"() ({
        %run_scoped3A_343 = tpu.sem_alloc : memref<!tpu.dma_semaphore, #tpu.memory_space<semaphore_mem>>
        %dma_start3A_344 = arith.constant 0 : i32
        %dma_start3A_345 = arith.constant 0 : i32
        %dma_start3A_346 = tpu.memref_slice %arg8[%run_scoped3A_279, %dma_start3A_344, %dma_start3A_345] : memref<2x128x128xf32, #tpu.memory_space<vmem>> -> memref<1x128x128xf32, #tpu.memory_space<vmem>>
        %dma_start3A_347 = tpu.memref_squeeze %dma_start3A_346 : memref<1x128x128xf32, #tpu.memory_space<vmem>> -> memref<128x128xf32, #tpu.memory_space<vmem>>
        %dma_start3A_348 = arith.constant 0 : i32
        %dma_start3A_349 = tpu.memref_slice %arg7[%select_n3A_113, %run_scoped3A_280, %dma_start3A_348] : memref<2x8x128xi32, #tpu.memory_space<vmem>> -> memref<1x1x128xi32, #tpu.memory_space<vmem>>
        %dma_start3A_350 = tpu.memref_squeeze %dma_start3A_349 : memref<1x1x128xi32, #tpu.memory_space<vmem>> -> memref<128xi32, #tpu.memory_space<vmem>>
        %dma_start3A_351 = arith.constant 0 : i32
        %dma_start3A_352 = arith.constant 0 : i32
        %dma_start3A_353 = tpu.memref_slice %arg9[%dma_start3A_351, %dma_start3A_352] : memref<10240x128xf32, #tpu.memory_space<vmem_shared>> -> memref<10240x128xf32, #tpu.memory_space<vmem_shared>>
        tpu.enqueue_indirect_dma source(%dma_start3A_347 : memref<128x128xf32, #tpu.memory_space<vmem>>) target(%dma_start3A_353 : memref<10240x128xf32, #tpu.memory_space<vmem_shared>>) offsets(%dma_start3A_350 : memref<128xi32, #tpu.memory_space<vmem>>) semaphore(%run_scoped3A_343 : memref<!tpu.dma_semaphore, #tpu.memory_space<semaphore_mem>>) {add = true}
        %dma_wait3A_354 = arith.constant 0 : i32
        %dma_wait3A_355 = arith.constant 0 : i32
        %dma_wait3A_356 = tpu.memref_slice %arg8[%run_scoped3A_279, %dma_wait3A_354, %dma_wait3A_355] : memref<2x128x128xf32, #tpu.memory_space<vmem>> -> memref<1x128x128xf32, #tpu.memory_space<vmem>>
        %dma_wait3A_357 = tpu.memref_squeeze %dma_wait3A_356 : memref<1x128x128xf32, #tpu.memory_space<vmem>> -> memref<128x128xf32, #tpu.memory_space<vmem>>
        %dma_wait3A_358 = arith.constant 0 : i32
        %dma_wait3A_359 = tpu.memref_slice %arg7[%select_n3A_113, %run_scoped3A_280, %dma_wait3A_358] : memref<2x8x128xi32, #tpu.memory_space<vmem>> -> memref<1x1x128xi32, #tpu.memory_space<vmem>>
        %dma_wait3A_360 = tpu.memref_squeeze %dma_wait3A_359 : memref<1x1x128xi32, #tpu.memory_space<vmem>> -> memref<128xi32, #tpu.memory_space<vmem>>
        %dma_wait3A_361 = arith.constant 0 : i32
        %dma_wait3A_362 = arith.constant 0 : i32
        %dma_wait3A_363 = tpu.memref_slice %arg9[%dma_wait3A_361, %dma_wait3A_362] : memref<10240x128xf32, #tpu.memory_space<vmem_shared>> -> memref<10240x128xf32, #tpu.memory_space<vmem_shared>>
        tpu.wait_indirect_dma semaphore(%run_scoped3A_343 : memref<!tpu.dma_semaphore, #tpu.memory_space<semaphore_mem>>) src(%dma_wait3A_357 : memref<128x128xf32, #tpu.memory_space<vmem>>) dst(%dma_wait3A_363 : memref<10240x128xf32, #tpu.memory_space<vmem_shared>>)
        tpu.yield
      }) : () -> ()
      %mul3A_281 = arith.constant 8 : i32
      %mul3A_282 = arith.muli %scan3A_103, %mul3A_281 : i32
      %add3A_283 = arith.constant 6 : i32
      %add3A_284 = arith.addi %mul3A_282, %add3A_283 : i32
      %add3A_285 = arith.constant 1 : i32
      %add3A_286 = arith.addi %add3A_284, %add3A_285 : i32
      %lt3A_287 = arith.constant 80 : i32
      %lt3A_288 = arith.cmpi slt, %add3A_286, %lt3A_287 : i32
      %convert_element_type3A_289 = arith.extui %lt3A_288 : i1 to i32
      %cond3A_290 = arith.constant 0 : i32
      %cond3A_291 = arith.cmpi ne, %convert_element_type3A_289, %cond3A_290 : i32
      scf.if %cond3A_291 {
        %add3A_343 = arith.constant 1 : i32
        %add3A_344 = arith.addi %add3A_284, %add3A_343 : i32
        %mul3A_345 = arith.constant 128 : i32
        %mul3A_346 = arith.muli %add3A_344, %mul3A_345 : i32
        %dma_start3A_347 = arith.constant 1 : i32
        %dma_start3A_348 = arith.constant 1 : i32
        %dma_start3A_349 = arith.constant 0 : i32
        %dma_start3A_350 = arith.constant 0 : i32
        %dma_start3A_351 = tpu.memref_slice %arg8[%dma_start3A_347, %dma_start3A_349, %dma_start3A_350] : memref<2x128x128xf32, #tpu.memory_space<vmem>> -> memref<1x128x128xf32, #tpu.memory_space<vmem>>
        %dma_start3A_352 = tpu.memref_squeeze %dma_start3A_351 : memref<1x128x128xf32, #tpu.memory_space<vmem>> -> memref<128x128xf32, #tpu.memory_space<vmem>>
        %dma_start3A_353 = tpu.memref_slice %arg6[%mul3A_346] : memref<10240xi32, #tpu.memory_space<vmem>> -> memref<128xi32, #tpu.memory_space<vmem>>
        %dma_start3A_354 = arith.constant 0 : i32
        %dma_start3A_355 = arith.constant 0 : i32
        %dma_start3A_356 = tpu.memref_slice %arg2[%dma_start3A_354, %dma_start3A_355] : memref<10240x128xf32, #tpu.memory_space<hbm>> -> memref<10240x128xf32, #tpu.memory_space<hbm>>
        %dma_start3A_357 = tpu.memref_slice %arg10[%dma_start3A_348] : memref<2x!tpu.dma_semaphore, #tpu.memory_space<semaphore_mem>> -> memref<1x!tpu.dma_semaphore, #tpu.memory_space<semaphore_mem>>
        %dma_start3A_358 = tpu.memref_squeeze %dma_start3A_357 : memref<1x!tpu.dma_semaphore, #tpu.memory_space<semaphore_mem>> -> memref<!tpu.dma_semaphore, #tpu.memory_space<semaphore_mem>>
        tpu.enqueue_indirect_dma source(%dma_start3A_356 : memref<10240x128xf32, #tpu.memory_space<hbm>>) target(%dma_start3A_352 : memref<128x128xf32, #tpu.memory_space<vmem>>) offsets(%dma_start3A_353 : memref<128xi32, #tpu.memory_space<vmem>>) semaphore(%dma_start3A_358 : memref<!tpu.dma_semaphore, #tpu.memory_space<semaphore_mem>>)
      } else {
      }
      %mul3A_292 = arith.constant 128 : i32
      %mul3A_293 = arith.muli %add3A_284, %mul3A_292 : i32
      %dma_wait3A_294 = arith.constant 0 : i32
      %dma_wait3A_295 = arith.constant 0 : i32
      %dma_wait3A_296 = arith.constant 0 : i32
      %dma_wait3A_297 = arith.constant 0 : i32
      %dma_wait3A_298 = tpu.memref_slice %arg8[%dma_wait3A_294, %dma_wait3A_296, %dma_wait3A_297] : memref<2x128x128xf32, #tpu.memory_space<vmem>> -> memref<1x128x128xf32, #tpu.memory_space<vmem>>
      %dma_wait3A_299 = tpu.memref_squeeze %dma_wait3A_298 : memref<1x128x128xf32, #tpu.memory_space<vmem>> -> memref<128x128xf32, #tpu.memory_space<vmem>>
      %dma_wait3A_300 = tpu.memref_slice %arg6[%mul3A_293] : memref<10240xi32, #tpu.memory_space<vmem>> -> memref<128xi32, #tpu.memory_space<vmem>>
      %dma_wait3A_301 = arith.constant 0 : i32
      %dma_wait3A_302 = arith.constant 0 : i32
      %dma_wait3A_303 = tpu.memref_slice %arg2[%dma_wait3A_301, %dma_wait3A_302] : memref<10240x128xf32, #tpu.memory_space<hbm>> -> memref<10240x128xf32, #tpu.memory_space<hbm>>
      %dma_wait3A_304 = tpu.memref_slice %arg10[%dma_wait3A_295] : memref<2x!tpu.dma_semaphore, #tpu.memory_space<semaphore_mem>> -> memref<1x!tpu.dma_semaphore, #tpu.memory_space<semaphore_mem>>
      %dma_wait3A_305 = tpu.memref_squeeze %dma_wait3A_304 : memref<1x!tpu.dma_semaphore, #tpu.memory_space<semaphore_mem>> -> memref<!tpu.dma_semaphore, #tpu.memory_space<semaphore_mem>>
      tpu.wait_indirect_dma semaphore(%dma_wait3A_305 : memref<!tpu.dma_semaphore, #tpu.memory_space<semaphore_mem>>) src(%dma_wait3A_303 : memref<10240x128xf32, #tpu.memory_space<hbm>>) dst(%dma_wait3A_299 : memref<128x128xf32, #tpu.memory_space<vmem>>)
      %run_scoped3A_306 = arith.constant 0 : i32
      %run_scoped3A_307 = arith.constant 6 : i32
      "tpu.region"() ({
        %run_scoped3A_343 = tpu.sem_alloc : memref<!tpu.dma_semaphore, #tpu.memory_space<semaphore_mem>>
        %dma_start3A_344 = arith.constant 0 : i32
        %dma_start3A_345 = arith.constant 0 : i32
        %dma_start3A_346 = tpu.memref_slice %arg8[%run_scoped3A_306, %dma_start3A_344, %dma_start3A_345] : memref<2x128x128xf32, #tpu.memory_space<vmem>> -> memref<1x128x128xf32, #tpu.memory_space<vmem>>
        %dma_start3A_347 = tpu.memref_squeeze %dma_start3A_346 : memref<1x128x128xf32, #tpu.memory_space<vmem>> -> memref<128x128xf32, #tpu.memory_space<vmem>>
        %dma_start3A_348 = arith.constant 0 : i32
        %dma_start3A_349 = tpu.memref_slice %arg7[%select_n3A_113, %run_scoped3A_307, %dma_start3A_348] : memref<2x8x128xi32, #tpu.memory_space<vmem>> -> memref<1x1x128xi32, #tpu.memory_space<vmem>>
        %dma_start3A_350 = tpu.memref_squeeze %dma_start3A_349 : memref<1x1x128xi32, #tpu.memory_space<vmem>> -> memref<128xi32, #tpu.memory_space<vmem>>
        %dma_start3A_351 = arith.constant 0 : i32
        %dma_start3A_352 = arith.constant 0 : i32
        %dma_start3A_353 = tpu.memref_slice %arg9[%dma_start3A_351, %dma_start3A_352] : memref<10240x128xf32, #tpu.memory_space<vmem_shared>> -> memref<10240x128xf32, #tpu.memory_space<vmem_shared>>
        tpu.enqueue_indirect_dma source(%dma_start3A_347 : memref<128x128xf32, #tpu.memory_space<vmem>>) target(%dma_start3A_353 : memref<10240x128xf32, #tpu.memory_space<vmem_shared>>) offsets(%dma_start3A_350 : memref<128xi32, #tpu.memory_space<vmem>>) semaphore(%run_scoped3A_343 : memref<!tpu.dma_semaphore, #tpu.memory_space<semaphore_mem>>) {add = true}
        %dma_wait3A_354 = arith.constant 0 : i32
        %dma_wait3A_355 = arith.constant 0 : i32
        %dma_wait3A_356 = tpu.memref_slice %arg8[%run_scoped3A_306, %dma_wait3A_354, %dma_wait3A_355] : memref<2x128x128xf32, #tpu.memory_space<vmem>> -> memref<1x128x128xf32, #tpu.memory_space<vmem>>
        %dma_wait3A_357 = tpu.memref_squeeze %dma_wait3A_356 : memref<1x128x128xf32, #tpu.memory_space<vmem>> -> memref<128x128xf32, #tpu.memory_space<vmem>>
        %dma_wait3A_358 = arith.constant 0 : i32
        %dma_wait3A_359 = tpu.memref_slice %arg7[%select_n3A_113, %run_scoped3A_307, %dma_wait3A_358] : memref<2x8x128xi32, #tpu.memory_space<vmem>> -> memref<1x1x128xi32, #tpu.memory_space<vmem>>
        %dma_wait3A_360 = tpu.memref_squeeze %dma_wait3A_359 : memref<1x1x128xi32, #tpu.memory_space<vmem>> -> memref<128xi32, #tpu.memory_space<vmem>>
        %dma_wait3A_361 = arith.constant 0 : i32
        %dma_wait3A_362 = arith.constant 0 : i32
        %dma_wait3A_363 = tpu.memref_slice %arg9[%dma_wait3A_361, %dma_wait3A_362] : memref<10240x128xf32, #tpu.memory_space<vmem_shared>> -> memref<10240x128xf32, #tpu.memory_space<vmem_shared>>
        tpu.wait_indirect_dma semaphore(%run_scoped3A_343 : memref<!tpu.dma_semaphore, #tpu.memory_space<semaphore_mem>>) src(%dma_wait3A_357 : memref<128x128xf32, #tpu.memory_space<vmem>>) dst(%dma_wait3A_363 : memref<10240x128xf32, #tpu.memory_space<vmem_shared>>)
        tpu.yield
      }) : () -> ()
      %mul3A_308 = arith.constant 8 : i32
      %mul3A_309 = arith.muli %scan3A_103, %mul3A_308 : i32
      %add3A_310 = arith.constant 7 : i32
      %add3A_311 = arith.addi %mul3A_309, %add3A_310 : i32
      %add3A_312 = arith.constant 1 : i32
      %add3A_313 = arith.addi %add3A_311, %add3A_312 : i32
      %lt3A_314 = arith.constant 80 : i32
      %lt3A_315 = arith.cmpi slt, %add3A_313, %lt3A_314 : i32
      %convert_element_type3A_316 = arith.extui %lt3A_315 : i1 to i32
      %cond3A_317 = arith.constant 0 : i32
      %cond3A_318 = arith.cmpi ne, %convert_element_type3A_316, %cond3A_317 : i32
      scf.if %cond3A_318 {
        %add3A_343 = arith.constant 1 : i32
        %add3A_344 = arith.addi %add3A_311, %add3A_343 : i32
        %mul3A_345 = arith.constant 128 : i32
        %mul3A_346 = arith.muli %add3A_344, %mul3A_345 : i32
        %dma_start3A_347 = arith.constant 0 : i32
        %dma_start3A_348 = arith.constant 0 : i32
        %dma_start3A_349 = arith.constant 0 : i32
        %dma_start3A_350 = arith.constant 0 : i32
        %dma_start3A_351 = tpu.memref_slice %arg8[%dma_start3A_347, %dma_start3A_349, %dma_start3A_350] : memref<2x128x128xf32, #tpu.memory_space<vmem>> -> memref<1x128x128xf32, #tpu.memory_space<vmem>>
        %dma_start3A_352 = tpu.memref_squeeze %dma_start3A_351 : memref<1x128x128xf32, #tpu.memory_space<vmem>> -> memref<128x128xf32, #tpu.memory_space<vmem>>
        %dma_start3A_353 = tpu.memref_slice %arg6[%mul3A_346] : memref<10240xi32, #tpu.memory_space<vmem>> -> memref<128xi32, #tpu.memory_space<vmem>>
        %dma_start3A_354 = arith.constant 0 : i32
        %dma_start3A_355 = arith.constant 0 : i32
        %dma_start3A_356 = tpu.memref_slice %arg2[%dma_start3A_354, %dma_start3A_355] : memref<10240x128xf32, #tpu.memory_space<hbm>> -> memref<10240x128xf32, #tpu.memory_space<hbm>>
        %dma_start3A_357 = tpu.memref_slice %arg10[%dma_start3A_348] : memref<2x!tpu.dma_semaphore, #tpu.memory_space<semaphore_mem>> -> memref<1x!tpu.dma_semaphore, #tpu.memory_space<semaphore_mem>>
        %dma_start3A_358 = tpu.memref_squeeze %dma_start3A_357 : memref<1x!tpu.dma_semaphore, #tpu.memory_space<semaphore_mem>> -> memref<!tpu.dma_semaphore, #tpu.memory_space<semaphore_mem>>
        tpu.enqueue_indirect_dma source(%dma_start3A_356 : memref<10240x128xf32, #tpu.memory_space<hbm>>) target(%dma_start3A_352 : memref<128x128xf32, #tpu.memory_space<vmem>>) offsets(%dma_start3A_353 : memref<128xi32, #tpu.memory_space<vmem>>) semaphore(%dma_start3A_358 : memref<!tpu.dma_semaphore, #tpu.memory_space<semaphore_mem>>)
      } else {
      }
      %mul3A_319 = arith.constant 128 : i32
      %mul3A_320 = arith.muli %add3A_311, %mul3A_319 : i32
      %dma_wait3A_321 = arith.constant 1 : i32
      %dma_wait3A_322 = arith.constant 1 : i32
      %dma_wait3A_323 = arith.constant 0 : i32
      %dma_wait3A_324 = arith.constant 0 : i32
      %dma_wait3A_325 = tpu.memref_slice %arg8[%dma_wait3A_321, %dma_wait3A_323, %dma_wait3A_324] : memref<2x128x128xf32, #tpu.memory_space<vmem>> -> memref<1x128x128xf32, #tpu.memory_space<vmem>>
      %dma_wait3A_326 = tpu.memref_squeeze %dma_wait3A_325 : memref<1x128x128xf32, #tpu.memory_space<vmem>> -> memref<128x128xf32, #tpu.memory_space<vmem>>
      %dma_wait3A_327 = tpu.memref_slice %arg6[%mul3A_320] : memref<10240xi32, #tpu.memory_space<vmem>> -> memref<128xi32, #tpu.memory_space<vmem>>
      %dma_wait3A_328 = arith.constant 0 : i32
      %dma_wait3A_329 = arith.constant 0 : i32
      %dma_wait3A_330 = tpu.memref_slice %arg2[%dma_wait3A_328, %dma_wait3A_329] : memref<10240x128xf32, #tpu.memory_space<hbm>> -> memref<10240x128xf32, #tpu.memory_space<hbm>>
      %dma_wait3A_331 = tpu.memref_slice %arg10[%dma_wait3A_322] : memref<2x!tpu.dma_semaphore, #tpu.memory_space<semaphore_mem>> -> memref<1x!tpu.dma_semaphore, #tpu.memory_space<semaphore_mem>>
      %dma_wait3A_332 = tpu.memref_squeeze %dma_wait3A_331 : memref<1x!tpu.dma_semaphore, #tpu.memory_space<semaphore_mem>> -> memref<!tpu.dma_semaphore, #tpu.memory_space<semaphore_mem>>
      tpu.wait_indirect_dma semaphore(%dma_wait3A_332 : memref<!tpu.dma_semaphore, #tpu.memory_space<semaphore_mem>>) src(%dma_wait3A_330 : memref<10240x128xf32, #tpu.memory_space<hbm>>) dst(%dma_wait3A_326 : memref<128x128xf32, #tpu.memory_space<vmem>>)
      %run_scoped3A_333 = arith.constant 1 : i32
      %run_scoped3A_334 = arith.constant 7 : i32
      "tpu.region"() ({
        %run_scoped3A_343 = tpu.sem_alloc : memref<!tpu.dma_semaphore, #tpu.memory_space<semaphore_mem>>
        %dma_start3A_344 = arith.constant 0 : i32
        %dma_start3A_345 = arith.constant 0 : i32
        %dma_start3A_346 = tpu.memref_slice %arg8[%run_scoped3A_333, %dma_start3A_344, %dma_start3A_345] : memref<2x128x128xf32, #tpu.memory_space<vmem>> -> memref<1x128x128xf32, #tpu.memory_space<vmem>>
        %dma_start3A_347 = tpu.memref_squeeze %dma_start3A_346 : memref<1x128x128xf32, #tpu.memory_space<vmem>> -> memref<128x128xf32, #tpu.memory_space<vmem>>
        %dma_start3A_348 = arith.constant 0 : i32
        %dma_start3A_349 = tpu.memref_slice %arg7[%select_n3A_113, %run_scoped3A_334, %dma_start3A_348] : memref<2x8x128xi32, #tpu.memory_space<vmem>> -> memref<1x1x128xi32, #tpu.memory_space<vmem>>
        %dma_start3A_350 = tpu.memref_squeeze %dma_start3A_349 : memref<1x1x128xi32, #tpu.memory_space<vmem>> -> memref<128xi32, #tpu.memory_space<vmem>>
        %dma_start3A_351 = arith.constant 0 : i32
        %dma_start3A_352 = arith.constant 0 : i32
        %dma_start3A_353 = tpu.memref_slice %arg9[%dma_start3A_351, %dma_start3A_352] : memref<10240x128xf32, #tpu.memory_space<vmem_shared>> -> memref<10240x128xf32, #tpu.memory_space<vmem_shared>>
        tpu.enqueue_indirect_dma source(%dma_start3A_347 : memref<128x128xf32, #tpu.memory_space<vmem>>) target(%dma_start3A_353 : memref<10240x128xf32, #tpu.memory_space<vmem_shared>>) offsets(%dma_start3A_350 : memref<128xi32, #tpu.memory_space<vmem>>) semaphore(%run_scoped3A_343 : memref<!tpu.dma_semaphore, #tpu.memory_space<semaphore_mem>>) {add = true}
        %dma_wait3A_354 = arith.constant 0 : i32
        %dma_wait3A_355 = arith.constant 0 : i32
        %dma_wait3A_356 = tpu.memref_slice %arg8[%run_scoped3A_333, %dma_wait3A_354, %dma_wait3A_355] : memref<2x128x128xf32, #tpu.memory_space<vmem>> -> memref<1x128x128xf32, #tpu.memory_space<vmem>>
        %dma_wait3A_357 = tpu.memref_squeeze %dma_wait3A_356 : memref<1x128x128xf32, #tpu.memory_space<vmem>> -> memref<128x128xf32, #tpu.memory_space<vmem>>
        %dma_wait3A_358 = arith.constant 0 : i32
        %dma_wait3A_359 = tpu.memref_slice %arg7[%select_n3A_113, %run_scoped3A_334, %dma_wait3A_358] : memref<2x8x128xi32, #tpu.memory_space<vmem>> -> memref<1x1x128xi32, #tpu.memory_space<vmem>>
        %dma_wait3A_360 = tpu.memref_squeeze %dma_wait3A_359 : memref<1x1x128xi32, #tpu.memory_space<vmem>> -> memref<128xi32, #tpu.memory_space<vmem>>
        %dma_wait3A_361 = arith.constant 0 : i32
        %dma_wait3A_362 = arith.constant 0 : i32
        %dma_wait3A_363 = tpu.memref_slice %arg9[%dma_wait3A_361, %dma_wait3A_362] : memref<10240x128xf32, #tpu.memory_space<vmem_shared>> -> memref<10240x128xf32, #tpu.memory_space<vmem_shared>>
        tpu.wait_indirect_dma semaphore(%run_scoped3A_343 : memref<!tpu.dma_semaphore, #tpu.memory_space<semaphore_mem>>) src(%dma_wait3A_357 : memref<128x128xf32, #tpu.memory_space<vmem>>) dst(%dma_wait3A_363 : memref<10240x128xf32, #tpu.memory_space<vmem_shared>>)
        tpu.yield
      }) : () -> ()
      %add3A_335 = arith.constant 1 : i32
      %add3A_336 = arith.addi %scan3A_103, %add3A_335 : i32
      %lt3A_337 = arith.constant 10 : i32
      %lt3A_338 = arith.cmpi slt, %add3A_336, %lt3A_337 : i32
      %convert_element_type3A_339 = arith.extui %lt3A_338 : i1 to i32
      %cond3A_340 = arith.constant 0 : i32
      %cond3A_341 = arith.cmpi ne, %convert_element_type3A_339, %cond3A_340 : i32
      scf.if %cond3A_341 {
        %add3A_343 = arith.constant 1 : i32
        %add3A_344 = arith.addi %scan3A_103, %add3A_343 : i32
        %mul3A_345 = arith.constant 8 : i32
        %mul3A_346 = arith.muli %add3A_344, %mul3A_345 : i32
        %sub3A = arith.constant 1 : i32
        %sub3A_347 = arith.subi %sub3A, %select_n3A_113 : i32
        %dma_wait3A_348 = arith.constant 0 : i32
        %dma_wait3A_349 = arith.constant 0 : i32
        %dma_wait3A_350 = tpu.memref_slice %arg7[%sub3A_347, %dma_wait3A_348, %dma_wait3A_349] : memref<2x8x128xi32, #tpu.memory_space<vmem>> -> memref<1x8x128xi32, #tpu.memory_space<vmem>>
        %dma_wait3A_351 = tpu.memref_squeeze %dma_wait3A_350 : memref<1x8x128xi32, #tpu.memory_space<vmem>> -> memref<8x128xi32, #tpu.memory_space<vmem>>
        %dma_wait3A_352 = arith.constant 0 : i32
        %dma_wait3A_353 = tpu.memref_slice %arg4[%add3A, %mul3A_346, %dma_wait3A_352] : memref<32x80x128xi32, #tpu.memory_space<hbm>> -> memref<1x8x128xi32, #tpu.memory_space<hbm>>
        %dma_wait3A_354 = tpu.memref_squeeze %dma_wait3A_353 : memref<1x8x128xi32, #tpu.memory_space<hbm>> -> memref<8x128xi32, #tpu.memory_space<hbm>>
        %dma_wait3A_355 = arith.constant 0 : i32
        %dma_wait3A_356 = arith.constant 0 : i32
        %dma_wait3A_357 = tpu.memref_slice %arg7[%sub3A_347, %dma_wait3A_355, %dma_wait3A_356] : memref<2x8x128xi32, #tpu.memory_space<vmem>> -> memref<1x8x128xi32, #tpu.memory_space<vmem>>
        %dma_wait3A_358 = tpu.memref_squeeze %dma_wait3A_357 : memref<1x8x128xi32, #tpu.memory_space<vmem>> -> memref<8x128xi32, #tpu.memory_space<vmem>>
        %dma_wait3A_359 = arith.constant 0 : i32
        %dma_wait3A_360 = tpu.memref_slice %arg4[%add3A, %mul3A_346, %dma_wait3A_359] : memref<32x80x128xi32, #tpu.memory_space<hbm>> -> memref<1x8x128xi32, #tpu.memory_space<hbm>>
        %dma_wait3A_361 = tpu.memref_squeeze %dma_wait3A_360 : memref<1x8x128xi32, #tpu.memory_space<hbm>> -> memref<8x128xi32, #tpu.memory_space<hbm>>
        tpu.wait_dma2 semaphore(%arg11 : memref<!tpu.dma_semaphore, #tpu.memory_space<semaphore_mem>>) src(%dma_wait3A_361 : memref<8x128xi32, #tpu.memory_space<hbm>>) dst(%dma_wait3A_358 : memref<8x128xi32, #tpu.memory_space<vmem>>)
      } else {
      }
      %scan3A_342 = arith.constant 0 : i32
      scf.yield %scan3A_342 : i32
    }
    %scan3A_61 = arith.constant 10 : i32
    %barrier3A_62 = arith.constant 0 : index
    tpu.barrier barrier_id(%barrier3A_62)
    %mul3A_63 = arith.constant 640 : i32
    %mul3A_64 = arith.muli %arg1, %mul3A_63 : i32
    %add3A_65 = arith.constant 0 : i32
    %add3A_66 = arith.addi %mul3A_64, %add3A_65 : i32
    %mul3A_67 = arith.constant 640 : i32
    %mul3A_68 = arith.muli %arg1, %mul3A_67 : i32
    %add3A_69 = arith.constant 0 : i32
    %add3A_70 = arith.addi %mul3A_68, %add3A_69 : i32
    "tpu.region"() ({
      %run_scoped3A_103 = tpu.sem_alloc : memref<!tpu.dma_semaphore, #tpu.memory_space<semaphore_mem>>
      %dma_start3A_104 = arith.constant 0 : i32
      %dma_start3A_105 = tpu.memref_slice %arg5[%arg0, %add3A_70, %dma_start3A_104] : memref<2x10240x128xf32, #tpu.memory_space<hbm>> -> memref<1x128x128xf32, #tpu.memory_space<hbm>>
      %dma_start3A_106 = tpu.memref_squeeze %dma_start3A_105 : memref<1x128x128xf32, #tpu.memory_space<hbm>> -> memref<128x128xf32, #tpu.memory_space<hbm>>
      %dma_start3A_107 = arith.constant 0 : i32
      %dma_start3A_108 = tpu.memref_slice %arg9[%add3A_66, %dma_start3A_107] : memref<10240x128xf32, #tpu.memory_space<vmem_shared>> -> memref<128x128xf32, #tpu.memory_space<vmem_shared>>
      tpu.enqueue_dma source(%dma_start3A_108 : memref<128x128xf32, #tpu.memory_space<vmem_shared>>) target(%dma_start3A_106 : memref<128x128xf32, #tpu.memory_space<hbm>>) target_semaphore(%run_scoped3A_103 : memref<!tpu.dma_semaphore, #tpu.memory_space<semaphore_mem>>)
      %dma_wait3A_109 = arith.constant 0 : i32
      %dma_wait3A_110 = tpu.memref_slice %arg5[%arg0, %add3A_70, %dma_wait3A_109] : memref<2x10240x128xf32, #tpu.memory_space<hbm>> -> memref<1x128x128xf32, #tpu.memory_space<hbm>>
      %dma_wait3A_111 = tpu.memref_squeeze %dma_wait3A_110 : memref<1x128x128xf32, #tpu.memory_space<hbm>> -> memref<128x128xf32, #tpu.memory_space<hbm>>
      %dma_wait3A_112 = arith.constant 0 : i32
      %dma_wait3A_113 = tpu.memref_slice %arg9[%add3A_66, %dma_wait3A_112] : memref<10240x128xf32, #tpu.memory_space<vmem_shared>> -> memref<128x128xf32, #tpu.memory_space<vmem_shared>>
      tpu.wait_dma2 semaphore(%run_scoped3A_103 : memref<!tpu.dma_semaphore, #tpu.memory_space<semaphore_mem>>) src(%dma_wait3A_113 : memref<128x128xf32, #tpu.memory_space<vmem_shared>>) dst(%dma_wait3A_111 : memref<128x128xf32, #tpu.memory_space<hbm>>)
      tpu.yield
    }) : () -> ()
    %mul3A_71 = arith.constant 640 : i32
    %mul3A_72 = arith.muli %arg1, %mul3A_71 : i32
    %add3A_73 = arith.constant 128 : i32
    %add3A_74 = arith.addi %mul3A_72, %add3A_73 : i32
    %mul3A_75 = arith.constant 640 : i32
    %mul3A_76 = arith.muli %arg1, %mul3A_75 : i32
    %add3A_77 = arith.constant 128 : i32
    %add3A_78 = arith.addi %mul3A_76, %add3A_77 : i32
    "tpu.region"() ({
      %run_scoped3A_103 = tpu.sem_alloc : memref<!tpu.dma_semaphore, #tpu.memory_space<semaphore_mem>>
      %dma_start3A_104 = arith.constant 0 : i32
      %dma_start3A_105 = tpu.memref_slice %arg5[%arg0, %add3A_78, %dma_start3A_104] : memref<2x10240x128xf32, #tpu.memory_space<hbm>> -> memref<1x128x128xf32, #tpu.memory_space<hbm>>
      %dma_start3A_106 = tpu.memref_squeeze %dma_start3A_105 : memref<1x128x128xf32, #tpu.memory_space<hbm>> -> memref<128x128xf32, #tpu.memory_space<hbm>>
      %dma_start3A_107 = arith.constant 0 : i32
      %dma_start3A_108 = tpu.memref_slice %arg9[%add3A_74, %dma_start3A_107] : memref<10240x128xf32, #tpu.memory_space<vmem_shared>> -> memref<128x128xf32, #tpu.memory_space<vmem_shared>>
      tpu.enqueue_dma source(%dma_start3A_108 : memref<128x128xf32, #tpu.memory_space<vmem_shared>>) target(%dma_start3A_106 : memref<128x128xf32, #tpu.memory_space<hbm>>) target_semaphore(%run_scoped3A_103 : memref<!tpu.dma_semaphore, #tpu.memory_space<semaphore_mem>>)
      %dma_wait3A_109 = arith.constant 0 : i32
      %dma_wait3A_110 = tpu.memref_slice %arg5[%arg0, %add3A_78, %dma_wait3A_109] : memref<2x10240x128xf32, #tpu.memory_space<hbm>> -> memref<1x128x128xf32, #tpu.memory_space<hbm>>
      %dma_wait3A_111 = tpu.memref_squeeze %dma_wait3A_110 : memref<1x128x128xf32, #tpu.memory_space<hbm>> -> memref<128x128xf32, #tpu.memory_space<hbm>>
      %dma_wait3A_112 = arith.constant 0 : i32
      %dma_wait3A_113 = tpu.memref_slice %arg9[%add3A_74, %dma_wait3A_112] : memref<10240x128xf32, #tpu.memory_space<vmem_shared>> -> memref<128x128xf32, #tpu.memory_space<vmem_shared>>
      tpu.wait_dma2 semaphore(%run_scoped3A_103 : memref<!tpu.dma_semaphore, #tpu.memory_space<semaphore_mem>>) src(%dma_wait3A_113 : memref<128x128xf32, #tpu.memory_space<vmem_shared>>) dst(%dma_wait3A_111 : memref<128x128xf32, #tpu.memory_space<hbm>>)
      tpu.yield
    }) : () -> ()
    %mul3A_79 = arith.constant 640 : i32
    %mul3A_80 = arith.muli %arg1, %mul3A_79 : i32
    %add3A_81 = arith.constant 256 : i32
    %add3A_82 = arith.addi %mul3A_80, %add3A_81 : i32
    %mul3A_83 = arith.constant 640 : i32
    %mul3A_84 = arith.muli %arg1, %mul3A_83 : i32
    %add3A_85 = arith.constant 256 : i32
    %add3A_86 = arith.addi %mul3A_84, %add3A_85 : i32
    "tpu.region"() ({
      %run_scoped3A_103 = tpu.sem_alloc : memref<!tpu.dma_semaphore, #tpu.memory_space<semaphore_mem>>
      %dma_start3A_104 = arith.constant 0 : i32
      %dma_start3A_105 = tpu.memref_slice %arg5[%arg0, %add3A_86, %dma_start3A_104] : memref<2x10240x128xf32, #tpu.memory_space<hbm>> -> memref<1x128x128xf32, #tpu.memory_space<hbm>>
      %dma_start3A_106 = tpu.memref_squeeze %dma_start3A_105 : memref<1x128x128xf32, #tpu.memory_space<hbm>> -> memref<128x128xf32, #tpu.memory_space<hbm>>
      %dma_start3A_107 = arith.constant 0 : i32
      %dma_start3A_108 = tpu.memref_slice %arg9[%add3A_82, %dma_start3A_107] : memref<10240x128xf32, #tpu.memory_space<vmem_shared>> -> memref<128x128xf32, #tpu.memory_space<vmem_shared>>
      tpu.enqueue_dma source(%dma_start3A_108 : memref<128x128xf32, #tpu.memory_space<vmem_shared>>) target(%dma_start3A_106 : memref<128x128xf32, #tpu.memory_space<hbm>>) target_semaphore(%run_scoped3A_103 : memref<!tpu.dma_semaphore, #tpu.memory_space<semaphore_mem>>)
      %dma_wait3A_109 = arith.constant 0 : i32
      %dma_wait3A_110 = tpu.memref_slice %arg5[%arg0, %add3A_86, %dma_wait3A_109] : memref<2x10240x128xf32, #tpu.memory_space<hbm>> -> memref<1x128x128xf32, #tpu.memory_space<hbm>>
      %dma_wait3A_111 = tpu.memref_squeeze %dma_wait3A_110 : memref<1x128x128xf32, #tpu.memory_space<hbm>> -> memref<128x128xf32, #tpu.memory_space<hbm>>
      %dma_wait3A_112 = arith.constant 0 : i32
      %dma_wait3A_113 = tpu.memref_slice %arg9[%add3A_82, %dma_wait3A_112] : memref<10240x128xf32, #tpu.memory_space<vmem_shared>> -> memref<128x128xf32, #tpu.memory_space<vmem_shared>>
      tpu.wait_dma2 semaphore(%run_scoped3A_103 : memref<!tpu.dma_semaphore, #tpu.memory_space<semaphore_mem>>) src(%dma_wait3A_113 : memref<128x128xf32, #tpu.memory_space<vmem_shared>>) dst(%dma_wait3A_111 : memref<128x128xf32, #tpu.memory_space<hbm>>)
      tpu.yield
    }) : () -> ()
    %mul3A_87 = arith.constant 640 : i32
    %mul3A_88 = arith.muli %arg1, %mul3A_87 : i32
    %add3A_89 = arith.constant 384 : i32
    %add3A_90 = arith.addi %mul3A_88, %add3A_89 : i32
    %mul3A_91 = arith.constant 640 : i32
    %mul3A_92 = arith.muli %arg1, %mul3A_91 : i32
    %add3A_93 = arith.constant 384 : i32
    %add3A_94 = arith.addi %mul3A_92, %add3A_93 : i32
    "tpu.region"() ({
      %run_scoped3A_103 = tpu.sem_alloc : memref<!tpu.dma_semaphore, #tpu.memory_space<semaphore_mem>>
      %dma_start3A_104 = arith.constant 0 : i32
      %dma_start3A_105 = tpu.memref_slice %arg5[%arg0, %add3A_94, %dma_start3A_104] : memref<2x10240x128xf32, #tpu.memory_space<hbm>> -> memref<1x128x128xf32, #tpu.memory_space<hbm>>
      %dma_start3A_106 = tpu.memref_squeeze %dma_start3A_105 : memref<1x128x128xf32, #tpu.memory_space<hbm>> -> memref<128x128xf32, #tpu.memory_space<hbm>>
      %dma_start3A_107 = arith.constant 0 : i32
      %dma_start3A_108 = tpu.memref_slice %arg9[%add3A_90, %dma_start3A_107] : memref<10240x128xf32, #tpu.memory_space<vmem_shared>> -> memref<128x128xf32, #tpu.memory_space<vmem_shared>>
      tpu.enqueue_dma source(%dma_start3A_108 : memref<128x128xf32, #tpu.memory_space<vmem_shared>>) target(%dma_start3A_106 : memref<128x128xf32, #tpu.memory_space<hbm>>) target_semaphore(%run_scoped3A_103 : memref<!tpu.dma_semaphore, #tpu.memory_space<semaphore_mem>>)
      %dma_wait3A_109 = arith.constant 0 : i32
      %dma_wait3A_110 = tpu.memref_slice %arg5[%arg0, %add3A_94, %dma_wait3A_109] : memref<2x10240x128xf32, #tpu.memory_space<hbm>> -> memref<1x128x128xf32, #tpu.memory_space<hbm>>
      %dma_wait3A_111 = tpu.memref_squeeze %dma_wait3A_110 : memref<1x128x128xf32, #tpu.memory_space<hbm>> -> memref<128x128xf32, #tpu.memory_space<hbm>>
      %dma_wait3A_112 = arith.constant 0 : i32
      %dma_wait3A_113 = tpu.memref_slice %arg9[%add3A_90, %dma_wait3A_112] : memref<10240x128xf32, #tpu.memory_space<vmem_shared>> -> memref<128x128xf32, #tpu.memory_space<vmem_shared>>
      tpu.wait_dma2 semaphore(%run_scoped3A_103 : memref<!tpu.dma_semaphore, #tpu.memory_space<semaphore_mem>>) src(%dma_wait3A_113 : memref<128x128xf32, #tpu.memory_space<vmem_shared>>) dst(%dma_wait3A_111 : memref<128x128xf32, #tpu.memory_space<hbm>>)
      tpu.yield
    }) : () -> ()
    %mul3A_95 = arith.constant 640 : i32
    %mul3A_96 = arith.muli %arg1, %mul3A_95 : i32
    %add3A_97 = arith.constant 512 : i32
    %add3A_98 = arith.addi %mul3A_96, %add3A_97 : i32
    %mul3A_99 = arith.constant 640 : i32
    %mul3A_100 = arith.muli %arg1, %mul3A_99 : i32
    %add3A_101 = arith.constant 512 : i32
    %add3A_102 = arith.addi %mul3A_100, %add3A_101 : i32
    "tpu.region"() ({
      %run_scoped3A_103 = tpu.sem_alloc : memref<!tpu.dma_semaphore, #tpu.memory_space<semaphore_mem>>
      %dma_start3A_104 = arith.constant 0 : i32
      %dma_start3A_105 = tpu.memref_slice %arg5[%arg0, %add3A_102, %dma_start3A_104] : memref<2x10240x128xf32, #tpu.memory_space<hbm>> -> memref<1x128x128xf32, #tpu.memory_space<hbm>>
      %dma_start3A_106 = tpu.memref_squeeze %dma_start3A_105 : memref<1x128x128xf32, #tpu.memory_space<hbm>> -> memref<128x128xf32, #tpu.memory_space<hbm>>
      %dma_start3A_107 = arith.constant 0 : i32
      %dma_start3A_108 = tpu.memref_slice %arg9[%add3A_98, %dma_start3A_107] : memref<10240x128xf32, #tpu.memory_space<vmem_shared>> -> memref<128x128xf32, #tpu.memory_space<vmem_shared>>
      tpu.enqueue_dma source(%dma_start3A_108 : memref<128x128xf32, #tpu.memory_space<vmem_shared>>) target(%dma_start3A_106 : memref<128x128xf32, #tpu.memory_space<hbm>>) target_semaphore(%run_scoped3A_103 : memref<!tpu.dma_semaphore, #tpu.memory_space<semaphore_mem>>)
      %dma_wait3A_109 = arith.constant 0 : i32
      %dma_wait3A_110 = tpu.memref_slice %arg5[%arg0, %add3A_102, %dma_wait3A_109] : memref<2x10240x128xf32, #tpu.memory_space<hbm>> -> memref<1x128x128xf32, #tpu.memory_space<hbm>>
      %dma_wait3A_111 = tpu.memref_squeeze %dma_wait3A_110 : memref<1x128x128xf32, #tpu.memory_space<hbm>> -> memref<128x128xf32, #tpu.memory_space<hbm>>
      %dma_wait3A_112 = arith.constant 0 : i32
      %dma_wait3A_113 = tpu.memref_slice %arg9[%add3A_98, %dma_wait3A_112] : memref<10240x128xf32, #tpu.memory_space<vmem_shared>> -> memref<128x128xf32, #tpu.memory_space<vmem_shared>>
      tpu.wait_dma2 semaphore(%run_scoped3A_103 : memref<!tpu.dma_semaphore, #tpu.memory_space<semaphore_mem>>) src(%dma_wait3A_113 : memref<128x128xf32, #tpu.memory_space<vmem_shared>>) dst(%dma_wait3A_111 : memref<128x128xf32, #tpu.memory_space<hbm>>)
      tpu.yield
    }) : () -> ()
    return
  }
}

#map = affine_map<(d0, d1) -> (0, 0)>
#map1 = affine_map<(d0, d1) -> (0, 0, 0)>
module attributes {stable_mosaic.version = 14 : i64} {
  func.func @_spmm_body(%arg0: i32, %arg1: i32, %arg2: memref<10240x128xf32, #tpu.memory_space<hbm>>, %arg3: memref<32x10240xi32, #tpu.memory_space<hbm>>, %arg4: memref<32x80x128xi32, #tpu.memory_space<hbm>>, %arg5: memref<2x10240x128xf32, #tpu.memory_space<hbm>>, %arg6: memref<10240xi32, #tpu.memory_space<vmem>>, %arg7: memref<2x8x128xi32, #tpu.memory_space<vmem>>, %arg8: memref<2x128x128xf32, #tpu.memory_space<vmem>>, %arg9: memref<10240x128xf32, #tpu.memory_space<vmem_shared>>, %arg10: memref<2x!tpu.dma_semaphore, #tpu.memory_space<semaphore_mem>>, %arg11: memref<!tpu.dma_semaphore, #tpu.memory_space<semaphore_mem>>) attributes {dimension_semantics = [#tpu.dimension_semantics<core_parallel>, #tpu.dimension_semantics<subcore_parallel>], iteration_bounds = array<i64: 2, 16>, scalar_prefetch = 0 : i64, scratch_operands = 6 : i64, tpu.core_type = #tpu.core_type<sc_vector_subcore>, window_params = [{transform_indices = #map}, {transform_indices = #map}, {transform_indices = #map1}, {transform_indices = #map1}]} {
    %mul3A = arith.constant 16 : i32
    %mul3A_0 = arith.muli %arg0, %mul3A : i32
    %add3A = arith.addi %mul3A_0, %arg1 : i32
    %scan3A = arith.constant 0 : i32
    %scan3A_1 = arith.constant 0 : i32
    %scan3A_2 = arith.constant 1024 : i32
    %scan3A_3 = arith.addi %scan3A_1, %scan3A_2 : i32
    %scan3A_4 = arith.constant 1 : i32
    %scan3A_5 = scf.for %scan3A_103 = %scan3A_1 to %scan3A_3 step %scan3A_4 iter_args(%scan3A_104 = %scan3A) -> (i32)  : i32 {
      %jit3A = arith.constant 8 : i32
      %div3A = arith.divsi %scan3A_103, %jit3A : i32
      %sign3A = arith.constant 0 : i32
      %sign3A_105 = arith.cmpi sgt, %scan3A_103, %sign3A : i32
      %sign3A_106 = arith.extui %sign3A_105 : i1 to i32
      %sign3A_107 = arith.constant 0 : i32
      %sign3A_108 = arith.cmpi slt, %scan3A_103, %sign3A_107 : i32
      %sign3A_109 = arith.extui %sign3A_108 : i1 to i32
      %sign3A_110 = arith.subi %sign3A_106, %sign3A_109 : i32
      %sign3A_111 = arith.constant 0 : i32
      %sign3A_112 = arith.cmpi sgt, %jit3A, %sign3A_111 : i32
      %sign3A_113 = arith.extui %sign3A_112 : i1 to i32
      %sign3A_114 = arith.constant 0 : i32
      %sign3A_115 = arith.cmpi slt, %jit3A, %sign3A_114 : i32
      %sign3A_116 = arith.extui %sign3A_115 : i1 to i32
      %sign3A_117 = arith.subi %sign3A_113, %sign3A_116 : i32
      %ne3A = arith.cmpi ne, %sign3A_110, %sign3A_117 : i32
      %rem3A = arith.remsi %scan3A_103, %jit3A : i32
      %ne3A_118 = arith.constant 0 : i32
      %ne3A_119 = arith.cmpi ne, %rem3A, %ne3A_118 : i32
      %and3A = arith.andi %ne3A, %ne3A_119 : i1
      %sub3A = arith.constant 1 : i32
      %sub3A_120 = arith.subi %div3A, %sub3A : i32
      %select_n3A = arith.select %and3A, %sub3A_120, %div3A : i32
      %jit3A_121 = arith.constant 8 : i32
      %eq3A = arith.constant 0 : i32
      %eq3A_122 = arith.cmpi eq, %jit3A_121, %eq3A : i32
      %jit3A_123 = arith.constant 1 : i32
      %select_n3A_124 = arith.select %eq3A_122, %jit3A_123, %jit3A_121 : i32
      %rem3A_125 = arith.remsi %scan3A_103, %select_n3A_124 : i32
      %ne3A_126 = arith.constant 0 : i32
      %ne3A_127 = arith.cmpi ne, %rem3A_125, %ne3A_126 : i32
      %lt3A = arith.constant 0 : i32
      %lt3A_128 = arith.cmpi slt, %rem3A_125, %lt3A : i32
      %lt3A_129 = arith.constant 0 : i32
      %lt3A_130 = arith.cmpi slt, %select_n3A_124, %lt3A_129 : i32
      %ne3A_131 = arith.xori %lt3A_128, %lt3A_130 : i1
      %and3A_132 = arith.andi %ne3A_131, %ne3A_127 : i1
      %add3A_133 = arith.addi %rem3A_125, %select_n3A_124 : i32
      %select_n3A_134 = arith.select %and3A_132, %add3A_133, %rem3A_125 : i32
      %broadcast_in_dim3A = arith.constant 0.000000e+00 : f32
      %broadcast_in_dim3A_135 = vector.broadcast %broadcast_in_dim3A : f32 to vector<16xf32>
      %mul3A_136 = arith.constant 16 : i32
      %mul3A_137 = arith.muli %select_n3A_134, %mul3A_136 : i32
      %swap3A = arith.constant 0 : i32
      %swap3A_138 = arith.index_cast %swap3A : i32 to index
      %swap3A_139 = arith.index_cast %select_n3A : i32 to index
      %swap3A_140 = arith.index_cast %mul3A_137 : i32 to index
      %swap3A_141 = tpu.vector_load %arg8[%swap3A_138, %swap3A_139, %swap3A_140] {strides = array<i32>} : memref<2x128x128xf32, #tpu.memory_space<vmem>>, vector<16xf32>,
      tpu.vector_store %arg8[%swap3A_138, %swap3A_139, %swap3A_140], %broadcast_in_dim3A_135 {strides = array<i32>} : memref<2x128x128xf32, #tpu.memory_space<vmem>>, vector<16xf32>,
      %scan3A_142 = arith.constant 0 : i32
      scf.yield %scan3A_142 : i32
    }
    %scan3A_6 = arith.constant 1024 : i32
    %mul3A_7 = arith.constant 640 : i32
    %mul3A_8 = arith.muli %arg1, %mul3A_7 : i32
    %add3A_9 = arith.constant 0 : i32
    %add3A_10 = arith.addi %mul3A_8, %add3A_9 : i32
    %run_scoped3A = arith.constant 0 : i32
    "tpu.region"() ({
      %run_scoped3A_103 = tpu.sem_alloc : memref<!tpu.dma_semaphore, #tpu.memory_space<semaphore_mem>>
      %dma_start3A_104 = arith.constant 0 : i32
      %dma_start3A_105 = arith.constant 0 : i32
      %dma_start3A_106 = tpu.memref_slice %arg8[%run_scoped3A, %dma_start3A_104, %dma_start3A_105] : memref<2x128x128xf32, #tpu.memory_space<vmem>> -> memref<1x128x128xf32, #tpu.memory_space<vmem>>
      %dma_start3A_107 = tpu.memref_squeeze %dma_start3A_106 : memref<1x128x128xf32, #tpu.memory_space<vmem>> -> memref<128x128xf32, #tpu.memory_space<vmem>>
      %dma_start3A_108 = arith.constant 0 : i32
      %dma_start3A_109 = tpu.memref_slice %arg9[%add3A_10, %dma_start3A_108] : memref<10240x128xf32, #tpu.memory_space<vmem_shared>> -> memref<128x128xf32, #tpu.memory_space<vmem_shared>>
      %dma_start3A_110 = arith.constant 0 : i32
      %dma_start3A_111 = tpu.memref_slice %arg9[%add3A_10, %dma_start3A_110] : memref<10240x128xf32, #tpu.memory_space<vmem_shared>> -> memref<128x128xf32, #tpu.memory_space<vmem_shared>>
      %dma_start3A_112 = arith.constant 0 : i32
      %dma_start3A_113 = arith.constant 0 : i32
      %dma_start3A_114 = tpu.memref_slice %arg8[%run_scoped3A, %dma_start3A_112, %dma_start3A_113] : memref<2x128x128xf32, #tpu.memory_space<vmem>> -> memref<1x128x128xf32, #tpu.memory_space<vmem>>
      %dma_start3A_115 = tpu.memref_squeeze %dma_start3A_114 : memref<1x128x128xf32, #tpu.memory_space<vmem>> -> memref<128x128xf32, #tpu.memory_space<vmem>>
      tpu.enqueue_dma source(%dma_start3A_115 : memref<128x128xf32, #tpu.memory_space<vmem>>) target(%dma_start3A_111 : memref<128x128xf32, #tpu.memory_space<vmem_shared>>) target_semaphore(%run_scoped3A_103 : memref<!tpu.dma_semaphore, #tpu.memory_space<semaphore_mem>>)
      %dma_wait3A_116 = arith.constant 0 : i32
      %dma_wait3A_117 = arith.constant 0 : i32
      %dma_wait3A_118 = tpu.memref_slice %arg8[%run_scoped3A, %dma_wait3A_116, %dma_wait3A_117] : memref<2x128x128xf32, #tpu.memory_space<vmem>> -> memref<1x128x128xf32, #tpu.memory_space<vmem>>
      %dma_wait3A_119 = tpu.memref_squeeze %dma_wait3A_118 : memref<1x128x128xf32, #tpu.memory_space<vmem>> -> memref<128x128xf32, #tpu.memory_space<vmem>>
      %dma_wait3A_120 = arith.constant 0 : i32
      %dma_wait3A_121 = tpu.memref_slice %arg9[%add3A_10, %dma_wait3A_120] : memref<10240x128xf32, #tpu.memory_space<vmem_shared>> -> memref<128x128xf32, #tpu.memory_space<vmem_shared>>
      %dma_wait3A_122 = arith.constant 0 : i32
      %dma_wait3A_123 = tpu.memref_slice %arg9[%add3A_10, %dma_wait3A_122] : memref<10240x128xf32, #tpu.memory_space<vmem_shared>> -> memref<128x128xf32, #tpu.memory_space<vmem_shared>>
      %dma_wait3A_124 = arith.constant 0 : i32
      %dma_wait3A_125 = arith.constant 0 : i32
      %dma_wait3A_126 = tpu.memref_slice %arg8[%run_scoped3A, %dma_wait3A_124, %dma_wait3A_125] : memref<2x128x128xf32, #tpu.memory_space<vmem>> -> memref<1x128x128xf32, #tpu.memory_space<vmem>>
      %dma_wait3A_127 = tpu.memref_squeeze %dma_wait3A_126 : memref<1x128x128xf32, #tpu.memory_space<vmem>> -> memref<128x128xf32, #tpu.memory_space<vmem>>
      tpu.wait_dma2 semaphore(%run_scoped3A_103 : memref<!tpu.dma_semaphore, #tpu.memory_space<semaphore_mem>>) src(%dma_wait3A_127 : memref<128x128xf32, #tpu.memory_space<vmem>>) dst(%dma_wait3A_123 : memref<128x128xf32, #tpu.memory_space<vmem_shared>>)
      tpu.yield
    }) : () -> ()
    %mul3A_11 = arith.constant 640 : i32
    %mul3A_12 = arith.muli %arg1, %mul3A_11 : i32
    %add3A_13 = arith.constant 128 : i32
    %add3A_14 = arith.addi %mul3A_12, %add3A_13 : i32
    %run_scoped3A_15 = arith.constant 0 : i32
    "tpu.region"() ({
      %run_scoped3A_103 = tpu.sem_alloc : memref<!tpu.dma_semaphore, #tpu.memory_space<semaphore_mem>>
      %dma_start3A_104 = arith.constant 0 : i32
      %dma_start3A_105 = arith.constant 0 : i32
      %dma_start3A_106 = tpu.memref_slice %arg8[%run_scoped3A_15, %dma_start3A_104, %dma_start3A_105] : memref<2x128x128xf32, #tpu.memory_space<vmem>> -> memref<1x128x128xf32, #tpu.memory_space<vmem>>
      %dma_start3A_107 = tpu.memref_squeeze %dma_start3A_106 : memref<1x128x128xf32, #tpu.memory_space<vmem>> -> memref<128x128xf32, #tpu.memory_space<vmem>>
      %dma_start3A_108 = arith.constant 0 : i32
      %dma_start3A_109 = tpu.memref_slice %arg9[%add3A_14, %dma_start3A_108] : memref<10240x128xf32, #tpu.memory_space<vmem_shared>> -> memref<128x128xf32, #tpu.memory_space<vmem_shared>>
      %dma_start3A_110 = arith.constant 0 : i32
      %dma_start3A_111 = tpu.memref_slice %arg9[%add3A_14, %dma_start3A_110] : memref<10240x128xf32, #tpu.memory_space<vmem_shared>> -> memref<128x128xf32, #tpu.memory_space<vmem_shared>>
      %dma_start3A_112 = arith.constant 0 : i32
      %dma_start3A_113 = arith.constant 0 : i32
      %dma_start3A_114 = tpu.memref_slice %arg8[%run_scoped3A_15, %dma_start3A_112, %dma_start3A_113] : memref<2x128x128xf32, #tpu.memory_space<vmem>> -> memref<1x128x128xf32, #tpu.memory_space<vmem>>
      %dma_start3A_115 = tpu.memref_squeeze %dma_start3A_114 : memref<1x128x128xf32, #tpu.memory_space<vmem>> -> memref<128x128xf32, #tpu.memory_space<vmem>>
      tpu.enqueue_dma source(%dma_start3A_115 : memref<128x128xf32, #tpu.memory_space<vmem>>) target(%dma_start3A_111 : memref<128x128xf32, #tpu.memory_space<vmem_shared>>) target_semaphore(%run_scoped3A_103 : memref<!tpu.dma_semaphore, #tpu.memory_space<semaphore_mem>>)
      %dma_wait3A_116 = arith.constant 0 : i32
      %dma_wait3A_117 = arith.constant 0 : i32
      %dma_wait3A_118 = tpu.memref_slice %arg8[%run_scoped3A_15, %dma_wait3A_116, %dma_wait3A_117] : memref<2x128x128xf32, #tpu.memory_space<vmem>> -> memref<1x128x128xf32, #tpu.memory_space<vmem>>
      %dma_wait3A_119 = tpu.memref_squeeze %dma_wait3A_118 : memref<1x128x128xf32, #tpu.memory_space<vmem>> -> memref<128x128xf32, #tpu.memory_space<vmem>>
      %dma_wait3A_120 = arith.constant 0 : i32
      %dma_wait3A_121 = tpu.memref_slice %arg9[%add3A_14, %dma_wait3A_120] : memref<10240x128xf32, #tpu.memory_space<vmem_shared>> -> memref<128x128xf32, #tpu.memory_space<vmem_shared>>
      %dma_wait3A_122 = arith.constant 0 : i32
      %dma_wait3A_123 = tpu.memref_slice %arg9[%add3A_14, %dma_wait3A_122] : memref<10240x128xf32, #tpu.memory_space<vmem_shared>> -> memref<128x128xf32, #tpu.memory_space<vmem_shared>>
      %dma_wait3A_124 = arith.constant 0 : i32
      %dma_wait3A_125 = arith.constant 0 : i32
      %dma_wait3A_126 = tpu.memref_slice %arg8[%run_scoped3A_15, %dma_wait3A_124, %dma_wait3A_125] : memref<2x128x128xf32, #tpu.memory_space<vmem>> -> memref<1x128x128xf32, #tpu.memory_space<vmem>>
      %dma_wait3A_127 = tpu.memref_squeeze %dma_wait3A_126 : memref<1x128x128xf32, #tpu.memory_space<vmem>> -> memref<128x128xf32, #tpu.memory_space<vmem>>
      tpu.wait_dma2 semaphore(%run_scoped3A_103 : memref<!tpu.dma_semaphore, #tpu.memory_space<semaphore_mem>>) src(%dma_wait3A_127 : memref<128x128xf32, #tpu.memory_space<vmem>>) dst(%dma_wait3A_123 : memref<128x128xf32, #tpu.memory_space<vmem_shared>>)
      tpu.yield
    }) : () -> ()
    %mul3A_16 = arith.constant 640 : i32
    %mul3A_17 = arith.muli %arg1, %mul3A_16 : i32
    %add3A_18 = arith.constant 256 : i32
    %add3A_19 = arith.addi %mul3A_17, %add3A_18 : i32
    %run_scoped3A_20 = arith.constant 0 : i32
    "tpu.region"() ({
      %run_scoped3A_103 = tpu.sem_alloc : memref<!tpu.dma_semaphore, #tpu.memory_space<semaphore_mem>>
      %dma_start3A_104 = arith.constant 0 : i32
      %dma_start3A_105 = arith.constant 0 : i32
      %dma_start3A_106 = tpu.memref_slice %arg8[%run_scoped3A_20, %dma_start3A_104, %dma_start3A_105] : memref<2x128x128xf32, #tpu.memory_space<vmem>> -> memref<1x128x128xf32, #tpu.memory_space<vmem>>
      %dma_start3A_107 = tpu.memref_squeeze %dma_start3A_106 : memref<1x128x128xf32, #tpu.memory_space<vmem>> -> memref<128x128xf32, #tpu.memory_space<vmem>>
      %dma_start3A_108 = arith.constant 0 : i32
      %dma_start3A_109 = tpu.memref_slice %arg9[%add3A_19, %dma_start3A_108] : memref<10240x128xf32, #tpu.memory_space<vmem_shared>> -> memref<128x128xf32, #tpu.memory_space<vmem_shared>>
      %dma_start3A_110 = arith.constant 0 : i32
      %dma_start3A_111 = tpu.memref_slice %arg9[%add3A_19, %dma_start3A_110] : memref<10240x128xf32, #tpu.memory_space<vmem_shared>> -> memref<128x128xf32, #tpu.memory_space<vmem_shared>>
      %dma_start3A_112 = arith.constant 0 : i32
      %dma_start3A_113 = arith.constant 0 : i32
      %dma_start3A_114 = tpu.memref_slice %arg8[%run_scoped3A_20, %dma_start3A_112, %dma_start3A_113] : memref<2x128x128xf32, #tpu.memory_space<vmem>> -> memref<1x128x128xf32, #tpu.memory_space<vmem>>
      %dma_start3A_115 = tpu.memref_squeeze %dma_start3A_114 : memref<1x128x128xf32, #tpu.memory_space<vmem>> -> memref<128x128xf32, #tpu.memory_space<vmem>>
      tpu.enqueue_dma source(%dma_start3A_115 : memref<128x128xf32, #tpu.memory_space<vmem>>) target(%dma_start3A_111 : memref<128x128xf32, #tpu.memory_space<vmem_shared>>) target_semaphore(%run_scoped3A_103 : memref<!tpu.dma_semaphore, #tpu.memory_space<semaphore_mem>>)
      %dma_wait3A_116 = arith.constant 0 : i32
      %dma_wait3A_117 = arith.constant 0 : i32
      %dma_wait3A_118 = tpu.memref_slice %arg8[%run_scoped3A_20, %dma_wait3A_116, %dma_wait3A_117] : memref<2x128x128xf32, #tpu.memory_space<vmem>> -> memref<1x128x128xf32, #tpu.memory_space<vmem>>
      %dma_wait3A_119 = tpu.memref_squeeze %dma_wait3A_118 : memref<1x128x128xf32, #tpu.memory_space<vmem>> -> memref<128x128xf32, #tpu.memory_space<vmem>>
      %dma_wait3A_120 = arith.constant 0 : i32
      %dma_wait3A_121 = tpu.memref_slice %arg9[%add3A_19, %dma_wait3A_120] : memref<10240x128xf32, #tpu.memory_space<vmem_shared>> -> memref<128x128xf32, #tpu.memory_space<vmem_shared>>
      %dma_wait3A_122 = arith.constant 0 : i32
      %dma_wait3A_123 = tpu.memref_slice %arg9[%add3A_19, %dma_wait3A_122] : memref<10240x128xf32, #tpu.memory_space<vmem_shared>> -> memref<128x128xf32, #tpu.memory_space<vmem_shared>>
      %dma_wait3A_124 = arith.constant 0 : i32
      %dma_wait3A_125 = arith.constant 0 : i32
      %dma_wait3A_126 = tpu.memref_slice %arg8[%run_scoped3A_20, %dma_wait3A_124, %dma_wait3A_125] : memref<2x128x128xf32, #tpu.memory_space<vmem>> -> memref<1x128x128xf32, #tpu.memory_space<vmem>>
      %dma_wait3A_127 = tpu.memref_squeeze %dma_wait3A_126 : memref<1x128x128xf32, #tpu.memory_space<vmem>> -> memref<128x128xf32, #tpu.memory_space<vmem>>
      tpu.wait_dma2 semaphore(%run_scoped3A_103 : memref<!tpu.dma_semaphore, #tpu.memory_space<semaphore_mem>>) src(%dma_wait3A_127 : memref<128x128xf32, #tpu.memory_space<vmem>>) dst(%dma_wait3A_123 : memref<128x128xf32, #tpu.memory_space<vmem_shared>>)
      tpu.yield
    }) : () -> ()
    %mul3A_21 = arith.constant 640 : i32
    %mul3A_22 = arith.muli %arg1, %mul3A_21 : i32
    %add3A_23 = arith.constant 384 : i32
    %add3A_24 = arith.addi %mul3A_22, %add3A_23 : i32
    %run_scoped3A_25 = arith.constant 0 : i32
    "tpu.region"() ({
      %run_scoped3A_103 = tpu.sem_alloc : memref<!tpu.dma_semaphore, #tpu.memory_space<semaphore_mem>>
      %dma_start3A_104 = arith.constant 0 : i32
      %dma_start3A_105 = arith.constant 0 : i32
      %dma_start3A_106 = tpu.memref_slice %arg8[%run_scoped3A_25, %dma_start3A_104, %dma_start3A_105] : memref<2x128x128xf32, #tpu.memory_space<vmem>> -> memref<1x128x128xf32, #tpu.memory_space<vmem>>
      %dma_start3A_107 = tpu.memref_squeeze %dma_start3A_106 : memref<1x128x128xf32, #tpu.memory_space<vmem>> -> memref<128x128xf32, #tpu.memory_space<vmem>>
      %dma_start3A_108 = arith.constant 0 : i32
      %dma_start3A_109 = tpu.memref_slice %arg9[%add3A_24, %dma_start3A_108] : memref<10240x128xf32, #tpu.memory_space<vmem_shared>> -> memref<128x128xf32, #tpu.memory_space<vmem_shared>>
      %dma_start3A_110 = arith.constant 0 : i32
      %dma_start3A_111 = tpu.memref_slice %arg9[%add3A_24, %dma_start3A_110] : memref<10240x128xf32, #tpu.memory_space<vmem_shared>> -> memref<128x128xf32, #tpu.memory_space<vmem_shared>>
      %dma_start3A_112 = arith.constant 0 : i32
      %dma_start3A_113 = arith.constant 0 : i32
      %dma_start3A_114 = tpu.memref_slice %arg8[%run_scoped3A_25, %dma_start3A_112, %dma_start3A_113] : memref<2x128x128xf32, #tpu.memory_space<vmem>> -> memref<1x128x128xf32, #tpu.memory_space<vmem>>
      %dma_start3A_115 = tpu.memref_squeeze %dma_start3A_114 : memref<1x128x128xf32, #tpu.memory_space<vmem>> -> memref<128x128xf32, #tpu.memory_space<vmem>>
      tpu.enqueue_dma source(%dma_start3A_115 : memref<128x128xf32, #tpu.memory_space<vmem>>) target(%dma_start3A_111 : memref<128x128xf32, #tpu.memory_space<vmem_shared>>) target_semaphore(%run_scoped3A_103 : memref<!tpu.dma_semaphore, #tpu.memory_space<semaphore_mem>>)
      %dma_wait3A_116 = arith.constant 0 : i32
      %dma_wait3A_117 = arith.constant 0 : i32
      %dma_wait3A_118 = tpu.memref_slice %arg8[%run_scoped3A_25, %dma_wait3A_116, %dma_wait3A_117] : memref<2x128x128xf32, #tpu.memory_space<vmem>> -> memref<1x128x128xf32, #tpu.memory_space<vmem>>
      %dma_wait3A_119 = tpu.memref_squeeze %dma_wait3A_118 : memref<1x128x128xf32, #tpu.memory_space<vmem>> -> memref<128x128xf32, #tpu.memory_space<vmem>>
      %dma_wait3A_120 = arith.constant 0 : i32
      %dma_wait3A_121 = tpu.memref_slice %arg9[%add3A_24, %dma_wait3A_120] : memref<10240x128xf32, #tpu.memory_space<vmem_shared>> -> memref<128x128xf32, #tpu.memory_space<vmem_shared>>
      %dma_wait3A_122 = arith.constant 0 : i32
      %dma_wait3A_123 = tpu.memref_slice %arg9[%add3A_24, %dma_wait3A_122] : memref<10240x128xf32, #tpu.memory_space<vmem_shared>> -> memref<128x128xf32, #tpu.memory_space<vmem_shared>>
      %dma_wait3A_124 = arith.constant 0 : i32
      %dma_wait3A_125 = arith.constant 0 : i32
      %dma_wait3A_126 = tpu.memref_slice %arg8[%run_scoped3A_25, %dma_wait3A_124, %dma_wait3A_125] : memref<2x128x128xf32, #tpu.memory_space<vmem>> -> memref<1x128x128xf32, #tpu.memory_space<vmem>>
      %dma_wait3A_127 = tpu.memref_squeeze %dma_wait3A_126 : memref<1x128x128xf32, #tpu.memory_space<vmem>> -> memref<128x128xf32, #tpu.memory_space<vmem>>
      tpu.wait_dma2 semaphore(%run_scoped3A_103 : memref<!tpu.dma_semaphore, #tpu.memory_space<semaphore_mem>>) src(%dma_wait3A_127 : memref<128x128xf32, #tpu.memory_space<vmem>>) dst(%dma_wait3A_123 : memref<128x128xf32, #tpu.memory_space<vmem_shared>>)
      tpu.yield
    }) : () -> ()
    %mul3A_26 = arith.constant 640 : i32
    %mul3A_27 = arith.muli %arg1, %mul3A_26 : i32
    %add3A_28 = arith.constant 512 : i32
    %add3A_29 = arith.addi %mul3A_27, %add3A_28 : i32
    %run_scoped3A_30 = arith.constant 0 : i32
    "tpu.region"() ({
      %run_scoped3A_103 = tpu.sem_alloc : memref<!tpu.dma_semaphore, #tpu.memory_space<semaphore_mem>>
      %dma_start3A_104 = arith.constant 0 : i32
      %dma_start3A_105 = arith.constant 0 : i32
      %dma_start3A_106 = tpu.memref_slice %arg8[%run_scoped3A_30, %dma_start3A_104, %dma_start3A_105] : memref<2x128x128xf32, #tpu.memory_space<vmem>> -> memref<1x128x128xf32, #tpu.memory_space<vmem>>
      %dma_start3A_107 = tpu.memref_squeeze %dma_start3A_106 : memref<1x128x128xf32, #tpu.memory_space<vmem>> -> memref<128x128xf32, #tpu.memory_space<vmem>>
      %dma_start3A_108 = arith.constant 0 : i32
      %dma_start3A_109 = tpu.memref_slice %arg9[%add3A_29, %dma_start3A_108] : memref<10240x128xf32, #tpu.memory_space<vmem_shared>> -> memref<128x128xf32, #tpu.memory_space<vmem_shared>>
      %dma_start3A_110 = arith.constant 0 : i32
      %dma_start3A_111 = tpu.memref_slice %arg9[%add3A_29, %dma_start3A_110] : memref<10240x128xf32, #tpu.memory_space<vmem_shared>> -> memref<128x128xf32, #tpu.memory_space<vmem_shared>>
      %dma_start3A_112 = arith.constant 0 : i32
      %dma_start3A_113 = arith.constant 0 : i32
      %dma_start3A_114 = tpu.memref_slice %arg8[%run_scoped3A_30, %dma_start3A_112, %dma_start3A_113] : memref<2x128x128xf32, #tpu.memory_space<vmem>> -> memref<1x128x128xf32, #tpu.memory_space<vmem>>
      %dma_start3A_115 = tpu.memref_squeeze %dma_start3A_114 : memref<1x128x128xf32, #tpu.memory_space<vmem>> -> memref<128x128xf32, #tpu.memory_space<vmem>>
      tpu.enqueue_dma source(%dma_start3A_115 : memref<128x128xf32, #tpu.memory_space<vmem>>) target(%dma_start3A_111 : memref<128x128xf32, #tpu.memory_space<vmem_shared>>) target_semaphore(%run_scoped3A_103 : memref<!tpu.dma_semaphore, #tpu.memory_space<semaphore_mem>>)
      %dma_wait3A_116 = arith.constant 0 : i32
      %dma_wait3A_117 = arith.constant 0 : i32
      %dma_wait3A_118 = tpu.memref_slice %arg8[%run_scoped3A_30, %dma_wait3A_116, %dma_wait3A_117] : memref<2x128x128xf32, #tpu.memory_space<vmem>> -> memref<1x128x128xf32, #tpu.memory_space<vmem>>
      %dma_wait3A_119 = tpu.memref_squeeze %dma_wait3A_118 : memref<1x128x128xf32, #tpu.memory_space<vmem>> -> memref<128x128xf32, #tpu.memory_space<vmem>>
      %dma_wait3A_120 = arith.constant 0 : i32
      %dma_wait3A_121 = tpu.memref_slice %arg9[%add3A_29, %dma_wait3A_120] : memref<10240x128xf32, #tpu.memory_space<vmem_shared>> -> memref<128x128xf32, #tpu.memory_space<vmem_shared>>
      %dma_wait3A_122 = arith.constant 0 : i32
      %dma_wait3A_123 = tpu.memref_slice %arg9[%add3A_29, %dma_wait3A_122] : memref<10240x128xf32, #tpu.memory_space<vmem_shared>> -> memref<128x128xf32, #tpu.memory_space<vmem_shared>>
      %dma_wait3A_124 = arith.constant 0 : i32
      %dma_wait3A_125 = arith.constant 0 : i32
      %dma_wait3A_126 = tpu.memref_slice %arg8[%run_scoped3A_30, %dma_wait3A_124, %dma_wait3A_125] : memref<2x128x128xf32, #tpu.memory_space<vmem>> -> memref<1x128x128xf32, #tpu.memory_space<vmem>>
      %dma_wait3A_127 = tpu.memref_squeeze %dma_wait3A_126 : memref<1x128x128xf32, #tpu.memory_space<vmem>> -> memref<128x128xf32, #tpu.memory_space<vmem>>
      tpu.wait_dma2 semaphore(%run_scoped3A_103 : memref<!tpu.dma_semaphore, #tpu.memory_space<semaphore_mem>>) src(%dma_wait3A_127 : memref<128x128xf32, #tpu.memory_space<vmem>>) dst(%dma_wait3A_123 : memref<128x128xf32, #tpu.memory_space<vmem_shared>>)
      tpu.yield
    }) : () -> ()
    %barrier3A = arith.constant 0 : index
    tpu.barrier barrier_id(%barrier3A)
    %dma_start3A = arith.constant 0 : i32
    %dma_start3A_31 = tpu.memref_slice %arg3[%add3A, %dma_start3A] : memref<32x10240xi32, #tpu.memory_space<hbm>> -> memref<1x10240xi32, #tpu.memory_space<hbm>>
    %dma_start3A_32 = tpu.memref_squeeze %dma_start3A_31 : memref<1x10240xi32, #tpu.memory_space<hbm>> -> memref<10240xi32, #tpu.memory_space<hbm>>
    %dma_start3A_33 = arith.constant 0 : i32
    %dma_start3A_34 = tpu.memref_slice %arg3[%add3A, %dma_start3A_33] : memref<32x10240xi32, #tpu.memory_space<hbm>> -> memref<1x10240xi32, #tpu.memory_space<hbm>>
    %dma_start3A_35 = tpu.memref_squeeze %dma_start3A_34 : memref<1x10240xi32, #tpu.memory_space<hbm>> -> memref<10240xi32, #tpu.memory_space<hbm>>
    tpu.enqueue_dma source(%dma_start3A_35 : memref<10240xi32, #tpu.memory_space<hbm>>) target(%arg6 : memref<10240xi32, #tpu.memory_space<vmem>>) target_semaphore(%arg11 : memref<!tpu.dma_semaphore, #tpu.memory_space<semaphore_mem>>)
    %run_scoped3A_36 = arith.constant 0 : i32
    "tpu.region"() ({
      %run_scoped3A_103 = tpu.sem_alloc : memref<!tpu.dma_semaphore, #tpu.memory_space<semaphore_mem>>
      %dma_start3A_104 = arith.constant 0 : i32
      %dma_start3A_105 = arith.constant 0 : i32
      %dma_start3A_106 = tpu.memref_slice %arg7[%run_scoped3A_36, %dma_start3A_104, %dma_start3A_105] : memref<2x8x128xi32, #tpu.memory_space<vmem>> -> memref<1x8x128xi32, #tpu.memory_space<vmem>>
      %dma_start3A_107 = tpu.memref_squeeze %dma_start3A_106 : memref<1x8x128xi32, #tpu.memory_space<vmem>> -> memref<8x128xi32, #tpu.memory_space<vmem>>
      %dma_start3A_108 = arith.constant 0 : i32
      %dma_start3A_109 = arith.constant 0 : i32
      %dma_start3A_110 = tpu.memref_slice %arg4[%add3A, %dma_start3A_108, %dma_start3A_109] : memref<32x80x128xi32, #tpu.memory_space<hbm>> -> memref<1x8x128xi32, #tpu.memory_space<hbm>>
      %dma_start3A_111 = tpu.memref_squeeze %dma_start3A_110 : memref<1x8x128xi32, #tpu.memory_space<hbm>> -> memref<8x128xi32, #tpu.memory_space<hbm>>
      %dma_start3A_112 = arith.constant 0 : i32
      %dma_start3A_113 = arith.constant 0 : i32
      %dma_start3A_114 = tpu.memref_slice %arg7[%run_scoped3A_36, %dma_start3A_112, %dma_start3A_113] : memref<2x8x128xi32, #tpu.memory_space<vmem>> -> memref<1x8x128xi32, #tpu.memory_space<vmem>>
      %dma_start3A_115 = tpu.memref_squeeze %dma_start3A_114 : memref<1x8x128xi32, #tpu.memory_space<vmem>> -> memref<8x128xi32, #tpu.memory_space<vmem>>
      %dma_start3A_116 = arith.constant 0 : i32
      %dma_start3A_117 = arith.constant 0 : i32
      %dma_start3A_118 = tpu.memref_slice %arg4[%add3A, %dma_start3A_116, %dma_start3A_117] : memref<32x80x128xi32, #tpu.memory_space<hbm>> -> memref<1x8x128xi32, #tpu.memory_space<hbm>>
      %dma_start3A_119 = tpu.memref_squeeze %dma_start3A_118 : memref<1x8x128xi32, #tpu.memory_space<hbm>> -> memref<8x128xi32, #tpu.memory_space<hbm>>
      tpu.enqueue_dma source(%dma_start3A_119 : memref<8x128xi32, #tpu.memory_space<hbm>>) target(%dma_start3A_115 : memref<8x128xi32, #tpu.memory_space<vmem>>) target_semaphore(%run_scoped3A_103 : memref<!tpu.dma_semaphore, #tpu.memory_space<semaphore_mem>>)
      %dma_wait3A_120 = arith.constant 0 : i32
      %dma_wait3A_121 = arith.constant 0 : i32
      %dma_wait3A_122 = tpu.memref_slice %arg7[%run_scoped3A_36, %dma_wait3A_120, %dma_wait3A_121] : memref<2x8x128xi32, #tpu.memory_space<vmem>> -> memref<1x8x128xi32, #tpu.memory_space<vmem>>
      %dma_wait3A_123 = tpu.memref_squeeze %dma_wait3A_122 : memref<1x8x128xi32, #tpu.memory_space<vmem>> -> memref<8x128xi32, #tpu.memory_space<vmem>>
      %dma_wait3A_124 = arith.constant 0 : i32
      %dma_wait3A_125 = arith.constant 0 : i32
      %dma_wait3A_126 = tpu.memref_slice %arg4[%add3A, %dma_wait3A_124, %dma_wait3A_125] : memref<32x80x128xi32, #tpu.memory_space<hbm>> -> memref<1x8x128xi32, #tpu.memory_space<hbm>>
      %dma_wait3A_127 = tpu.memref_squeeze %dma_wait3A_126 : memref<1x8x128xi32, #tpu.memory_space<hbm>> -> memref<8x128xi32, #tpu.memory_space<hbm>>
      %dma_wait3A_128 = arith.constant 0 : i32
      %dma_wait3A_129 = arith.constant 0 : i32
      %dma_wait3A_130 = tpu.memref_slice %arg7[%run_scoped3A_36, %dma_wait3A_128, %dma_wait3A_129] : memref<2x8x128xi32, #tpu.memory_space<vmem>> -> memref<1x8x128xi32, #tpu.memory_space<vmem>>
      %dma_wait3A_131 = tpu.memref_squeeze %dma_wait3A_130 : memref<1x8x128xi32, #tpu.memory_space<vmem>> -> memref<8x128xi32, #tpu.memory_space<vmem>>
      %dma_wait3A_132 = arith.constant 0 : i32
      %dma_wait3A_133 = arith.constant 0 : i32
      %dma_wait3A_134 = tpu.memref_slice %arg4[%add3A, %dma_wait3A_132, %dma_wait3A_133] : memref<32x80x128xi32, #tpu.memory_space<hbm>> -> memref<1x8x128xi32, #tpu.memory_space<hbm>>
      %dma_wait3A_135 = tpu.memref_squeeze %dma_wait3A_134 : memref<1x8x128xi32, #tpu.memory_space<hbm>> -> memref<8x128xi32, #tpu.memory_space<hbm>>
      tpu.wait_dma2 semaphore(%run_scoped3A_103 : memref<!tpu.dma_semaphore, #tpu.memory_space<semaphore_mem>>) src(%dma_wait3A_135 : memref<8x128xi32, #tpu.memory_space<hbm>>) dst(%dma_wait3A_131 : memref<8x128xi32, #tpu.memory_space<vmem>>)
      tpu.yield
    }) : () -> ()
    %dma_wait3A = arith.constant 0 : i32
    %dma_wait3A_37 = tpu.memref_slice %arg3[%add3A, %dma_wait3A] : memref<32x10240xi32, #tpu.memory_space<hbm>> -> memref<1x10240xi32, #tpu.memory_space<hbm>>
    %dma_wait3A_38 = tpu.memref_squeeze %dma_wait3A_37 : memref<1x10240xi32, #tpu.memory_space<hbm>> -> memref<10240xi32, #tpu.memory_space<hbm>>
    %dma_wait3A_39 = arith.constant 0 : i32
    %dma_wait3A_40 = tpu.memref_slice %arg3[%add3A, %dma_wait3A_39] : memref<32x10240xi32, #tpu.memory_space<hbm>> -> memref<1x10240xi32, #tpu.memory_space<hbm>>
    %dma_wait3A_41 = tpu.memref_squeeze %dma_wait3A_40 : memref<1x10240xi32, #tpu.memory_space<hbm>> -> memref<10240xi32, #tpu.memory_space<hbm>>
    tpu.wait_dma2 semaphore(%arg11 : memref<!tpu.dma_semaphore, #tpu.memory_space<semaphore_mem>>) src(%dma_wait3A_41 : memref<10240xi32, #tpu.memory_space<hbm>>) dst(%arg6 : memref<10240xi32, #tpu.memory_space<vmem>>)
    %dma_start3A_42 = arith.constant 0 : i32
    %dma_start3A_43 = arith.constant 0 : i32
    %dma_start3A_44 = arith.constant 0 : i32
    %dma_start3A_45 = arith.constant 0 : i32
    %dma_start3A_46 = tpu.memref_slice %arg8[%dma_start3A_42, %dma_start3A_44, %dma_start3A_45] : memref<2x128x128xf32, #tpu.memory_space<vmem>> -> memref<1x128x128xf32, #tpu.memory_space<vmem>>
    %dma_start3A_47 = tpu.memref_squeeze %dma_start3A_46 : memref<1x128x128xf32, #tpu.memory_space<vmem>> -> memref<128x128xf32, #tpu.memory_space<vmem>>
    %dma_start3A_48 = arith.constant 0 : i32
    %dma_start3A_49 = tpu.memref_slice %arg6[%dma_start3A_48] : memref<10240xi32, #tpu.memory_space<vmem>> -> memref<128xi32, #tpu.memory_space<vmem>>
    %dma_start3A_50 = arith.constant 0 : i32
    %dma_start3A_51 = arith.constant 0 : i32
    %dma_start3A_52 = tpu.memref_slice %arg2[%dma_start3A_50, %dma_start3A_51] : memref<10240x128xf32, #tpu.memory_space<hbm>> -> memref<10240x128xf32, #tpu.memory_space<hbm>>
    %dma_start3A_53 = tpu.memref_slice %arg10[%dma_start3A_43] : memref<2x!tpu.dma_semaphore, #tpu.memory_space<semaphore_mem>> -> memref<1x!tpu.dma_semaphore, #tpu.memory_space<semaphore_mem>>
    %dma_start3A_54 = tpu.memref_squeeze %dma_start3A_53 : memref<1x!tpu.dma_semaphore, #tpu.memory_space<semaphore_mem>> -> memref<!tpu.dma_semaphore, #tpu.memory_space<semaphore_mem>>
    tpu.enqueue_indirect_dma source(%dma_start3A_52 : memref<10240x128xf32, #tpu.memory_space<hbm>>) target(%dma_start3A_47 : memref<128x128xf32, #tpu.memory_space<vmem>>) offsets(%dma_start3A_49 : memref<128xi32, #tpu.memory_space<vmem>>) semaphore(%dma_start3A_54 : memref<!tpu.dma_semaphore, #tpu.memory_space<semaphore_mem>>)
    %scan3A_55 = arith.constant 0 : i32
    %scan3A_56 = arith.constant 0 : i32
    %scan3A_57 = arith.constant 10 : i32
    %scan3A_58 = arith.addi %scan3A_56, %scan3A_57 : i32
    %scan3A_59 = arith.constant 1 : i32
    %scan3A_60 = scf.for %scan3A_103 = %scan3A_56 to %scan3A_58 step %scan3A_59 iter_args(%scan3A_104 = %scan3A_55) -> (i32)  : i32 {
      %jit3A = arith.constant 2 : i32
      %eq3A = arith.constant 0 : i32
      %eq3A_105 = arith.cmpi eq, %jit3A, %eq3A : i32
      %jit3A_106 = arith.constant 1 : i32
      %select_n3A = arith.select %eq3A_105, %jit3A_106, %jit3A : i32
      %rem3A = arith.remsi %scan3A_103, %select_n3A : i32
      %ne3A = arith.constant 0 : i32
      %ne3A_107 = arith.cmpi ne, %rem3A, %ne3A : i32
      %lt3A = arith.constant 0 : i32
      %lt3A_108 = arith.cmpi slt, %rem3A, %lt3A : i32
      %lt3A_109 = arith.constant 0 : i32
      %lt3A_110 = arith.cmpi slt, %select_n3A, %lt3A_109 : i32
      %ne3A_111 = arith.xori %lt3A_108, %lt3A_110 : i1
      %and3A = arith.andi %ne3A_111, %ne3A_107 : i1
      %add3A_112 = arith.addi %rem3A, %select_n3A : i32
      %select_n3A_113 = arith.select %and3A, %add3A_112, %rem3A : i32
      %add3A_114 = arith.constant 1 : i32
      %add3A_115 = arith.addi %scan3A_103, %add3A_114 : i32
      %lt3A_116 = arith.constant 10 : i32
      %lt3A_117 = arith.cmpi slt, %add3A_115, %lt3A_116 : i32
      %convert_element_type3A = arith.extui %lt3A_117 : i1 to i32
      %cond3A = arith.constant 0 : i32
      %cond3A_118 = arith.cmpi ne, %convert_element_type3A, %cond3A : i32
      scf.if %cond3A_118 {
        %add3A_343 = arith.constant 1 : i32
        %add3A_344 = arith.addi %scan3A_103, %add3A_343 : i32
        %mul3A_345 = arith.constant 8 : i32
        %mul3A_346 = arith.muli %add3A_344, %mul3A_345 : i32
        %sub3A = arith.constant 1 : i32
        %sub3A_347 = arith.subi %sub3A, %select_n3A_113 : i32
        %dma_start3A_348 = arith.constant 0 : i32
        %dma_start3A_349 = arith.constant 0 : i32
        %dma_start3A_350 = tpu.memref_slice %arg7[%sub3A_347, %dma_start3A_348, %dma_start3A_349] : memref<2x8x128xi32, #tpu.memory_space<vmem>> -> memref<1x8x128xi32, #tpu.memory_space<vmem>>
        %dma_start3A_351 = tpu.memref_squeeze %dma_start3A_350 : memref<1x8x128xi32, #tpu.memory_space<vmem>> -> memref<8x128xi32, #tpu.memory_space<vmem>>
        %dma_start3A_352 = arith.constant 0 : i32
        %dma_start3A_353 = tpu.memref_slice %arg4[%add3A, %mul3A_346, %dma_start3A_352] : memref<32x80x128xi32, #tpu.memory_space<hbm>> -> memref<1x8x128xi32, #tpu.memory_space<hbm>>
        %dma_start3A_354 = tpu.memref_squeeze %dma_start3A_353 : memref<1x8x128xi32, #tpu.memory_space<hbm>> -> memref<8x128xi32, #tpu.memory_space<hbm>>
        %dma_start3A_355 = arith.constant 0 : i32
        %dma_start3A_356 = arith.constant 0 : i32
        %dma_start3A_357 = tpu.memref_slice %arg7[%sub3A_347, %dma_start3A_355, %dma_start3A_356] : memref<2x8x128xi32, #tpu.memory_space<vmem>> -> memref<1x8x128xi32, #tpu.memory_space<vmem>>
        %dma_start3A_358 = tpu.memref_squeeze %dma_start3A_357 : memref<1x8x128xi32, #tpu.memory_space<vmem>> -> memref<8x128xi32, #tpu.memory_space<vmem>>
        %dma_start3A_359 = arith.constant 0 : i32
        %dma_start3A_360 = tpu.memref_slice %arg4[%add3A, %mul3A_346, %dma_start3A_359] : memref<32x80x128xi32, #tpu.memory_space<hbm>> -> memref<1x8x128xi32, #tpu.memory_space<hbm>>
        %dma_start3A_361 = tpu.memref_squeeze %dma_start3A_360 : memref<1x8x128xi32, #tpu.memory_space<hbm>> -> memref<8x128xi32, #tpu.memory_space<hbm>>
        tpu.enqueue_dma source(%dma_start3A_361 : memref<8x128xi32, #tpu.memory_space<hbm>>) target(%dma_start3A_358 : memref<8x128xi32, #tpu.memory_space<vmem>>) target_semaphore(%arg11 : memref<!tpu.dma_semaphore, #tpu.memory_space<semaphore_mem>>)
      } else {
      }
      %mul3A_119 = arith.constant 8 : i32
      %mul3A_120 = arith.muli %scan3A_103, %mul3A_119 : i32
      %add3A_121 = arith.constant 0 : i32
      %add3A_122 = arith.addi %mul3A_120, %add3A_121 : i32
      %add3A_123 = arith.constant 1 : i32
      %add3A_124 = arith.addi %add3A_122, %add3A_123 : i32
      %lt3A_125 = arith.constant 80 : i32
      %lt3A_126 = arith.cmpi slt, %add3A_124, %lt3A_125 : i32
      %convert_element_type3A_127 = arith.extui %lt3A_126 : i1 to i32
      %cond3A_128 = arith.constant 0 : i32
      %cond3A_129 = arith.cmpi ne, %convert_element_type3A_127, %cond3A_128 : i32
      scf.if %cond3A_129 {
        %add3A_343 = arith.constant 1 : i32
        %add3A_344 = arith.addi %add3A_122, %add3A_343 : i32
        %mul3A_345 = arith.constant 128 : i32
        %mul3A_346 = arith.muli %add3A_344, %mul3A_345 : i32
        %dma_start3A_347 = arith.constant 1 : i32
        %dma_start3A_348 = arith.constant 1 : i32
        %dma_start3A_349 = arith.constant 0 : i32
        %dma_start3A_350 = arith.constant 0 : i32
        %dma_start3A_351 = tpu.memref_slice %arg8[%dma_start3A_347, %dma_start3A_349, %dma_start3A_350] : memref<2x128x128xf32, #tpu.memory_space<vmem>> -> memref<1x128x128xf32, #tpu.memory_space<vmem>>
        %dma_start3A_352 = tpu.memref_squeeze %dma_start3A_351 : memref<1x128x128xf32, #tpu.memory_space<vmem>> -> memref<128x128xf32, #tpu.memory_space<vmem>>
        %dma_start3A_353 = tpu.memref_slice %arg6[%mul3A_346] : memref<10240xi32, #tpu.memory_space<vmem>> -> memref<128xi32, #tpu.memory_space<vmem>>
        %dma_start3A_354 = arith.constant 0 : i32
        %dma_start3A_355 = arith.constant 0 : i32
        %dma_start3A_356 = tpu.memref_slice %arg2[%dma_start3A_354, %dma_start3A_355] : memref<10240x128xf32, #tpu.memory_space<hbm>> -> memref<10240x128xf32, #tpu.memory_space<hbm>>
        %dma_start3A_357 = tpu.memref_slice %arg10[%dma_start3A_348] : memref<2x!tpu.dma_semaphore, #tpu.memory_space<semaphore_mem>> -> memref<1x!tpu.dma_semaphore, #tpu.memory_space<semaphore_mem>>
        %dma_start3A_358 = tpu.memref_squeeze %dma_start3A_357 : memref<1x!tpu.dma_semaphore, #tpu.memory_space<semaphore_mem>> -> memref<!tpu.dma_semaphore, #tpu.memory_space<semaphore_mem>>
        tpu.enqueue_indirect_dma source(%dma_start3A_356 : memref<10240x128xf32, #tpu.memory_space<hbm>>) target(%dma_start3A_352 : memref<128x128xf32, #tpu.memory_space<vmem>>) offsets(%dma_start3A_353 : memref<128xi32, #tpu.memory_space<vmem>>) semaphore(%dma_start3A_358 : memref<!tpu.dma_semaphore, #tpu.memory_space<semaphore_mem>>)
      } else {
      }
      %mul3A_130 = arith.constant 128 : i32
      %mul3A_131 = arith.muli %add3A_122, %mul3A_130 : i32
      %dma_wait3A_132 = arith.constant 0 : i32
      %dma_wait3A_133 = arith.constant 0 : i32
      %dma_wait3A_134 = arith.constant 0 : i32
      %dma_wait3A_135 = arith.constant 0 : i32
      %dma_wait3A_136 = tpu.memref_slice %arg8[%dma_wait3A_132, %dma_wait3A_134, %dma_wait3A_135] : memref<2x128x128xf32, #tpu.memory_space<vmem>> -> memref<1x128x128xf32, #tpu.memory_space<vmem>>
      %dma_wait3A_137 = tpu.memref_squeeze %dma_wait3A_136 : memref<1x128x128xf32, #tpu.memory_space<vmem>> -> memref<128x128xf32, #tpu.memory_space<vmem>>
      %dma_wait3A_138 = tpu.memref_slice %arg6[%mul3A_131] : memref<10240xi32, #tpu.memory_space<vmem>> -> memref<128xi32, #tpu.memory_space<vmem>>
      %dma_wait3A_139 = arith.constant 0 : i32
      %dma_wait3A_140 = arith.constant 0 : i32
      %dma_wait3A_141 = tpu.memref_slice %arg2[%dma_wait3A_139, %dma_wait3A_140] : memref<10240x128xf32, #tpu.memory_space<hbm>> -> memref<10240x128xf32, #tpu.memory_space<hbm>>
      %dma_wait3A_142 = tpu.memref_slice %arg10[%dma_wait3A_133] : memref<2x!tpu.dma_semaphore, #tpu.memory_space<semaphore_mem>> -> memref<1x!tpu.dma_semaphore, #tpu.memory_space<semaphore_mem>>
      %dma_wait3A_143 = tpu.memref_squeeze %dma_wait3A_142 : memref<1x!tpu.dma_semaphore, #tpu.memory_space<semaphore_mem>> -> memref<!tpu.dma_semaphore, #tpu.memory_space<semaphore_mem>>
      tpu.wait_indirect_dma semaphore(%dma_wait3A_143 : memref<!tpu.dma_semaphore, #tpu.memory_space<semaphore_mem>>) src(%dma_wait3A_141 : memref<10240x128xf32, #tpu.memory_space<hbm>>) dst(%dma_wait3A_137 : memref<128x128xf32, #tpu.memory_space<vmem>>)
      %run_scoped3A_144 = arith.constant 0 : i32
      %run_scoped3A_145 = arith.constant 0 : i32
      "tpu.region"() ({
        %run_scoped3A_343 = tpu.sem_alloc : memref<!tpu.dma_semaphore, #tpu.memory_space<semaphore_mem>>
        %dma_start3A_344 = arith.constant 0 : i32
        %dma_start3A_345 = arith.constant 0 : i32
        %dma_start3A_346 = tpu.memref_slice %arg8[%run_scoped3A_144, %dma_start3A_344, %dma_start3A_345] : memref<2x128x128xf32, #tpu.memory_space<vmem>> -> memref<1x128x128xf32, #tpu.memory_space<vmem>>
        %dma_start3A_347 = tpu.memref_squeeze %dma_start3A_346 : memref<1x128x128xf32, #tpu.memory_space<vmem>> -> memref<128x128xf32, #tpu.memory_space<vmem>>
        %dma_start3A_348 = arith.constant 0 : i32
        %dma_start3A_349 = tpu.memref_slice %arg7[%select_n3A_113, %run_scoped3A_145, %dma_start3A_348] : memref<2x8x128xi32, #tpu.memory_space<vmem>> -> memref<1x1x128xi32, #tpu.memory_space<vmem>>
        %dma_start3A_350 = tpu.memref_squeeze %dma_start3A_349 : memref<1x1x128xi32, #tpu.memory_space<vmem>> -> memref<128xi32, #tpu.memory_space<vmem>>
        %dma_start3A_351 = arith.constant 0 : i32
        %dma_start3A_352 = arith.constant 0 : i32
        %dma_start3A_353 = tpu.memref_slice %arg9[%dma_start3A_351, %dma_start3A_352] : memref<10240x128xf32, #tpu.memory_space<vmem_shared>> -> memref<10240x128xf32, #tpu.memory_space<vmem_shared>>
        tpu.enqueue_indirect_dma source(%dma_start3A_347 : memref<128x128xf32, #tpu.memory_space<vmem>>) target(%dma_start3A_353 : memref<10240x128xf32, #tpu.memory_space<vmem_shared>>) offsets(%dma_start3A_350 : memref<128xi32, #tpu.memory_space<vmem>>) semaphore(%run_scoped3A_343 : memref<!tpu.dma_semaphore, #tpu.memory_space<semaphore_mem>>) {add = true}
        %dma_wait3A_354 = arith.constant 0 : i32
        %dma_wait3A_355 = arith.constant 0 : i32
        %dma_wait3A_356 = tpu.memref_slice %arg8[%run_scoped3A_144, %dma_wait3A_354, %dma_wait3A_355] : memref<2x128x128xf32, #tpu.memory_space<vmem>> -> memref<1x128x128xf32, #tpu.memory_space<vmem>>
        %dma_wait3A_357 = tpu.memref_squeeze %dma_wait3A_356 : memref<1x128x128xf32, #tpu.memory_space<vmem>> -> memref<128x128xf32, #tpu.memory_space<vmem>>
        %dma_wait3A_358 = arith.constant 0 : i32
        %dma_wait3A_359 = tpu.memref_slice %arg7[%select_n3A_113, %run_scoped3A_145, %dma_wait3A_358] : memref<2x8x128xi32, #tpu.memory_space<vmem>> -> memref<1x1x128xi32, #tpu.memory_space<vmem>>
        %dma_wait3A_360 = tpu.memref_squeeze %dma_wait3A_359 : memref<1x1x128xi32, #tpu.memory_space<vmem>> -> memref<128xi32, #tpu.memory_space<vmem>>
        %dma_wait3A_361 = arith.constant 0 : i32
        %dma_wait3A_362 = arith.constant 0 : i32
        %dma_wait3A_363 = tpu.memref_slice %arg9[%dma_wait3A_361, %dma_wait3A_362] : memref<10240x128xf32, #tpu.memory_space<vmem_shared>> -> memref<10240x128xf32, #tpu.memory_space<vmem_shared>>
        tpu.wait_indirect_dma semaphore(%run_scoped3A_343 : memref<!tpu.dma_semaphore, #tpu.memory_space<semaphore_mem>>) src(%dma_wait3A_357 : memref<128x128xf32, #tpu.memory_space<vmem>>) dst(%dma_wait3A_363 : memref<10240x128xf32, #tpu.memory_space<vmem_shared>>)
        tpu.yield
      }) : () -> ()
      %mul3A_146 = arith.constant 8 : i32
      %mul3A_147 = arith.muli %scan3A_103, %mul3A_146 : i32
      %add3A_148 = arith.constant 1 : i32
      %add3A_149 = arith.addi %mul3A_147, %add3A_148 : i32
      %add3A_150 = arith.constant 1 : i32
      %add3A_151 = arith.addi %add3A_149, %add3A_150 : i32
      %lt3A_152 = arith.constant 80 : i32
      %lt3A_153 = arith.cmpi slt, %add3A_151, %lt3A_152 : i32
      %convert_element_type3A_154 = arith.extui %lt3A_153 : i1 to i32
      %cond3A_155 = arith.constant 0 : i32
      %cond3A_156 = arith.cmpi ne, %convert_element_type3A_154, %cond3A_155 : i32
      scf.if %cond3A_156 {
        %add3A_343 = arith.constant 1 : i32
        %add3A_344 = arith.addi %add3A_149, %add3A_343 : i32
        %mul3A_345 = arith.constant 128 : i32
        %mul3A_346 = arith.muli %add3A_344, %mul3A_345 : i32
        %dma_start3A_347 = arith.constant 0 : i32
        %dma_start3A_348 = arith.constant 0 : i32
        %dma_start3A_349 = arith.constant 0 : i32
        %dma_start3A_350 = arith.constant 0 : i32
        %dma_start3A_351 = tpu.memref_slice %arg8[%dma_start3A_347, %dma_start3A_349, %dma_start3A_350] : memref<2x128x128xf32, #tpu.memory_space<vmem>> -> memref<1x128x128xf32, #tpu.memory_space<vmem>>
        %dma_start3A_352 = tpu.memref_squeeze %dma_start3A_351 : memref<1x128x128xf32, #tpu.memory_space<vmem>> -> memref<128x128xf32, #tpu.memory_space<vmem>>
        %dma_start3A_353 = tpu.memref_slice %arg6[%mul3A_346] : memref<10240xi32, #tpu.memory_space<vmem>> -> memref<128xi32, #tpu.memory_space<vmem>>
        %dma_start3A_354 = arith.constant 0 : i32
        %dma_start3A_355 = arith.constant 0 : i32
        %dma_start3A_356 = tpu.memref_slice %arg2[%dma_start3A_354, %dma_start3A_355] : memref<10240x128xf32, #tpu.memory_space<hbm>> -> memref<10240x128xf32, #tpu.memory_space<hbm>>
        %dma_start3A_357 = tpu.memref_slice %arg10[%dma_start3A_348] : memref<2x!tpu.dma_semaphore, #tpu.memory_space<semaphore_mem>> -> memref<1x!tpu.dma_semaphore, #tpu.memory_space<semaphore_mem>>
        %dma_start3A_358 = tpu.memref_squeeze %dma_start3A_357 : memref<1x!tpu.dma_semaphore, #tpu.memory_space<semaphore_mem>> -> memref<!tpu.dma_semaphore, #tpu.memory_space<semaphore_mem>>
        tpu.enqueue_indirect_dma source(%dma_start3A_356 : memref<10240x128xf32, #tpu.memory_space<hbm>>) target(%dma_start3A_352 : memref<128x128xf32, #tpu.memory_space<vmem>>) offsets(%dma_start3A_353 : memref<128xi32, #tpu.memory_space<vmem>>) semaphore(%dma_start3A_358 : memref<!tpu.dma_semaphore, #tpu.memory_space<semaphore_mem>>)
      } else {
      }
      %mul3A_157 = arith.constant 128 : i32
      %mul3A_158 = arith.muli %add3A_149, %mul3A_157 : i32
      %dma_wait3A_159 = arith.constant 1 : i32
      %dma_wait3A_160 = arith.constant 1 : i32
      %dma_wait3A_161 = arith.constant 0 : i32
      %dma_wait3A_162 = arith.constant 0 : i32
      %dma_wait3A_163 = tpu.memref_slice %arg8[%dma_wait3A_159, %dma_wait3A_161, %dma_wait3A_162] : memref<2x128x128xf32, #tpu.memory_space<vmem>> -> memref<1x128x128xf32, #tpu.memory_space<vmem>>
      %dma_wait3A_164 = tpu.memref_squeeze %dma_wait3A_163 : memref<1x128x128xf32, #tpu.memory_space<vmem>> -> memref<128x128xf32, #tpu.memory_space<vmem>>
      %dma_wait3A_165 = tpu.memref_slice %arg6[%mul3A_158] : memref<10240xi32, #tpu.memory_space<vmem>> -> memref<128xi32, #tpu.memory_space<vmem>>
      %dma_wait3A_166 = arith.constant 0 : i32
      %dma_wait3A_167 = arith.constant 0 : i32
      %dma_wait3A_168 = tpu.memref_slice %arg2[%dma_wait3A_166, %dma_wait3A_167] : memref<10240x128xf32, #tpu.memory_space<hbm>> -> memref<10240x128xf32, #tpu.memory_space<hbm>>
      %dma_wait3A_169 = tpu.memref_slice %arg10[%dma_wait3A_160] : memref<2x!tpu.dma_semaphore, #tpu.memory_space<semaphore_mem>> -> memref<1x!tpu.dma_semaphore, #tpu.memory_space<semaphore_mem>>
      %dma_wait3A_170 = tpu.memref_squeeze %dma_wait3A_169 : memref<1x!tpu.dma_semaphore, #tpu.memory_space<semaphore_mem>> -> memref<!tpu.dma_semaphore, #tpu.memory_space<semaphore_mem>>
      tpu.wait_indirect_dma semaphore(%dma_wait3A_170 : memref<!tpu.dma_semaphore, #tpu.memory_space<semaphore_mem>>) src(%dma_wait3A_168 : memref<10240x128xf32, #tpu.memory_space<hbm>>) dst(%dma_wait3A_164 : memref<128x128xf32, #tpu.memory_space<vmem>>)
      %run_scoped3A_171 = arith.constant 1 : i32
      %run_scoped3A_172 = arith.constant 1 : i32
      "tpu.region"() ({
        %run_scoped3A_343 = tpu.sem_alloc : memref<!tpu.dma_semaphore, #tpu.memory_space<semaphore_mem>>
        %dma_start3A_344 = arith.constant 0 : i32
        %dma_start3A_345 = arith.constant 0 : i32
        %dma_start3A_346 = tpu.memref_slice %arg8[%run_scoped3A_171, %dma_start3A_344, %dma_start3A_345] : memref<2x128x128xf32, #tpu.memory_space<vmem>> -> memref<1x128x128xf32, #tpu.memory_space<vmem>>
        %dma_start3A_347 = tpu.memref_squeeze %dma_start3A_346 : memref<1x128x128xf32, #tpu.memory_space<vmem>> -> memref<128x128xf32, #tpu.memory_space<vmem>>
        %dma_start3A_348 = arith.constant 0 : i32
        %dma_start3A_349 = tpu.memref_slice %arg7[%select_n3A_113, %run_scoped3A_172, %dma_start3A_348] : memref<2x8x128xi32, #tpu.memory_space<vmem>> -> memref<1x1x128xi32, #tpu.memory_space<vmem>>
        %dma_start3A_350 = tpu.memref_squeeze %dma_start3A_349 : memref<1x1x128xi32, #tpu.memory_space<vmem>> -> memref<128xi32, #tpu.memory_space<vmem>>
        %dma_start3A_351 = arith.constant 0 : i32
        %dma_start3A_352 = arith.constant 0 : i32
        %dma_start3A_353 = tpu.memref_slice %arg9[%dma_start3A_351, %dma_start3A_352] : memref<10240x128xf32, #tpu.memory_space<vmem_shared>> -> memref<10240x128xf32, #tpu.memory_space<vmem_shared>>
        tpu.enqueue_indirect_dma source(%dma_start3A_347 : memref<128x128xf32, #tpu.memory_space<vmem>>) target(%dma_start3A_353 : memref<10240x128xf32, #tpu.memory_space<vmem_shared>>) offsets(%dma_start3A_350 : memref<128xi32, #tpu.memory_space<vmem>>) semaphore(%run_scoped3A_343 : memref<!tpu.dma_semaphore, #tpu.memory_space<semaphore_mem>>) {add = true}
        %dma_wait3A_354 = arith.constant 0 : i32
        %dma_wait3A_355 = arith.constant 0 : i32
        %dma_wait3A_356 = tpu.memref_slice %arg8[%run_scoped3A_171, %dma_wait3A_354, %dma_wait3A_355] : memref<2x128x128xf32, #tpu.memory_space<vmem>> -> memref<1x128x128xf32, #tpu.memory_space<vmem>>
        %dma_wait3A_357 = tpu.memref_squeeze %dma_wait3A_356 : memref<1x128x128xf32, #tpu.memory_space<vmem>> -> memref<128x128xf32, #tpu.memory_space<vmem>>
        %dma_wait3A_358 = arith.constant 0 : i32
        %dma_wait3A_359 = tpu.memref_slice %arg7[%select_n3A_113, %run_scoped3A_172, %dma_wait3A_358] : memref<2x8x128xi32, #tpu.memory_space<vmem>> -> memref<1x1x128xi32, #tpu.memory_space<vmem>>
        %dma_wait3A_360 = tpu.memref_squeeze %dma_wait3A_359 : memref<1x1x128xi32, #tpu.memory_space<vmem>> -> memref<128xi32, #tpu.memory_space<vmem>>
        %dma_wait3A_361 = arith.constant 0 : i32
        %dma_wait3A_362 = arith.constant 0 : i32
        %dma_wait3A_363 = tpu.memref_slice %arg9[%dma_wait3A_361, %dma_wait3A_362] : memref<10240x128xf32, #tpu.memory_space<vmem_shared>> -> memref<10240x128xf32, #tpu.memory_space<vmem_shared>>
        tpu.wait_indirect_dma semaphore(%run_scoped3A_343 : memref<!tpu.dma_semaphore, #tpu.memory_space<semaphore_mem>>) src(%dma_wait3A_357 : memref<128x128xf32, #tpu.memory_space<vmem>>) dst(%dma_wait3A_363 : memref<10240x128xf32, #tpu.memory_space<vmem_shared>>)
        tpu.yield
      }) : () -> ()
      %mul3A_173 = arith.constant 8 : i32
      %mul3A_174 = arith.muli %scan3A_103, %mul3A_173 : i32
      %add3A_175 = arith.constant 2 : i32
      %add3A_176 = arith.addi %mul3A_174, %add3A_175 : i32
      %add3A_177 = arith.constant 1 : i32
      %add3A_178 = arith.addi %add3A_176, %add3A_177 : i32
      %lt3A_179 = arith.constant 80 : i32
      %lt3A_180 = arith.cmpi slt, %add3A_178, %lt3A_179 : i32
      %convert_element_type3A_181 = arith.extui %lt3A_180 : i1 to i32
      %cond3A_182 = arith.constant 0 : i32
      %cond3A_183 = arith.cmpi ne, %convert_element_type3A_181, %cond3A_182 : i32
      scf.if %cond3A_183 {
        %add3A_343 = arith.constant 1 : i32
        %add3A_344 = arith.addi %add3A_176, %add3A_343 : i32
        %mul3A_345 = arith.constant 128 : i32
        %mul3A_346 = arith.muli %add3A_344, %mul3A_345 : i32
        %dma_start3A_347 = arith.constant 1 : i32
        %dma_start3A_348 = arith.constant 1 : i32
        %dma_start3A_349 = arith.constant 0 : i32
        %dma_start3A_350 = arith.constant 0 : i32
        %dma_start3A_351 = tpu.memref_slice %arg8[%dma_start3A_347, %dma_start3A_349, %dma_start3A_350] : memref<2x128x128xf32, #tpu.memory_space<vmem>> -> memref<1x128x128xf32, #tpu.memory_space<vmem>>
        %dma_start3A_352 = tpu.memref_squeeze %dma_start3A_351 : memref<1x128x128xf32, #tpu.memory_space<vmem>> -> memref<128x128xf32, #tpu.memory_space<vmem>>
        %dma_start3A_353 = tpu.memref_slice %arg6[%mul3A_346] : memref<10240xi32, #tpu.memory_space<vmem>> -> memref<128xi32, #tpu.memory_space<vmem>>
        %dma_start3A_354 = arith.constant 0 : i32
        %dma_start3A_355 = arith.constant 0 : i32
        %dma_start3A_356 = tpu.memref_slice %arg2[%dma_start3A_354, %dma_start3A_355] : memref<10240x128xf32, #tpu.memory_space<hbm>> -> memref<10240x128xf32, #tpu.memory_space<hbm>>
        %dma_start3A_357 = tpu.memref_slice %arg10[%dma_start3A_348] : memref<2x!tpu.dma_semaphore, #tpu.memory_space<semaphore_mem>> -> memref<1x!tpu.dma_semaphore, #tpu.memory_space<semaphore_mem>>
        %dma_start3A_358 = tpu.memref_squeeze %dma_start3A_357 : memref<1x!tpu.dma_semaphore, #tpu.memory_space<semaphore_mem>> -> memref<!tpu.dma_semaphore, #tpu.memory_space<semaphore_mem>>
        tpu.enqueue_indirect_dma source(%dma_start3A_356 : memref<10240x128xf32, #tpu.memory_space<hbm>>) target(%dma_start3A_352 : memref<128x128xf32, #tpu.memory_space<vmem>>) offsets(%dma_start3A_353 : memref<128xi32, #tpu.memory_space<vmem>>) semaphore(%dma_start3A_358 : memref<!tpu.dma_semaphore, #tpu.memory_space<semaphore_mem>>)
      } else {
      }
      %mul3A_184 = arith.constant 128 : i32
      %mul3A_185 = arith.muli %add3A_176, %mul3A_184 : i32
      %dma_wait3A_186 = arith.constant 0 : i32
      %dma_wait3A_187 = arith.constant 0 : i32
      %dma_wait3A_188 = arith.constant 0 : i32
      %dma_wait3A_189 = arith.constant 0 : i32
      %dma_wait3A_190 = tpu.memref_slice %arg8[%dma_wait3A_186, %dma_wait3A_188, %dma_wait3A_189] : memref<2x128x128xf32, #tpu.memory_space<vmem>> -> memref<1x128x128xf32, #tpu.memory_space<vmem>>
      %dma_wait3A_191 = tpu.memref_squeeze %dma_wait3A_190 : memref<1x128x128xf32, #tpu.memory_space<vmem>> -> memref<128x128xf32, #tpu.memory_space<vmem>>
      %dma_wait3A_192 = tpu.memref_slice %arg6[%mul3A_185] : memref<10240xi32, #tpu.memory_space<vmem>> -> memref<128xi32, #tpu.memory_space<vmem>>
      %dma_wait3A_193 = arith.constant 0 : i32
      %dma_wait3A_194 = arith.constant 0 : i32
      %dma_wait3A_195 = tpu.memref_slice %arg2[%dma_wait3A_193, %dma_wait3A_194] : memref<10240x128xf32, #tpu.memory_space<hbm>> -> memref<10240x128xf32, #tpu.memory_space<hbm>>
      %dma_wait3A_196 = tpu.memref_slice %arg10[%dma_wait3A_187] : memref<2x!tpu.dma_semaphore, #tpu.memory_space<semaphore_mem>> -> memref<1x!tpu.dma_semaphore, #tpu.memory_space<semaphore_mem>>
      %dma_wait3A_197 = tpu.memref_squeeze %dma_wait3A_196 : memref<1x!tpu.dma_semaphore, #tpu.memory_space<semaphore_mem>> -> memref<!tpu.dma_semaphore, #tpu.memory_space<semaphore_mem>>
      tpu.wait_indirect_dma semaphore(%dma_wait3A_197 : memref<!tpu.dma_semaphore, #tpu.memory_space<semaphore_mem>>) src(%dma_wait3A_195 : memref<10240x128xf32, #tpu.memory_space<hbm>>) dst(%dma_wait3A_191 : memref<128x128xf32, #tpu.memory_space<vmem>>)
      %run_scoped3A_198 = arith.constant 0 : i32
      %run_scoped3A_199 = arith.constant 2 : i32
      "tpu.region"() ({
        %run_scoped3A_343 = tpu.sem_alloc : memref<!tpu.dma_semaphore, #tpu.memory_space<semaphore_mem>>
        %dma_start3A_344 = arith.constant 0 : i32
        %dma_start3A_345 = arith.constant 0 : i32
        %dma_start3A_346 = tpu.memref_slice %arg8[%run_scoped3A_198, %dma_start3A_344, %dma_start3A_345] : memref<2x128x128xf32, #tpu.memory_space<vmem>> -> memref<1x128x128xf32, #tpu.memory_space<vmem>>
        %dma_start3A_347 = tpu.memref_squeeze %dma_start3A_346 : memref<1x128x128xf32, #tpu.memory_space<vmem>> -> memref<128x128xf32, #tpu.memory_space<vmem>>
        %dma_start3A_348 = arith.constant 0 : i32
        %dma_start3A_349 = tpu.memref_slice %arg7[%select_n3A_113, %run_scoped3A_199, %dma_start3A_348] : memref<2x8x128xi32, #tpu.memory_space<vmem>> -> memref<1x1x128xi32, #tpu.memory_space<vmem>>
        %dma_start3A_350 = tpu.memref_squeeze %dma_start3A_349 : memref<1x1x128xi32, #tpu.memory_space<vmem>> -> memref<128xi32, #tpu.memory_space<vmem>>
        %dma_start3A_351 = arith.constant 0 : i32
        %dma_start3A_352 = arith.constant 0 : i32
        %dma_start3A_353 = tpu.memref_slice %arg9[%dma_start3A_351, %dma_start3A_352] : memref<10240x128xf32, #tpu.memory_space<vmem_shared>> -> memref<10240x128xf32, #tpu.memory_space<vmem_shared>>
        tpu.enqueue_indirect_dma source(%dma_start3A_347 : memref<128x128xf32, #tpu.memory_space<vmem>>) target(%dma_start3A_353 : memref<10240x128xf32, #tpu.memory_space<vmem_shared>>) offsets(%dma_start3A_350 : memref<128xi32, #tpu.memory_space<vmem>>) semaphore(%run_scoped3A_343 : memref<!tpu.dma_semaphore, #tpu.memory_space<semaphore_mem>>) {add = true}
        %dma_wait3A_354 = arith.constant 0 : i32
        %dma_wait3A_355 = arith.constant 0 : i32
        %dma_wait3A_356 = tpu.memref_slice %arg8[%run_scoped3A_198, %dma_wait3A_354, %dma_wait3A_355] : memref<2x128x128xf32, #tpu.memory_space<vmem>> -> memref<1x128x128xf32, #tpu.memory_space<vmem>>
        %dma_wait3A_357 = tpu.memref_squeeze %dma_wait3A_356 : memref<1x128x128xf32, #tpu.memory_space<vmem>> -> memref<128x128xf32, #tpu.memory_space<vmem>>
        %dma_wait3A_358 = arith.constant 0 : i32
        %dma_wait3A_359 = tpu.memref_slice %arg7[%select_n3A_113, %run_scoped3A_199, %dma_wait3A_358] : memref<2x8x128xi32, #tpu.memory_space<vmem>> -> memref<1x1x128xi32, #tpu.memory_space<vmem>>
        %dma_wait3A_360 = tpu.memref_squeeze %dma_wait3A_359 : memref<1x1x128xi32, #tpu.memory_space<vmem>> -> memref<128xi32, #tpu.memory_space<vmem>>
        %dma_wait3A_361 = arith.constant 0 : i32
        %dma_wait3A_362 = arith.constant 0 : i32
        %dma_wait3A_363 = tpu.memref_slice %arg9[%dma_wait3A_361, %dma_wait3A_362] : memref<10240x128xf32, #tpu.memory_space<vmem_shared>> -> memref<10240x128xf32, #tpu.memory_space<vmem_shared>>
        tpu.wait_indirect_dma semaphore(%run_scoped3A_343 : memref<!tpu.dma_semaphore, #tpu.memory_space<semaphore_mem>>) src(%dma_wait3A_357 : memref<128x128xf32, #tpu.memory_space<vmem>>) dst(%dma_wait3A_363 : memref<10240x128xf32, #tpu.memory_space<vmem_shared>>)
        tpu.yield
      }) : () -> ()
      %mul3A_200 = arith.constant 8 : i32
      %mul3A_201 = arith.muli %scan3A_103, %mul3A_200 : i32
      %add3A_202 = arith.constant 3 : i32
      %add3A_203 = arith.addi %mul3A_201, %add3A_202 : i32
      %add3A_204 = arith.constant 1 : i32
      %add3A_205 = arith.addi %add3A_203, %add3A_204 : i32
      %lt3A_206 = arith.constant 80 : i32
      %lt3A_207 = arith.cmpi slt, %add3A_205, %lt3A_206 : i32
      %convert_element_type3A_208 = arith.extui %lt3A_207 : i1 to i32
      %cond3A_209 = arith.constant 0 : i32
      %cond3A_210 = arith.cmpi ne, %convert_element_type3A_208, %cond3A_209 : i32
      scf.if %cond3A_210 {
        %add3A_343 = arith.constant 1 : i32
        %add3A_344 = arith.addi %add3A_203, %add3A_343 : i32
        %mul3A_345 = arith.constant 128 : i32
        %mul3A_346 = arith.muli %add3A_344, %mul3A_345 : i32
        %dma_start3A_347 = arith.constant 0 : i32
        %dma_start3A_348 = arith.constant 0 : i32
        %dma_start3A_349 = arith.constant 0 : i32
        %dma_start3A_350 = arith.constant 0 : i32
        %dma_start3A_351 = tpu.memref_slice %arg8[%dma_start3A_347, %dma_start3A_349, %dma_start3A_350] : memref<2x128x128xf32, #tpu.memory_space<vmem>> -> memref<1x128x128xf32, #tpu.memory_space<vmem>>
        %dma_start3A_352 = tpu.memref_squeeze %dma_start3A_351 : memref<1x128x128xf32, #tpu.memory_space<vmem>> -> memref<128x128xf32, #tpu.memory_space<vmem>>
        %dma_start3A_353 = tpu.memref_slice %arg6[%mul3A_346] : memref<10240xi32, #tpu.memory_space<vmem>> -> memref<128xi32, #tpu.memory_space<vmem>>
        %dma_start3A_354 = arith.constant 0 : i32
        %dma_start3A_355 = arith.constant 0 : i32
        %dma_start3A_356 = tpu.memref_slice %arg2[%dma_start3A_354, %dma_start3A_355] : memref<10240x128xf32, #tpu.memory_space<hbm>> -> memref<10240x128xf32, #tpu.memory_space<hbm>>
        %dma_start3A_357 = tpu.memref_slice %arg10[%dma_start3A_348] : memref<2x!tpu.dma_semaphore, #tpu.memory_space<semaphore_mem>> -> memref<1x!tpu.dma_semaphore, #tpu.memory_space<semaphore_mem>>
        %dma_start3A_358 = tpu.memref_squeeze %dma_start3A_357 : memref<1x!tpu.dma_semaphore, #tpu.memory_space<semaphore_mem>> -> memref<!tpu.dma_semaphore, #tpu.memory_space<semaphore_mem>>
        tpu.enqueue_indirect_dma source(%dma_start3A_356 : memref<10240x128xf32, #tpu.memory_space<hbm>>) target(%dma_start3A_352 : memref<128x128xf32, #tpu.memory_space<vmem>>) offsets(%dma_start3A_353 : memref<128xi32, #tpu.memory_space<vmem>>) semaphore(%dma_start3A_358 : memref<!tpu.dma_semaphore, #tpu.memory_space<semaphore_mem>>)
      } else {
      }
      %mul3A_211 = arith.constant 128 : i32
      %mul3A_212 = arith.muli %add3A_203, %mul3A_211 : i32
      %dma_wait3A_213 = arith.constant 1 : i32
      %dma_wait3A_214 = arith.constant 1 : i32
      %dma_wait3A_215 = arith.constant 0 : i32
      %dma_wait3A_216 = arith.constant 0 : i32
      %dma_wait3A_217 = tpu.memref_slice %arg8[%dma_wait3A_213, %dma_wait3A_215, %dma_wait3A_216] : memref<2x128x128xf32, #tpu.memory_space<vmem>> -> memref<1x128x128xf32, #tpu.memory_space<vmem>>
      %dma_wait3A_218 = tpu.memref_squeeze %dma_wait3A_217 : memref<1x128x128xf32, #tpu.memory_space<vmem>> -> memref<128x128xf32, #tpu.memory_space<vmem>>
      %dma_wait3A_219 = tpu.memref_slice %arg6[%mul3A_212] : memref<10240xi32, #tpu.memory_space<vmem>> -> memref<128xi32, #tpu.memory_space<vmem>>
      %dma_wait3A_220 = arith.constant 0 : i32
      %dma_wait3A_221 = arith.constant 0 : i32
      %dma_wait3A_222 = tpu.memref_slice %arg2[%dma_wait3A_220, %dma_wait3A_221] : memref<10240x128xf32, #tpu.memory_space<hbm>> -> memref<10240x128xf32, #tpu.memory_space<hbm>>
      %dma_wait3A_223 = tpu.memref_slice %arg10[%dma_wait3A_214] : memref<2x!tpu.dma_semaphore, #tpu.memory_space<semaphore_mem>> -> memref<1x!tpu.dma_semaphore, #tpu.memory_space<semaphore_mem>>
      %dma_wait3A_224 = tpu.memref_squeeze %dma_wait3A_223 : memref<1x!tpu.dma_semaphore, #tpu.memory_space<semaphore_mem>> -> memref<!tpu.dma_semaphore, #tpu.memory_space<semaphore_mem>>
      tpu.wait_indirect_dma semaphore(%dma_wait3A_224 : memref<!tpu.dma_semaphore, #tpu.memory_space<semaphore_mem>>) src(%dma_wait3A_222 : memref<10240x128xf32, #tpu.memory_space<hbm>>) dst(%dma_wait3A_218 : memref<128x128xf32, #tpu.memory_space<vmem>>)
      %run_scoped3A_225 = arith.constant 1 : i32
      %run_scoped3A_226 = arith.constant 3 : i32
      "tpu.region"() ({
        %run_scoped3A_343 = tpu.sem_alloc : memref<!tpu.dma_semaphore, #tpu.memory_space<semaphore_mem>>
        %dma_start3A_344 = arith.constant 0 : i32
        %dma_start3A_345 = arith.constant 0 : i32
        %dma_start3A_346 = tpu.memref_slice %arg8[%run_scoped3A_225, %dma_start3A_344, %dma_start3A_345] : memref<2x128x128xf32, #tpu.memory_space<vmem>> -> memref<1x128x128xf32, #tpu.memory_space<vmem>>
        %dma_start3A_347 = tpu.memref_squeeze %dma_start3A_346 : memref<1x128x128xf32, #tpu.memory_space<vmem>> -> memref<128x128xf32, #tpu.memory_space<vmem>>
        %dma_start3A_348 = arith.constant 0 : i32
        %dma_start3A_349 = tpu.memref_slice %arg7[%select_n3A_113, %run_scoped3A_226, %dma_start3A_348] : memref<2x8x128xi32, #tpu.memory_space<vmem>> -> memref<1x1x128xi32, #tpu.memory_space<vmem>>
        %dma_start3A_350 = tpu.memref_squeeze %dma_start3A_349 : memref<1x1x128xi32, #tpu.memory_space<vmem>> -> memref<128xi32, #tpu.memory_space<vmem>>
        %dma_start3A_351 = arith.constant 0 : i32
        %dma_start3A_352 = arith.constant 0 : i32
        %dma_start3A_353 = tpu.memref_slice %arg9[%dma_start3A_351, %dma_start3A_352] : memref<10240x128xf32, #tpu.memory_space<vmem_shared>> -> memref<10240x128xf32, #tpu.memory_space<vmem_shared>>
        tpu.enqueue_indirect_dma source(%dma_start3A_347 : memref<128x128xf32, #tpu.memory_space<vmem>>) target(%dma_start3A_353 : memref<10240x128xf32, #tpu.memory_space<vmem_shared>>) offsets(%dma_start3A_350 : memref<128xi32, #tpu.memory_space<vmem>>) semaphore(%run_scoped3A_343 : memref<!tpu.dma_semaphore, #tpu.memory_space<semaphore_mem>>) {add = true}
        %dma_wait3A_354 = arith.constant 0 : i32
        %dma_wait3A_355 = arith.constant 0 : i32
        %dma_wait3A_356 = tpu.memref_slice %arg8[%run_scoped3A_225, %dma_wait3A_354, %dma_wait3A_355] : memref<2x128x128xf32, #tpu.memory_space<vmem>> -> memref<1x128x128xf32, #tpu.memory_space<vmem>>
        %dma_wait3A_357 = tpu.memref_squeeze %dma_wait3A_356 : memref<1x128x128xf32, #tpu.memory_space<vmem>> -> memref<128x128xf32, #tpu.memory_space<vmem>>
        %dma_wait3A_358 = arith.constant 0 : i32
        %dma_wait3A_359 = tpu.memref_slice %arg7[%select_n3A_113, %run_scoped3A_226, %dma_wait3A_358] : memref<2x8x128xi32, #tpu.memory_space<vmem>> -> memref<1x1x128xi32, #tpu.memory_space<vmem>>
        %dma_wait3A_360 = tpu.memref_squeeze %dma_wait3A_359 : memref<1x1x128xi32, #tpu.memory_space<vmem>> -> memref<128xi32, #tpu.memory_space<vmem>>
        %dma_wait3A_361 = arith.constant 0 : i32
        %dma_wait3A_362 = arith.constant 0 : i32
        %dma_wait3A_363 = tpu.memref_slice %arg9[%dma_wait3A_361, %dma_wait3A_362] : memref<10240x128xf32, #tpu.memory_space<vmem_shared>> -> memref<10240x128xf32, #tpu.memory_space<vmem_shared>>
        tpu.wait_indirect_dma semaphore(%run_scoped3A_343 : memref<!tpu.dma_semaphore, #tpu.memory_space<semaphore_mem>>) src(%dma_wait3A_357 : memref<128x128xf32, #tpu.memory_space<vmem>>) dst(%dma_wait3A_363 : memref<10240x128xf32, #tpu.memory_space<vmem_shared>>)
        tpu.yield
      }) : () -> ()
      %mul3A_227 = arith.constant 8 : i32
      %mul3A_228 = arith.muli %scan3A_103, %mul3A_227 : i32
      %add3A_229 = arith.constant 4 : i32
      %add3A_230 = arith.addi %mul3A_228, %add3A_229 : i32
      %add3A_231 = arith.constant 1 : i32
      %add3A_232 = arith.addi %add3A_230, %add3A_231 : i32
      %lt3A_233 = arith.constant 80 : i32
      %lt3A_234 = arith.cmpi slt, %add3A_232, %lt3A_233 : i32
      %convert_element_type3A_235 = arith.extui %lt3A_234 : i1 to i32
      %cond3A_236 = arith.constant 0 : i32
      %cond3A_237 = arith.cmpi ne, %convert_element_type3A_235, %cond3A_236 : i32
      scf.if %cond3A_237 {
        %add3A_343 = arith.constant 1 : i32
        %add3A_344 = arith.addi %add3A_230, %add3A_343 : i32
        %mul3A_345 = arith.constant 128 : i32
        %mul3A_346 = arith.muli %add3A_344, %mul3A_345 : i32
        %dma_start3A_347 = arith.constant 1 : i32
        %dma_start3A_348 = arith.constant 1 : i32
        %dma_start3A_349 = arith.constant 0 : i32
        %dma_start3A_350 = arith.constant 0 : i32
        %dma_start3A_351 = tpu.memref_slice %arg8[%dma_start3A_347, %dma_start3A_349, %dma_start3A_350] : memref<2x128x128xf32, #tpu.memory_space<vmem>> -> memref<1x128x128xf32, #tpu.memory_space<vmem>>
        %dma_start3A_352 = tpu.memref_squeeze %dma_start3A_351 : memref<1x128x128xf32, #tpu.memory_space<vmem>> -> memref<128x128xf32, #tpu.memory_space<vmem>>
        %dma_start3A_353 = tpu.memref_slice %arg6[%mul3A_346] : memref<10240xi32, #tpu.memory_space<vmem>> -> memref<128xi32, #tpu.memory_space<vmem>>
        %dma_start3A_354 = arith.constant 0 : i32
        %dma_start3A_355 = arith.constant 0 : i32
        %dma_start3A_356 = tpu.memref_slice %arg2[%dma_start3A_354, %dma_start3A_355] : memref<10240x128xf32, #tpu.memory_space<hbm>> -> memref<10240x128xf32, #tpu.memory_space<hbm>>
        %dma_start3A_357 = tpu.memref_slice %arg10[%dma_start3A_348] : memref<2x!tpu.dma_semaphore, #tpu.memory_space<semaphore_mem>> -> memref<1x!tpu.dma_semaphore, #tpu.memory_space<semaphore_mem>>
        %dma_start3A_358 = tpu.memref_squeeze %dma_start3A_357 : memref<1x!tpu.dma_semaphore, #tpu.memory_space<semaphore_mem>> -> memref<!tpu.dma_semaphore, #tpu.memory_space<semaphore_mem>>
        tpu.enqueue_indirect_dma source(%dma_start3A_356 : memref<10240x128xf32, #tpu.memory_space<hbm>>) target(%dma_start3A_352 : memref<128x128xf32, #tpu.memory_space<vmem>>) offsets(%dma_start3A_353 : memref<128xi32, #tpu.memory_space<vmem>>) semaphore(%dma_start3A_358 : memref<!tpu.dma_semaphore, #tpu.memory_space<semaphore_mem>>)
      } else {
      }
      %mul3A_238 = arith.constant 128 : i32
      %mul3A_239 = arith.muli %add3A_230, %mul3A_238 : i32
      %dma_wait3A_240 = arith.constant 0 : i32
      %dma_wait3A_241 = arith.constant 0 : i32
      %dma_wait3A_242 = arith.constant 0 : i32
      %dma_wait3A_243 = arith.constant 0 : i32
      %dma_wait3A_244 = tpu.memref_slice %arg8[%dma_wait3A_240, %dma_wait3A_242, %dma_wait3A_243] : memref<2x128x128xf32, #tpu.memory_space<vmem>> -> memref<1x128x128xf32, #tpu.memory_space<vmem>>
      %dma_wait3A_245 = tpu.memref_squeeze %dma_wait3A_244 : memref<1x128x128xf32, #tpu.memory_space<vmem>> -> memref<128x128xf32, #tpu.memory_space<vmem>>
      %dma_wait3A_246 = tpu.memref_slice %arg6[%mul3A_239] : memref<10240xi32, #tpu.memory_space<vmem>> -> memref<128xi32, #tpu.memory_space<vmem>>
      %dma_wait3A_247 = arith.constant 0 : i32
      %dma_wait3A_248 = arith.constant 0 : i32
      %dma_wait3A_249 = tpu.memref_slice %arg2[%dma_wait3A_247, %dma_wait3A_248] : memref<10240x128xf32, #tpu.memory_space<hbm>> -> memref<10240x128xf32, #tpu.memory_space<hbm>>
      %dma_wait3A_250 = tpu.memref_slice %arg10[%dma_wait3A_241] : memref<2x!tpu.dma_semaphore, #tpu.memory_space<semaphore_mem>> -> memref<1x!tpu.dma_semaphore, #tpu.memory_space<semaphore_mem>>
      %dma_wait3A_251 = tpu.memref_squeeze %dma_wait3A_250 : memref<1x!tpu.dma_semaphore, #tpu.memory_space<semaphore_mem>> -> memref<!tpu.dma_semaphore, #tpu.memory_space<semaphore_mem>>
      tpu.wait_indirect_dma semaphore(%dma_wait3A_251 : memref<!tpu.dma_semaphore, #tpu.memory_space<semaphore_mem>>) src(%dma_wait3A_249 : memref<10240x128xf32, #tpu.memory_space<hbm>>) dst(%dma_wait3A_245 : memref<128x128xf32, #tpu.memory_space<vmem>>)
      %run_scoped3A_252 = arith.constant 0 : i32
      %run_scoped3A_253 = arith.constant 4 : i32
      "tpu.region"() ({
        %run_scoped3A_343 = tpu.sem_alloc : memref<!tpu.dma_semaphore, #tpu.memory_space<semaphore_mem>>
        %dma_start3A_344 = arith.constant 0 : i32
        %dma_start3A_345 = arith.constant 0 : i32
        %dma_start3A_346 = tpu.memref_slice %arg8[%run_scoped3A_252, %dma_start3A_344, %dma_start3A_345] : memref<2x128x128xf32, #tpu.memory_space<vmem>> -> memref<1x128x128xf32, #tpu.memory_space<vmem>>
        %dma_start3A_347 = tpu.memref_squeeze %dma_start3A_346 : memref<1x128x128xf32, #tpu.memory_space<vmem>> -> memref<128x128xf32, #tpu.memory_space<vmem>>
        %dma_start3A_348 = arith.constant 0 : i32
        %dma_start3A_349 = tpu.memref_slice %arg7[%select_n3A_113, %run_scoped3A_253, %dma_start3A_348] : memref<2x8x128xi32, #tpu.memory_space<vmem>> -> memref<1x1x128xi32, #tpu.memory_space<vmem>>
        %dma_start3A_350 = tpu.memref_squeeze %dma_start3A_349 : memref<1x1x128xi32, #tpu.memory_space<vmem>> -> memref<128xi32, #tpu.memory_space<vmem>>
        %dma_start3A_351 = arith.constant 0 : i32
        %dma_start3A_352 = arith.constant 0 : i32
        %dma_start3A_353 = tpu.memref_slice %arg9[%dma_start3A_351, %dma_start3A_352] : memref<10240x128xf32, #tpu.memory_space<vmem_shared>> -> memref<10240x128xf32, #tpu.memory_space<vmem_shared>>
        tpu.enqueue_indirect_dma source(%dma_start3A_347 : memref<128x128xf32, #tpu.memory_space<vmem>>) target(%dma_start3A_353 : memref<10240x128xf32, #tpu.memory_space<vmem_shared>>) offsets(%dma_start3A_350 : memref<128xi32, #tpu.memory_space<vmem>>) semaphore(%run_scoped3A_343 : memref<!tpu.dma_semaphore, #tpu.memory_space<semaphore_mem>>) {add = true}
        %dma_wait3A_354 = arith.constant 0 : i32
        %dma_wait3A_355 = arith.constant 0 : i32
        %dma_wait3A_356 = tpu.memref_slice %arg8[%run_scoped3A_252, %dma_wait3A_354, %dma_wait3A_355] : memref<2x128x128xf32, #tpu.memory_space<vmem>> -> memref<1x128x128xf32, #tpu.memory_space<vmem>>
        %dma_wait3A_357 = tpu.memref_squeeze %dma_wait3A_356 : memref<1x128x128xf32, #tpu.memory_space<vmem>> -> memref<128x128xf32, #tpu.memory_space<vmem>>
        %dma_wait3A_358 = arith.constant 0 : i32
        %dma_wait3A_359 = tpu.memref_slice %arg7[%select_n3A_113, %run_scoped3A_253, %dma_wait3A_358] : memref<2x8x128xi32, #tpu.memory_space<vmem>> -> memref<1x1x128xi32, #tpu.memory_space<vmem>>
        %dma_wait3A_360 = tpu.memref_squeeze %dma_wait3A_359 : memref<1x1x128xi32, #tpu.memory_space<vmem>> -> memref<128xi32, #tpu.memory_space<vmem>>
        %dma_wait3A_361 = arith.constant 0 : i32
        %dma_wait3A_362 = arith.constant 0 : i32
        %dma_wait3A_363 = tpu.memref_slice %arg9[%dma_wait3A_361, %dma_wait3A_362] : memref<10240x128xf32, #tpu.memory_space<vmem_shared>> -> memref<10240x128xf32, #tpu.memory_space<vmem_shared>>
        tpu.wait_indirect_dma semaphore(%run_scoped3A_343 : memref<!tpu.dma_semaphore, #tpu.memory_space<semaphore_mem>>) src(%dma_wait3A_357 : memref<128x128xf32, #tpu.memory_space<vmem>>) dst(%dma_wait3A_363 : memref<10240x128xf32, #tpu.memory_space<vmem_shared>>)
        tpu.yield
      }) : () -> ()
      %mul3A_254 = arith.constant 8 : i32
      %mul3A_255 = arith.muli %scan3A_103, %mul3A_254 : i32
      %add3A_256 = arith.constant 5 : i32
      %add3A_257 = arith.addi %mul3A_255, %add3A_256 : i32
      %add3A_258 = arith.constant 1 : i32
      %add3A_259 = arith.addi %add3A_257, %add3A_258 : i32
      %lt3A_260 = arith.constant 80 : i32
      %lt3A_261 = arith.cmpi slt, %add3A_259, %lt3A_260 : i32
      %convert_element_type3A_262 = arith.extui %lt3A_261 : i1 to i32
      %cond3A_263 = arith.constant 0 : i32
      %cond3A_264 = arith.cmpi ne, %convert_element_type3A_262, %cond3A_263 : i32
      scf.if %cond3A_264 {
        %add3A_343 = arith.constant 1 : i32
        %add3A_344 = arith.addi %add3A_257, %add3A_343 : i32
        %mul3A_345 = arith.constant 128 : i32
        %mul3A_346 = arith.muli %add3A_344, %mul3A_345 : i32
        %dma_start3A_347 = arith.constant 0 : i32
        %dma_start3A_348 = arith.constant 0 : i32
        %dma_start3A_349 = arith.constant 0 : i32
        %dma_start3A_350 = arith.constant 0 : i32
        %dma_start3A_351 = tpu.memref_slice %arg8[%dma_start3A_347, %dma_start3A_349, %dma_start3A_350] : memref<2x128x128xf32, #tpu.memory_space<vmem>> -> memref<1x128x128xf32, #tpu.memory_space<vmem>>
        %dma_start3A_352 = tpu.memref_squeeze %dma_start3A_351 : memref<1x128x128xf32, #tpu.memory_space<vmem>> -> memref<128x128xf32, #tpu.memory_space<vmem>>
        %dma_start3A_353 = tpu.memref_slice %arg6[%mul3A_346] : memref<10240xi32, #tpu.memory_space<vmem>> -> memref<128xi32, #tpu.memory_space<vmem>>
        %dma_start3A_354 = arith.constant 0 : i32
        %dma_start3A_355 = arith.constant 0 : i32
        %dma_start3A_356 = tpu.memref_slice %arg2[%dma_start3A_354, %dma_start3A_355] : memref<10240x128xf32, #tpu.memory_space<hbm>> -> memref<10240x128xf32, #tpu.memory_space<hbm>>
        %dma_start3A_357 = tpu.memref_slice %arg10[%dma_start3A_348] : memref<2x!tpu.dma_semaphore, #tpu.memory_space<semaphore_mem>> -> memref<1x!tpu.dma_semaphore, #tpu.memory_space<semaphore_mem>>
        %dma_start3A_358 = tpu.memref_squeeze %dma_start3A_357 : memref<1x!tpu.dma_semaphore, #tpu.memory_space<semaphore_mem>> -> memref<!tpu.dma_semaphore, #tpu.memory_space<semaphore_mem>>
        tpu.enqueue_indirect_dma source(%dma_start3A_356 : memref<10240x128xf32, #tpu.memory_space<hbm>>) target(%dma_start3A_352 : memref<128x128xf32, #tpu.memory_space<vmem>>) offsets(%dma_start3A_353 : memref<128xi32, #tpu.memory_space<vmem>>) semaphore(%dma_start3A_358 : memref<!tpu.dma_semaphore, #tpu.memory_space<semaphore_mem>>)
      } else {
      }
      %mul3A_265 = arith.constant 128 : i32
      %mul3A_266 = arith.muli %add3A_257, %mul3A_265 : i32
      %dma_wait3A_267 = arith.constant 1 : i32
      %dma_wait3A_268 = arith.constant 1 : i32
      %dma_wait3A_269 = arith.constant 0 : i32
      %dma_wait3A_270 = arith.constant 0 : i32
      %dma_wait3A_271 = tpu.memref_slice %arg8[%dma_wait3A_267, %dma_wait3A_269, %dma_wait3A_270] : memref<2x128x128xf32, #tpu.memory_space<vmem>> -> memref<1x128x128xf32, #tpu.memory_space<vmem>>
      %dma_wait3A_272 = tpu.memref_squeeze %dma_wait3A_271 : memref<1x128x128xf32, #tpu.memory_space<vmem>> -> memref<128x128xf32, #tpu.memory_space<vmem>>
      %dma_wait3A_273 = tpu.memref_slice %arg6[%mul3A_266] : memref<10240xi32, #tpu.memory_space<vmem>> -> memref<128xi32, #tpu.memory_space<vmem>>
      %dma_wait3A_274 = arith.constant 0 : i32
      %dma_wait3A_275 = arith.constant 0 : i32
      %dma_wait3A_276 = tpu.memref_slice %arg2[%dma_wait3A_274, %dma_wait3A_275] : memref<10240x128xf32, #tpu.memory_space<hbm>> -> memref<10240x128xf32, #tpu.memory_space<hbm>>
      %dma_wait3A_277 = tpu.memref_slice %arg10[%dma_wait3A_268] : memref<2x!tpu.dma_semaphore, #tpu.memory_space<semaphore_mem>> -> memref<1x!tpu.dma_semaphore, #tpu.memory_space<semaphore_mem>>
      %dma_wait3A_278 = tpu.memref_squeeze %dma_wait3A_277 : memref<1x!tpu.dma_semaphore, #tpu.memory_space<semaphore_mem>> -> memref<!tpu.dma_semaphore, #tpu.memory_space<semaphore_mem>>
      tpu.wait_indirect_dma semaphore(%dma_wait3A_278 : memref<!tpu.dma_semaphore, #tpu.memory_space<semaphore_mem>>) src(%dma_wait3A_276 : memref<10240x128xf32, #tpu.memory_space<hbm>>) dst(%dma_wait3A_272 : memref<128x128xf32, #tpu.memory_space<vmem>>)
      %run_scoped3A_279 = arith.constant 1 : i32
      %run_scoped3A_280 = arith.constant 5 : i32
      "tpu.region"() ({
        %run_scoped3A_343 = tpu.sem_alloc : memref<!tpu.dma_semaphore, #tpu.memory_space<semaphore_mem>>
        %dma_start3A_344 = arith.constant 0 : i32
        %dma_start3A_345 = arith.constant 0 : i32
        %dma_start3A_346 = tpu.memref_slice %arg8[%run_scoped3A_279, %dma_start3A_344, %dma_start3A_345] : memref<2x128x128xf32, #tpu.memory_space<vmem>> -> memref<1x128x128xf32, #tpu.memory_space<vmem>>
        %dma_start3A_347 = tpu.memref_squeeze %dma_start3A_346 : memref<1x128x128xf32, #tpu.memory_space<vmem>> -> memref<128x128xf32, #tpu.memory_space<vmem>>
        %dma_start3A_348 = arith.constant 0 : i32
        %dma_start3A_349 = tpu.memref_slice %arg7[%select_n3A_113, %run_scoped3A_280, %dma_start3A_348] : memref<2x8x128xi32, #tpu.memory_space<vmem>> -> memref<1x1x128xi32, #tpu.memory_space<vmem>>
        %dma_start3A_350 = tpu.memref_squeeze %dma_start3A_349 : memref<1x1x128xi32, #tpu.memory_space<vmem>> -> memref<128xi32, #tpu.memory_space<vmem>>
        %dma_start3A_351 = arith.constant 0 : i32
        %dma_start3A_352 = arith.constant 0 : i32
        %dma_start3A_353 = tpu.memref_slice %arg9[%dma_start3A_351, %dma_start3A_352] : memref<10240x128xf32, #tpu.memory_space<vmem_shared>> -> memref<10240x128xf32, #tpu.memory_space<vmem_shared>>
        tpu.enqueue_indirect_dma source(%dma_start3A_347 : memref<128x128xf32, #tpu.memory_space<vmem>>) target(%dma_start3A_353 : memref<10240x128xf32, #tpu.memory_space<vmem_shared>>) offsets(%dma_start3A_350 : memref<128xi32, #tpu.memory_space<vmem>>) semaphore(%run_scoped3A_343 : memref<!tpu.dma_semaphore, #tpu.memory_space<semaphore_mem>>) {add = true}
        %dma_wait3A_354 = arith.constant 0 : i32
        %dma_wait3A_355 = arith.constant 0 : i32
        %dma_wait3A_356 = tpu.memref_slice %arg8[%run_scoped3A_279, %dma_wait3A_354, %dma_wait3A_355] : memref<2x128x128xf32, #tpu.memory_space<vmem>> -> memref<1x128x128xf32, #tpu.memory_space<vmem>>
        %dma_wait3A_357 = tpu.memref_squeeze %dma_wait3A_356 : memref<1x128x128xf32, #tpu.memory_space<vmem>> -> memref<128x128xf32, #tpu.memory_space<vmem>>
        %dma_wait3A_358 = arith.constant 0 : i32
        %dma_wait3A_359 = tpu.memref_slice %arg7[%select_n3A_113, %run_scoped3A_280, %dma_wait3A_358] : memref<2x8x128xi32, #tpu.memory_space<vmem>> -> memref<1x1x128xi32, #tpu.memory_space<vmem>>
        %dma_wait3A_360 = tpu.memref_squeeze %dma_wait3A_359 : memref<1x1x128xi32, #tpu.memory_space<vmem>> -> memref<128xi32, #tpu.memory_space<vmem>>
        %dma_wait3A_361 = arith.constant 0 : i32
        %dma_wait3A_362 = arith.constant 0 : i32
        %dma_wait3A_363 = tpu.memref_slice %arg9[%dma_wait3A_361, %dma_wait3A_362] : memref<10240x128xf32, #tpu.memory_space<vmem_shared>> -> memref<10240x128xf32, #tpu.memory_space<vmem_shared>>
        tpu.wait_indirect_dma semaphore(%run_scoped3A_343 : memref<!tpu.dma_semaphore, #tpu.memory_space<semaphore_mem>>) src(%dma_wait3A_357 : memref<128x128xf32, #tpu.memory_space<vmem>>) dst(%dma_wait3A_363 : memref<10240x128xf32, #tpu.memory_space<vmem_shared>>)
        tpu.yield
      }) : () -> ()
      %mul3A_281 = arith.constant 8 : i32
      %mul3A_282 = arith.muli %scan3A_103, %mul3A_281 : i32
      %add3A_283 = arith.constant 6 : i32
      %add3A_284 = arith.addi %mul3A_282, %add3A_283 : i32
      %add3A_285 = arith.constant 1 : i32
      %add3A_286 = arith.addi %add3A_284, %add3A_285 : i32
      %lt3A_287 = arith.constant 80 : i32
      %lt3A_288 = arith.cmpi slt, %add3A_286, %lt3A_287 : i32
      %convert_element_type3A_289 = arith.extui %lt3A_288 : i1 to i32
      %cond3A_290 = arith.constant 0 : i32
      %cond3A_291 = arith.cmpi ne, %convert_element_type3A_289, %cond3A_290 : i32
      scf.if %cond3A_291 {
        %add3A_343 = arith.constant 1 : i32
        %add3A_344 = arith.addi %add3A_284, %add3A_343 : i32
        %mul3A_345 = arith.constant 128 : i32
        %mul3A_346 = arith.muli %add3A_344, %mul3A_345 : i32
        %dma_start3A_347 = arith.constant 1 : i32
        %dma_start3A_348 = arith.constant 1 : i32
        %dma_start3A_349 = arith.constant 0 : i32
        %dma_start3A_350 = arith.constant 0 : i32
        %dma_start3A_351 = tpu.memref_slice %arg8[%dma_start3A_347, %dma_start3A_349, %dma_start3A_350] : memref<2x128x128xf32, #tpu.memory_space<vmem>> -> memref<1x128x128xf32, #tpu.memory_space<vmem>>
        %dma_start3A_352 = tpu.memref_squeeze %dma_start3A_351 : memref<1x128x128xf32, #tpu.memory_space<vmem>> -> memref<128x128xf32, #tpu.memory_space<vmem>>
        %dma_start3A_353 = tpu.memref_slice %arg6[%mul3A_346] : memref<10240xi32, #tpu.memory_space<vmem>> -> memref<128xi32, #tpu.memory_space<vmem>>
        %dma_start3A_354 = arith.constant 0 : i32
        %dma_start3A_355 = arith.constant 0 : i32
        %dma_start3A_356 = tpu.memref_slice %arg2[%dma_start3A_354, %dma_start3A_355] : memref<10240x128xf32, #tpu.memory_space<hbm>> -> memref<10240x128xf32, #tpu.memory_space<hbm>>
        %dma_start3A_357 = tpu.memref_slice %arg10[%dma_start3A_348] : memref<2x!tpu.dma_semaphore, #tpu.memory_space<semaphore_mem>> -> memref<1x!tpu.dma_semaphore, #tpu.memory_space<semaphore_mem>>
        %dma_start3A_358 = tpu.memref_squeeze %dma_start3A_357 : memref<1x!tpu.dma_semaphore, #tpu.memory_space<semaphore_mem>> -> memref<!tpu.dma_semaphore, #tpu.memory_space<semaphore_mem>>
        tpu.enqueue_indirect_dma source(%dma_start3A_356 : memref<10240x128xf32, #tpu.memory_space<hbm>>) target(%dma_start3A_352 : memref<128x128xf32, #tpu.memory_space<vmem>>) offsets(%dma_start3A_353 : memref<128xi32, #tpu.memory_space<vmem>>) semaphore(%dma_start3A_358 : memref<!tpu.dma_semaphore, #tpu.memory_space<semaphore_mem>>)
      } else {
      }
      %mul3A_292 = arith.constant 128 : i32
      %mul3A_293 = arith.muli %add3A_284, %mul3A_292 : i32
      %dma_wait3A_294 = arith.constant 0 : i32
      %dma_wait3A_295 = arith.constant 0 : i32
      %dma_wait3A_296 = arith.constant 0 : i32
      %dma_wait3A_297 = arith.constant 0 : i32
      %dma_wait3A_298 = tpu.memref_slice %arg8[%dma_wait3A_294, %dma_wait3A_296, %dma_wait3A_297] : memref<2x128x128xf32, #tpu.memory_space<vmem>> -> memref<1x128x128xf32, #tpu.memory_space<vmem>>
      %dma_wait3A_299 = tpu.memref_squeeze %dma_wait3A_298 : memref<1x128x128xf32, #tpu.memory_space<vmem>> -> memref<128x128xf32, #tpu.memory_space<vmem>>
      %dma_wait3A_300 = tpu.memref_slice %arg6[%mul3A_293] : memref<10240xi32, #tpu.memory_space<vmem>> -> memref<128xi32, #tpu.memory_space<vmem>>
      %dma_wait3A_301 = arith.constant 0 : i32
      %dma_wait3A_302 = arith.constant 0 : i32
      %dma_wait3A_303 = tpu.memref_slice %arg2[%dma_wait3A_301, %dma_wait3A_302] : memref<10240x128xf32, #tpu.memory_space<hbm>> -> memref<10240x128xf32, #tpu.memory_space<hbm>>
      %dma_wait3A_304 = tpu.memref_slice %arg10[%dma_wait3A_295] : memref<2x!tpu.dma_semaphore, #tpu.memory_space<semaphore_mem>> -> memref<1x!tpu.dma_semaphore, #tpu.memory_space<semaphore_mem>>
      %dma_wait3A_305 = tpu.memref_squeeze %dma_wait3A_304 : memref<1x!tpu.dma_semaphore, #tpu.memory_space<semaphore_mem>> -> memref<!tpu.dma_semaphore, #tpu.memory_space<semaphore_mem>>
      tpu.wait_indirect_dma semaphore(%dma_wait3A_305 : memref<!tpu.dma_semaphore, #tpu.memory_space<semaphore_mem>>) src(%dma_wait3A_303 : memref<10240x128xf32, #tpu.memory_space<hbm>>) dst(%dma_wait3A_299 : memref<128x128xf32, #tpu.memory_space<vmem>>)
      %run_scoped3A_306 = arith.constant 0 : i32
      %run_scoped3A_307 = arith.constant 6 : i32
      "tpu.region"() ({
        %run_scoped3A_343 = tpu.sem_alloc : memref<!tpu.dma_semaphore, #tpu.memory_space<semaphore_mem>>
        %dma_start3A_344 = arith.constant 0 : i32
        %dma_start3A_345 = arith.constant 0 : i32
        %dma_start3A_346 = tpu.memref_slice %arg8[%run_scoped3A_306, %dma_start3A_344, %dma_start3A_345] : memref<2x128x128xf32, #tpu.memory_space<vmem>> -> memref<1x128x128xf32, #tpu.memory_space<vmem>>
        %dma_start3A_347 = tpu.memref_squeeze %dma_start3A_346 : memref<1x128x128xf32, #tpu.memory_space<vmem>> -> memref<128x128xf32, #tpu.memory_space<vmem>>
        %dma_start3A_348 = arith.constant 0 : i32
        %dma_start3A_349 = tpu.memref_slice %arg7[%select_n3A_113, %run_scoped3A_307, %dma_start3A_348] : memref<2x8x128xi32, #tpu.memory_space<vmem>> -> memref<1x1x128xi32, #tpu.memory_space<vmem>>
        %dma_start3A_350 = tpu.memref_squeeze %dma_start3A_349 : memref<1x1x128xi32, #tpu.memory_space<vmem>> -> memref<128xi32, #tpu.memory_space<vmem>>
        %dma_start3A_351 = arith.constant 0 : i32
        %dma_start3A_352 = arith.constant 0 : i32
        %dma_start3A_353 = tpu.memref_slice %arg9[%dma_start3A_351, %dma_start3A_352] : memref<10240x128xf32, #tpu.memory_space<vmem_shared>> -> memref<10240x128xf32, #tpu.memory_space<vmem_shared>>
        tpu.enqueue_indirect_dma source(%dma_start3A_347 : memref<128x128xf32, #tpu.memory_space<vmem>>) target(%dma_start3A_353 : memref<10240x128xf32, #tpu.memory_space<vmem_shared>>) offsets(%dma_start3A_350 : memref<128xi32, #tpu.memory_space<vmem>>) semaphore(%run_scoped3A_343 : memref<!tpu.dma_semaphore, #tpu.memory_space<semaphore_mem>>) {add = true}
        %dma_wait3A_354 = arith.constant 0 : i32
        %dma_wait3A_355 = arith.constant 0 : i32
        %dma_wait3A_356 = tpu.memref_slice %arg8[%run_scoped3A_306, %dma_wait3A_354, %dma_wait3A_355] : memref<2x128x128xf32, #tpu.memory_space<vmem>> -> memref<1x128x128xf32, #tpu.memory_space<vmem>>
        %dma_wait3A_357 = tpu.memref_squeeze %dma_wait3A_356 : memref<1x128x128xf32, #tpu.memory_space<vmem>> -> memref<128x128xf32, #tpu.memory_space<vmem>>
        %dma_wait3A_358 = arith.constant 0 : i32
        %dma_wait3A_359 = tpu.memref_slice %arg7[%select_n3A_113, %run_scoped3A_307, %dma_wait3A_358] : memref<2x8x128xi32, #tpu.memory_space<vmem>> -> memref<1x1x128xi32, #tpu.memory_space<vmem>>
        %dma_wait3A_360 = tpu.memref_squeeze %dma_wait3A_359 : memref<1x1x128xi32, #tpu.memory_space<vmem>> -> memref<128xi32, #tpu.memory_space<vmem>>
        %dma_wait3A_361 = arith.constant 0 : i32
        %dma_wait3A_362 = arith.constant 0 : i32
        %dma_wait3A_363 = tpu.memref_slice %arg9[%dma_wait3A_361, %dma_wait3A_362] : memref<10240x128xf32, #tpu.memory_space<vmem_shared>> -> memref<10240x128xf32, #tpu.memory_space<vmem_shared>>
        tpu.wait_indirect_dma semaphore(%run_scoped3A_343 : memref<!tpu.dma_semaphore, #tpu.memory_space<semaphore_mem>>) src(%dma_wait3A_357 : memref<128x128xf32, #tpu.memory_space<vmem>>) dst(%dma_wait3A_363 : memref<10240x128xf32, #tpu.memory_space<vmem_shared>>)
        tpu.yield
      }) : () -> ()
      %mul3A_308 = arith.constant 8 : i32
      %mul3A_309 = arith.muli %scan3A_103, %mul3A_308 : i32
      %add3A_310 = arith.constant 7 : i32
      %add3A_311 = arith.addi %mul3A_309, %add3A_310 : i32
      %add3A_312 = arith.constant 1 : i32
      %add3A_313 = arith.addi %add3A_311, %add3A_312 : i32
      %lt3A_314 = arith.constant 80 : i32
      %lt3A_315 = arith.cmpi slt, %add3A_313, %lt3A_314 : i32
      %convert_element_type3A_316 = arith.extui %lt3A_315 : i1 to i32
      %cond3A_317 = arith.constant 0 : i32
      %cond3A_318 = arith.cmpi ne, %convert_element_type3A_316, %cond3A_317 : i32
      scf.if %cond3A_318 {
        %add3A_343 = arith.constant 1 : i32
        %add3A_344 = arith.addi %add3A_311, %add3A_343 : i32
        %mul3A_345 = arith.constant 128 : i32
        %mul3A_346 = arith.muli %add3A_344, %mul3A_345 : i32
        %dma_start3A_347 = arith.constant 0 : i32
        %dma_start3A_348 = arith.constant 0 : i32
        %dma_start3A_349 = arith.constant 0 : i32
        %dma_start3A_350 = arith.constant 0 : i32
        %dma_start3A_351 = tpu.memref_slice %arg8[%dma_start3A_347, %dma_start3A_349, %dma_start3A_350] : memref<2x128x128xf32, #tpu.memory_space<vmem>> -> memref<1x128x128xf32, #tpu.memory_space<vmem>>
        %dma_start3A_352 = tpu.memref_squeeze %dma_start3A_351 : memref<1x128x128xf32, #tpu.memory_space<vmem>> -> memref<128x128xf32, #tpu.memory_space<vmem>>
        %dma_start3A_353 = tpu.memref_slice %arg6[%mul3A_346] : memref<10240xi32, #tpu.memory_space<vmem>> -> memref<128xi32, #tpu.memory_space<vmem>>
        %dma_start3A_354 = arith.constant 0 : i32
        %dma_start3A_355 = arith.constant 0 : i32
        %dma_start3A_356 = tpu.memref_slice %arg2[%dma_start3A_354, %dma_start3A_355] : memref<10240x128xf32, #tpu.memory_space<hbm>> -> memref<10240x128xf32, #tpu.memory_space<hbm>>
        %dma_start3A_357 = tpu.memref_slice %arg10[%dma_start3A_348] : memref<2x!tpu.dma_semaphore, #tpu.memory_space<semaphore_mem>> -> memref<1x!tpu.dma_semaphore, #tpu.memory_space<semaphore_mem>>
        %dma_start3A_358 = tpu.memref_squeeze %dma_start3A_357 : memref<1x!tpu.dma_semaphore, #tpu.memory_space<semaphore_mem>> -> memref<!tpu.dma_semaphore, #tpu.memory_space<semaphore_mem>>
        tpu.enqueue_indirect_dma source(%dma_start3A_356 : memref<10240x128xf32, #tpu.memory_space<hbm>>) target(%dma_start3A_352 : memref<128x128xf32, #tpu.memory_space<vmem>>) offsets(%dma_start3A_353 : memref<128xi32, #tpu.memory_space<vmem>>) semaphore(%dma_start3A_358 : memref<!tpu.dma_semaphore, #tpu.memory_space<semaphore_mem>>)
      } else {
      }
      %mul3A_319 = arith.constant 128 : i32
      %mul3A_320 = arith.muli %add3A_311, %mul3A_319 : i32
      %dma_wait3A_321 = arith.constant 1 : i32
      %dma_wait3A_322 = arith.constant 1 : i32
      %dma_wait3A_323 = arith.constant 0 : i32
      %dma_wait3A_324 = arith.constant 0 : i32
      %dma_wait3A_325 = tpu.memref_slice %arg8[%dma_wait3A_321, %dma_wait3A_323, %dma_wait3A_324] : memref<2x128x128xf32, #tpu.memory_space<vmem>> -> memref<1x128x128xf32, #tpu.memory_space<vmem>>
      %dma_wait3A_326 = tpu.memref_squeeze %dma_wait3A_325 : memref<1x128x128xf32, #tpu.memory_space<vmem>> -> memref<128x128xf32, #tpu.memory_space<vmem>>
      %dma_wait3A_327 = tpu.memref_slice %arg6[%mul3A_320] : memref<10240xi32, #tpu.memory_space<vmem>> -> memref<128xi32, #tpu.memory_space<vmem>>
      %dma_wait3A_328 = arith.constant 0 : i32
      %dma_wait3A_329 = arith.constant 0 : i32
      %dma_wait3A_330 = tpu.memref_slice %arg2[%dma_wait3A_328, %dma_wait3A_329] : memref<10240x128xf32, #tpu.memory_space<hbm>> -> memref<10240x128xf32, #tpu.memory_space<hbm>>
      %dma_wait3A_331 = tpu.memref_slice %arg10[%dma_wait3A_322] : memref<2x!tpu.dma_semaphore, #tpu.memory_space<semaphore_mem>> -> memref<1x!tpu.dma_semaphore, #tpu.memory_space<semaphore_mem>>
      %dma_wait3A_332 = tpu.memref_squeeze %dma_wait3A_331 : memref<1x!tpu.dma_semaphore, #tpu.memory_space<semaphore_mem>> -> memref<!tpu.dma_semaphore, #tpu.memory_space<semaphore_mem>>
      tpu.wait_indirect_dma semaphore(%dma_wait3A_332 : memref<!tpu.dma_semaphore, #tpu.memory_space<semaphore_mem>>) src(%dma_wait3A_330 : memref<10240x128xf32, #tpu.memory_space<hbm>>) dst(%dma_wait3A_326 : memref<128x128xf32, #tpu.memory_space<vmem>>)
      %run_scoped3A_333 = arith.constant 1 : i32
      %run_scoped3A_334 = arith.constant 7 : i32
      "tpu.region"() ({
        %run_scoped3A_343 = tpu.sem_alloc : memref<!tpu.dma_semaphore, #tpu.memory_space<semaphore_mem>>
        %dma_start3A_344 = arith.constant 0 : i32
        %dma_start3A_345 = arith.constant 0 : i32
        %dma_start3A_346 = tpu.memref_slice %arg8[%run_scoped3A_333, %dma_start3A_344, %dma_start3A_345] : memref<2x128x128xf32, #tpu.memory_space<vmem>> -> memref<1x128x128xf32, #tpu.memory_space<vmem>>
        %dma_start3A_347 = tpu.memref_squeeze %dma_start3A_346 : memref<1x128x128xf32, #tpu.memory_space<vmem>> -> memref<128x128xf32, #tpu.memory_space<vmem>>
        %dma_start3A_348 = arith.constant 0 : i32
        %dma_start3A_349 = tpu.memref_slice %arg7[%select_n3A_113, %run_scoped3A_334, %dma_start3A_348] : memref<2x8x128xi32, #tpu.memory_space<vmem>> -> memref<1x1x128xi32, #tpu.memory_space<vmem>>
        %dma_start3A_350 = tpu.memref_squeeze %dma_start3A_349 : memref<1x1x128xi32, #tpu.memory_space<vmem>> -> memref<128xi32, #tpu.memory_space<vmem>>
        %dma_start3A_351 = arith.constant 0 : i32
        %dma_start3A_352 = arith.constant 0 : i32
        %dma_start3A_353 = tpu.memref_slice %arg9[%dma_start3A_351, %dma_start3A_352] : memref<10240x128xf32, #tpu.memory_space<vmem_shared>> -> memref<10240x128xf32, #tpu.memory_space<vmem_shared>>
        tpu.enqueue_indirect_dma source(%dma_start3A_347 : memref<128x128xf32, #tpu.memory_space<vmem>>) target(%dma_start3A_353 : memref<10240x128xf32, #tpu.memory_space<vmem_shared>>) offsets(%dma_start3A_350 : memref<128xi32, #tpu.memory_space<vmem>>) semaphore(%run_scoped3A_343 : memref<!tpu.dma_semaphore, #tpu.memory_space<semaphore_mem>>) {add = true}
        %dma_wait3A_354 = arith.constant 0 : i32
        %dma_wait3A_355 = arith.constant 0 : i32
        %dma_wait3A_356 = tpu.memref_slice %arg8[%run_scoped3A_333, %dma_wait3A_354, %dma_wait3A_355] : memref<2x128x128xf32, #tpu.memory_space<vmem>> -> memref<1x128x128xf32, #tpu.memory_space<vmem>>
        %dma_wait3A_357 = tpu.memref_squeeze %dma_wait3A_356 : memref<1x128x128xf32, #tpu.memory_space<vmem>> -> memref<128x128xf32, #tpu.memory_space<vmem>>
        %dma_wait3A_358 = arith.constant 0 : i32
        %dma_wait3A_359 = tpu.memref_slice %arg7[%select_n3A_113, %run_scoped3A_334, %dma_wait3A_358] : memref<2x8x128xi32, #tpu.memory_space<vmem>> -> memref<1x1x128xi32, #tpu.memory_space<vmem>>
        %dma_wait3A_360 = tpu.memref_squeeze %dma_wait3A_359 : memref<1x1x128xi32, #tpu.memory_space<vmem>> -> memref<128xi32, #tpu.memory_space<vmem>>
        %dma_wait3A_361 = arith.constant 0 : i32
        %dma_wait3A_362 = arith.constant 0 : i32
        %dma_wait3A_363 = tpu.memref_slice %arg9[%dma_wait3A_361, %dma_wait3A_362] : memref<10240x128xf32, #tpu.memory_space<vmem_shared>> -> memref<10240x128xf32, #tpu.memory_space<vmem_shared>>
        tpu.wait_indirect_dma semaphore(%run_scoped3A_343 : memref<!tpu.dma_semaphore, #tpu.memory_space<semaphore_mem>>) src(%dma_wait3A_357 : memref<128x128xf32, #tpu.memory_space<vmem>>) dst(%dma_wait3A_363 : memref<10240x128xf32, #tpu.memory_space<vmem_shared>>)
        tpu.yield
      }) : () -> ()
      %add3A_335 = arith.constant 1 : i32
      %add3A_336 = arith.addi %scan3A_103, %add3A_335 : i32
      %lt3A_337 = arith.constant 10 : i32
      %lt3A_338 = arith.cmpi slt, %add3A_336, %lt3A_337 : i32
      %convert_element_type3A_339 = arith.extui %lt3A_338 : i1 to i32
      %cond3A_340 = arith.constant 0 : i32
      %cond3A_341 = arith.cmpi ne, %convert_element_type3A_339, %cond3A_340 : i32
      scf.if %cond3A_341 {
        %add3A_343 = arith.constant 1 : i32
        %add3A_344 = arith.addi %scan3A_103, %add3A_343 : i32
        %mul3A_345 = arith.constant 8 : i32
        %mul3A_346 = arith.muli %add3A_344, %mul3A_345 : i32
        %sub3A = arith.constant 1 : i32
        %sub3A_347 = arith.subi %sub3A, %select_n3A_113 : i32
        %dma_wait3A_348 = arith.constant 0 : i32
        %dma_wait3A_349 = arith.constant 0 : i32
        %dma_wait3A_350 = tpu.memref_slice %arg7[%sub3A_347, %dma_wait3A_348, %dma_wait3A_349] : memref<2x8x128xi32, #tpu.memory_space<vmem>> -> memref<1x8x128xi32, #tpu.memory_space<vmem>>
        %dma_wait3A_351 = tpu.memref_squeeze %dma_wait3A_350 : memref<1x8x128xi32, #tpu.memory_space<vmem>> -> memref<8x128xi32, #tpu.memory_space<vmem>>
        %dma_wait3A_352 = arith.constant 0 : i32
        %dma_wait3A_353 = tpu.memref_slice %arg4[%add3A, %mul3A_346, %dma_wait3A_352] : memref<32x80x128xi32, #tpu.memory_space<hbm>> -> memref<1x8x128xi32, #tpu.memory_space<hbm>>
        %dma_wait3A_354 = tpu.memref_squeeze %dma_wait3A_353 : memref<1x8x128xi32, #tpu.memory_space<hbm>> -> memref<8x128xi32, #tpu.memory_space<hbm>>
        %dma_wait3A_355 = arith.constant 0 : i32
        %dma_wait3A_356 = arith.constant 0 : i32
        %dma_wait3A_357 = tpu.memref_slice %arg7[%sub3A_347, %dma_wait3A_355, %dma_wait3A_356] : memref<2x8x128xi32, #tpu.memory_space<vmem>> -> memref<1x8x128xi32, #tpu.memory_space<vmem>>
        %dma_wait3A_358 = tpu.memref_squeeze %dma_wait3A_357 : memref<1x8x128xi32, #tpu.memory_space<vmem>> -> memref<8x128xi32, #tpu.memory_space<vmem>>
        %dma_wait3A_359 = arith.constant 0 : i32
        %dma_wait3A_360 = tpu.memref_slice %arg4[%add3A, %mul3A_346, %dma_wait3A_359] : memref<32x80x128xi32, #tpu.memory_space<hbm>> -> memref<1x8x128xi32, #tpu.memory_space<hbm>>
        %dma_wait3A_361 = tpu.memref_squeeze %dma_wait3A_360 : memref<1x8x128xi32, #tpu.memory_space<hbm>> -> memref<8x128xi32, #tpu.memory_space<hbm>>
        tpu.wait_dma2 semaphore(%arg11 : memref<!tpu.dma_semaphore, #tpu.memory_space<semaphore_mem>>) src(%dma_wait3A_361 : memref<8x128xi32, #tpu.memory_space<hbm>>) dst(%dma_wait3A_358 : memref<8x128xi32, #tpu.memory_space<vmem>>)
      } else {
      }
      %scan3A_342 = arith.constant 0 : i32
      scf.yield %scan3A_342 : i32
    }
    %scan3A_61 = arith.constant 10 : i32
    %barrier3A_62 = arith.constant 0 : index
    tpu.barrier barrier_id(%barrier3A_62)
    %mul3A_63 = arith.constant 640 : i32
    %mul3A_64 = arith.muli %arg1, %mul3A_63 : i32
    %add3A_65 = arith.constant 0 : i32
    %add3A_66 = arith.addi %mul3A_64, %add3A_65 : i32
    %mul3A_67 = arith.constant 640 : i32
    %mul3A_68 = arith.muli %arg1, %mul3A_67 : i32
    %add3A_69 = arith.constant 0 : i32
    %add3A_70 = arith.addi %mul3A_68, %add3A_69 : i32
    "tpu.region"() ({
      %run_scoped3A_103 = tpu.sem_alloc : memref<!tpu.dma_semaphore, #tpu.memory_space<semaphore_mem>>
      %dma_start3A_104 = arith.constant 0 : i32
      %dma_start3A_105 = tpu.memref_slice %arg5[%arg0, %add3A_70, %dma_start3A_104] : memref<2x10240x128xf32, #tpu.memory_space<hbm>> -> memref<1x128x128xf32, #tpu.memory_space<hbm>>
      %dma_start3A_106 = tpu.memref_squeeze %dma_start3A_105 : memref<1x128x128xf32, #tpu.memory_space<hbm>> -> memref<128x128xf32, #tpu.memory_space<hbm>>
      %dma_start3A_107 = arith.constant 0 : i32
      %dma_start3A_108 = tpu.memref_slice %arg9[%add3A_66, %dma_start3A_107] : memref<10240x128xf32, #tpu.memory_space<vmem_shared>> -> memref<128x128xf32, #tpu.memory_space<vmem_shared>>
      tpu.enqueue_dma source(%dma_start3A_108 : memref<128x128xf32, #tpu.memory_space<vmem_shared>>) target(%dma_start3A_106 : memref<128x128xf32, #tpu.memory_space<hbm>>) target_semaphore(%run_scoped3A_103 : memref<!tpu.dma_semaphore, #tpu.memory_space<semaphore_mem>>)
      %dma_wait3A_109 = arith.constant 0 : i32
      %dma_wait3A_110 = tpu.memref_slice %arg5[%arg0, %add3A_70, %dma_wait3A_109] : memref<2x10240x128xf32, #tpu.memory_space<hbm>> -> memref<1x128x128xf32, #tpu.memory_space<hbm>>
      %dma_wait3A_111 = tpu.memref_squeeze %dma_wait3A_110 : memref<1x128x128xf32, #tpu.memory_space<hbm>> -> memref<128x128xf32, #tpu.memory_space<hbm>>
      %dma_wait3A_112 = arith.constant 0 : i32
      %dma_wait3A_113 = tpu.memref_slice %arg9[%add3A_66, %dma_wait3A_112] : memref<10240x128xf32, #tpu.memory_space<vmem_shared>> -> memref<128x128xf32, #tpu.memory_space<vmem_shared>>
      tpu.wait_dma2 semaphore(%run_scoped3A_103 : memref<!tpu.dma_semaphore, #tpu.memory_space<semaphore_mem>>) src(%dma_wait3A_113 : memref<128x128xf32, #tpu.memory_space<vmem_shared>>) dst(%dma_wait3A_111 : memref<128x128xf32, #tpu.memory_space<hbm>>)
      tpu.yield
    }) : () -> ()
    %mul3A_71 = arith.constant 640 : i32
    %mul3A_72 = arith.muli %arg1, %mul3A_71 : i32
    %add3A_73 = arith.constant 128 : i32
    %add3A_74 = arith.addi %mul3A_72, %add3A_73 : i32
    %mul3A_75 = arith.constant 640 : i32
    %mul3A_76 = arith.muli %arg1, %mul3A_75 : i32
    %add3A_77 = arith.constant 128 : i32
    %add3A_78 = arith.addi %mul3A_76, %add3A_77 : i32
    "tpu.region"() ({
      %run_scoped3A_103 = tpu.sem_alloc : memref<!tpu.dma_semaphore, #tpu.memory_space<semaphore_mem>>
      %dma_start3A_104 = arith.constant 0 : i32
      %dma_start3A_105 = tpu.memref_slice %arg5[%arg0, %add3A_78, %dma_start3A_104] : memref<2x10240x128xf32, #tpu.memory_space<hbm>> -> memref<1x128x128xf32, #tpu.memory_space<hbm>>
      %dma_start3A_106 = tpu.memref_squeeze %dma_start3A_105 : memref<1x128x128xf32, #tpu.memory_space<hbm>> -> memref<128x128xf32, #tpu.memory_space<hbm>>
      %dma_start3A_107 = arith.constant 0 : i32
      %dma_start3A_108 = tpu.memref_slice %arg9[%add3A_74, %dma_start3A_107] : memref<10240x128xf32, #tpu.memory_space<vmem_shared>> -> memref<128x128xf32, #tpu.memory_space<vmem_shared>>
      tpu.enqueue_dma source(%dma_start3A_108 : memref<128x128xf32, #tpu.memory_space<vmem_shared>>) target(%dma_start3A_106 : memref<128x128xf32, #tpu.memory_space<hbm>>) target_semaphore(%run_scoped3A_103 : memref<!tpu.dma_semaphore, #tpu.memory_space<semaphore_mem>>)
      %dma_wait3A_109 = arith.constant 0 : i32
      %dma_wait3A_110 = tpu.memref_slice %arg5[%arg0, %add3A_78, %dma_wait3A_109] : memref<2x10240x128xf32, #tpu.memory_space<hbm>> -> memref<1x128x128xf32, #tpu.memory_space<hbm>>
      %dma_wait3A_111 = tpu.memref_squeeze %dma_wait3A_110 : memref<1x128x128xf32, #tpu.memory_space<hbm>> -> memref<128x128xf32, #tpu.memory_space<hbm>>
      %dma_wait3A_112 = arith.constant 0 : i32
      %dma_wait3A_113 = tpu.memref_slice %arg9[%add3A_74, %dma_wait3A_112] : memref<10240x128xf32, #tpu.memory_space<vmem_shared>> -> memref<128x128xf32, #tpu.memory_space<vmem_shared>>
      tpu.wait_dma2 semaphore(%run_scoped3A_103 : memref<!tpu.dma_semaphore, #tpu.memory_space<semaphore_mem>>) src(%dma_wait3A_113 : memref<128x128xf32, #tpu.memory_space<vmem_shared>>) dst(%dma_wait3A_111 : memref<128x128xf32, #tpu.memory_space<hbm>>)
      tpu.yield
    }) : () -> ()
    %mul3A_79 = arith.constant 640 : i32
    %mul3A_80 = arith.muli %arg1, %mul3A_79 : i32
    %add3A_81 = arith.constant 256 : i32
    %add3A_82 = arith.addi %mul3A_80, %add3A_81 : i32
    %mul3A_83 = arith.constant 640 : i32
    %mul3A_84 = arith.muli %arg1, %mul3A_83 : i32
    %add3A_85 = arith.constant 256 : i32
    %add3A_86 = arith.addi %mul3A_84, %add3A_85 : i32
    "tpu.region"() ({
      %run_scoped3A_103 = tpu.sem_alloc : memref<!tpu.dma_semaphore, #tpu.memory_space<semaphore_mem>>
      %dma_start3A_104 = arith.constant 0 : i32
      %dma_start3A_105 = tpu.memref_slice %arg5[%arg0, %add3A_86, %dma_start3A_104] : memref<2x10240x128xf32, #tpu.memory_space<hbm>> -> memref<1x128x128xf32, #tpu.memory_space<hbm>>
      %dma_start3A_106 = tpu.memref_squeeze %dma_start3A_105 : memref<1x128x128xf32, #tpu.memory_space<hbm>> -> memref<128x128xf32, #tpu.memory_space<hbm>>
      %dma_start3A_107 = arith.constant 0 : i32
      %dma_start3A_108 = tpu.memref_slice %arg9[%add3A_82, %dma_start3A_107] : memref<10240x128xf32, #tpu.memory_space<vmem_shared>> -> memref<128x128xf32, #tpu.memory_space<vmem_shared>>
      tpu.enqueue_dma source(%dma_start3A_108 : memref<128x128xf32, #tpu.memory_space<vmem_shared>>) target(%dma_start3A_106 : memref<128x128xf32, #tpu.memory_space<hbm>>) target_semaphore(%run_scoped3A_103 : memref<!tpu.dma_semaphore, #tpu.memory_space<semaphore_mem>>)
      %dma_wait3A_109 = arith.constant 0 : i32
      %dma_wait3A_110 = tpu.memref_slice %arg5[%arg0, %add3A_86, %dma_wait3A_109] : memref<2x10240x128xf32, #tpu.memory_space<hbm>> -> memref<1x128x128xf32, #tpu.memory_space<hbm>>
      %dma_wait3A_111 = tpu.memref_squeeze %dma_wait3A_110 : memref<1x128x128xf32, #tpu.memory_space<hbm>> -> memref<128x128xf32, #tpu.memory_space<hbm>>
      %dma_wait3A_112 = arith.constant 0 : i32
      %dma_wait3A_113 = tpu.memref_slice %arg9[%add3A_82, %dma_wait3A_112] : memref<10240x128xf32, #tpu.memory_space<vmem_shared>> -> memref<128x128xf32, #tpu.memory_space<vmem_shared>>
      tpu.wait_dma2 semaphore(%run_scoped3A_103 : memref<!tpu.dma_semaphore, #tpu.memory_space<semaphore_mem>>) src(%dma_wait3A_113 : memref<128x128xf32, #tpu.memory_space<vmem_shared>>) dst(%dma_wait3A_111 : memref<128x128xf32, #tpu.memory_space<hbm>>)
      tpu.yield
    }) : () -> ()
    %mul3A_87 = arith.constant 640 : i32
    %mul3A_88 = arith.muli %arg1, %mul3A_87 : i32
    %add3A_89 = arith.constant 384 : i32
    %add3A_90 = arith.addi %mul3A_88, %add3A_89 : i32
    %mul3A_91 = arith.constant 640 : i32
    %mul3A_92 = arith.muli %arg1, %mul3A_91 : i32
    %add3A_93 = arith.constant 384 : i32
    %add3A_94 = arith.addi %mul3A_92, %add3A_93 : i32
    "tpu.region"() ({
      %run_scoped3A_103 = tpu.sem_alloc : memref<!tpu.dma_semaphore, #tpu.memory_space<semaphore_mem>>
      %dma_start3A_104 = arith.constant 0 : i32
      %dma_start3A_105 = tpu.memref_slice %arg5[%arg0, %add3A_94, %dma_start3A_104] : memref<2x10240x128xf32, #tpu.memory_space<hbm>> -> memref<1x128x128xf32, #tpu.memory_space<hbm>>
      %dma_start3A_106 = tpu.memref_squeeze %dma_start3A_105 : memref<1x128x128xf32, #tpu.memory_space<hbm>> -> memref<128x128xf32, #tpu.memory_space<hbm>>
      %dma_start3A_107 = arith.constant 0 : i32
      %dma_start3A_108 = tpu.memref_slice %arg9[%add3A_90, %dma_start3A_107] : memref<10240x128xf32, #tpu.memory_space<vmem_shared>> -> memref<128x128xf32, #tpu.memory_space<vmem_shared>>
      tpu.enqueue_dma source(%dma_start3A_108 : memref<128x128xf32, #tpu.memory_space<vmem_shared>>) target(%dma_start3A_106 : memref<128x128xf32, #tpu.memory_space<hbm>>) target_semaphore(%run_scoped3A_103 : memref<!tpu.dma_semaphore, #tpu.memory_space<semaphore_mem>>)
      %dma_wait3A_109 = arith.constant 0 : i32
      %dma_wait3A_110 = tpu.memref_slice %arg5[%arg0, %add3A_94, %dma_wait3A_109] : memref<2x10240x128xf32, #tpu.memory_space<hbm>> -> memref<1x128x128xf32, #tpu.memory_space<hbm>>
      %dma_wait3A_111 = tpu.memref_squeeze %dma_wait3A_110 : memref<1x128x128xf32, #tpu.memory_space<hbm>> -> memref<128x128xf32, #tpu.memory_space<hbm>>
      %dma_wait3A_112 = arith.constant 0 : i32
      %dma_wait3A_113 = tpu.memref_slice %arg9[%add3A_90, %dma_wait3A_112] : memref<10240x128xf32, #tpu.memory_space<vmem_shared>> -> memref<128x128xf32, #tpu.memory_space<vmem_shared>>
      tpu.wait_dma2 semaphore(%run_scoped3A_103 : memref<!tpu.dma_semaphore, #tpu.memory_space<semaphore_mem>>) src(%dma_wait3A_113 : memref<128x128xf32, #tpu.memory_space<vmem_shared>>) dst(%dma_wait3A_111 : memref<128x128xf32, #tpu.memory_space<hbm>>)
      tpu.yield
    }) : () -> ()
    %mul3A_95 = arith.constant 640 : i32
    %mul3A_96 = arith.muli %arg1, %mul3A_95 : i32
    %add3A_97 = arith.constant 512 : i32
    %add3A_98 = arith.addi %mul3A_96, %add3A_97 : i32
    %mul3A_99 = arith.constant 640 : i32
    %mul3A_100 = arith.muli %arg1, %mul3A_99 : i32
    %add3A_101 = arith.constant 512 : i32
    %add3A_102 = arith.addi %mul3A_100, %add3A_101 : i32
    "tpu.region"() ({
      %run_scoped3A_103 = tpu.sem_alloc : memref<!tpu.dma_semaphore, #tpu.memory_space<semaphore_mem>>
      %dma_start3A_104 = arith.constant 0 : i32
      %dma_start3A_105 = tpu.memref_slice %arg5[%arg0, %add3A_102, %dma_start3A_104] : memref<2x10240x128xf32, #tpu.memory_space<hbm>> -> memref<1x128x128xf32, #tpu.memory_space<hbm>>
      %dma_start3A_106 = tpu.memref_squeeze %dma_start3A_105 : memref<1x128x128xf32, #tpu.memory_space<hbm>> -> memref<128x128xf32, #tpu.memory_space<hbm>>
      %dma_start3A_107 = arith.constant 0 : i32
      %dma_start3A_108 = tpu.memref_slice %arg9[%add3A_98, %dma_start3A_107] : memref<10240x128xf32, #tpu.memory_space<vmem_shared>> -> memref<128x128xf32, #tpu.memory_space<vmem_shared>>
      tpu.enqueue_dma source(%dma_start3A_108 : memref<128x128xf32, #tpu.memory_space<vmem_shared>>) target(%dma_start3A_106 : memref<128x128xf32, #tpu.memory_space<hbm>>) target_semaphore(%run_scoped3A_103 : memref<!tpu.dma_semaphore, #tpu.memory_space<semaphore_mem>>)
      %dma_wait3A_109 = arith.constant 0 : i32
      %dma_wait3A_110 = tpu.memref_slice %arg5[%arg0, %add3A_102, %dma_wait3A_109] : memref<2x10240x128xf32, #tpu.memory_space<hbm>> -> memref<1x128x128xf32, #tpu.memory_space<hbm>>
      %dma_wait3A_111 = tpu.memref_squeeze %dma_wait3A_110 : memref<1x128x128xf32, #tpu.memory_space<hbm>> -> memref<128x128xf32, #tpu.memory_space<hbm>>
      %dma_wait3A_112 = arith.constant 0 : i32
      %dma_wait3A_113 = tpu.memref_slice %arg9[%add3A_98, %dma_wait3A_112] : memref<10240x128xf32, #tpu.memory_space<vmem_shared>> -> memref<128x128xf32, #tpu.memory_space<vmem_shared>>
      tpu.wait_dma2 semaphore(%run_scoped3A_103 : memref<!tpu.dma_semaphore, #tpu.memory_space<semaphore_mem>>) src(%dma_wait3A_113 : memref<128x128xf32, #tpu.memory_space<vmem_shared>>) dst(%dma_wait3A_111 : memref<128x128xf32, #tpu.memory_space<hbm>>)
      tpu.yield
    }) : () -> ()
    return
  }
}

#map = affine_map<(d0, d1) -> (0, 0)>
module attributes {stable_mosaic.version = 14 : i64} {
  func.func @_deg_body(%arg0: i32, %arg1: i32, %arg2: memref<32x10000xi32, #tpu.memory_space<hbm>>, %arg3: memref<32x10240xf32, #tpu.memory_space<hbm>>, %arg4: memref<10000xi32, #tpu.memory_space<vmem>>, %arg5: memref<10240xf32, #tpu.memory_space<vmem>>) attributes {dimension_semantics = [#tpu.dimension_semantics<core_parallel>, #tpu.dimension_semantics<subcore_parallel>], iteration_bounds = array<i64: 2, 16>, scalar_prefetch = 0 : i64, scratch_operands = 2 : i64, tpu.core_type = #tpu.core_type<sc_vector_subcore>, window_params = [{transform_indices = #map}, {transform_indices = #map}]} {
    %mul3A = arith.constant 16 : i32
    %mul3A_0 = arith.muli %arg0, %mul3A : i32
    %add3A = arith.addi %mul3A_0, %arg1 : i32
    %scan3A = arith.constant 0 : i32
    %scan3A_1 = arith.constant 0 : i32
    %scan3A_2 = arith.constant 640 : i32
    %scan3A_3 = arith.addi %scan3A_1, %scan3A_2 : i32
    %scan3A_4 = arith.constant 1 : i32
    %scan3A_5 = scf.for %scan3A_15 = %scan3A_1 to %scan3A_3 step %scan3A_4 iter_args(%scan3A_16 = %scan3A) -> (i32)  : i32 {
      %broadcast_in_dim3A_17 = arith.constant 0.000000e+00 : f32
      %broadcast_in_dim3A_18 = vector.broadcast %broadcast_in_dim3A_17 : f32 to vector<16xf32>
      %mul3A_19 = arith.constant 16 : i32
      %mul3A_20 = arith.muli %scan3A_15, %mul3A_19 : i32
      %swap3A = arith.index_cast %mul3A_20 : i32 to index
      %swap3A_21 = tpu.vector_load %arg5[%swap3A] {strides = array<i32>} : memref<10240xf32, #tpu.memory_space<vmem>>, vector<16xf32>,
      tpu.vector_store %arg5[%swap3A], %broadcast_in_dim3A_18 {strides = array<i32>} : memref<10240xf32, #tpu.memory_space<vmem>>, vector<16xf32>,
      %scan3A_22 = arith.constant 0 : i32
      scf.yield %scan3A_22 : i32
    }
    %scan3A_6 = arith.constant 640 : i32
    "tpu.region"() ({
      %run_scoped3A = tpu.sem_alloc : memref<!tpu.dma_semaphore, #tpu.memory_space<semaphore_mem>>
      %dma_start3A = arith.constant 0 : i32
      %dma_start3A_15 = tpu.memref_slice %arg2[%add3A, %dma_start3A] : memref<32x10000xi32, #tpu.memory_space<hbm>> -> memref<1x10000xi32, #tpu.memory_space<hbm>>
      %dma_start3A_16 = tpu.memref_squeeze %dma_start3A_15 : memref<1x10000xi32, #tpu.memory_space<hbm>> -> memref<10000xi32, #tpu.memory_space<hbm>>
      %dma_start3A_17 = arith.constant 0 : i32
      %dma_start3A_18 = tpu.memref_slice %arg2[%add3A, %dma_start3A_17] : memref<32x10000xi32, #tpu.memory_space<hbm>> -> memref<1x10000xi32, #tpu.memory_space<hbm>>
      %dma_start3A_19 = tpu.memref_squeeze %dma_start3A_18 : memref<1x10000xi32, #tpu.memory_space<hbm>> -> memref<10000xi32, #tpu.memory_space<hbm>>
      tpu.enqueue_dma source(%dma_start3A_19 : memref<10000xi32, #tpu.memory_space<hbm>>) target(%arg4 : memref<10000xi32, #tpu.memory_space<vmem>>) target_semaphore(%run_scoped3A : memref<!tpu.dma_semaphore, #tpu.memory_space<semaphore_mem>>)
      %dma_wait3A = arith.constant 0 : i32
      %dma_wait3A_20 = tpu.memref_slice %arg2[%add3A, %dma_wait3A] : memref<32x10000xi32, #tpu.memory_space<hbm>> -> memref<1x10000xi32, #tpu.memory_space<hbm>>
      %dma_wait3A_21 = tpu.memref_squeeze %dma_wait3A_20 : memref<1x10000xi32, #tpu.memory_space<hbm>> -> memref<10000xi32, #tpu.memory_space<hbm>>
      %dma_wait3A_22 = arith.constant 0 : i32
      %dma_wait3A_23 = tpu.memref_slice %arg2[%add3A, %dma_wait3A_22] : memref<32x10000xi32, #tpu.memory_space<hbm>> -> memref<1x10000xi32, #tpu.memory_space<hbm>>
      %dma_wait3A_24 = tpu.memref_squeeze %dma_wait3A_23 : memref<1x10000xi32, #tpu.memory_space<hbm>> -> memref<10000xi32, #tpu.memory_space<hbm>>
      tpu.wait_dma2 semaphore(%run_scoped3A : memref<!tpu.dma_semaphore, #tpu.memory_space<semaphore_mem>>) src(%dma_wait3A_24 : memref<10000xi32, #tpu.memory_space<hbm>>) dst(%arg4 : memref<10000xi32, #tpu.memory_space<vmem>>)
      tpu.yield
    }) : () -> ()
    %broadcast_in_dim3A = arith.constant 1.000000e+00 : f32
    %broadcast_in_dim3A_7 = vector.broadcast %broadcast_in_dim3A : f32 to vector<16xf32>
    %scan3A_8 = arith.constant 0 : i32
    %scan3A_9 = arith.constant 0 : i32
    %scan3A_10 = arith.constant 625 : i32
    %scan3A_11 = arith.addi %scan3A_9, %scan3A_10 : i32
    %scan3A_12 = arith.constant 1 : i32
    %scan3A_13 = scf.for %scan3A_15 = %scan3A_9 to %scan3A_11 step %scan3A_12 iter_args(%scan3A_16 = %scan3A_8) -> (i32)  : i32 {
      %mul3A_17 = arith.constant 16 : i32
      %mul3A_18 = arith.muli %scan3A_15, %mul3A_17 : i32
      %get3A = arith.index_cast %mul3A_18 : i32 to index
      %get3A_19 = tpu.vector_load %arg4[%get3A] {strides = array<i32>} : memref<10000xi32, #tpu.memory_space<vmem>>, vector<16xi32>,
      tpu.vector_store_idx %arg5[%get3A_19], %broadcast_in_dim3A_7 {add = true} : memref<10240xf32, #tpu.memory_space<vmem>>[vector<16xi32>], vector<16xf32>,
      %scan3A_20 = arith.constant 0 : i32
      scf.yield %scan3A_20 : i32
    }
    %scan3A_14 = arith.constant 625 : i32
    "tpu.region"() ({
      %run_scoped3A = tpu.sem_alloc : memref<!tpu.dma_semaphore, #tpu.memory_space<semaphore_mem>>
      %dma_start3A = arith.constant 0 : i32
      %dma_start3A_15 = tpu.memref_slice %arg3[%add3A, %dma_start3A] : memref<32x10240xf32, #tpu.memory_space<hbm>> -> memref<1x10240xf32, #tpu.memory_space<hbm>>
      %dma_start3A_16 = tpu.memref_squeeze %dma_start3A_15 : memref<1x10240xf32, #tpu.memory_space<hbm>> -> memref<10240xf32, #tpu.memory_space<hbm>>
      %dma_start3A_17 = arith.constant 0 : i32
      %dma_start3A_18 = tpu.memref_slice %arg3[%add3A, %dma_start3A_17] : memref<32x10240xf32, #tpu.memory_space<hbm>> -> memref<1x10240xf32, #tpu.memory_space<hbm>>
      %dma_start3A_19 = tpu.memref_squeeze %dma_start3A_18 : memref<1x10240xf32, #tpu.memory_space<hbm>> -> memref<10240xf32, #tpu.memory_space<hbm>>
      tpu.enqueue_dma source(%arg5 : memref<10240xf32, #tpu.memory_space<vmem>>) target(%dma_start3A_19 : memref<10240xf32, #tpu.memory_space<hbm>>) target_semaphore(%run_scoped3A : memref<!tpu.dma_semaphore, #tpu.memory_space<semaphore_mem>>)
      %dma_wait3A = arith.constant 0 : i32
      %dma_wait3A_20 = tpu.memref_slice %arg3[%add3A, %dma_wait3A] : memref<32x10240xf32, #tpu.memory_space<hbm>> -> memref<1x10240xf32, #tpu.memory_space<hbm>>
      %dma_wait3A_21 = tpu.memref_squeeze %dma_wait3A_20 : memref<1x10240xf32, #tpu.memory_space<hbm>> -> memref<10240xf32, #tpu.memory_space<hbm>>
      %dma_wait3A_22 = arith.constant 0 : i32
      %dma_wait3A_23 = tpu.memref_slice %arg3[%add3A, %dma_wait3A_22] : memref<32x10240xf32, #tpu.memory_space<hbm>> -> memref<1x10240xf32, #tpu.memory_space<hbm>>
      %dma_wait3A_24 = tpu.memref_squeeze %dma_wait3A_23 : memref<1x10240xf32, #tpu.memory_space<hbm>> -> memref<10240xf32, #tpu.memory_space<hbm>>
      tpu.wait_dma2 semaphore(%run_scoped3A : memref<!tpu.dma_semaphore, #tpu.memory_space<semaphore_mem>>) src(%arg5 : memref<10240xf32, #tpu.memory_space<vmem>>) dst(%dma_wait3A_24 : memref<10240xf32, #tpu.memory_space<hbm>>)
      tpu.yield
    }) : () -> ()
    return
  }
}

module attributes {stable_mosaic.version = 14 : i64} {
  func.func @_pre_body(%arg0: i32, %arg1: memref<2048x128xf32, #tpu.memory_space<vmem>>, %arg2: memref<32x2048xf32, #tpu.memory_space<vmem>>, %arg3: memref<128x128xf32, #tpu.memory_space<vmem>>, %arg4: memref<2048x128xf32, #tpu.memory_space<vmem>>, %arg5: memref<2048x1xf32, #tpu.memory_space<vmem>>) attributes {dimension_semantics = [#tpu.dimension_semantics<arbitrary>], iteration_bounds = array<i64: 5>, scalar_prefetch = 0 : i64, scratch_operands = 0 : i64, tpu.core_type = #tpu.core_type<tc>, window_params = [{transform_indices = @transform_0, window_bounds = array<i64: 2048, 128>}, {transform_indices = @transform_1, window_bounds = array<i64: 32, 2048>}, {pipeline_mode = #tpu.pipeline_mode<synchronous>, transform_indices = @transform_2, window_bounds = array<i64: 128, 128>}, {transform_indices = @transform_3, window_bounds = array<i64: 2048, 128>}, {transform_indices = @transform_4, window_bounds = array<i64: 2048, 1>}]} {
    %broadcast_in_dim3A = arith.constant 1.000000e+00 : f32
    %broadcast_in_dim3A_0 = vector.broadcast %broadcast_in_dim3A : f32 to vector<32x1xf32>
    %get3A = arith.constant 0 : index
    %get3A_1 = arith.constant 0 : index
    %get3A_2 = vector.load %arg2[%get3A, %get3A_1] : memref<32x2048xf32, #tpu.memory_space<vmem>>, vector<32x2048xf32>
    %dot_general3A = arith.constant dense<0.000000e+00> : vector<2048x1xf32>
    %dot_general3A_3 = tpu.matmul %get3A_2, %broadcast_in_dim3A_0, %dot_general3A {dimension_numbers = #tpu.dot_dimension_numbers<[0], [0], [1], [1], [0, 1, 1, 1], [], []>, precision = #tpu.contract_precision<fp32>, transpose_lhs_hint = false} : vector<32x2048xf32>, vector<32x1xf32>, vector<2048x1xf32> -> vector<2048x1xf32>
    %add3A = arith.constant 1.000000e+00 : f32
    %add3A_4 = vector.broadcast %add3A : f32 to vector<2048x1xf32>
    %add3A_5 = arith.addf %add3A_4, %dot_general3A_3 : vector<2048x1xf32>
    %rsqrt3A = math.rsqrt %add3A_5 : vector<2048x1xf32>
    %swap3A = arith.constant 0 : index
    %swap3A_6 = arith.constant 0 : index
    %swap3A_7 = vector.load %arg5[%swap3A, %swap3A_6] : memref<2048x1xf32, #tpu.memory_space<vmem>>, vector<2048x1xf32>
    tpu.vector_store %arg5[%swap3A, %swap3A_6], %rsqrt3A {strides = array<i32>} : memref<2048x1xf32, #tpu.memory_space<vmem>>, vector<2048x1xf32>,
    %get3A_8 = arith.constant 0 : index
    %get3A_9 = arith.constant 0 : index
    %get3A_10 = vector.load %arg1[%get3A_8, %get3A_9] : memref<2048x128xf32, #tpu.memory_space<vmem>>, vector<2048x128xf32>
    %get3A_11 = arith.constant 0 : index
    %get3A_12 = arith.constant 0 : index
    %get3A_13 = vector.load %arg3[%get3A_11, %get3A_12] : memref<128x128xf32, #tpu.memory_space<vmem>>, vector<128x128xf32>
    %dot_general3A_14 = arith.constant dense<0.000000e+00> : vector<2048x128xf32>
    %dot_general3A_15 = tpu.matmul %get3A_10, %get3A_13, %dot_general3A_14 {dimension_numbers = #tpu.dot_dimension_numbers<[1], [0], [0], [1], [0, 0, 1, 1], [], []>, precision = #tpu.contract_precision<fp32>, transpose_lhs_hint = false} : vector<2048x128xf32>, vector<128x128xf32>, vector<2048x128xf32> -> vector<2048x128xf32>
    %mul3A = vector.broadcast %rsqrt3A : vector<2048x1xf32> to vector<2048x128xf32>
    %mul3A_16 = arith.mulf %dot_general3A_15, %mul3A : vector<2048x128xf32>
    %swap3A_17 = arith.constant 0 : index
    %swap3A_18 = arith.constant 0 : index
    %swap3A_19 = vector.load %arg4[%swap3A_17, %swap3A_18] : memref<2048x128xf32, #tpu.memory_space<vmem>>, vector<2048x128xf32>
    tpu.vector_store %arg4[%swap3A_17, %swap3A_18], %mul3A_16 {strides = array<i32>} : memref<2048x128xf32, #tpu.memory_space<vmem>>, vector<2048x128xf32>,
    return
  }
  func.func @transform_0(%arg0: i32) -> (i32, i32) {
    %c0_i32 = arith.constant 0 : i32
    %c0_i32_0 = arith.constant 0 : i32
    return %arg0, %c0_i32 : i32, i32
  }
  func.func @transform_1(%arg0: i32) -> (i32, i32) {
    %c0_i32 = arith.constant 0 : i32
    %c0_i32_0 = arith.constant 0 : i32
    return %c0_i32, %arg0 : i32, i32
  }
  func.func @transform_2(%arg0: i32) -> (i32, i32) {
    %c0_i32 = arith.constant 0 : i32
    %c0_i32_0 = arith.constant 0 : i32
    %c0_i32_1 = arith.constant 0 : i32
    return %c0_i32, %c0_i32_0 : i32, i32
  }
  func.func @transform_3(%arg0: i32) -> (i32, i32) {
    %c0_i32 = arith.constant 0 : i32
    %c0_i32_0 = arith.constant 0 : i32
    return %arg0, %c0_i32 : i32, i32
  }
  func.func @transform_4(%arg0: i32) -> (i32, i32) {
    %c0_i32 = arith.constant 0 : i32
    %c0_i32_0 = arith.constant 0 : i32
    return %arg0, %c0_i32 : i32, i32
  }
}

module attributes {stable_mosaic.version = 14 : i64} {
  func.func @_mid_body(%arg0: i32, %arg1: memref<2x2048x128xf32, #tpu.memory_space<vmem>>, %arg2: memref<2048x128xf32, #tpu.memory_space<vmem>>, %arg3: memref<2048x1xf32, #tpu.memory_space<vmem>>, %arg4: memref<128xf32, #tpu.memory_space<vmem>>, %arg5: memref<128xf32, #tpu.memory_space<vmem>>, %arg6: memref<128xf32, #tpu.memory_space<vmem>>, %arg7: memref<128x128xf32, #tpu.memory_space<vmem>>, %arg8: memref<2048x128xf32, #tpu.memory_space<vmem>>) attributes {dimension_semantics = [#tpu.dimension_semantics<arbitrary>], iteration_bounds = array<i64: 5>, scalar_prefetch = 0 : i64, scratch_operands = 0 : i64, tpu.core_type = #tpu.core_type<tc>, window_params = [{transform_indices = @transform_0, window_bounds = array<i64: 2, 2048, 128>}, {transform_indices = @transform_1, window_bounds = array<i64: 2048, 128>}, {transform_indices = @transform_2, window_bounds = array<i64: 2048, 1>}, {pipeline_mode = #tpu.pipeline_mode<synchronous>, transform_indices = @transform_3, window_bounds = array<i64: 128>}, {pipeline_mode = #tpu.pipeline_mode<synchronous>, transform_indices = @transform_4, window_bounds = array<i64: 128>}, {pipeline_mode = #tpu.pipeline_mode<synchronous>, transform_indices = @transform_5, window_bounds = array<i64: 128>}, {pipeline_mode = #tpu.pipeline_mode<synchronous>, transform_indices = @transform_6, window_bounds = array<i64: 128, 128>}, {transform_indices = @transform_7, window_bounds = array<i64: 2048, 128>}]} {
    %get3A = arith.constant 0 : index
    %get3A_0 = arith.constant 0 : index
    %get3A_1 = vector.load %arg3[%get3A, %get3A_0] : memref<2048x1xf32, #tpu.memory_space<vmem>>, vector<2048x1xf32>
    %get3A_2 = arith.constant 0 : index
    %get3A_3 = arith.constant 0 : index
    %get3A_4 = arith.constant 0 : index
    %get3A_5 = vector.load %arg1[%get3A_2, %get3A_3, %get3A_4] : memref<2x2048x128xf32, #tpu.memory_space<vmem>>, vector<1x2048x128xf32>
    %get3A_6 = vector.shape_cast %get3A_5 : vector<1x2048x128xf32> to vector<2048x128xf32>
    %get3A_7 = arith.constant 1 : index
    %get3A_8 = arith.constant 0 : index
    %get3A_9 = arith.constant 0 : index
    %get3A_10 = vector.load %arg1[%get3A_7, %get3A_8, %get3A_9] : memref<2x2048x128xf32, #tpu.memory_space<vmem>>, vector<1x2048x128xf32>
    %get3A_11 = vector.shape_cast %get3A_10 : vector<1x2048x128xf32> to vector<2048x128xf32>
    %add3A = arith.addf %get3A_6, %get3A_11 : vector<2048x128xf32>
    %get3A_12 = arith.constant 0 : index
    %get3A_13 = arith.constant 0 : index
    %get3A_14 = vector.load %arg2[%get3A_12, %get3A_13] : memref<2048x128xf32, #tpu.memory_space<vmem>>, vector<2048x128xf32>
    %add3A_15 = arith.addf %add3A, %get3A_14 : vector<2048x128xf32>
    %mul3A = vector.broadcast %get3A_1 : vector<2048x1xf32> to vector<2048x128xf32>
    %mul3A_16 = arith.mulf %add3A_15, %mul3A : vector<2048x128xf32>
    %get3A_17 = arith.constant 0 : index
    %get3A_18 = vector.load %arg4[%get3A_17] : memref<128xf32, #tpu.memory_space<vmem>>, vector<128xf32>
    %broadcast_in_dim3A = vector.shape_cast %get3A_18 : vector<128xf32> to vector<1x128xf32>
    %add3A_19 = vector.broadcast %broadcast_in_dim3A : vector<1x128xf32> to vector<2048x128xf32>
    %add3A_20 = arith.addf %mul3A_16, %add3A_19 : vector<2048x128xf32>
    %mul3A_21 = arith.constant 0.999994993 : f32
    %mul3A_22 = vector.broadcast %mul3A_21 : f32 to vector<2048x128xf32>
    %mul3A_23 = arith.mulf %add3A_20, %mul3A_22 : vector<2048x128xf32>
    %get3A_24 = arith.constant 0 : index
    %get3A_25 = vector.load %arg5[%get3A_24] : memref<128xf32, #tpu.memory_space<vmem>>, vector<128xf32>
    %broadcast_in_dim3A_26 = vector.shape_cast %get3A_25 : vector<128xf32> to vector<1x128xf32>
    %mul3A_27 = vector.broadcast %broadcast_in_dim3A_26 : vector<1x128xf32> to vector<2048x128xf32>
    %mul3A_28 = arith.mulf %mul3A_23, %mul3A_27 : vector<2048x128xf32>
    %get3A_29 = arith.constant 0 : index
    %get3A_30 = vector.load %arg6[%get3A_29] : memref<128xf32, #tpu.memory_space<vmem>>, vector<128xf32>
    %broadcast_in_dim3A_31 = vector.shape_cast %get3A_30 : vector<128xf32> to vector<1x128xf32>
    %add3A_32 = vector.broadcast %broadcast_in_dim3A_31 : vector<1x128xf32> to vector<2048x128xf32>
    %add3A_33 = arith.addf %mul3A_28, %add3A_32 : vector<2048x128xf32>
    %max3A = arith.constant 0.000000e+00 : f32
    %max3A_34 = vector.broadcast %max3A : f32 to vector<2048x128xf32>
    %max3A_35 = arith.maximumf %add3A_33, %max3A_34 : vector<2048x128xf32>
    %get3A_36 = arith.constant 0 : index
    %get3A_37 = arith.constant 0 : index
    %get3A_38 = vector.load %arg7[%get3A_36, %get3A_37] : memref<128x128xf32, #tpu.memory_space<vmem>>, vector<128x128xf32>
    %dot_general3A = arith.constant dense<0.000000e+00> : vector<2048x128xf32>
    %dot_general3A_39 = tpu.matmul %max3A_35, %get3A_38, %dot_general3A {dimension_numbers = #tpu.dot_dimension_numbers<[1], [0], [0], [1], [0, 0, 1, 1], [], []>, precision = #tpu.contract_precision<fp32>, transpose_lhs_hint = false} : vector<2048x128xf32>, vector<128x128xf32>, vector<2048x128xf32> -> vector<2048x128xf32>
    %mul3A_40 = vector.broadcast %get3A_1 : vector<2048x1xf32> to vector<2048x128xf32>
    %mul3A_41 = arith.mulf %dot_general3A_39, %mul3A_40 : vector<2048x128xf32>
    %swap3A = arith.constant 0 : index
    %swap3A_42 = arith.constant 0 : index
    %swap3A_43 = vector.load %arg8[%swap3A, %swap3A_42] : memref<2048x128xf32, #tpu.memory_space<vmem>>, vector<2048x128xf32>
    tpu.vector_store %arg8[%swap3A, %swap3A_42], %mul3A_41 {strides = array<i32>} : memref<2048x128xf32, #tpu.memory_space<vmem>>, vector<2048x128xf32>,
    return
  }
  func.func @transform_0(%arg0: i32) -> (i32, i32, i32) {
    %c0_i32 = arith.constant 0 : i32
    %c0_i32_0 = arith.constant 0 : i32
    %c0_i32_1 = arith.constant 0 : i32
    return %c0_i32, %arg0, %c0_i32_0 : i32, i32, i32
  }
  func.func @transform_1(%arg0: i32) -> (i32, i32) {
    %c0_i32 = arith.constant 0 : i32
    %c0_i32_0 = arith.constant 0 : i32
    return %arg0, %c0_i32 : i32, i32
  }
  func.func @transform_2(%arg0: i32) -> (i32, i32) {
    %c0_i32 = arith.constant 0 : i32
    %c0_i32_0 = arith.constant 0 : i32
    return %arg0, %c0_i32 : i32, i32
  }
  func.func @transform_3(%arg0: i32) -> i32 {
    %c0_i32 = arith.constant 0 : i32
    %c0_i32_0 = arith.constant 0 : i32
    return %c0_i32 : i32
  }
  func.func @transform_4(%arg0: i32) -> i32 {
    %c0_i32 = arith.constant 0 : i32
    %c0_i32_0 = arith.constant 0 : i32
    return %c0_i32 : i32
  }
  func.func @transform_5(%arg0: i32) -> i32 {
    %c0_i32 = arith.constant 0 : i32
    %c0_i32_0 = arith.constant 0 : i32
    return %c0_i32 : i32
  }
  func.func @transform_6(%arg0: i32) -> (i32, i32) {
    %c0_i32 = arith.constant 0 : i32
    %c0_i32_0 = arith.constant 0 : i32
    %c0_i32_1 = arith.constant 0 : i32
    return %c0_i32, %c0_i32_0 : i32, i32
  }
  func.func @transform_7(%arg0: i32) -> (i32, i32) {
    %c0_i32 = arith.constant 0 : i32
    %c0_i32_0 = arith.constant 0 : i32
    return %arg0, %c0_i32 : i32, i32
  }
}

module attributes {stable_mosaic.version = 14 : i64} {
  func.func @_tail_body(%arg0: i32, %arg1: memref<2x400x128xf32, #tpu.memory_space<vmem>>, %arg2: memref<400x128xf32, #tpu.memory_space<vmem>>, %arg3: memref<400x1xf32, #tpu.memory_space<vmem>>, %arg4: memref<128xf32, #tpu.memory_space<vmem>>, %arg5: memref<128xf32, #tpu.memory_space<vmem>>, %arg6: memref<128xf32, #tpu.memory_space<vmem>>, %arg7: memref<128x64xf32, #tpu.memory_space<vmem>>, %arg8: memref<64xf32, #tpu.memory_space<vmem>>, %arg9: memref<64x1xf32, #tpu.memory_space<vmem>>, %arg10: memref<128x128xf32, #tpu.memory_space<vmem>>, %arg11: memref<128xf32, #tpu.memory_space<vmem>>, %arg12: memref<128xf32, #tpu.memory_space<vmem>>, %arg13: memref<128xf32, #tpu.memory_space<vmem>>, %arg14: memref<128x32xf32, #tpu.memory_space<vmem>>, %arg15: memref<32xf32, #tpu.memory_space<vmem>>, %arg16: memref<32xf32, #tpu.memory_space<vmem>>, %arg17: memref<32xf32, #tpu.memory_space<vmem>>, %arg18: memref<400x128xf32, #tpu.memory_space<vmem>>, %arg19: memref<100x32xf32, #tpu.memory_space<vmem>>, %arg20: memref<104x128xf32, #tpu.memory_space<vmem>>) attributes {dimension_semantics = [#tpu.dimension_semantics<arbitrary>], iteration_bounds = array<i64: 26>, scalar_prefetch = 0 : i64, scratch_operands = 1 : i64, tpu.core_type = #tpu.core_type<tc>, window_params = [{transform_indices = @transform_0, window_bounds = array<i64: 2, 400, 128>}, {transform_indices = @transform_1, window_bounds = array<i64: 400, 128>}, {transform_indices = @transform_2, window_bounds = array<i64: 400, 1>}, {pipeline_mode = #tpu.pipeline_mode<synchronous>, transform_indices = @transform_3, window_bounds = array<i64: 128>}, {pipeline_mode = #tpu.pipeline_mode<synchronous>, transform_indices = @transform_4, window_bounds = array<i64: 128>}, {pipeline_mode = #tpu.pipeline_mode<synchronous>, transform_indices = @transform_5, window_bounds = array<i64: 128>}, {pipeline_mode = #tpu.pipeline_mode<synchronous>, transform_indices = @transform_6, window_bounds = array<i64: 128, 64>}, {pipeline_mode = #tpu.pipeline_mode<synchronous>, transform_indices = @transform_7, window_bounds = array<i64: 64>}, {pipeline_mode = #tpu.pipeline_mode<synchronous>, transform_indices = @transform_8, window_bounds = array<i64: 64, 1>}, {pipeline_mode = #tpu.pipeline_mode<synchronous>, transform_indices = @transform_9, window_bounds = array<i64: 128, 128>}, {pipeline_mode = #tpu.pipeline_mode<synchronous>, transform_indices = @transform_10, window_bounds = array<i64: 128>}, {pipeline_mode = #tpu.pipeline_mode<synchronous>, transform_indices = @transform_11, window_bounds = array<i64: 128>}, {pipeline_mode = #tpu.pipeline_mode<synchronous>, transform_indices = @transform_12, window_bounds = array<i64: 128>}, {pipeline_mode = #tpu.pipeline_mode<synchronous>, transform_indices = @transform_13, window_bounds = array<i64: 128, 32>}, {pipeline_mode = #tpu.pipeline_mode<synchronous>, transform_indices = @transform_14, window_bounds = array<i64: 32>}, {pipeline_mode = #tpu.pipeline_mode<synchronous>, transform_indices = @transform_15, window_bounds = array<i64: 32>}, {pipeline_mode = #tpu.pipeline_mode<synchronous>, transform_indices = @transform_16, window_bounds = array<i64: 32>}, {transform_indices = @transform_17, window_bounds = array<i64: 400, 128>}, {pipeline_mode = #tpu.pipeline_mode<synchronous>, transform_indices = @transform_18, window_bounds = array<i64: 100, 32>}]} {
    %get3A = arith.constant 0 : index
    %get3A_0 = arith.constant 0 : index
    %get3A_1 = arith.constant 0 : index
    %get3A_2 = vector.load %arg1[%get3A, %get3A_0, %get3A_1] : memref<2x400x128xf32, #tpu.memory_space<vmem>>, vector<1x400x128xf32>
    %get3A_3 = vector.shape_cast %get3A_2 : vector<1x400x128xf32> to vector<400x128xf32>
    %get3A_4 = arith.constant 1 : index
    %get3A_5 = arith.constant 0 : index
    %get3A_6 = arith.constant 0 : index
    %get3A_7 = vector.load %arg1[%get3A_4, %get3A_5, %get3A_6] : memref<2x400x128xf32, #tpu.memory_space<vmem>>, vector<1x400x128xf32>
    %get3A_8 = vector.shape_cast %get3A_7 : vector<1x400x128xf32> to vector<400x128xf32>
    %add3A = arith.addf %get3A_3, %get3A_8 : vector<400x128xf32>
    %get3A_9 = arith.constant 0 : index
    %get3A_10 = arith.constant 0 : index
    %get3A_11 = vector.load %arg2[%get3A_9, %get3A_10] : memref<400x128xf32, #tpu.memory_space<vmem>>, vector<400x128xf32>
    %add3A_12 = arith.addf %add3A, %get3A_11 : vector<400x128xf32>
    %get3A_13 = arith.constant 0 : index
    %get3A_14 = arith.constant 0 : index
    %get3A_15 = vector.load %arg3[%get3A_13, %get3A_14] : memref<400x1xf32, #tpu.memory_space<vmem>>, vector<400x1xf32>
    %mul3A = vector.broadcast %get3A_15 : vector<400x1xf32> to vector<400x128xf32>
    %mul3A_16 = arith.mulf %add3A_12, %mul3A : vector<400x128xf32>
    %get3A_17 = arith.constant 0 : index
    %get3A_18 = vector.load %arg4[%get3A_17] : memref<128xf32, #tpu.memory_space<vmem>>, vector<128xf32>
    %broadcast_in_dim3A = vector.shape_cast %get3A_18 : vector<128xf32> to vector<1x128xf32>
    %add3A_19 = vector.broadcast %broadcast_in_dim3A : vector<1x128xf32> to vector<400x128xf32>
    %add3A_20 = arith.addf %mul3A_16, %add3A_19 : vector<400x128xf32>
    %mul3A_21 = arith.constant 0.999994993 : f32
    %mul3A_22 = vector.broadcast %mul3A_21 : f32 to vector<400x128xf32>
    %mul3A_23 = arith.mulf %add3A_20, %mul3A_22 : vector<400x128xf32>
    %get3A_24 = arith.constant 0 : index
    %get3A_25 = vector.load %arg5[%get3A_24] : memref<128xf32, #tpu.memory_space<vmem>>, vector<128xf32>
    %broadcast_in_dim3A_26 = vector.shape_cast %get3A_25 : vector<128xf32> to vector<1x128xf32>
    %mul3A_27 = vector.broadcast %broadcast_in_dim3A_26 : vector<1x128xf32> to vector<400x128xf32>
    %mul3A_28 = arith.mulf %mul3A_23, %mul3A_27 : vector<400x128xf32>
    %get3A_29 = arith.constant 0 : index
    %get3A_30 = vector.load %arg6[%get3A_29] : memref<128xf32, #tpu.memory_space<vmem>>, vector<128xf32>
    %broadcast_in_dim3A_31 = vector.shape_cast %get3A_30 : vector<128xf32> to vector<1x128xf32>
    %add3A_32 = vector.broadcast %broadcast_in_dim3A_31 : vector<1x128xf32> to vector<400x128xf32>
    %add3A_33 = arith.addf %mul3A_28, %add3A_32 : vector<400x128xf32>
    %max3A = arith.constant 0.000000e+00 : f32
    %max3A_34 = vector.broadcast %max3A : f32 to vector<400x128xf32>
    %max3A_35 = arith.maximumf %add3A_33, %max3A_34 : vector<400x128xf32>
    %swap3A = arith.constant 0 : index
    %swap3A_36 = arith.constant 0 : index
    %swap3A_37 = vector.load %arg18[%swap3A, %swap3A_36] : memref<400x128xf32, #tpu.memory_space<vmem>>, vector<400x128xf32>
    tpu.vector_store %arg18[%swap3A, %swap3A_36], %max3A_35 {strides = array<i32>} : memref<400x128xf32, #tpu.memory_space<vmem>>, vector<400x128xf32>,
    %get3A_38 = arith.constant 0 : index
    %get3A_39 = arith.constant 0 : index
    %get3A_40 = vector.load %arg7[%get3A_38, %get3A_39] : memref<128x64xf32, #tpu.memory_space<vmem>>, vector<128x64xf32>
    %dot_general3A = arith.constant dense<0.000000e+00> : vector<400x64xf32>
    %dot_general3A_41 = tpu.matmul %max3A_35, %get3A_40, %dot_general3A {dimension_numbers = #tpu.dot_dimension_numbers<[1], [0], [0], [1], [0, 0, 1, 1], [], []>, precision = #tpu.contract_precision<fp32>, transpose_lhs_hint = false} : vector<400x128xf32>, vector<128x64xf32>, vector<400x64xf32> -> vector<400x64xf32>
    %get3A_42 = arith.constant 0 : index
    %get3A_43 = vector.load %arg8[%get3A_42] : memref<64xf32, #tpu.memory_space<vmem>>, vector<64xf32>
    %broadcast_in_dim3A_44 = vector.shape_cast %get3A_43 : vector<64xf32> to vector<1x64xf32>
    %add3A_45 = vector.broadcast %broadcast_in_dim3A_44 : vector<1x64xf32> to vector<400x64xf32>
    %add3A_46 = arith.addf %dot_general3A_41, %add3A_45 : vector<400x64xf32>
    %tanh3A = math.tanh %add3A_46 : vector<400x64xf32>
    %get3A_47 = arith.constant 0 : index
    %get3A_48 = arith.constant 0 : index
    %get3A_49 = vector.load %arg9[%get3A_47, %get3A_48] : memref<64x1xf32, #tpu.memory_space<vmem>>, vector<64x1xf32>
    %dot_general3A_50 = arith.constant dense<0.000000e+00> : vector<400x1xf32>
    %dot_general3A_51 = tpu.matmul %tanh3A, %get3A_49, %dot_general3A_50 {dimension_numbers = #tpu.dot_dimension_numbers<[1], [0], [0], [1], [0, 0, 1, 1], [], []>, precision = #tpu.contract_precision<fp32>, transpose_lhs_hint = false} : vector<400x64xf32>, vector<64x1xf32>, vector<400x1xf32> -> vector<400x1xf32>
    %exp3A = math.exp %dot_general3A_51 : vector<400x1xf32>
    %slice3A = vector.extract_strided_slice %exp3A {offsets = [0, 0], sizes = [100, 1], strides = [1, 1]} : vector<400x1xf32> to vector<100x1xf32>
    %slice3A_52 = vector.extract_strided_slice %max3A_35 {offsets = [0, 0], sizes = [100, 128], strides = [1, 1]} : vector<400x128xf32> to vector<100x128xf32>
    %reduce_sum3A = arith.constant dense<0.000000e+00> : vector<1xf32>
    %reduce_sum3A_53 = vector.multi_reduction <add>, %slice3A, %reduce_sum3A [0] : vector<100x1xf32> to vector<1xf32>
    %broadcast_in_dim3A_54 = vector.shape_cast %reduce_sum3A_53 : vector<1xf32> to vector<1x1xf32>
    %div3A = vector.broadcast %broadcast_in_dim3A_54 : vector<1x1xf32> to vector<100x1xf32>
    %div3A_55 = arith.divf %slice3A, %div3A : vector<100x1xf32>
    %mul3A_56 = vector.broadcast %div3A_55 : vector<100x1xf32> to vector<100x128xf32>
    %mul3A_57 = arith.mulf %slice3A_52, %mul3A_56 : vector<100x128xf32>
    %reduce_sum3A_58 = arith.constant dense<0.000000e+00> : vector<128xf32>
    %reduce_sum3A_59 = vector.multi_reduction <add>, %mul3A_57, %reduce_sum3A_58 [0] : vector<100x128xf32> to vector<128xf32>
    %reshape3A = vector.shape_cast %reduce_sum3A_59 : vector<128xf32> to vector<1x128xf32>
    %mul3A_60 = arith.constant 4 : i32
    %mul3A_61 = arith.muli %arg0, %mul3A_60 : i32
    %add3A_62 = arith.constant 0 : i32
    %add3A_63 = arith.addi %mul3A_61, %add3A_62 : i32
    %swap3A_64 = arith.index_cast %add3A_63 : i32 to index
    %swap3A_65 = arith.constant 0 : index
    %swap3A_66 = vector.load %arg20[%swap3A_64, %swap3A_65] : memref<104x128xf32, #tpu.memory_space<vmem>>, vector<1x128xf32>
    tpu.vector_store %arg20[%swap3A_64, %swap3A_65], %reshape3A {strides = array<i32>} : memref<104x128xf32, #tpu.memory_space<vmem>>, vector<1x128xf32>,
    %slice3A_67 = vector.extract_strided_slice %exp3A {offsets = [100, 0], sizes = [100, 1], strides = [1, 1]} : vector<400x1xf32> to vector<100x1xf32>
    %slice3A_68 = vector.extract_strided_slice %max3A_35 {offsets = [100, 0], sizes = [100, 128], strides = [1, 1]} : vector<400x128xf32> to vector<100x128xf32>
    %reduce_sum3A_69 = arith.constant dense<0.000000e+00> : vector<1xf32>
    %reduce_sum3A_70 = vector.multi_reduction <add>, %slice3A_67, %reduce_sum3A_69 [0] : vector<100x1xf32> to vector<1xf32>
    %broadcast_in_dim3A_71 = vector.shape_cast %reduce_sum3A_70 : vector<1xf32> to vector<1x1xf32>
    %div3A_72 = vector.broadcast %broadcast_in_dim3A_71 : vector<1x1xf32> to vector<100x1xf32>
    %div3A_73 = arith.divf %slice3A_67, %div3A_72 : vector<100x1xf32>
    %mul3A_74 = vector.broadcast %div3A_73 : vector<100x1xf32> to vector<100x128xf32>
    %mul3A_75 = arith.mulf %slice3A_68, %mul3A_74 : vector<100x128xf32>
    %reduce_sum3A_76 = arith.constant dense<0.000000e+00> : vector<128xf32>
    %reduce_sum3A_77 = vector.multi_reduction <add>, %mul3A_75, %reduce_sum3A_76 [0] : vector<100x128xf32> to vector<128xf32>
    %reshape3A_78 = vector.shape_cast %reduce_sum3A_77 : vector<128xf32> to vector<1x128xf32>
    %mul3A_79 = arith.constant 4 : i32
    %mul3A_80 = arith.muli %arg0, %mul3A_79 : i32
    %add3A_81 = arith.constant 1 : i32
    %add3A_82 = arith.addi %mul3A_80, %add3A_81 : i32
    %swap3A_83 = arith.index_cast %add3A_82 : i32 to index
    %swap3A_84 = arith.constant 0 : index
    %swap3A_85 = vector.load %arg20[%swap3A_83, %swap3A_84] : memref<104x128xf32, #tpu.memory_space<vmem>>, vector<1x128xf32>
    tpu.vector_store %arg20[%swap3A_83, %swap3A_84], %reshape3A_78 {strides = array<i32>} : memref<104x128xf32, #tpu.memory_space<vmem>>, vector<1x128xf32>,
    %slice3A_86 = vector.extract_strided_slice %exp3A {offsets = [200, 0], sizes = [100, 1], strides = [1, 1]} : vector<400x1xf32> to vector<100x1xf32>
    %slice3A_87 = vector.extract_strided_slice %max3A_35 {offsets = [200, 0], sizes = [100, 128], strides = [1, 1]} : vector<400x128xf32> to vector<100x128xf32>
    %reduce_sum3A_88 = arith.constant dense<0.000000e+00> : vector<1xf32>
    %reduce_sum3A_89 = vector.multi_reduction <add>, %slice3A_86, %reduce_sum3A_88 [0] : vector<100x1xf32> to vector<1xf32>
    %broadcast_in_dim3A_90 = vector.shape_cast %reduce_sum3A_89 : vector<1xf32> to vector<1x1xf32>
    %div3A_91 = vector.broadcast %broadcast_in_dim3A_90 : vector<1x1xf32> to vector<100x1xf32>
    %div3A_92 = arith.divf %slice3A_86, %div3A_91 : vector<100x1xf32>
    %mul3A_93 = vector.broadcast %div3A_92 : vector<100x1xf32> to vector<100x128xf32>
    %mul3A_94 = arith.mulf %slice3A_87, %mul3A_93 : vector<100x128xf32>
    %reduce_sum3A_95 = arith.constant dense<0.000000e+00> : vector<128xf32>
    %reduce_sum3A_96 = vector.multi_reduction <add>, %mul3A_94, %reduce_sum3A_95 [0] : vector<100x128xf32> to vector<128xf32>
    %reshape3A_97 = vector.shape_cast %reduce_sum3A_96 : vector<128xf32> to vector<1x128xf32>
    %mul3A_98 = arith.constant 4 : i32
    %mul3A_99 = arith.muli %arg0, %mul3A_98 : i32
    %add3A_100 = arith.constant 2 : i32
    %add3A_101 = arith.addi %mul3A_99, %add3A_100 : i32
    %swap3A_102 = arith.index_cast %add3A_101 : i32 to index
    %swap3A_103 = arith.constant 0 : index
    %swap3A_104 = vector.load %arg20[%swap3A_102, %swap3A_103] : memref<104x128xf32, #tpu.memory_space<vmem>>, vector<1x128xf32>
    tpu.vector_store %arg20[%swap3A_102, %swap3A_103], %reshape3A_97 {strides = array<i32>} : memref<104x128xf32, #tpu.memory_space<vmem>>, vector<1x128xf32>,
    %slice3A_105 = vector.extract_strided_slice %exp3A {offsets = [300, 0], sizes = [100, 1], strides = [1, 1]} : vector<400x1xf32> to vector<100x1xf32>
    %slice3A_106 = vector.extract_strided_slice %max3A_35 {offsets = [300, 0], sizes = [100, 128], strides = [1, 1]} : vector<400x128xf32> to vector<100x128xf32>
    %reduce_sum3A_107 = arith.constant dense<0.000000e+00> : vector<1xf32>
    %reduce_sum3A_108 = vector.multi_reduction <add>, %slice3A_105, %reduce_sum3A_107 [0] : vector<100x1xf32> to vector<1xf32>
    %broadcast_in_dim3A_109 = vector.shape_cast %reduce_sum3A_108 : vector<1xf32> to vector<1x1xf32>
    %div3A_110 = vector.broadcast %broadcast_in_dim3A_109 : vector<1x1xf32> to vector<100x1xf32>
    %div3A_111 = arith.divf %slice3A_105, %div3A_110 : vector<100x1xf32>
    %mul3A_112 = vector.broadcast %div3A_111 : vector<100x1xf32> to vector<100x128xf32>
    %mul3A_113 = arith.mulf %slice3A_106, %mul3A_112 : vector<100x128xf32>
    %reduce_sum3A_114 = arith.constant dense<0.000000e+00> : vector<128xf32>
    %reduce_sum3A_115 = vector.multi_reduction <add>, %mul3A_113, %reduce_sum3A_114 [0] : vector<100x128xf32> to vector<128xf32>
    %reshape3A_116 = vector.shape_cast %reduce_sum3A_115 : vector<128xf32> to vector<1x128xf32>
    %mul3A_117 = arith.constant 4 : i32
    %mul3A_118 = arith.muli %arg0, %mul3A_117 : i32
    %add3A_119 = arith.constant 3 : i32
    %add3A_120 = arith.addi %mul3A_118, %add3A_119 : i32
    %swap3A_121 = arith.index_cast %add3A_120 : i32 to index
    %swap3A_122 = arith.constant 0 : index
    %swap3A_123 = vector.load %arg20[%swap3A_121, %swap3A_122] : memref<104x128xf32, #tpu.memory_space<vmem>>, vector<1x128xf32>
    tpu.vector_store %arg20[%swap3A_121, %swap3A_122], %reshape3A_116 {strides = array<i32>} : memref<104x128xf32, #tpu.memory_space<vmem>>, vector<1x128xf32>,
    %eq3A = arith.constant 25 : i32
    %eq3A_124 = arith.cmpi eq, %arg0, %eq3A : i32
    %convert_element_type3A = arith.extui %eq3A_124 : i1 to i32
    %cond3A = arith.constant 0 : i32
    %cond3A_125 = arith.cmpi ne, %convert_element_type3A, %cond3A : i32
    scf.if %cond3A_125 {
      %get3A_126 = arith.constant 0 : index
      %get3A_127 = arith.constant 0 : index
      %get3A_128 = vector.load %arg20[%get3A_126, %get3A_127] : memref<104x128xf32, #tpu.memory_space<vmem>>, vector<100x128xf32>
      %get3A_129 = arith.constant 0 : index
      %get3A_130 = arith.constant 0 : index
      %get3A_131 = vector.load %arg10[%get3A_129, %get3A_130] : memref<128x128xf32, #tpu.memory_space<vmem>>, vector<128x128xf32>
      %dot_general3A_132 = arith.constant dense<0.000000e+00> : vector<100x128xf32>
      %dot_general3A_133 = tpu.matmul %get3A_128, %get3A_131, %dot_general3A_132 {dimension_numbers = #tpu.dot_dimension_numbers<[1], [0], [0], [1], [0, 0, 1, 1], [], []>, precision = #tpu.contract_precision<fp32>, transpose_lhs_hint = false} : vector<100x128xf32>, vector<128x128xf32>, vector<100x128xf32> -> vector<100x128xf32>
      %get3A_134 = arith.constant 0 : index
      %get3A_135 = vector.load %arg11[%get3A_134] : memref<128xf32, #tpu.memory_space<vmem>>, vector<128xf32>
      %broadcast_in_dim3A_136 = vector.shape_cast %get3A_135 : vector<128xf32> to vector<1x128xf32>
      %add3A_137 = vector.broadcast %broadcast_in_dim3A_136 : vector<1x128xf32> to vector<100x128xf32>
      %add3A_138 = arith.addf %dot_general3A_133, %add3A_137 : vector<100x128xf32>
      %mul3A_139 = arith.constant 0.999994993 : f32
      %mul3A_140 = vector.broadcast %mul3A_139 : f32 to vector<100x128xf32>
      %mul3A_141 = arith.mulf %add3A_138, %mul3A_140 : vector<100x128xf32>
      %get3A_142 = arith.constant 0 : index
      %get3A_143 = vector.load %arg12[%get3A_142] : memref<128xf32, #tpu.memory_space<vmem>>, vector<128xf32>
      %broadcast_in_dim3A_144 = vector.shape_cast %get3A_143 : vector<128xf32> to vector<1x128xf32>
      %mul3A_145 = vector.broadcast %broadcast_in_dim3A_144 : vector<1x128xf32> to vector<100x128xf32>
      %mul3A_146 = arith.mulf %mul3A_141, %mul3A_145 : vector<100x128xf32>
      %get3A_147 = arith.constant 0 : index
      %get3A_148 = vector.load %arg13[%get3A_147] : memref<128xf32, #tpu.memory_space<vmem>>, vector<128xf32>
      %broadcast_in_dim3A_149 = vector.shape_cast %get3A_148 : vector<128xf32> to vector<1x128xf32>
      %add3A_150 = vector.broadcast %broadcast_in_dim3A_149 : vector<1x128xf32> to vector<100x128xf32>
      %add3A_151 = arith.addf %mul3A_146, %add3A_150 : vector<100x128xf32>
      %max3A_152 = arith.constant 0.000000e+00 : f32
      %max3A_153 = vector.broadcast %max3A_152 : f32 to vector<100x128xf32>
      %max3A_154 = arith.maximumf %add3A_151, %max3A_153 : vector<100x128xf32>
      %get3A_155 = arith.constant 0 : index
      %get3A_156 = arith.constant 0 : index
      %get3A_157 = vector.load %arg14[%get3A_155, %get3A_156] : memref<128x32xf32, #tpu.memory_space<vmem>>, vector<128x32xf32>
      %dot_general3A_158 = arith.constant dense<0.000000e+00> : vector<100x32xf32>
      %dot_general3A_159 = tpu.matmul %max3A_154, %get3A_157, %dot_general3A_158 {dimension_numbers = #tpu.dot_dimension_numbers<[1], [0], [0], [1], [0, 0, 1, 1], [], []>, precision = #tpu.contract_precision<fp32>, transpose_lhs_hint = false} : vector<100x128xf32>, vector<128x32xf32>, vector<100x32xf32> -> vector<100x32xf32>
      %get3A_160 = arith.constant 0 : index
      %get3A_161 = vector.load %arg15[%get3A_160] : memref<32xf32, #tpu.memory_space<vmem>>, vector<32xf32>
      %broadcast_in_dim3A_162 = vector.shape_cast %get3A_161 : vector<32xf32> to vector<1x32xf32>
      %add3A_163 = vector.broadcast %broadcast_in_dim3A_162 : vector<1x32xf32> to vector<100x32xf32>
      %add3A_164 = arith.addf %dot_general3A_159, %add3A_163 : vector<100x32xf32>
      %mul3A_165 = arith.constant 0.999994993 : f32
      %mul3A_166 = vector.broadcast %mul3A_165 : f32 to vector<100x32xf32>
      %mul3A_167 = arith.mulf %add3A_164, %mul3A_166 : vector<100x32xf32>
      %get3A_168 = arith.constant 0 : index
      %get3A_169 = vector.load %arg16[%get3A_168] : memref<32xf32, #tpu.memory_space<vmem>>, vector<32xf32>
      %broadcast_in_dim3A_170 = vector.shape_cast %get3A_169 : vector<32xf32> to vector<1x32xf32>
      %mul3A_171 = vector.broadcast %broadcast_in_dim3A_170 : vector<1x32xf32> to vector<100x32xf32>
      %mul3A_172 = arith.mulf %mul3A_167, %mul3A_171 : vector<100x32xf32>
      %get3A_173 = arith.constant 0 : index
      %get3A_174 = vector.load %arg17[%get3A_173] : memref<32xf32, #tpu.memory_space<vmem>>, vector<32xf32>
      %broadcast_in_dim3A_175 = vector.shape_cast %get3A_174 : vector<32xf32> to vector<1x32xf32>
      %add3A_176 = vector.broadcast %broadcast_in_dim3A_175 : vector<1x32xf32> to vector<100x32xf32>
      %add3A_177 = arith.addf %mul3A_172, %add3A_176 : vector<100x32xf32>
      %max3A_178 = arith.constant 0.000000e+00 : f32
      %max3A_179 = vector.broadcast %max3A_178 : f32 to vector<100x32xf32>
      %max3A_180 = arith.maximumf %add3A_177, %max3A_179 : vector<100x32xf32>
      %swap3A_181 = arith.constant 0 : index
      %swap3A_182 = arith.constant 0 : index
      %swap3A_183 = vector.load %arg19[%swap3A_181, %swap3A_182] : memref<100x32xf32, #tpu.memory_space<vmem>>, vector<100x32xf32>
      tpu.vector_store %arg19[%swap3A_181, %swap3A_182], %max3A_180 {strides = array<i32>} : memref<100x32xf32, #tpu.memory_space<vmem>>, vector<100x32xf32>,
    } else {
    }
    return
  }
  func.func @transform_0(%arg0: i32) -> (i32, i32, i32) {
    %min3A = arith.constant 24 : i32
    %min3A_0 = arith.minsi %arg0, %min3A : i32
    %c0_i32 = arith.constant 0 : i32
    %c0_i32_1 = arith.constant 0 : i32
    %c0_i32_2 = arith.constant 0 : i32
    return %c0_i32, %min3A_0, %c0_i32_1 : i32, i32, i32
  }
  func.func @transform_1(%arg0: i32) -> (i32, i32) {
    %min3A = arith.constant 24 : i32
    %min3A_0 = arith.minsi %arg0, %min3A : i32
    %c0_i32 = arith.constant 0 : i32
    %c0_i32_1 = arith.constant 0 : i32
    return %min3A_0, %c0_i32 : i32, i32
  }
  func.func @transform_2(%arg0: i32) -> (i32, i32) {
    %min3A = arith.constant 24 : i32
    %min3A_0 = arith.minsi %arg0, %min3A : i32
    %c0_i32 = arith.constant 0 : i32
    %c0_i32_1 = arith.constant 0 : i32
    return %min3A_0, %c0_i32 : i32, i32
  }
  func.func @transform_3(%arg0: i32) -> i32 {
    %c0_i32 = arith.constant 0 : i32
    %c0_i32_0 = arith.constant 0 : i32
    return %c0_i32 : i32
  }
  func.func @transform_4(%arg0: i32) -> i32 {
    %c0_i32 = arith.constant 0 : i32
    %c0_i32_0 = arith.constant 0 : i32
    return %c0_i32 : i32
  }
  func.func @transform_5(%arg0: i32) -> i32 {
    %c0_i32 = arith.constant 0 : i32
    %c0_i32_0 = arith.constant 0 : i32
    return %c0_i32 : i32
  }
  func.func @transform_6(%arg0: i32) -> (i32, i32) {
    %c0_i32 = arith.constant 0 : i32
    %c0_i32_0 = arith.constant 0 : i32
    %c0_i32_1 = arith.constant 0 : i32
    return %c0_i32, %c0_i32_0 : i32, i32
  }
  func.func @transform_7(%arg0: i32) -> i32 {
    %c0_i32 = arith.constant 0 : i32
    %c0_i32_0 = arith.constant 0 : i32
    return %c0_i32 : i32
  }
  func.func @transform_8(%arg0: i32) -> (i32, i32) {
    %c0_i32 = arith.constant 0 : i32
    %c0_i32_0 = arith.constant 0 : i32
    %c0_i32_1 = arith.constant 0 : i32
    return %c0_i32, %c0_i32_0 : i32, i32
  }
  func.func @transform_9(%arg0: i32) -> (i32, i32) {
    %c0_i32 = arith.constant 0 : i32
    %c0_i32_0 = arith.constant 0 : i32
    %c0_i32_1 = arith.constant 0 : i32
    return %c0_i32, %c0_i32_0 : i32, i32
  }
  func.func @transform_10(%arg0: i32) -> i32 {
    %c0_i32 = arith.constant 0 : i32
    %c0_i32_0 = arith.constant 0 : i32
    return %c0_i32 : i32
  }
  func.func @transform_11(%arg0: i32) -> i32 {
    %c0_i32 = arith.constant 0 : i32
    %c0_i32_0 = arith.constant 0 : i32
    return %c0_i32 : i32
  }
  func.func @transform_12(%arg0: i32) -> i32 {
    %c0_i32 = arith.constant 0 : i32
    %c0_i32_0 = arith.constant 0 : i32
    return %c0_i32 : i32
  }
  func.func @transform_13(%arg0: i32) -> (i32, i32) {
    %c0_i32 = arith.constant 0 : i32
    %c0_i32_0 = arith.constant 0 : i32
    %c0_i32_1 = arith.constant 0 : i32
    return %c0_i32, %c0_i32_0 : i32, i32
  }
  func.func @transform_14(%arg0: i32) -> i32 {
    %c0_i32 = arith.constant 0 : i32
    %c0_i32_0 = arith.constant 0 : i32
    return %c0_i32 : i32
  }
  func.func @transform_15(%arg0: i32) -> i32 {
    %c0_i32 = arith.constant 0 : i32
    %c0_i32_0 = arith.constant 0 : i32
    return %c0_i32 : i32
  }
  func.func @transform_16(%arg0: i32) -> i32 {
    %c0_i32 = arith.constant 0 : i32
    %c0_i32_0 = arith.constant 0 : i32
    return %c0_i32 : i32
  }
  func.func @transform_17(%arg0: i32) -> (i32, i32) {
    %min3A = arith.constant 24 : i32
    %min3A_0 = arith.minsi %arg0, %min3A : i32
    %c0_i32 = arith.constant 0 : i32
    %c0_i32_1 = arith.constant 0 : i32
    return %min3A_0, %c0_i32 : i32, i32
  }
  func.func @transform_18(%arg0: i32) -> (i32, i32) {
    %c0_i32 = arith.constant 0 : i32
    %c0_i32_0 = arith.constant 0 : i32
    %c0_i32_1 = arith.constant 0 : i32
    return %c0_i32, %c0_i32_0 : i32, i32
  }
}

</mosaic_0001>

<sc_bundles>
// kernel: kernel.11.cloned.1.call-start
scs
__scs_entry_jumppad:
0x0: {  	(pc) =	sbr.rel $0x88, $3  }
0x1: {  	(tag) =	ssettag $0x0;
	lr =	simm.s32 $0x1  }
0x2: {  	[smem:$0x3F8C] =	sst lr;
	_ =	strace $0xD0000000  }
0x3: {  	_ = 	snop  }
0x4: {  	_ = 	snop  }
0x5: {  	_ = 	snop  }
0x6: {  	_ = 	snop  }
0x7: {  	_ = 	snop  }
__scs_overlays_trampoline_lowered:
0x8: {  	[smem:$0x3F9B] =	sst s0  }
0x9: {  	[smem:$0x3F9C] =	sst s1  }
0xa: {  	[smem:$0x3F9D] =	sst s2  }
0xb: {  	[smem:$0x3F9E] =	sst s3  }
0xc: {  	[smem:$0x3F9F] =	sst s4  }
0xd: {  	[smem:$0x3FA0] =	sst s5  }
0xe: {  	[smem:$0x3FA1] =	sst s6  }
0xf: {  	[smem:$0x3FA2] =	sst s7  }
0x10: {  	[smem:$0x3FA3] =	sst s8  }
0x11: {  	[smem:$0x3FA4] =	sst s9;
	s0 =	simm.s32 @!p0 $0x0  }
0x12: {  	s1 =	sld [smem:$0x3F8A];
	s0 =	simm.s32 @p0 $0x1  }
0x13: {  	[smem:$0x3FA5] =	sst s0;
	s0 =	simm.s32 @!p1 $0x0  }
0x14: {  	s2 =	sld [smem:$0x3F89];
	s0 =	simm.s32 @p1 $0x1  }
0x15: {  	[smem:$0x3FA6] =	sst s0;
	s0 =	simm.s32 @!p2 $0x0  }
0x16: {  	s3 =	sld [smem:$0x3FDB];
	s0 =	simm.s32 @p2 $0x1  }
0x17: {  	s4 =	simm.s32 $0x1BF5;
	[smem:$0x3FA8] =	sst s0  }
0x18: {  	s0 =	sld [smem:$0x3F8B];
	_ =	swait.ge [sflag:s4], $0x0  }
0x19: {  	s7 =	sld [smem:$0x3F8C]  }
0x1a: {  	s8 =	sadd.s32 $0xFFFFE003, lr  }
0x1b: {  	s9 =	sadd.s32 $0xFFFFFEF7, lr;
	s5 =	simm.s32 $0xFFFFFFFF;
	p2 =	slt.u32 s8, $0xFFFFF086  }
0x1c: {  	p1 =	slt.u32 s9, $0xF7A;
	s5 =	simm.s32 @!p2 $0x0  }
0x1d: {  	s5 =	simm.s32 @p1 $0x1;
	p0 =	seq.s32 s7, s2  }
0x1e: {  	s7 =	smul.u32 @!p0 $0xF7A, s2;
	p2 =	seq.s32 @!p0 s5, $0x0  }
0x1f: {  	s9 =	smul.u32 $0xF7A, s1;
	s8 =	simm.s32 @!p0 $0x1BF5;
	p2 =	por !p2, p0  }
0x20: {  	[sflag:s8] =	ssyncset.s32 @!p0 $0xFFFFF086;
	s6 =	sadd.s32 @!p0 s3, s7;
	s7 =	simm.s32 @!p0 $0x108  }
0x21: {  	s3 =	sadd.s32 s3, s9;
	s6 =	sadd.s32 @!p0 $0x88, s6;
	s7 =	simm.s32 @p2 $0x1082  }
0x22: {  	[simem:s7], [sflag:s8] =	dma.local @!p0 [hbm:s6], $0xF7A  }
0x23: {  	s9 =	sor.u32 $0xD0000000, s2;
	s6 =	simm.s32 $0x108;
	_ =	swait.ge @!p0 [sflag:s8], $0x0  }
0x24: {  	s3 =	sadd.s32 $0x88, s3;
	s6 =	simm.s32 @!p1 $0x1082;
	[sflag:s4] =	ssyncset.s32 $0xFFFFF086  }
0x25: {  	[simem:s6], [sflag:s4] =	dma.local [hbm:s3], $0xF7A  }
0x26: {  	[smem:$0x3F8C] =	sst s1;
	(tag) =	ssettag s2;
	_ =	strace s9  }
0x27: {  	s1 =	sld [smem:$0x3F9C]  }
0x28: {  	s2 =	sld [smem:$0x3F9D]  }
0x29: {  	s4 =	sld [smem:$0x3F9F]  }
0x2a: {  	p0 =	seq.s32 s5, $0x0;
	s5 =	sld [smem:$0x3FA0]  }
0x2b: {  	s6 =	sld [smem:$0x3FA1]  }
0x2c: {  	s7 =	sld [smem:$0x3FA2]  }
0x2d: {  	s3 =	simm.s32 $0x108;
	s8 =	sld [smem:$0x3FA3]  }
0x2e: {  	s3 =	simm.s32 @!p0 $0x1082;
	s9 =	sld [smem:$0x3FA4]  }
0x2f: {  	lr =	sadd.s32 s0, s3;
	s0 =	sld [smem:$0x3F9B]  }
0x30: {  	s3 =	sld [smem:$0x3F9E]  }
0x31: {  	[smem:$0x3FA7] =	sst s10  }
0x32: {  	s10 =	sld [smem:$0x3FA5];
	_ =	sdelay $0x3  }
0x33: {  	p0 =	seq.s32 s10, $0x1;
	s10 =	sld [smem:$0x3FA7];
	_ =	sdelay $0x3  }
0x34: {  	[smem:$0x3FA7] =	sst s10  }
0x35: {  	s10 =	sld [smem:$0x3FA6];
	_ =	sdelay $0x3  }
0x36: {  	p1 =	seq.s32 s10, $0x1;
	s10 =	sld [smem:$0x3FA7];
	_ =	sdelay $0x3  }
0x37: {  	[smem:$0x3FA7] =	sst s10  }
0x38: {  	s10 =	sld [smem:$0x3FA8]  }
0x39: {  	_ = 	snop;
	(pc) =	sbr.ind lr, $3  }
0x3a: {  	_ = 	snop  }
0x3b: {  	_ = 	snop  }
0x3c: {  	p2 =	seq.s32 s10, $0x1;
	s10 =	sld [smem:$0x3FA7]  }
0x3d: {  	_ =	shalt  }
0x3e: {  	_ =	shalt  }
0x3f: {  	_ =	shalt  }
0x40: {  	_ =	shalt  }
0x41: {  	_ =	shalt  }
0x42: {  	_ =	shalt  }
0x43: {  	_ =	shalt  }
0x44: {  	_ =	shalt  }
0x45: {  	_ =	shalt  }
0x46: {  	_ =	shalt  }
0x47: {  	_ =	shalt  }
0x48: {  	_ =	shalt  }
0x49: {  	_ =	shalt  }
0x4a: {  	_ =	shalt  }
0x4b: {  	_ =	shalt  }
0x4c: {  	_ =	shalt  }
0x4d: {  	_ =	shalt  }
0x4e: {  	_ =	shalt  }
0x4f: {  	_ =	shalt  }
0x50: {  	_ =	shalt  }
0x51: {  	_ =	shalt  }
0x52: {  	_ =	shalt  }
0x53: {  	_ =	shalt  }
0x54: {  	_ =	shalt  }
0x55: {  	_ =	shalt  }
0x56: {  	_ =	shalt  }
0x57: {  	_ =	shalt  }
0x58: {  	_ =	shalt  }
0x59: {  	_ =	shalt  }
0x5a: {  	_ =	shalt  }
0x5b: {  	_ =	shalt  }
0x5c: {  	_ =	shalt  }
0x5d: {  	_ =	shalt  }
0x5e: {  	_ =	shalt  }
0x5f: {  	_ =	shalt  }
0x60: {  	_ =	shalt  }
0x61: {  	_ =	shalt  }
0x62: {  	_ =	shalt  }
0x63: {  	_ =	shalt  }
0x64: {  	_ =	shalt  }
0x65: {  	_ =	shalt  }
0x66: {  	_ =	shalt  }
0x67: {  	_ =	shalt  }
0x68: {  	_ =	shalt  }
0x69: {  	_ =	shalt  }
0x6a: {  	_ =	shalt  }
0x6b: {  	_ =	shalt  }
0x6c: {  	_ =	shalt  }
0x6d: {  	_ =	shalt  }
0x6e: {  	_ =	shalt  }
0x6f: {  	_ =	shalt  }
0x70: {  	_ =	shalt  }
0x71: {  	_ =	shalt  }
0x72: {  	_ =	shalt  }
0x73: {  	_ =	shalt  }
0x74: {  	_ =	shalt  }
0x75: {  	_ =	shalt  }
0x76: {  	_ =	shalt  }
0x77: {  	_ =	shalt  }
0x78: {  	_ =	shalt  }
0x79: {  	_ =	shalt  }
0x7a: {  	_ =	shalt  }
0x7b: {  	_ =	shalt  }
0x7c: {  	_ =	shalt  }
0x7d: {  	_ =	shalt  }
0x7e: {  	_ =	shalt  }
0x7f: {  	_ =	shalt  }
0x80: {  	_ =	shalt  }
0x81: {  	_ =	shalt  }
0x82: {  	_ =	shalt  }
0x83: {  	_ =	shalt  }
0x84: {  	_ =	shalt  }
0x85: {  	_ =	shalt  }
0x86: {  	_ =	shalt  }
0x87: {  	_ =	shalt  }
.Lfunc_end0:
.L_simem_size_0:
called_computation.1_lowered:
.L_overlay_start_0:
0x88: {  	s2 =	sld [smem:$0x3FD9]  }
0x89: {  	s3 =	sld [smem:$0x3FFE];
	_ =	sdelay $0x1  }
0x8a: {  	s1 =	srdreg.scid  }
0x8b: {  	s0 =	sand.u32 $0x1, s1  }
0x8c: {  	s14 =	sshll.u32 s0, $0xA;
	s2 =	sadd.s32 s3, s2  }
0x8d: {  	s2 =	sadd.s32 s2, s14  }
0x8e: {  	[smem:$0x3FB3] =	sst s2  }
0x8f: {  	_ = 	snop  }
0x90: {  	s2 =	sld [smem:$0x3FD0];
	_ =	sdelay $0x2  }
0x91: {  	s15 =	simm.s32 $0xA;
	s4 =	simm.s32 $0x10  }
0x92: {  	[smem:s4], [sflag:s15] =	dma.local [hbm:s2], $0x1  }
0x93: {  	_ =	swait.eq [sflag:s15], $0x1  }
0x94: {  	[sflag:s15] =	ssyncset.done $0x0  }
0x95: {  	[sflag:s15] =	ssyncadd.s32 $0xFFFFFFFF  }
0x96: {  	s16 =	sld [smem:$0x11];
	(tm) =	ssettm $0x1  }
0x97: {  	s17 =	sld [smem:$0x3FFB];
	_ =	sdelay $0x3  }
0x98: {  	_ =	strace s17  }
0x99: {  	s3 =	sld [smem:$0x3FFC];
	_ =	sdelay $0x3  }
0x9a: {  	_ =	strace s3  }
0x9b: {  	s3 =	sld [smem:$0x3FFD];
	_ =	sdelay $0x3  }
0x9c: {  	_ =	strace s3  }
0x9d: {  	_ =	strace $0x8FFFFFFF  }
0x9e: {  	s18 =	sld [smem:$0x3FDB];
	_ =	sdelay $0x1  }
0x9f: {  	s19 =	simm.s32 $_scs_section_size  }
0xa0: {  	s5 =	simm.s32 $_size__tile_overlayer_lowered;
	s6 =	simm.s32 $_tile_overlayer_lowered  }
0xa1: {  	s22 =	simm.s32 $0x1BFF;
	s21 =	sshll.u32 s6, $0x1;
	s3 =	sadd.s32 s19, s18  }
0xa2: {  	s7 =	simm.s32 $0x0;
	s20 =	sshll.u32 s5, $0x1;
	s5 =	sadd.s32 s21, s3  }
0xa3: {  	[timem:s7], [sflag:s22] =	dma.local [hbm:s5], s20  }
0xa4: {  	_ =	swait.ge [sflag:s22], s20  }
0xa5: {  	s4 =	ssub.s32 $0x0, s20;
	[sflag:s22] =	ssyncset.done $0x0  }
0xa6: {  	[sflag:s22] =	ssyncadd.s32 s4;
	_ =	sdelay $0x1  }
0xa7: {  	s23 =	simm.s32 $0x1B8B  }
0xa8: {  	_ =	swait.ge [sflag:s23], $0x1  }
0xa9: {  	[sflag:s23] =	ssyncset.done $0x0  }
0xaa: {  	s25 =	simm.s32 $0x1B8E;
	s24 =	sld [smem:$0x3FFE];
	[sflag:s23] =	ssyncadd.s32 $0xFFFFFFFF  }
0xab: {  	s26 =	simm.s32 $execute0_lowered;
	[smem:$0x3FD2] =	sst s25  }
0xac: {  	s5 =	sshll.u32 s26, $0x1;
	_ =	strace $0x80000049;
	[dreg:$0x1] =	wrdreg $0xFFFFFFFF  }
0xad: {  	s28 =	simm.s32 $_size_execute0_lowered;
	s3 =	sadd.s32 s3, s5;
	[dreg:$0x0] =	wrdreg $0x0  }
0xae: {  	s5 =	sshll.u32 s28, $0x1;
	[dreg:$0x2] =	wrdreg s3  }
0xaf: {  	[dreg:$0x3] =	wrdreg s5  }
0xb0: {  	[dreg:$0x4] =	wrdreg $0xC0  }
0xb1: {  	_ =	task [dreg:s7], $0x5FFFF  }
0xb2: {  	[dreg:$0x1] =	wrdreg $0xFFFFFFFF  }
0xb3: {  	[dreg:$0x0] =	wrdreg $0x60  }
0xb4: {  	[dreg:$0x2] =	wrdreg s24  }
0xb5: {  	[dreg:$0x3] =	wrdreg s16  }
0xb6: {  	[dreg:$0x4] =	wrdreg $0xB0000  }
0xb7: {  	[dreg:$0x5] =	wrdreg $0x9  }
0xb8: {  	_ =	task.clear_ibuf [dreg:s7], $0x6FFFF;
	_ =	strace $0x90000049  }
0xb9: {  	s29 =	simm.s32 $0x9;
	_ =	strace $0x8000004B  }
0xba: {  	_ =	swait.ge [sflag:s29], $0x1  }
0xbb: {  	[sflag:s29] =	ssyncadd.s32 $0xFFFFFFFF  }
0xbc: {  	_ =	strace $0x9000004B  }
0xbd: {  	_ =	sfence  }
0xbe: {  	s30 =	sld [smem:$0x0];
	_ =	sdelay $0x2  }
0xbf: {  	s31 =	sshll.u32 s1, $0xD;
	s1 =	sshrl.u32 s1, $0x2  }
0xc0: {  	s3 =	sand.u32 $0x4000, s31;
	s1 =	sadd.s32 s1, s30  }
0xc1: {  	s0 =	sor.u32 s3, s0;
	s1 =	sshll.u32 s1, $0x11  }
0xc2: {  	s0 =	sor.u32 s1, s0  }
0xc3: {  	s0 =	sadd.s32 $0x8F2B, s0  }
0xc4: {  	[sflag:s0] =	ssyncadd.remote.s32 $0x1  }
0xc5: {  	_ =	sfence.sel $0xFFFF  }
0xc6: {  	[dreg:$0x0] =	wrdreg $0xFFFFFFFF;
	(pc) =	sbr.abs _section_cstart, $3  }
0xc7: {  	[dreg:$0x1] =	wrdreg $0xFFFFFFFF  }
0xc8: {  	_ =	task.clear_ibuf [dreg:s7], $0x2FFFF;
	_ =	strace $0x9FFFFFFF  }
0xc9: {  	(tm) =	ssettm $0x7FFFFFFF  }
tec
execute0_lowered:
.L_overlay_start_1:
0x0: {  	(tag) =	ssettag $0x1  }
0x1: {  	s1 =	rddreg [dreg:$0x0]  }
0x2: {  	s0 =	srdreg.scid;
	s18 =	rddreg [dreg:$0x1]  }
0x3: {  	s21 =	stileid.u32;
	s2 =	rddreg [dreg:$0x2]  }
0x4: {  	s28 =	simm.s32 $0x2;
	s29 =	simm.s32 $0x0;
	s24 =	smul.u32 $0x50000, s21  }
0x5: {  	s0 =	sand.u32 $0x1, s0;
	s23 =	sshll.u32 s21, $0x7;
	s10 =	smul.u32 $0x14000, s21  }
0x6: {  	s3 =	sshll.u32 s0, $0x4;
	s6 =	sand.u32 $0x380, s23;
	s16 =	smul.u32 $0x140000, s0  }
0x7: {  	s8 =	ssub.s32 $0x2, s0;
	s0 =	smul.u32 $0x28000, s0;
	s7 =	sor.u32 s21, s3  }
0x8: {  	s3 =	simm.s32 $0x0;
	s25 =	sshrl.u32 s8, $0x1;
	s26 =	sshrl.u32 s24, $0x2  }
0x9: {  	s12 =	sadd.s32 $0x4000, s10;
	s14 =	sadd.s32 $0x8000, s10;
	s15 =	sadd.s32 $0xC000, s10  }
0xa: {  	s19 =	sadd.s32 $0x10000, s10;
	s21 =	smul.u32 $0x2800, s21;
	s24 =	simm.s32 $0x3  }
0xb: {  	s4 =	sshrl.u32 s7, $0x3;
	[smem:$0x7FF] =	sst s3;
	s17 =	ssub.s32 s8, s25  }
0xc: {  	s13 =	smul.u32 $0x2800, s7;
	s7 =	sadd.s32 s14, s2;
	s8 =	sadd.s32 s15, s2  }
0xd: {  	s9 =	sadd.s32 s19, s2;
	s20 =	sadd.s32 s10, s16;
	s14 =	sadd.s32 s16, s14  }
0xe: {  	s15 =	sadd.s32 s16, s15;
	s25 =	simm.s32 $0x7000;
	s5 =	smul.u32 $0x14000, s4  }
0xf: {  	_ =	strace $0x8000004A;
	s4 =	sadd.s32 $0x22800, s1;
	s30 =	sshrl.u32 s20, $0x3  }
0x10: {  	s14 =	sshrl.u32 s14, $0x3;
	s0 =	sadd.s32 s21, s0;
	s15 =	sshrl.u32 s15, $0x3  }
0x11: {  	s17 =	smax.u32 s17, $0x1;
	s20 =	simm.s32 $0x4;
	s21 =	simm.s32 $0x80  }
0x12: {  	s13 =	sshrl.u32 s13, $0x3;
	s0 =	sor.u32 $0x400, s0;
	s5 =	sor.u32 s6, s5  }
0x13: {  	s6 =	sadd.s32 s12, s2;
	s12 =	sadd.s32 s16, s12;
	s16 =	sadd.s32 s16, s19  }
0x14: {  	s0 =	sshrl.u32 s0, $0x3;
	s19 =	simm.s32 $0x3000;
	s5 =	sshrl.u32 s5, $0x3  }
.Ltmp0:
0x15: {  	s31 =	sshrl.u32 s12, $0x3;
	s16 =	sshrl.u32 s16, $0x3;
	(pc) =	sbr.rel .LBB2_1-.Ltmp0, $4  }
0x16: {  	s11 =	sadd.s32 s5, s1;
	s1 =	sadd.s32 $0x4A800, s1;
	s5 =	sadd.s32 s26, s2  }
0x17: {  	s26 =	simm.s32 $0x1;
	s10 =	sadd.s32 $0x18800, s11;
	s11 =	sadd.s32 s18, s13  }
0x18: {  	s12 =	sadd.s32 s1, s30;
	s13 =	sadd.s32 s1, s31;
	s14 =	sadd.s32 s1, s14  }
0x19: {  	v0 =	vimm.f32 $0.0e+00;
	s15 =	sadd.s32 s1, s15;
	s16 =	sadd.s32 s1, s16;
	s18 =	sadd.s32 s0, s18  }
.LBB2_5:
0x1a: {  	_ =	swait.ge [sflag:s28], $0x4000  }
0x1b: {  	[sflag:s28] =	ssyncset.done $0x0  }
0x1c: {  	s0 =	sadd.s32 $0x2B80, s0;
	[sflag:s28] =	ssyncadd.s32 $0xFFFFC000  }
0x1d: {  	[spmem:s2] =	stream.indirect.scatter.add.f32 [tilespmem:s25], [sflag:$0x4], $0x80, s0, s21, $0xb8;
	[tilespmem:$0x1F000] =	vst v63  }
0x1e: {  	_ =	swait.ge [sflag:s20], $0x4000  }
0x1f: {  	[sflag:s20] =	ssyncset.done $0x0  }
0x20: {  	[sflag:s20] =	ssyncadd.s32 $0xFFFFC000  }
.LBB2_7:
0x21: {  	s0 =	stileid.u32  }
0x22: {  	s0 =	sshll.u32 s0, $0x6  }
0x23: {  	[bflag:$0x0] =	sbarrier.arrive $0xFFFF;
	s1 =	sshrl.u32 s5, $0x3;
	s0 =	sor.u32 $0x1C04, s0  }
0x24: {  	[hbm:s12], [sflag:s0] =	dma.local [spmem:s1], $0x800  }
0x25: {  	_ =	swait.ge [sflag:s20], $0x800  }
0x26: {  	[sflag:s20] =	ssyncset.done $0x0  }
0x27: {  	s22 =	sshrl.u32 s6, $0x3;
	[sflag:s20] =	ssyncadd.s32 $0xFFFFF800  }
0x28: {  	[hbm:s13], [sflag:s0] =	dma.local [spmem:s22], $0x800  }
0x29: {  	_ =	swait.ge [sflag:s20], $0x800  }
0x2a: {  	[sflag:s20] =	ssyncset.done $0x0  }
0x2b: {  	s23 =	sshrl.u32 s7, $0x3;
	[sflag:s20] =	ssyncadd.s32 $0xFFFFF800  }
0x2c: {  	[hbm:s14], [sflag:s0] =	dma.local [spmem:s23], $0x800  }
0x2d: {  	_ =	swait.ge [sflag:s20], $0x800  }
0x2e: {  	[sflag:s20] =	ssyncset.done $0x0  }
0x2f: {  	s30 =	sshrl.u32 s8, $0x3;
	[sflag:s20] =	ssyncadd.s32 $0xFFFFF800  }
0x30: {  	[hbm:s15], [sflag:s0] =	dma.local [spmem:s30], $0x800  }
0x31: {  	s29 =	sadd.s32 $0x1, s29;
	_ =	swait.ge [sflag:s20], $0x800  }
0x32: {  	p0 =	sne.s32 s29, s17;
	[sflag:s20] =	ssyncset.done $0x0  }
.Ltmp1:
0x33: {  	s31 =	sshrl.u32 s9, $0x3;
	[sflag:s20] =	ssyncadd.s32 $0xFFFFF800;
	(pc) =	sbr.rel @!p0 .LBB2_8-.Ltmp1, $4  }
0x34: {  	[hbm:s16], [sflag:s0] =	dma.local [spmem:s31], $0x800  }
0x35: {  	_ =	swait.ge [sflag:s20], $0x800  }
0x36: {  	[sflag:s20] =	ssyncset.done $0x0  }
0x37: {  	[sflag:s20] =	ssyncadd.s32 $0xFFFFF800  }
.LBB2_1:
0x38: {  	s0 =	sand.u32 $0xFE00, s3  }
0x39: {  	s1 =	sand.u32 $0x70, s3;
	s22 =	sshrl.u32 s0, $0x2  }
0x3a: {  	s0 =	simm.s32 $0x40;
	s22 =	sor.u32 s1, s22;
	s1 =	simm.s32 $0x0  }
.LBB2_2:
0x3b: {  	p0 =	sne.s32 s0, $0xFFC0  }
0x3c: {  	[tilespmem:s22+$0x3000] =	vst v0;
	s1 =	sadd.s32 $0x10, s1;
	s22 =	smov.u32 s0;
	s0 =	sadd.s32 $0x40, s0  }
.Ltmp2:
0x3d: {  	(pc) =	sbr.rel @p0 .LBB2_2-.Ltmp2, $4  }
0x3e: {  	_ = 	snop  }
0x3f: {  	s22 =	sand.u32 $0xFE00, s22  }
0x40: {  	s30 =	sand.u32 $0x70, s1;
	s22 =	sshrl.u32 s22, $0x2  }
0x41: {  	s22 =	sor.u32 s30, s22  }
0x42: {  	[tilespmem:s22+$0x3000] =	vst v0  }
0x43: {  	[spmem:s5] =	stream.linear.scatter [tilespmem:s19], [sflag:$0x4], $0x4000, $0x38;
	[tilespmem:$0x1F000] =	vst v63  }
0x44: {  	_ =	swait.ge [sflag:s20], $0x4000  }
0x45: {  	[sflag:s20] =	ssyncset.done $0x0  }
0x46: {  	[sflag:s20] =	ssyncadd.s32 $0xFFFFC000  }
0x47: {  	[spmem:s6] =	stream.linear.scatter [tilespmem:s19], [sflag:$0x4], $0x4000, $0x38;
	[tilespmem:$0x1F000] =	vst v63  }
0x48: {  	_ =	swait.ge [sflag:s20], $0x4000  }
0x49: {  	[sflag:s20] =	ssyncset.done $0x0  }
0x4a: {  	[sflag:s20] =	ssyncadd.s32 $0xFFFFC000  }
0x4b: {  	[spmem:s7] =	stream.linear.scatter [tilespmem:s19], [sflag:$0x4], $0x4000, $0x38;
	[tilespmem:$0x1F000] =	vst v63  }
0x4c: {  	_ =	swait.ge [sflag:s20], $0x4000  }
0x4d: {  	[sflag:s20] =	ssyncset.done $0x0  }
0x4e: {  	[sflag:s20] =	ssyncadd.s32 $0xFFFFC000  }
0x4f: {  	[spmem:s8] =	stream.linear.scatter [tilespmem:s19], [sflag:$0x4], $0x4000, $0x38;
	[tilespmem:$0x1F000] =	vst v63  }
0x50: {  	_ =	swait.ge [sflag:s20], $0x4000  }
0x51: {  	[sflag:s20] =	ssyncset.done $0x0  }
0x52: {  	[sflag:s20] =	ssyncadd.s32 $0xFFFFC000  }
0x53: {  	[spmem:s9] =	stream.linear.scatter [tilespmem:s19], [sflag:$0x4], $0x4000, $0x38;
	[tilespmem:$0x1F000] =	vst v63  }
0x54: {  	_ =	swait.ge [sflag:s20], $0x4000  }
0x55: {  	[sflag:s20] =	ssyncset.done $0x0  }
0x56: {  	[sflag:s20] =	ssyncadd.s32 $0xFFFFC000  }
0x57: {  	s30 =	simm.s32 $0x0;
	s0 =	simm.s32 $0x400;
	[bflag:$0x0] =	sbarrier.arrive $0xFFFF  }
0x58: {  	[tilespmem:s30], [sflag:$0x3] =	stream.strided.gather [hbm4b:s10+s21], $0x2800, s0, s21, $0x38;
	[tilespmem:$0x1F000] =	vst v63  }
0x59: {  	s23 =	simm.s32 $0x2800  }
0x5a: {  	[tilespmem:s23], [sflag:$0x4] =	stream.linear.gather [hbm4b:s11+s30], $0x400, $0x38;
	[tilespmem:$0x1F000] =	vst v63  }
0x5b: {  	_ =	swait.ge [sflag:s20], $0x400  }
0x5c: {  	[sflag:s20] =	ssyncset.done $0x0  }
0x5d: {  	[sflag:s20] =	ssyncadd.s32 $0xFFFFFC00  }
0x5e: {  	_ =	swait.ge [sflag:s24], $0x2800  }
0x5f: {  	[sflag:s24] =	ssyncset.done $0x0  }
0x60: {  	s31 =	smov.u32 s18;
	s1 =	simm.s32 $0x0;
	[sflag:s24] =	ssyncadd.s32 $0xFFFFD800  }
0x61: {  	[tilespmem:s19], [sflag:$0x1] =	stream.indirect.gather [hbm4b:s4+s21], $0x80, s30, s21, $0xb8;
	[tilespmem:$0x1F000] =	vst v63  }
.LBB2_4:
0x62: {  	s0 =	sand.u32 $0x1, s1;
	p0 =	seq.s32 s30, $0x9000  }
0x63: {  	s22 =	sshll.u32 @!p0 s0, $0xA  }
0x64: {  	s22 =	sxor.u32 @!p0 $0x400, s22  }
0x65: {  	s23 =	simm.s32 @!p0 $0x0;
	s22 =	sor.u32 @!p0 $0x2800, s22  }
0x66: {  	[tilespmem:s22], [sflag:$0x3] =	stream.linear.gather @!p0 [hbm4b:s31+s23], $0x400, $0x38;
	[tilespmem:$0x1F000] =	vst v63  }
0x67: {  	s22 =	sshra.s32 s30, $0x2  }
0x68: {  	s23 =	sadd.s32 $0x80, s22  }
0x69: {  	[tilespmem:s25], [sflag:$0x2] =	stream.indirect.gather [hbm4b:s4+s21], $0x80, s23, s21, $0xb8;
	[tilespmem:$0x1F000] =	vst v63  }
0x6a: {  	_ =	swait.ge [sflag:s26], $0x4000  }
0x6b: {  	s0 =	sshll.u32 s0, $0xA;
	[sflag:s26] =	ssyncset.done $0x0  }
0x6c: {  	s23 =	sor.u32 $0x2800, s0;
	[sflag:s26] =	ssyncadd.s32 $0xFFFFC000  }
0x6d: {  	[spmem:s2] =	stream.indirect.scatter.add.f32 [tilespmem:s19], [sflag:$0x4], $0x80, s23, s21, $0xb8;
	[tilespmem:$0x1F000] =	vst v63  }
0x6e: {  	_ =	swait.ge [sflag:s20], $0x4000  }
0x6f: {  	[sflag:s20] =	ssyncset.done $0x0  }
0x70: {  	s23 =	sadd.s32 $0x100, s22;
	[sflag:s20] =	ssyncadd.s32 $0xFFFFC000  }
0x71: {  	[tilespmem:s19], [sflag:$0x1] =	stream.indirect.gather [hbm4b:s4+s21], $0x80, s23, s21, $0xb8;
	[tilespmem:$0x1F000] =	vst v63  }
0x72: {  	_ =	swait.ge [sflag:s28], $0x4000  }
0x73: {  	[sflag:s28] =	ssyncset.done $0x0  }
0x74: {  	s23 =	sor.u32 $0x2880, s0;
	[sflag:s28] =	ssyncadd.s32 $0xFFFFC000  }
0x75: {  	[spmem:s2] =	stream.indirect.scatter.add.f32 [tilespmem:s25], [sflag:$0x4], $0x80, s23, s21, $0xb8;
	[tilespmem:$0x1F000] =	vst v63  }
0x76: {  	_ =	swait.ge [sflag:s20], $0x4000  }
0x77: {  	[sflag:s20] =	ssyncset.done $0x0  }
0x78: {  	s23 =	sadd.s32 $0x180, s22;
	[sflag:s20] =	ssyncadd.s32 $0xFFFFC000  }
0x79: {  	[tilespmem:s25], [sflag:$0x2] =	stream.indirect.gather [hbm4b:s4+s21], $0x80, s23, s21, $0xb8;
	[tilespmem:$0x1F000] =	vst v63  }
0x7a: {  	_ =	swait.ge [sflag:s26], $0x4000  }
0x7b: {  	[sflag:s26] =	ssyncset.done $0x0  }
0x7c: {  	s23 =	sor.u32 $0x2900, s0;
	[sflag:s26] =	ssyncadd.s32 $0xFFFFC000  }
0x7d: {  	[spmem:s2] =	stream.indirect.scatter.add.f32 [tilespmem:s19], [sflag:$0x4], $0x80, s23, s21, $0xb8;
	[tilespmem:$0x1F000] =	vst v63  }
0x7e: {  	_ =	swait.ge [sflag:s20], $0x4000  }
0x7f: {  	[sflag:s20] =	ssyncset.done $0x0  }
0x80: {  	s23 =	sadd.s32 $0x200, s22;
	[sflag:s20] =	ssyncadd.s32 $0xFFFFC000  }
0x81: {  	[tilespmem:s19], [sflag:$0x1] =	stream.indirect.gather [hbm4b:s4+s21], $0x80, s23, s21, $0xb8;
	[tilespmem:$0x1F000] =	vst v63  }
0x82: {  	_ =	swait.ge [sflag:s28], $0x4000  }
0x83: {  	[sflag:s28] =	ssyncset.done $0x0  }
0x84: {  	s23 =	sor.u32 $0x2980, s0;
	[sflag:s28] =	ssyncadd.s32 $0xFFFFC000  }
0x85: {  	[spmem:s2] =	stream.indirect.scatter.add.f32 [tilespmem:s25], [sflag:$0x4], $0x80, s23, s21, $0xb8;
	[tilespmem:$0x1F000] =	vst v63  }
0x86: {  	_ =	swait.ge [sflag:s20], $0x4000  }
0x87: {  	[sflag:s20] =	ssyncset.done $0x0  }
0x88: {  	s23 =	sadd.s32 $0x280, s22;
	[sflag:s20] =	ssyncadd.s32 $0xFFFFC000  }
0x89: {  	[tilespmem:s25], [sflag:$0x2] =	stream.indirect.gather [hbm4b:s4+s21], $0x80, s23, s21, $0xb8;
	[tilespmem:$0x1F000] =	vst v63  }
0x8a: {  	_ =	swait.ge [sflag:s26], $0x4000  }
0x8b: {  	[sflag:s26] =	ssyncset.done $0x0  }
0x8c: {  	s23 =	sor.u32 $0x2A00, s0;
	[sflag:s26] =	ssyncadd.s32 $0xFFFFC000  }
0x8d: {  	[spmem:s2] =	stream.indirect.scatter.add.f32 [tilespmem:s19], [sflag:$0x4], $0x80, s23, s21, $0xb8;
	[tilespmem:$0x1F000] =	vst v63  }
0x8e: {  	_ =	swait.ge [sflag:s20], $0x4000  }
0x8f: {  	[sflag:s20] =	ssyncset.done $0x0  }
0x90: {  	s23 =	sadd.s32 $0x300, s22;
	[sflag:s20] =	ssyncadd.s32 $0xFFFFC000  }
0x91: {  	[tilespmem:s19], [sflag:$0x1] =	stream.indirect.gather [hbm4b:s4+s21], $0x80, s23, s21, $0xb8;
	[tilespmem:$0x1F000] =	vst v63  }
0x92: {  	_ =	swait.ge [sflag:s28], $0x4000  }
0x93: {  	[sflag:s28] =	ssyncset.done $0x0  }
0x94: {  	s23 =	sor.u32 $0x2A80, s0;
	[sflag:s28] =	ssyncadd.s32 $0xFFFFC000  }
0x95: {  	[spmem:s2] =	stream.indirect.scatter.add.f32 [tilespmem:s25], [sflag:$0x4], $0x80, s23, s21, $0xb8;
	[tilespmem:$0x1F000] =	vst v63  }
0x96: {  	_ =	swait.ge [sflag:s20], $0x4000  }
0x97: {  	[sflag:s20] =	ssyncset.done $0x0  }
0x98: {  	s23 =	sadd.s32 $0x380, s22;
	[sflag:s20] =	ssyncadd.s32 $0xFFFFC000  }
0x99: {  	[tilespmem:s25], [sflag:$0x2] =	stream.indirect.gather [hbm4b:s4+s21], $0x80, s23, s21, $0xb8;
	[tilespmem:$0x1F000] =	vst v63  }
0x9a: {  	_ =	swait.ge [sflag:s26], $0x4000  }
0x9b: {  	p0 =	sne.s32 s30, $0x9000;
	[sflag:s26] =	ssyncset.done $0x0  }
.Ltmp3:
0x9c: {  	s23 =	sor.u32 $0x2B00, s0;
	[sflag:s26] =	ssyncadd.s32 $0xFFFFC000;
	(pc) =	sbr.rel @!p0 .LBB2_5-.Ltmp3, $4  }
0x9d: {  	[spmem:s2] =	stream.indirect.scatter.add.f32 [tilespmem:s19], [sflag:$0x4], $0x80, s23, s21, $0xb8;
	[tilespmem:$0x1F000] =	vst v63  }
0x9e: {  	_ =	swait.ge [sflag:s20], $0x4000  }
0x9f: {  	[sflag:s20] =	ssyncset.done $0x0  }
0xa0: {  	[sflag:s20] =	ssyncadd.s32 $0xFFFFC000  }
0xa1: {  	s22 =	sadd.s32 $0x400, s22  }
0xa2: {  	[tilespmem:s19], [sflag:$0x1] =	stream.indirect.gather [hbm4b:s4+s21], $0x80, s22, s21, $0xb8;
	[tilespmem:$0x1F000] =	vst v63  }
0xa3: {  	_ =	swait.ge [sflag:s28], $0x4000  }
0xa4: {  	[sflag:s28] =	ssyncset.done $0x0  }
0xa5: {  	s0 =	sadd.s32 $0x2B80, s0;
	s30 =	sadd.s32 $0x1000, s30;
	[sflag:s28] =	ssyncadd.s32 $0xFFFFC000  }
0xa6: {  	[spmem:s2] =	stream.indirect.scatter.add.f32 [tilespmem:s25], [sflag:$0x4], $0x80, s0, s21, $0xb8;
	[tilespmem:$0x1F000] =	vst v63  }
0xa7: {  	p0 =	sne.s32 s30, $0xA000;
	_ =	swait.ge [sflag:s20], $0x4000  }
.Ltmp4:
0xa8: {  	[sflag:s20] =	ssyncset.done $0x0;
	(pc) =	sbr.rel @p0 .LBB2_4-.Ltmp4, $4  }
.Ltmp5:
0xa9: {  	[sflag:s20] =	ssyncadd.s32 $0xFFFFC000;
	(pc) =	sbr.rel @!p0 .LBB2_7-.Ltmp5, $4  }
0xaa: {  	_ =	swait.ge [sflag:s24], $0x400  }
0xab: {  	[sflag:s24] =	ssyncset.done $0x0  }
0xac: {  	s31 =	sadd.s32 $0x80, s31;
	s1 =	sadd.s32 $0x1, s1;
	[sflag:s24] =	ssyncadd.s32 $0xFFFFFC00  }
0xad: {  	_ = 	snop  }
.LBB2_8:
0xae: {  	_ =	sfence.sel $0x180000  }
0xaf: {  	[bflag:$0x0] =	sbarrier.arrive $0xFFFF  }
0xb0: {  	_ =	strace $0x9000004A  }
0xb1: {  	s0 =	stileid.u32;
	[bflag:$0x2] =	sbarrier.arrive $0xFFFF  }
0xb2: {  	p0 =	sne.s32 s0, $0x0;
	s0 =	rddreg [dreg:$0x3]  }
0xb3: {  	s0 =	sadd.s32 @!p0 $0x100000, s0  }
0xb4: {  	[sflag:s0] =	ssyncadd.tile.s32 @!p0 $0x1;
	_ =	shalt  }
.Lfunc_end2:
_tile_overlayer_lowered:
.L_overlay_start_2:
0xb5: {  	(tag) =	ssettag $0x2  }
0xb6: {  	s0 =	rddreg [dreg:$0x0];
	s2 =	stileid.u32  }
0xb7: {  	s1 =	rddreg [dreg:$0x1];
	p0 =	sne.s32 s2, $0x0  }
0xb8: {  	s3 =	rddreg [dreg:$0x2];
	[bflag:$0x3] =	sbarrier.arrive $0xFFFF;
	s2 =	simm.s32 @!p0 $0x1C04  }
0xb9: {  	[timem:s3], [sflag:s2] =	dma.local @!p0 [hbm:s0], s1  }
0xba: {  	s0 =	simm.s32 @!p0 $0x4  }
0xbb: {  	_ =	swait.ge @!p0 [sflag:s0], s1  }
0xbc: {  	s1 =	ssub.s32 @!p0 $0x0, s1;
	[sflag:s0] =	ssyncset.done @!p0 $0x0  }
0xbd: {  	[sflag:s0] =	ssyncadd.s32 @!p0 s1  }
0xbe: {  	[bflag:$0x3] =	sbarrier.arrive $0xFFFF  }
0xbf: {  	_ =	shalt  }

// kernel: kernel.14.cloned.1.call-start
scs
__scs_entry_jumppad:
0x0: {  	(pc) =	sbr.rel $0x88, $3  }
0x1: {  	(tag) =	ssettag $0x0;
	lr =	simm.s32 $0x1  }
0x2: {  	[smem:$0x3F8C] =	sst lr;
	_ =	strace $0xD0000000  }
0x3: {  	_ = 	snop  }
0x4: {  	_ = 	snop  }
0x5: {  	_ = 	snop  }
0x6: {  	_ = 	snop  }
0x7: {  	_ = 	snop  }
__scs_overlays_trampoline_lowered:
0x8: {  	[smem:$0x3F9B] =	sst s0  }
0x9: {  	[smem:$0x3F9C] =	sst s1  }
0xa: {  	[smem:$0x3F9D] =	sst s2  }
0xb: {  	[smem:$0x3F9E] =	sst s3  }
0xc: {  	[smem:$0x3F9F] =	sst s4  }
0xd: {  	[smem:$0x3FA0] =	sst s5  }
0xe: {  	[smem:$0x3FA1] =	sst s6  }
0xf: {  	[smem:$0x3FA2] =	sst s7  }
0x10: {  	[smem:$0x3FA3] =	sst s8  }
0x11: {  	[smem:$0x3FA4] =	sst s9;
	s0 =	simm.s32 @!p0 $0x0  }
0x12: {  	s1 =	sld [smem:$0x3F8A];
	s0 =	simm.s32 @p0 $0x1  }
0x13: {  	[smem:$0x3FA5] =	sst s0;
	s0 =	simm.s32 @!p1 $0x0  }
0x14: {  	s2 =	sld [smem:$0x3F89];
	s0 =	simm.s32 @p1 $0x1  }
0x15: {  	[smem:$0x3FA6] =	sst s0;
	s0 =	simm.s32 @!p2 $0x0  }
0x16: {  	s3 =	sld [smem:$0x3FDB];
	s0 =	simm.s32 @p2 $0x1  }
0x17: {  	s4 =	simm.s32 $0x1BF5;
	[smem:$0x3FA8] =	sst s0  }
0x18: {  	s0 =	sld [smem:$0x3F8B];
	_ =	swait.ge [sflag:s4], $0x0  }
0x19: {  	s7 =	sld [smem:$0x3F8C]  }
0x1a: {  	s8 =	sadd.s32 $0xFFFFE003, lr  }
0x1b: {  	s9 =	sadd.s32 $0xFFFFFEF7, lr;
	s5 =	simm.s32 $0xFFFFFFFF;
	p2 =	slt.u32 s8, $0xFFFFF086  }
0x1c: {  	p1 =	slt.u32 s9, $0xF7A;
	s5 =	simm.s32 @!p2 $0x0  }
0x1d: {  	s5 =	simm.s32 @p1 $0x1;
	p0 =	seq.s32 s7, s2  }
0x1e: {  	s7 =	smul.u32 @!p0 $0xF7A, s2;
	p2 =	seq.s32 @!p0 s5, $0x0  }
0x1f: {  	s9 =	smul.u32 $0xF7A, s1;
	s8 =	simm.s32 @!p0 $0x1BF5;
	p2 =	por !p2, p0  }
0x20: {  	[sflag:s8] =	ssyncset.s32 @!p0 $0xFFFFF086;
	s6 =	sadd.s32 @!p0 s3, s7;
	s7 =	simm.s32 @!p0 $0x108  }
0x21: {  	s3 =	sadd.s32 s3, s9;
	s6 =	sadd.s32 @!p0 $0x88, s6;
	s7 =	simm.s32 @p2 $0x1082  }
0x22: {  	[simem:s7], [sflag:s8] =	dma.local @!p0 [hbm:s6], $0xF7A  }
0x23: {  	s9 =	sor.u32 $0xD0000000, s2;
	s6 =	simm.s32 $0x108;
	_ =	swait.ge @!p0 [sflag:s8], $0x0  }
0x24: {  	s3 =	sadd.s32 $0x88, s3;
	s6 =	simm.s32 @!p1 $0x1082;
	[sflag:s4] =	ssyncset.s32 $0xFFFFF086  }
0x25: {  	[simem:s6], [sflag:s4] =	dma.local [hbm:s3], $0xF7A  }
0x26: {  	[smem:$0x3F8C] =	sst s1;
	(tag) =	ssettag s2;
	_ =	strace s9  }
0x27: {  	s1 =	sld [smem:$0x3F9C]  }
0x28: {  	s2 =	sld [smem:$0x3F9D]  }
0x29: {  	s4 =	sld [smem:$0x3F9F]  }
0x2a: {  	p0 =	seq.s32 s5, $0x0;
	s5 =	sld [smem:$0x3FA0]  }
0x2b: {  	s6 =	sld [smem:$0x3FA1]  }
0x2c: {  	s7 =	sld [smem:$0x3FA2]  }
0x2d: {  	s3 =	simm.s32 $0x108;
	s8 =	sld [smem:$0x3FA3]  }
0x2e: {  	s3 =	simm.s32 @!p0 $0x1082;
	s9 =	sld [smem:$0x3FA4]  }
0x2f: {  	lr =	sadd.s32 s0, s3;
	s0 =	sld [smem:$0x3F9B]  }
0x30: {  	s3 =	sld [smem:$0x3F9E]  }
0x31: {  	[smem:$0x3FA7] =	sst s10  }
0x32: {  	s10 =	sld [smem:$0x3FA5];
	_ =	sdelay $0x3  }
0x33: {  	p0 =	seq.s32 s10, $0x1;
	s10 =	sld [smem:$0x3FA7];
	_ =	sdelay $0x3  }
0x34: {  	[smem:$0x3FA7] =	sst s10  }
0x35: {  	s10 =	sld [smem:$0x3FA6];
	_ =	sdelay $0x3  }
0x36: {  	p1 =	seq.s32 s10, $0x1;
	s10 =	sld [smem:$0x3FA7];
	_ =	sdelay $0x3  }
0x37: {  	[smem:$0x3FA7] =	sst s10  }
0x38: {  	s10 =	sld [smem:$0x3FA8]  }
0x39: {  	_ = 	snop;
	(pc) =	sbr.ind lr, $3  }
0x3a: {  	_ = 	snop  }
0x3b: {  	_ = 	snop  }
0x3c: {  	p2 =	seq.s32 s10, $0x1;
	s10 =	sld [smem:$0x3FA7]  }
0x3d: {  	_ =	shalt  }
0x3e: {  	_ =	shalt  }
0x3f: {  	_ =	shalt  }
0x40: {  	_ =	shalt  }
0x41: {  	_ =	shalt  }
0x42: {  	_ =	shalt  }
0x43: {  	_ =	shalt  }
0x44: {  	_ =	shalt  }
0x45: {  	_ =	shalt  }
0x46: {  	_ =	shalt  }
0x47: {  	_ =	shalt  }
0x48: {  	_ =	shalt  }
0x49: {  	_ =	shalt  }
0x4a: {  	_ =	shalt  }
0x4b: {  	_ =	shalt  }
0x4c: {  	_ =	shalt  }
0x4d: {  	_ =	shalt  }
0x4e: {  	_ =	shalt  }
0x4f: {  	_ =	shalt  }
0x50: {  	_ =	shalt  }
0x51: {  	_ =	shalt  }
0x52: {  	_ =	shalt  }
0x53: {  	_ =	shalt  }
0x54: {  	_ =	shalt  }
0x55: {  	_ =	shalt  }
0x56: {  	_ =	shalt  }
0x57: {  	_ =	shalt  }
0x58: {  	_ =	shalt  }
0x59: {  	_ =	shalt  }
0x5a: {  	_ =	shalt  }
0x5b: {  	_ =	shalt  }
0x5c: {  	_ =	shalt  }
0x5d: {  	_ =	shalt  }
0x5e: {  	_ =	shalt  }
0x5f: {  	_ =	shalt  }
0x60: {  	_ =	shalt  }
0x61: {  	_ =	shalt  }
0x62: {  	_ =	shalt  }
0x63: {  	_ =	shalt  }
0x64: {  	_ =	shalt  }
0x65: {  	_ =	shalt  }
0x66: {  	_ =	shalt  }
0x67: {  	_ =	shalt  }
0x68: {  	_ =	shalt  }
0x69: {  	_ =	shalt  }
0x6a: {  	_ =	shalt  }
0x6b: {  	_ =	shalt  }
0x6c: {  	_ =	shalt  }
0x6d: {  	_ =	shalt  }
0x6e: {  	_ =	shalt  }
0x6f: {  	_ =	shalt  }
0x70: {  	_ =	shalt  }
0x71: {  	_ =	shalt  }
0x72: {  	_ =	shalt  }
0x73: {  	_ =	shalt  }
0x74: {  	_ =	shalt  }
0x75: {  	_ =	shalt  }
0x76: {  	_ =	shalt  }
0x77: {  	_ =	shalt  }
0x78: {  	_ =	shalt  }
0x79: {  	_ =	shalt  }
0x7a: {  	_ =	shalt  }
0x7b: {  	_ =	shalt  }
0x7c: {  	_ =	shalt  }
0x7d: {  	_ =	shalt  }
0x7e: {  	_ =	shalt  }
0x7f: {  	_ =	shalt  }
0x80: {  	_ =	shalt  }
0x81: {  	_ =	shalt  }
0x82: {  	_ =	shalt  }
0x83: {  	_ =	shalt  }
0x84: {  	_ =	shalt  }
0x85: {  	_ =	shalt  }
0x86: {  	_ =	shalt  }
0x87: {  	_ =	shalt  }
.Lfunc_end0:
.L_simem_size_0:
called_computation.2_lowered:
.L_overlay_start_0:
0x88: {  	s2 =	sld [smem:$0x3FD9]  }
0x89: {  	s3 =	sld [smem:$0x3FFE];
	_ =	sdelay $0x1  }
0x8a: {  	s1 =	srdreg.scid  }
0x8b: {  	s0 =	sand.u32 $0x1, s1  }
0x8c: {  	s14 =	sshll.u32 s0, $0xA;
	s2 =	sadd.s32 s3, s2  }
0x8d: {  	s2 =	sadd.s32 s2, s14  }
0x8e: {  	[smem:$0x3FB3] =	sst s2  }
0x8f: {  	_ = 	snop  }
0x90: {  	s2 =	sld [smem:$0x3FD0];
	_ =	sdelay $0x2  }
0x91: {  	s15 =	simm.s32 $0xA;
	s4 =	simm.s32 $0x10  }
0x92: {  	[smem:s4], [sflag:s15] =	dma.local [hbm:s2], $0x1  }
0x93: {  	_ =	swait.eq [sflag:s15], $0x1  }
0x94: {  	[sflag:s15] =	ssyncset.done $0x0  }
0x95: {  	[sflag:s15] =	ssyncadd.s32 $0xFFFFFFFF  }
0x96: {  	s16 =	sld [smem:$0x11];
	(tm) =	ssettm $0x1  }
0x97: {  	s17 =	sld [smem:$0x3FFB];
	_ =	sdelay $0x3  }
0x98: {  	_ =	strace s17  }
0x99: {  	s3 =	sld [smem:$0x3FFC];
	_ =	sdelay $0x3  }
0x9a: {  	_ =	strace s3  }
0x9b: {  	s3 =	sld [smem:$0x3FFD];
	_ =	sdelay $0x3  }
0x9c: {  	_ =	strace s3  }
0x9d: {  	_ =	strace $0x8FFFFFFF  }
0x9e: {  	s18 =	sld [smem:$0x3FDB];
	_ =	sdelay $0x1  }
0x9f: {  	s19 =	simm.s32 $_scs_section_size  }
0xa0: {  	s5 =	simm.s32 $_size__tile_overlayer_lowered;
	s6 =	simm.s32 $_tile_overlayer_lowered  }
0xa1: {  	s22 =	simm.s32 $0x1BFF;
	s21 =	sshll.u32 s6, $0x1;
	s3 =	sadd.s32 s19, s18  }
0xa2: {  	s7 =	simm.s32 $0x0;
	s20 =	sshll.u32 s5, $0x1;
	s5 =	sadd.s32 s21, s3  }
0xa3: {  	[timem:s7], [sflag:s22] =	dma.local [hbm:s5], s20  }
0xa4: {  	_ =	swait.ge [sflag:s22], s20  }
0xa5: {  	s4 =	ssub.s32 $0x0, s20;
	[sflag:s22] =	ssyncset.done $0x0  }
0xa6: {  	[sflag:s22] =	ssyncadd.s32 s4;
	_ =	sdelay $0x1  }
0xa7: {  	s23 =	simm.s32 $0x1B8B  }
0xa8: {  	_ =	swait.ge [sflag:s23], $0x1  }
0xa9: {  	[sflag:s23] =	ssyncset.done $0x0  }
0xaa: {  	s25 =	simm.s32 $0x1B8E;
	s24 =	sld [smem:$0x3FFE];
	[sflag:s23] =	ssyncadd.s32 $0xFFFFFFFF  }
0xab: {  	s26 =	simm.s32 $execute0_lowered;
	[smem:$0x3FD2] =	sst s25  }
0xac: {  	s5 =	sshll.u32 s26, $0x1;
	_ =	strace $0x8000004C;
	[dreg:$0x1] =	wrdreg $0xFFFFFFFF  }
0xad: {  	s28 =	simm.s32 $_size_execute0_lowered;
	s3 =	sadd.s32 s3, s5;
	[dreg:$0x0] =	wrdreg $0x0  }
0xae: {  	s5 =	sshll.u32 s28, $0x1;
	[dreg:$0x2] =	wrdreg s3  }
0xaf: {  	[dreg:$0x3] =	wrdreg s5  }
0xb0: {  	[dreg:$0x4] =	wrdreg $0xC0  }
0xb1: {  	_ =	task [dreg:s7], $0x5FFFF  }
0xb2: {  	[dreg:$0x1] =	wrdreg $0xFFFFFFFF  }
0xb3: {  	[dreg:$0x0] =	wrdreg $0x60  }
0xb4: {  	[dreg:$0x2] =	wrdreg s24  }
0xb5: {  	[dreg:$0x3] =	wrdreg s16  }
0xb6: {  	[dreg:$0x4] =	wrdreg $0xB0000  }
0xb7: {  	[dreg:$0x5] =	wrdreg $0x9  }
0xb8: {  	_ =	task.clear_ibuf [dreg:s7], $0x6FFFF;
	_ =	strace $0x9000004C  }
0xb9: {  	s29 =	simm.s32 $0x9;
	_ =	strace $0x8000004E  }
0xba: {  	_ =	swait.ge [sflag:s29], $0x1  }
0xbb: {  	[sflag:s29] =	ssyncadd.s32 $0xFFFFFFFF  }
0xbc: {  	_ =	strace $0x9000004E  }
0xbd: {  	_ =	sfence  }
0xbe: {  	s30 =	sld [smem:$0x0];
	_ =	sdelay $0x2  }
0xbf: {  	s31 =	sshll.u32 s1, $0xD;
	s1 =	sshrl.u32 s1, $0x2  }
0xc0: {  	s3 =	sand.u32 $0x4000, s31;
	s1 =	sadd.s32 s1, s30  }
0xc1: {  	s0 =	sor.u32 s3, s0;
	s1 =	sshll.u32 s1, $0x11  }
0xc2: {  	s0 =	sor.u32 s1, s0  }
0xc3: {  	s0 =	sadd.s32 $0x8F2B, s0  }
0xc4: {  	[sflag:s0] =	ssyncadd.remote.s32 $0x1  }
0xc5: {  	_ =	sfence.sel $0xFFFF  }
0xc6: {  	[dreg:$0x0] =	wrdreg $0xFFFFFFFF;
	(pc) =	sbr.abs _section_cstart, $3  }
0xc7: {  	[dreg:$0x1] =	wrdreg $0xFFFFFFFF  }
0xc8: {  	_ =	task.clear_ibuf [dreg:s7], $0x2FFFF;
	_ =	strace $0x9FFFFFFF  }
0xc9: {  	(tm) =	ssettm $0x7FFFFFFF  }
tec
execute0_lowered:
.L_overlay_start_1:
0x0: {  	(tag) =	ssettag $0x1  }
0x1: {  	s1 =	rddreg [dreg:$0x0]  }
0x2: {  	s0 =	srdreg.scid;
	s18 =	rddreg [dreg:$0x1]  }
0x3: {  	s21 =	stileid.u32;
	s2 =	rddreg [dreg:$0x2]  }
0x4: {  	s28 =	simm.s32 $0x2;
	s29 =	simm.s32 $0x0;
	s24 =	smul.u32 $0x50000, s21  }
0x5: {  	s0 =	sand.u32 $0x1, s0;
	s23 =	sshll.u32 s21, $0x7;
	s10 =	smul.u32 $0x14000, s21  }
0x6: {  	s3 =	sshll.u32 s0, $0x4;
	s6 =	sand.u32 $0x380, s23;
	s16 =	smul.u32 $0x140000, s0  }
0x7: {  	s8 =	ssub.s32 $0x2, s0;
	s0 =	smul.u32 $0x28000, s0;
	s7 =	sor.u32 s21, s3  }
0x8: {  	s3 =	simm.s32 $0x0;
	s25 =	sshrl.u32 s8, $0x1;
	s26 =	sshrl.u32 s24, $0x2  }
0x9: {  	s12 =	sadd.s32 $0x4000, s10;
	s14 =	sadd.s32 $0x8000, s10;
	s15 =	sadd.s32 $0xC000, s10  }
0xa: {  	s19 =	sadd.s32 $0x10000, s10;
	s21 =	smul.u32 $0x2800, s21;
	s24 =	simm.s32 $0x3  }
0xb: {  	s4 =	sshrl.u32 s7, $0x3;
	[smem:$0x7FF] =	sst s3;
	s17 =	ssub.s32 s8, s25  }
0xc: {  	s13 =	smul.u32 $0x2800, s7;
	s7 =	sadd.s32 s14, s2;
	s8 =	sadd.s32 s15, s2  }
0xd: {  	s9 =	sadd.s32 s19, s2;
	s20 =	sadd.s32 s10, s16;
	s14 =	sadd.s32 s16, s14  }
0xe: {  	s15 =	sadd.s32 s16, s15;
	s25 =	simm.s32 $0x7000;
	s5 =	smul.u32 $0x14000, s4  }
0xf: {  	_ =	strace $0x8000004D;
	s4 =	sadd.s32 $0x22800, s1;
	s30 =	sshrl.u32 s20, $0x3  }
0x10: {  	s14 =	sshrl.u32 s14, $0x3;
	s0 =	sadd.s32 s21, s0;
	s15 =	sshrl.u32 s15, $0x3  }
0x11: {  	s17 =	smax.u32 s17, $0x1;
	s20 =	simm.s32 $0x4;
	s21 =	simm.s32 $0x80  }
0x12: {  	s13 =	sshrl.u32 s13, $0x3;
	s0 =	sor.u32 $0x400, s0;
	s5 =	sor.u32 s6, s5  }
0x13: {  	s6 =	sadd.s32 s12, s2;
	s12 =	sadd.s32 s16, s12;
	s16 =	sadd.s32 s16, s19  }
0x14: {  	s0 =	sshrl.u32 s0, $0x3;
	s19 =	simm.s32 $0x3000;
	s5 =	sshrl.u32 s5, $0x3  }
.Ltmp0:
0x15: {  	s31 =	sshrl.u32 s12, $0x3;
	s16 =	sshrl.u32 s16, $0x3;
	(pc) =	sbr.rel .LBB2_1-.Ltmp0, $4  }
0x16: {  	s11 =	sadd.s32 s5, s1;
	s1 =	sadd.s32 $0x4A800, s1;
	s5 =	sadd.s32 s26, s2  }
0x17: {  	s26 =	simm.s32 $0x1;
	s10 =	sadd.s32 $0x18800, s11;
	s11 =	sadd.s32 s18, s13  }
0x18: {  	s12 =	sadd.s32 s1, s30;
	s13 =	sadd.s32 s1, s31;
	s14 =	sadd.s32 s1, s14  }
0x19: {  	v0 =	vimm.f32 $0.0e+00;
	s15 =	sadd.s32 s1, s15;
	s16 =	sadd.s32 s1, s16;
	s18 =	sadd.s32 s0, s18  }
.LBB2_5:
0x1a: {  	_ =	swait.ge [sflag:s28], $0x4000  }
0x1b: {  	[sflag:s28] =	ssyncset.done $0x0  }
0x1c: {  	s0 =	sadd.s32 $0x2B80, s0;
	[sflag:s28] =	ssyncadd.s32 $0xFFFFC000  }
0x1d: {  	[spmem:s2] =	stream.indirect.scatter.add.f32 [tilespmem:s25], [sflag:$0x4], $0x80, s0, s21, $0xb8;
	[tilespmem:$0x1F000] =	vst v63  }
0x1e: {  	_ =	swait.ge [sflag:s20], $0x4000  }
0x1f: {  	[sflag:s20] =	ssyncset.done $0x0  }
0x20: {  	[sflag:s20] =	ssyncadd.s32 $0xFFFFC000  }
.LBB2_7:
0x21: {  	s0 =	stileid.u32  }
0x22: {  	s0 =	sshll.u32 s0, $0x6  }
0x23: {  	[bflag:$0x0] =	sbarrier.arrive $0xFFFF;
	s1 =	sshrl.u32 s5, $0x3;
	s0 =	sor.u32 $0x1C04, s0  }
0x24: {  	[hbm:s12], [sflag:s0] =	dma.local [spmem:s1], $0x800  }
0x25: {  	_ =	swait.ge [sflag:s20], $0x800  }
0x26: {  	[sflag:s20] =	ssyncset.done $0x0  }
0x27: {  	s22 =	sshrl.u32 s6, $0x3;
	[sflag:s20] =	ssyncadd.s32 $0xFFFFF800  }
0x28: {  	[hbm:s13], [sflag:s0] =	dma.local [spmem:s22], $0x800  }
0x29: {  	_ =	swait.ge [sflag:s20], $0x800  }
0x2a: {  	[sflag:s20] =	ssyncset.done $0x0  }
0x2b: {  	s23 =	sshrl.u32 s7, $0x3;
	[sflag:s20] =	ssyncadd.s32 $0xFFFFF800  }
0x2c: {  	[hbm:s14], [sflag:s0] =	dma.local [spmem:s23], $0x800  }
0x2d: {  	_ =	swait.ge [sflag:s20], $0x800  }
0x2e: {  	[sflag:s20] =	ssyncset.done $0x0  }
0x2f: {  	s30 =	sshrl.u32 s8, $0x3;
	[sflag:s20] =	ssyncadd.s32 $0xFFFFF800  }
0x30: {  	[hbm:s15], [sflag:s0] =	dma.local [spmem:s30], $0x800  }
0x31: {  	s29 =	sadd.s32 $0x1, s29;
	_ =	swait.ge [sflag:s20], $0x800  }
0x32: {  	p0 =	sne.s32 s29, s17;
	[sflag:s20] =	ssyncset.done $0x0  }
.Ltmp1:
0x33: {  	s31 =	sshrl.u32 s9, $0x3;
	[sflag:s20] =	ssyncadd.s32 $0xFFFFF800;
	(pc) =	sbr.rel @!p0 .LBB2_8-.Ltmp1, $4  }
0x34: {  	[hbm:s16], [sflag:s0] =	dma.local [spmem:s31], $0x800  }
0x35: {  	_ =	swait.ge [sflag:s20], $0x800  }
0x36: {  	[sflag:s20] =	ssyncset.done $0x0  }
0x37: {  	[sflag:s20] =	ssyncadd.s32 $0xFFFFF800  }
.LBB2_1:
0x38: {  	s0 =	sand.u32 $0xFE00, s3  }
0x39: {  	s1 =	sand.u32 $0x70, s3;
	s22 =	sshrl.u32 s0, $0x2  }
0x3a: {  	s0 =	simm.s32 $0x40;
	s22 =	sor.u32 s1, s22;
	s1 =	simm.s32 $0x0  }
.LBB2_2:
0x3b: {  	p0 =	sne.s32 s0, $0xFFC0  }
0x3c: {  	[tilespmem:s22+$0x3000] =	vst v0;
	s1 =	sadd.s32 $0x10, s1;
	s22 =	smov.u32 s0;
	s0 =	sadd.s32 $0x40, s0  }
.Ltmp2:
0x3d: {  	(pc) =	sbr.rel @p0 .LBB2_2-.Ltmp2, $4  }
0x3e: {  	_ = 	snop  }
0x3f: {  	s22 =	sand.u32 $0xFE00, s22  }
0x40: {  	s30 =	sand.u32 $0x70, s1;
	s22 =	sshrl.u32 s22, $0x2  }
0x41: {  	s22 =	sor.u32 s30, s22  }
0x42: {  	[tilespmem:s22+$0x3000] =	vst v0  }
0x43: {  	[spmem:s5] =	stream.linear.scatter [tilespmem:s19], [sflag:$0x4], $0x4000, $0x38;
	[tilespmem:$0x1F000] =	vst v63  }
0x44: {  	_ =	swait.ge [sflag:s20], $0x4000  }
0x45: {  	[sflag:s20] =	ssyncset.done $0x0  }
0x46: {  	[sflag:s20] =	ssyncadd.s32 $0xFFFFC000  }
0x47: {  	[spmem:s6] =	stream.linear.scatter [tilespmem:s19], [sflag:$0x4], $0x4000, $0x38;
	[tilespmem:$0x1F000] =	vst v63  }
0x48: {  	_ =	swait.ge [sflag:s20], $0x4000  }
0x49: {  	[sflag:s20] =	ssyncset.done $0x0  }
0x4a: {  	[sflag:s20] =	ssyncadd.s32 $0xFFFFC000  }
0x4b: {  	[spmem:s7] =	stream.linear.scatter [tilespmem:s19], [sflag:$0x4], $0x4000, $0x38;
	[tilespmem:$0x1F000] =	vst v63  }
0x4c: {  	_ =	swait.ge [sflag:s20], $0x4000  }
0x4d: {  	[sflag:s20] =	ssyncset.done $0x0  }
0x4e: {  	[sflag:s20] =	ssyncadd.s32 $0xFFFFC000  }
0x4f: {  	[spmem:s8] =	stream.linear.scatter [tilespmem:s19], [sflag:$0x4], $0x4000, $0x38;
	[tilespmem:$0x1F000] =	vst v63  }
0x50: {  	_ =	swait.ge [sflag:s20], $0x4000  }
0x51: {  	[sflag:s20] =	ssyncset.done $0x0  }
0x52: {  	[sflag:s20] =	ssyncadd.s32 $0xFFFFC000  }
0x53: {  	[spmem:s9] =	stream.linear.scatter [tilespmem:s19], [sflag:$0x4], $0x4000, $0x38;
	[tilespmem:$0x1F000] =	vst v63  }
0x54: {  	_ =	swait.ge [sflag:s20], $0x4000  }
0x55: {  	[sflag:s20] =	ssyncset.done $0x0  }
0x56: {  	[sflag:s20] =	ssyncadd.s32 $0xFFFFC000  }
0x57: {  	s30 =	simm.s32 $0x0;
	s0 =	simm.s32 $0x400;
	[bflag:$0x0] =	sbarrier.arrive $0xFFFF  }
0x58: {  	[tilespmem:s30], [sflag:$0x3] =	stream.strided.gather [hbm4b:s10+s21], $0x2800, s0, s21, $0x38;
	[tilespmem:$0x1F000] =	vst v63  }
0x59: {  	s23 =	simm.s32 $0x2800  }
0x5a: {  	[tilespmem:s23], [sflag:$0x4] =	stream.linear.gather [hbm4b:s11+s30], $0x400, $0x38;
	[tilespmem:$0x1F000] =	vst v63  }
0x5b: {  	_ =	swait.ge [sflag:s20], $0x400  }
0x5c: {  	[sflag:s20] =	ssyncset.done $0x0  }
0x5d: {  	[sflag:s20] =	ssyncadd.s32 $0xFFFFFC00  }
0x5e: {  	_ =	swait.ge [sflag:s24], $0x2800  }
0x5f: {  	[sflag:s24] =	ssyncset.done $0x0  }
0x60: {  	s31 =	smov.u32 s18;
	s1 =	simm.s32 $0x0;
	[sflag:s24] =	ssyncadd.s32 $0xFFFFD800  }
0x61: {  	[tilespmem:s19], [sflag:$0x1] =	stream.indirect.gather [hbm4b:s4+s21], $0x80, s30, s21, $0xb8;
	[tilespmem:$0x1F000] =	vst v63  }
.LBB2_4:
0x62: {  	s0 =	sand.u32 $0x1, s1;
	p0 =	seq.s32 s30, $0x9000  }
0x63: {  	s22 =	sshll.u32 @!p0 s0, $0xA  }
0x64: {  	s22 =	sxor.u32 @!p0 $0x400, s22  }
0x65: {  	s23 =	simm.s32 @!p0 $0x0;
	s22 =	sor.u32 @!p0 $0x2800, s22  }
0x66: {  	[tilespmem:s22], [sflag:$0x3] =	stream.linear.gather @!p0 [hbm4b:s31+s23], $0x400, $0x38;
	[tilespmem:$0x1F000] =	vst v63  }
0x67: {  	s22 =	sshra.s32 s30, $0x2  }
0x68: {  	s23 =	sadd.s32 $0x80, s22  }
0x69: {  	[tilespmem:s25], [sflag:$0x2] =	stream.indirect.gather [hbm4b:s4+s21], $0x80, s23, s21, $0xb8;
	[tilespmem:$0x1F000] =	vst v63  }
0x6a: {  	_ =	swait.ge [sflag:s26], $0x4000  }
0x6b: {  	s0 =	sshll.u32 s0, $0xA;
	[sflag:s26] =	ssyncset.done $0x0  }
0x6c: {  	s23 =	sor.u32 $0x2800, s0;
	[sflag:s26] =	ssyncadd.s32 $0xFFFFC000  }
0x6d: {  	[spmem:s2] =	stream.indirect.scatter.add.f32 [tilespmem:s19], [sflag:$0x4], $0x80, s23, s21, $0xb8;
	[tilespmem:$0x1F000] =	vst v63  }
0x6e: {  	_ =	swait.ge [sflag:s20], $0x4000  }
0x6f: {  	[sflag:s20] =	ssyncset.done $0x0  }
0x70: {  	s23 =	sadd.s32 $0x100, s22;
	[sflag:s20] =	ssyncadd.s32 $0xFFFFC000  }
0x71: {  	[tilespmem:s19], [sflag:$0x1] =	stream.indirect.gather [hbm4b:s4+s21], $0x80, s23, s21, $0xb8;
	[tilespmem:$0x1F000] =	vst v63  }
0x72: {  	_ =	swait.ge [sflag:s28], $0x4000  }
0x73: {  	[sflag:s28] =	ssyncset.done $0x0  }
0x74: {  	s23 =	sor.u32 $0x2880, s0;
	[sflag:s28] =	ssyncadd.s32 $0xFFFFC000  }
0x75: {  	[spmem:s2] =	stream.indirect.scatter.add.f32 [tilespmem:s25], [sflag:$0x4], $0x80, s23, s21, $0xb8;
	[tilespmem:$0x1F000] =	vst v63  }
0x76: {  	_ =	swait.ge [sflag:s20], $0x4000  }
0x77: {  	[sflag:s20] =	ssyncset.done $0x0  }
0x78: {  	s23 =	sadd.s32 $0x180, s22;
	[sflag:s20] =	ssyncadd.s32 $0xFFFFC000  }
0x79: {  	[tilespmem:s25], [sflag:$0x2] =	stream.indirect.gather [hbm4b:s4+s21], $0x80, s23, s21, $0xb8;
	[tilespmem:$0x1F000] =	vst v63  }
0x7a: {  	_ =	swait.ge [sflag:s26], $0x4000  }
0x7b: {  	[sflag:s26] =	ssyncset.done $0x0  }
0x7c: {  	s23 =	sor.u32 $0x2900, s0;
	[sflag:s26] =	ssyncadd.s32 $0xFFFFC000  }
0x7d: {  	[spmem:s2] =	stream.indirect.scatter.add.f32 [tilespmem:s19], [sflag:$0x4], $0x80, s23, s21, $0xb8;
	[tilespmem:$0x1F000] =	vst v63  }
0x7e: {  	_ =	swait.ge [sflag:s20], $0x4000  }
0x7f: {  	[sflag:s20] =	ssyncset.done $0x0  }
0x80: {  	s23 =	sadd.s32 $0x200, s22;
	[sflag:s20] =	ssyncadd.s32 $0xFFFFC000  }
0x81: {  	[tilespmem:s19], [sflag:$0x1] =	stream.indirect.gather [hbm4b:s4+s21], $0x80, s23, s21, $0xb8;
	[tilespmem:$0x1F000] =	vst v63  }
0x82: {  	_ =	swait.ge [sflag:s28], $0x4000  }
0x83: {  	[sflag:s28] =	ssyncset.done $0x0  }
0x84: {  	s23 =	sor.u32 $0x2980, s0;
	[sflag:s28] =	ssyncadd.s32 $0xFFFFC000  }
0x85: {  	[spmem:s2] =	stream.indirect.scatter.add.f32 [tilespmem:s25], [sflag:$0x4], $0x80, s23, s21, $0xb8;
	[tilespmem:$0x1F000] =	vst v63  }
0x86: {  	_ =	swait.ge [sflag:s20], $0x4000  }
0x87: {  	[sflag:s20] =	ssyncset.done $0x0  }
0x88: {  	s23 =	sadd.s32 $0x280, s22;
	[sflag:s20] =	ssyncadd.s32 $0xFFFFC000  }
0x89: {  	[tilespmem:s25], [sflag:$0x2] =	stream.indirect.gather [hbm4b:s4+s21], $0x80, s23, s21, $0xb8;
	[tilespmem:$0x1F000] =	vst v63  }
0x8a: {  	_ =	swait.ge [sflag:s26], $0x4000  }
0x8b: {  	[sflag:s26] =	ssyncset.done $0x0  }
0x8c: {  	s23 =	sor.u32 $0x2A00, s0;
	[sflag:s26] =	ssyncadd.s32 $0xFFFFC000  }
0x8d: {  	[spmem:s2] =	stream.indirect.scatter.add.f32 [tilespmem:s19], [sflag:$0x4], $0x80, s23, s21, $0xb8;
	[tilespmem:$0x1F000] =	vst v63  }
0x8e: {  	_ =	swait.ge [sflag:s20], $0x4000  }
0x8f: {  	[sflag:s20] =	ssyncset.done $0x0  }
0x90: {  	s23 =	sadd.s32 $0x300, s22;
	[sflag:s20] =	ssyncadd.s32 $0xFFFFC000  }
0x91: {  	[tilespmem:s19], [sflag:$0x1] =	stream.indirect.gather [hbm4b:s4+s21], $0x80, s23, s21, $0xb8;
	[tilespmem:$0x1F000] =	vst v63  }
0x92: {  	_ =	swait.ge [sflag:s28], $0x4000  }
0x93: {  	[sflag:s28] =	ssyncset.done $0x0  }
0x94: {  	s23 =	sor.u32 $0x2A80, s0;
	[sflag:s28] =	ssyncadd.s32 $0xFFFFC000  }
0x95: {  	[spmem:s2] =	stream.indirect.scatter.add.f32 [tilespmem:s25], [sflag:$0x4], $0x80, s23, s21, $0xb8;
	[tilespmem:$0x1F000] =	vst v63  }
0x96: {  	_ =	swait.ge [sflag:s20], $0x4000  }
0x97: {  	[sflag:s20] =	ssyncset.done $0x0  }
0x98: {  	s23 =	sadd.s32 $0x380, s22;
	[sflag:s20] =	ssyncadd.s32 $0xFFFFC000  }
0x99: {  	[tilespmem:s25], [sflag:$0x2] =	stream.indirect.gather [hbm4b:s4+s21], $0x80, s23, s21, $0xb8;
	[tilespmem:$0x1F000] =	vst v63  }
0x9a: {  	_ =	swait.ge [sflag:s26], $0x4000  }
0x9b: {  	p0 =	sne.s32 s30, $0x9000;
	[sflag:s26] =	ssyncset.done $0x0  }
.Ltmp3:
0x9c: {  	s23 =	sor.u32 $0x2B00, s0;
	[sflag:s26] =	ssyncadd.s32 $0xFFFFC000;
	(pc) =	sbr.rel @!p0 .LBB2_5-.Ltmp3, $4  }
0x9d: {  	[spmem:s2] =	stream.indirect.scatter.add.f32 [tilespmem:s19], [sflag:$0x4], $0x80, s23, s21, $0xb8;
	[tilespmem:$0x1F000] =	vst v63  }
0x9e: {  	_ =	swait.ge [sflag:s20], $0x4000  }
0x9f: {  	[sflag:s20] =	ssyncset.done $0x0  }
0xa0: {  	[sflag:s20] =	ssyncadd.s32 $0xFFFFC000  }
0xa1: {  	s22 =	sadd.s32 $0x400, s22  }
0xa2: {  	[tilespmem:s19], [sflag:$0x1] =	stream.indirect.gather [hbm4b:s4+s21], $0x80, s22, s21, $0xb8;
	[tilespmem:$0x1F000] =	vst v63  }
0xa3: {  	_ =	swait.ge [sflag:s28], $0x4000  }
0xa4: {  	[sflag:s28] =	ssyncset.done $0x0  }
0xa5: {  	s0 =	sadd.s32 $0x2B80, s0;
	s30 =	sadd.s32 $0x1000, s30;
	[sflag:s28] =	ssyncadd.s32 $0xFFFFC000  }
0xa6: {  	[spmem:s2] =	stream.indirect.scatter.add.f32 [tilespmem:s25], [sflag:$0x4], $0x80, s0, s21, $0xb8;
	[tilespmem:$0x1F000] =	vst v63  }
0xa7: {  	p0 =	sne.s32 s30, $0xA000;
	_ =	swait.ge [sflag:s20], $0x4000  }
.Ltmp4:
0xa8: {  	[sflag:s20] =	ssyncset.done $0x0;
	(pc) =	sbr.rel @p0 .LBB2_4-.Ltmp4, $4  }
.Ltmp5:
0xa9: {  	[sflag:s20] =	ssyncadd.s32 $0xFFFFC000;
	(pc) =	sbr.rel @!p0 .LBB2_7-.Ltmp5, $4  }
0xaa: {  	_ =	swait.ge [sflag:s24], $0x400  }
0xab: {  	[sflag:s24] =	ssyncset.done $0x0  }
0xac: {  	s31 =	sadd.s32 $0x80, s31;
	s1 =	sadd.s32 $0x1, s1;
	[sflag:s24] =	ssyncadd.s32 $0xFFFFFC00  }
0xad: {  	_ = 	snop  }
.LBB2_8:
0xae: {  	_ =	sfence.sel $0x180000  }
0xaf: {  	[bflag:$0x0] =	sbarrier.arrive $0xFFFF  }
0xb0: {  	_ =	strace $0x9000004D  }
0xb1: {  	s0 =	stileid.u32;
	[bflag:$0x2] =	sbarrier.arrive $0xFFFF  }
0xb2: {  	p0 =	sne.s32 s0, $0x0;
	s0 =	rddreg [dreg:$0x3]  }
0xb3: {  	s0 =	sadd.s32 @!p0 $0x100000, s0  }
0xb4: {  	[sflag:s0] =	ssyncadd.tile.s32 @!p0 $0x1;
	_ =	shalt  }
.Lfunc_end2:
_tile_overlayer_lowered:
.L_overlay_start_2:
0xb5: {  	(tag) =	ssettag $0x2  }
0xb6: {  	s0 =	rddreg [dreg:$0x0];
	s2 =	stileid.u32  }
0xb7: {  	s1 =	rddreg [dreg:$0x1];
	p0 =	sne.s32 s2, $0x0  }
0xb8: {  	s3 =	rddreg [dreg:$0x2];
	[bflag:$0x3] =	sbarrier.arrive $0xFFFF;
	s2 =	simm.s32 @!p0 $0x1C04  }
0xb9: {  	[timem:s3], [sflag:s2] =	dma.local @!p0 [hbm:s0], s1  }
0xba: {  	s0 =	simm.s32 @!p0 $0x4  }
0xbb: {  	_ =	swait.ge @!p0 [sflag:s0], s1  }
0xbc: {  	s1 =	ssub.s32 @!p0 $0x0, s1;
	[sflag:s0] =	ssyncset.done @!p0 $0x0  }
0xbd: {  	[sflag:s0] =	ssyncadd.s32 @!p0 s1  }
0xbe: {  	[bflag:$0x3] =	sbarrier.arrive $0xFFFF  }
0xbf: {  	_ =	shalt  }

// kernel: kernel.8.cloned.1.call-start
scs
__scs_entry_jumppad:
0x0: {  	(pc) =	sbr.rel $0x88, $3  }
0x1: {  	(tag) =	ssettag $0x0;
	lr =	simm.s32 $0x1  }
0x2: {  	[smem:$0x3F8C] =	sst lr;
	_ =	strace $0xD0000000  }
0x3: {  	_ = 	snop  }
0x4: {  	_ = 	snop  }
0x5: {  	_ = 	snop  }
0x6: {  	_ = 	snop  }
0x7: {  	_ = 	snop  }
__scs_overlays_trampoline_lowered:
0x8: {  	[smem:$0x3F9B] =	sst s0  }
0x9: {  	[smem:$0x3F9C] =	sst s1  }
0xa: {  	[smem:$0x3F9D] =	sst s2  }
0xb: {  	[smem:$0x3F9E] =	sst s3  }
0xc: {  	[smem:$0x3F9F] =	sst s4  }
0xd: {  	[smem:$0x3FA0] =	sst s5  }
0xe: {  	[smem:$0x3FA1] =	sst s6  }
0xf: {  	[smem:$0x3FA2] =	sst s7  }
0x10: {  	[smem:$0x3FA3] =	sst s8  }
0x11: {  	[smem:$0x3FA4] =	sst s9;
	s0 =	simm.s32 @!p0 $0x0  }
0x12: {  	s1 =	sld [smem:$0x3F8A];
	s0 =	simm.s32 @p0 $0x1  }
0x13: {  	[smem:$0x3FA5] =	sst s0;
	s0 =	simm.s32 @!p1 $0x0  }
0x14: {  	s2 =	sld [smem:$0x3F89];
	s0 =	simm.s32 @p1 $0x1  }
0x15: {  	[smem:$0x3FA6] =	sst s0;
	s0 =	simm.s32 @!p2 $0x0  }
0x16: {  	s3 =	sld [smem:$0x3FDB];
	s0 =	simm.s32 @p2 $0x1  }
0x17: {  	s4 =	simm.s32 $0x1BF5;
	[smem:$0x3FA8] =	sst s0  }
0x18: {  	s0 =	sld [smem:$0x3F8B];
	_ =	swait.ge [sflag:s4], $0x0  }
0x19: {  	s7 =	sld [smem:$0x3F8C]  }
0x1a: {  	s8 =	sadd.s32 $0xFFFFE003, lr  }
0x1b: {  	s9 =	sadd.s32 $0xFFFFFEF7, lr;
	s5 =	simm.s32 $0xFFFFFFFF;
	p2 =	slt.u32 s8, $0xFFFFF086  }
0x1c: {  	p1 =	slt.u32 s9, $0xF7A;
	s5 =	simm.s32 @!p2 $0x0  }
0x1d: {  	s5 =	simm.s32 @p1 $0x1;
	p0 =	seq.s32 s7, s2  }
0x1e: {  	s7 =	smul.u32 @!p0 $0xF7A, s2;
	p2 =	seq.s32 @!p0 s5, $0x0  }
0x1f: {  	s9 =	smul.u32 $0xF7A, s1;
	s8 =	simm.s32 @!p0 $0x1BF5;
	p2 =	por !p2, p0  }
0x20: {  	[sflag:s8] =	ssyncset.s32 @!p0 $0xFFFFF086;
	s6 =	sadd.s32 @!p0 s3, s7;
	s7 =	simm.s32 @!p0 $0x108  }
0x21: {  	s3 =	sadd.s32 s3, s9;
	s6 =	sadd.s32 @!p0 $0x88, s6;
	s7 =	simm.s32 @p2 $0x1082  }
0x22: {  	[simem:s7], [sflag:s8] =	dma.local @!p0 [hbm:s6], $0xF7A  }
0x23: {  	s9 =	sor.u32 $0xD0000000, s2;
	s6 =	simm.s32 $0x108;
	_ =	swait.ge @!p0 [sflag:s8], $0x0  }
0x24: {  	s3 =	sadd.s32 $0x88, s3;
	s6 =	simm.s32 @!p1 $0x1082;
	[sflag:s4] =	ssyncset.s32 $0xFFFFF086  }
0x25: {  	[simem:s6], [sflag:s4] =	dma.local [hbm:s3], $0xF7A  }
0x26: {  	[smem:$0x3F8C] =	sst s1;
	(tag) =	ssettag s2;
	_ =	strace s9  }
0x27: {  	s1 =	sld [smem:$0x3F9C]  }
0x28: {  	s2 =	sld [smem:$0x3F9D]  }
0x29: {  	s4 =	sld [smem:$0x3F9F]  }
0x2a: {  	p0 =	seq.s32 s5, $0x0;
	s5 =	sld [smem:$0x3FA0]  }
0x2b: {  	s6 =	sld [smem:$0x3FA1]  }
0x2c: {  	s7 =	sld [smem:$0x3FA2]  }
0x2d: {  	s3 =	simm.s32 $0x108;
	s8 =	sld [smem:$0x3FA3]  }
0x2e: {  	s3 =	simm.s32 @!p0 $0x1082;
	s9 =	sld [smem:$0x3FA4]  }
0x2f: {  	lr =	sadd.s32 s0, s3;
	s0 =	sld [smem:$0x3F9B]  }
0x30: {  	s3 =	sld [smem:$0x3F9E]  }
0x31: {  	[smem:$0x3FA7] =	sst s10  }
0x32: {  	s10 =	sld [smem:$0x3FA5];
	_ =	sdelay $0x3  }
0x33: {  	p0 =	seq.s32 s10, $0x1;
	s10 =	sld [smem:$0x3FA7];
	_ =	sdelay $0x3  }
0x34: {  	[smem:$0x3FA7] =	sst s10  }
0x35: {  	s10 =	sld [smem:$0x3FA6];
	_ =	sdelay $0x3  }
0x36: {  	p1 =	seq.s32 s10, $0x1;
	s10 =	sld [smem:$0x3FA7];
	_ =	sdelay $0x3  }
0x37: {  	[smem:$0x3FA7] =	sst s10  }
0x38: {  	s10 =	sld [smem:$0x3FA8]  }
0x39: {  	_ = 	snop;
	(pc) =	sbr.ind lr, $3  }
0x3a: {  	_ = 	snop  }
0x3b: {  	_ = 	snop  }
0x3c: {  	p2 =	seq.s32 s10, $0x1;
	s10 =	sld [smem:$0x3FA7]  }
0x3d: {  	_ =	shalt  }
0x3e: {  	_ =	shalt  }
0x3f: {  	_ =	shalt  }
0x40: {  	_ =	shalt  }
0x41: {  	_ =	shalt  }
0x42: {  	_ =	shalt  }
0x43: {  	_ =	shalt  }
0x44: {  	_ =	shalt  }
0x45: {  	_ =	shalt  }
0x46: {  	_ =	shalt  }
0x47: {  	_ =	shalt  }
0x48: {  	_ =	shalt  }
0x49: {  	_ =	shalt  }
0x4a: {  	_ =	shalt  }
0x4b: {  	_ =	shalt  }
0x4c: {  	_ =	shalt  }
0x4d: {  	_ =	shalt  }
0x4e: {  	_ =	shalt  }
0x4f: {  	_ =	shalt  }
0x50: {  	_ =	shalt  }
0x51: {  	_ =	shalt  }
0x52: {  	_ =	shalt  }
0x53: {  	_ =	shalt  }
0x54: {  	_ =	shalt  }
0x55: {  	_ =	shalt  }
0x56: {  	_ =	shalt  }
0x57: {  	_ =	shalt  }
0x58: {  	_ =	shalt  }
0x59: {  	_ =	shalt  }
0x5a: {  	_ =	shalt  }
0x5b: {  	_ =	shalt  }
0x5c: {  	_ =	shalt  }
0x5d: {  	_ =	shalt  }
0x5e: {  	_ =	shalt  }
0x5f: {  	_ =	shalt  }
0x60: {  	_ =	shalt  }
0x61: {  	_ =	shalt  }
0x62: {  	_ =	shalt  }
0x63: {  	_ =	shalt  }
0x64: {  	_ =	shalt  }
0x65: {  	_ =	shalt  }
0x66: {  	_ =	shalt  }
0x67: {  	_ =	shalt  }
0x68: {  	_ =	shalt  }
0x69: {  	_ =	shalt  }
0x6a: {  	_ =	shalt  }
0x6b: {  	_ =	shalt  }
0x6c: {  	_ =	shalt  }
0x6d: {  	_ =	shalt  }
0x6e: {  	_ =	shalt  }
0x6f: {  	_ =	shalt  }
0x70: {  	_ =	shalt  }
0x71: {  	_ =	shalt  }
0x72: {  	_ =	shalt  }
0x73: {  	_ =	shalt  }
0x74: {  	_ =	shalt  }
0x75: {  	_ =	shalt  }
0x76: {  	_ =	shalt  }
0x77: {  	_ =	shalt  }
0x78: {  	_ =	shalt  }
0x79: {  	_ =	shalt  }
0x7a: {  	_ =	shalt  }
0x7b: {  	_ =	shalt  }
0x7c: {  	_ =	shalt  }
0x7d: {  	_ =	shalt  }
0x7e: {  	_ =	shalt  }
0x7f: {  	_ =	shalt  }
0x80: {  	_ =	shalt  }
0x81: {  	_ =	shalt  }
0x82: {  	_ =	shalt  }
0x83: {  	_ =	shalt  }
0x84: {  	_ =	shalt  }
0x85: {  	_ =	shalt  }
0x86: {  	_ =	shalt  }
0x87: {  	_ =	shalt  }
.Lfunc_end0:
.L_simem_size_0:
called_computation_lowered:
.L_overlay_start_0:
0x88: {  	s2 =	sld [smem:$0x3FD9]  }
0x89: {  	s3 =	sld [smem:$0x3FFE];
	_ =	sdelay $0x1  }
0x8a: {  	s1 =	srdreg.scid  }
0x8b: {  	s0 =	sand.u32 $0x1, s1  }
0x8c: {  	s16 =	sshll.u32 s0, $0xA;
	s2 =	sadd.s32 s3, s2  }
0x8d: {  	s2 =	sadd.s32 s2, s16  }
0x8e: {  	[smem:$0x3FB3] =	sst s2  }
0x8f: {  	_ = 	snop  }
0x90: {  	(tm) =	ssettm $0x1  }
0x91: {  	s17 =	sld [smem:$0x3FFB];
	_ =	sdelay $0x3  }
0x92: {  	_ =	strace s17  }
0x93: {  	s2 =	sld [smem:$0x3FFC];
	_ =	sdelay $0x3  }
0x94: {  	_ =	strace s2  }
0x95: {  	s2 =	sld [smem:$0x3FFD];
	_ =	sdelay $0x3  }
0x96: {  	_ =	strace s2  }
0x97: {  	_ =	strace $0x8FFFFFFF  }
0x98: {  	s18 =	sld [smem:$0x3FDB];
	_ =	sdelay $0x1  }
0x99: {  	s19 =	simm.s32 $_scs_section_size  }
0x9a: {  	s4 =	simm.s32 $_size__tile_overlayer_lowered;
	s5 =	simm.s32 $_tile_overlayer_lowered  }
0x9b: {  	s22 =	simm.s32 $0x1BFF;
	s21 =	sshll.u32 s5, $0x1;
	s2 =	sadd.s32 s19, s18  }
0x9c: {  	s6 =	simm.s32 $0x0;
	s20 =	sshll.u32 s4, $0x1;
	s4 =	sadd.s32 s21, s2  }
0x9d: {  	[timem:s6], [sflag:s22] =	dma.local [hbm:s4], s20  }
0x9e: {  	_ =	swait.ge [sflag:s22], s20  }
0x9f: {  	s3 =	ssub.s32 $0x0, s20;
	[sflag:s22] =	ssyncset.done $0x0  }
0xa0: {  	[sflag:s22] =	ssyncadd.s32 s3;
	_ =	sdelay $0x1  }
0xa1: {  	s23 =	simm.s32 $0x1B8B  }
0xa2: {  	_ =	swait.ge [sflag:s23], $0x1  }
0xa3: {  	[sflag:s23] =	ssyncset.done $0x0  }
0xa4: {  	s25 =	simm.s32 $0x1B8E;
	s24 =	sld [smem:$0x3FFE];
	[sflag:s23] =	ssyncadd.s32 $0xFFFFFFFF  }
0xa5: {  	s26 =	simm.s32 $execute0_lowered;
	[smem:$0x3FD2] =	sst s25  }
0xa6: {  	s4 =	sshll.u32 s26, $0x1;
	_ =	strace $0x80000046;
	[dreg:$0x1] =	wrdreg $0xFFFFFFFF  }
0xa7: {  	s28 =	simm.s32 $_size_execute0_lowered;
	s2 =	sadd.s32 s2, s4;
	[dreg:$0x0] =	wrdreg $0x0  }
0xa8: {  	s4 =	sshll.u32 s28, $0x1;
	[dreg:$0x2] =	wrdreg s2  }
0xa9: {  	[dreg:$0x3] =	wrdreg s4  }
0xaa: {  	[dreg:$0x4] =	wrdreg $0xC0  }
0xab: {  	_ =	task [dreg:s6], $0x5FFFF  }
0xac: {  	[dreg:$0x1] =	wrdreg $0xFFFFFFFF  }
0xad: {  	[dreg:$0x0] =	wrdreg $0x60  }
0xae: {  	[dreg:$0x2] =	wrdreg s24  }
0xaf: {  	[dreg:$0x3] =	wrdreg $0x9  }
0xb0: {  	_ =	task.clear_ibuf [dreg:s6], $0x4FFFF;
	_ =	strace $0x90000046  }
0xb1: {  	s29 =	simm.s32 $0x9;
	_ =	strace $0x80000048  }
0xb2: {  	_ =	swait.ge [sflag:s29], $0x1  }
0xb3: {  	[sflag:s29] =	ssyncadd.s32 $0xFFFFFFFF  }
0xb4: {  	_ =	strace $0x90000048  }
0xb5: {  	_ =	sfence  }
0xb6: {  	s30 =	sld [smem:$0x0];
	_ =	sdelay $0x2  }
0xb7: {  	s31 =	sshll.u32 s1, $0xD;
	s1 =	sshrl.u32 s1, $0x2  }
0xb8: {  	s3 =	sand.u32 $0x4000, s31;
	s1 =	sadd.s32 s1, s30  }
0xb9: {  	s0 =	sor.u32 s3, s0;
	s1 =	sshll.u32 s1, $0x11  }
0xba: {  	s0 =	sor.u32 s1, s0  }
0xbb: {  	s0 =	sadd.s32 $0x8F2B, s0  }
0xbc: {  	[sflag:s0] =	ssyncadd.remote.s32 $0x1  }
0xbd: {  	_ =	sfence.sel $0xFFFF  }
0xbe: {  	[dreg:$0x0] =	wrdreg $0xFFFFFFFF;
	(pc) =	sbr.abs _section_cstart, $3  }
0xbf: {  	[dreg:$0x1] =	wrdreg $0xFFFFFFFF  }
0xc0: {  	_ =	task.clear_ibuf [dreg:s6], $0x2FFFF;
	_ =	strace $0x9FFFFFFF  }
0xc1: {  	(tm) =	ssettm $0x7FFFFFFF  }
tec
execute0_lowered:
.L_overlay_start_1:
0x0: {  	(tag) =	ssettag $0x1  }
0x1: {  	s0 =	srdreg.scid  }
0x2: {  	s3 =	sand.u32 $0x1, s0  }
0x3: {  	s0 =	stileid.u32;
	s1 =	sshll.u32 s3, $0x4  }
0x4: {  	s4 =	rddreg [dreg:$0x0];
	s8 =	simm.s32 $0x1;
	s2 =	sor.u32 s0, s1  }
0x5: {  	s9 =	simm.s32 $0x2780;
	s6 =	sshll.u32 s0, $0x7;
	s5 =	sshrl.u32 s2, $0x3  }
0x6: {  	s3 =	ssub.s32 $0x2, s3;
	s1 =	rddreg [dreg:$0x1];
	s7 =	smul.u32 $0x13C00, s5  }
0x7: {  	s30 =	sshrl.u32 s3, $0x1;
	s2 =	simm.s32 $0x0;
	s5 =	smul.u32 $0x14000, s5  }
0x8: {  	s6 =	sand.u32 $0x380, s6;
	s31 =	ssub.s32 s3, s30;
	[smem:$0x7FF] =	sst s2  }
0x9: {  	_ =	strace $0x80000047;
	s7 =	sor.u32 s6, s7;
	s5 =	sor.u32 s6, s5  }
0xa: {  	s6 =	simm.s32 $0x80;
	s7 =	sshrl.u32 s7, $0x3;
	s5 =	sshrl.u32 s5, $0x3  }
0xb: {  	s29 =	sadd.s32 s7, s4;
	s4 =	sadd.s32 s5, s4;
	s5 =	smax.u32 s31, $0x1  }
0xc: {  	v0 =	vimm.f32 $0.0e+00;
	v1 =	vimm.f32 $1.000000000e+00;
	s7 =	simm.s32 $0x400;
	s3 =	sadd.s32 $0x4A00, s29;
	s4 =	sadd.s32 $0xE800, s4  }
.LBB2_1:
0xd: {  	s10 =	simm.s32 $0x40;
	s11 =	simm.s32 $0x0  }
.LBB2_2:
0xe: {  	p0 =	sne.s32 s10, $0x9FC0;
	[tilespmem:s11+$0x2780] =	vst v0;
	s11 =	smov.u32 s10;
	s10 =	sadd.s32 $0x40, s10  }
.Ltmp0:
0xf: {  	(pc) =	sbr.rel @p0 .LBB2_2-.Ltmp0, $2  }
0x10: {  	_ =	sdelay $0x2  }
0x11: {  	s11 =	sshra.s32 s11, $0x2  }
0x12: {  	[tilespmem:s11+$0x2780] =	vst v0;
	s10 =	simm.s32 $0x0  }
0x13: {  	[tilespmem:s10], [sflag:$0x1] =	stream.strided.gather [hbm4b:s3+s6], $0x2780, s7, s6, $0x38;
	[tilespmem:$0x4F80] =	vst v63  }
0x14: {  	_ =	swait.ge [sflag:s8], $0x2780  }
0x15: {  	[sflag:s8] =	ssyncset.done $0x0  }
0x16: {  	s11 =	simm.s32 $0x0;
	s10 =	simm.s32 $0x40;
	[sflag:s8] =	ssyncadd.s32 $0xFFFFD880  }
.LBB2_4:
0x17: {  	p0 =	sne.s32 s10, $0x9C00;
	v2 =	vld [tilespmem:s11+$0x0];
	_ =	sdelay $0x3  }
.Ltmp1:
0x18: {  	(pc) =	sbr.rel @p0 .LBB2_4-.Ltmp1, $2  }
0x19: {  	_ =	sdelay $0x2  }
0x1a: {  	s11 =	sshra.s32 s10, $0x2;
	s10 =	sadd.s32 $0x40, s10;
	[tilespmem:v2+s9+$0x0] =	vst.idx.add.f32.msk $0xffff, v1  }
0x1b: {  	v2 =	vld [tilespmem:s11+$0x0];
	_ =	sdelay $0x5  }
0x1c: {  	s2 =	sadd.s32 $0x1, s2  }
0x1d: {  	p0 =	sne.s32 s2, s5  }
.Ltmp2:
0x1e: {  	[tilespmem:v2+s9+$0x0] =	vst.idx.add.f32.msk $0xffff, v1;
	(pc) =	sbr.rel @p0 .LBB2_1-.Ltmp2, $4  }
0x1f: {  	[hbm4b:s4+s6] =	stream.strided.scatter [tilespmem:s9], [sflag:$0x1], $0x2800, s7, s6, $0x38;
	[tilespmem:$0x4F80] =	vst v63  }
0x20: {  	_ =	swait.ge [sflag:s8], $0x2800  }
0x21: {  	[sflag:s8] =	ssyncset.done $0x0  }
0x22: {  	[sflag:s8] =	ssyncadd.s32 $0xFFFFD800  }
0x23: {  	_ =	sfence.sel $0x180000  }
0x24: {  	[bflag:$0x0] =	sbarrier.arrive $0xFFFF  }
0x25: {  	p0 =	sne.s32 s0, $0x0;
	_ =	strace $0x90000047  }
0x26: {  	s0 =	sadd.s32 @!p0 $0x100000, s1;
	[bflag:$0x2] =	sbarrier.arrive $0xFFFF  }
0x27: {  	[sflag:s0] =	ssyncadd.tile.s32 @!p0 $0x1;
	_ =	shalt  }
.Lfunc_end2:
_tile_overlayer_lowered:
.L_overlay_start_2:
0x28: {  	(tag) =	ssettag $0x2  }
0x29: {  	s0 =	rddreg [dreg:$0x0];
	s2 =	stileid.u32  }
0x2a: {  	s1 =	rddreg [dreg:$0x1];
	p0 =	sne.s32 s2, $0x0  }
0x2b: {  	s3 =	rddreg [dreg:$0x2];
	[bflag:$0x3] =	sbarrier.arrive $0xFFFF;
	s2 =	simm.s32 @!p0 $0x1C01  }
0x2c: {  	[timem:s3], [sflag:s2] =	dma.local @!p0 [hbm:s0], s1  }
0x2d: {  	s0 =	simm.s32 @!p0 $0x1  }
0x2e: {  	_ =	swait.ge @!p0 [sflag:s0], s1  }
0x2f: {  	s1 =	ssub.s32 @!p0 $0x0, s1;
	[sflag:s0] =	ssyncset.done @!p0 $0x0  }
0x30: {  	[sflag:s0] =	ssyncadd.s32 @!p0 s1  }
0x31: {  	[bflag:$0x3] =	sbarrier.arrive $0xFFFF  }
0x32: {  	_ =	shalt  }

</sc_bundles>
